<compile_context>
chip_gen: v7x
topology: tpu7x:2x2x1
jax: 0.10.2.dev20260603
libtpu: 0.0.44.dev20260713+nightly
codegen_flags: <defaults>
</compile_context>

<pallas_src>
import jax
import jax.numpy as jnp
from jax import lax
from jax.experimental import pallas as pl
from jax.experimental.pallas import tpu as pltpu
from jax.experimental.pallas import tpu_sc as plsc

GRID_EDGE = 512
GRID_SCALE = 10.0
L = 16
NC, NS = 2, 16
NW = NC * NS
XW = GRID_EDGE // NW
PLANE = GRID_EDGE * GRID_EDGE
SLABCH = XW * GRID_EDGE
FLAG0 = 10 * SLABCH
N_ITEMS = 65536
WIN = 1024
NWIN = N_ITEMS // WIN
VPW = WIN // L
UNROLL = 8
APPROX = float(GRID_EDGE) / GRID_SCALE
MARGIN = 0.51


def _c(v, dt=jnp.float32):
    return jnp.full((L,), v, dt)


def _grid_coord(p, zero_v):
    t = (p - zero_v) / _c(GRID_SCALE)
    u = t * _c(float(GRID_EDGE))
    i = u.astype(jnp.int32)
    fr = u - i.astype(jnp.float32)
    half = _c(0.5)
    up = (fr > half) | ((fr == half) & ((i & _c(1, jnp.int32)) == _c(1, jnp.int32)))
    return i + jnp.where(up, _c(1, jnp.int32), _c(0, jnp.int32))


def _popcount(mask):
    cnt = plsc.all_reduce_population_count(mask)
    if cnt.ndim:
        cnt = cnt[0]
    return cnt


def _sc_body(bp, bf, bd, jp, jf, jd, zxy, out, slab, buf_pos, buf_feat, buf_d,
             cand, zbuf, sem0, sem1, sem_out):
    wid = lax.axis_index("s") * NC + lax.axis_index("c")
    x0 = wid * XW
    sems = (sem0, sem1)

    pltpu.sync_copy(zxy, zbuf)
    zx = zbuf[pl.ds(0, L)]
    zy = zbuf[pl.ds(L, L)]

    iota = lax.iota(jnp.int32, L)
    x0v = jnp.full((L,), x0, jnp.int32)
    x1v = jnp.full((L,), x0 + XW, jnp.int32)
    lo_f = jnp.full((L,), x0, jnp.int32).astype(jnp.float32) - _c(MARGIN)
    hi_f = jnp.full((L,), x0 + XW - 1, jnp.int32).astype(jnp.float32) + _c(MARGIN)
    ones = _c(1.0)
    mask15 = _c(XW - 1, jnp.int32)
    approx_v = _c(APPROX)

    def coords_and_owned(px, py):
        gx = _grid_coord(px, zx)
        gy = _grid_coord(py, zy)
        owned = (gx >= x0v) & (gx < x1v)
        sp = ((gx & mask15) << _c(9, jnp.int32)) + gy
        return sp, owned

    def maybe_here(px):
        ua = (px - zx) * approx_v
        return (ua >= lo_f) & (ua <= hi_f)

    def zero_words(ref, nwords):
        z16 = jnp.zeros((L,), ref.dtype)

        def zb(i, _):
            ref[pl.ds(i * L, L)] = z16
            return 0

        lax.fori_loop(0, nwords // L, zb, 0, unroll=8)

    def out_copy(slab_off, out_ch):
        return pltpu.make_async_copy(
            slab.at[pl.ds(slab_off, SLABCH)],
            out.at[pl.ds(out_ch * PLANE + x0 * GRID_EDGE, SLABCH)],
            sem_out)

    def copies(w, slot, pos_ref, nrow_pos, feat_ref, nrow_feat, d_ref):
        cs = [
            pltpu.make_async_copy(
                pos_ref.at[:, pl.ds(w * WIN, WIN)],
                buf_pos.at[slot, pl.ds(0, nrow_pos)],
                sems[0].at[slot]),
            pltpu.make_async_copy(d_ref.at[pl.ds(w * WIN, WIN)],
                                  buf_d.at[slot], sems[1].at[slot]),
        ]
        if feat_ref is not None:
            cs.append(
                pltpu.make_async_copy(
                    feat_ref.at[:, pl.ds(w * WIN, WIN)],
                    buf_feat.at[slot, pl.ds(0, nrow_feat)],
                    sems[0].at[slot]))
        return cs

    def windowed_scan(pos_ref, nrow_pos, feat_ref, nrow_feat, d_ref,
                      pass1, pass2):
        for c in copies(0, 0, pos_ref, nrow_pos, feat_ref, nrow_feat, d_ref):
            c.start()

        def window(w, _):
            slot = lax.rem(w, 2)
            nslot = lax.rem(w + 1, 2)

            @pl.when(w + 1 < NWIN)
            def _():
                for c in copies(w + 1, nslot, pos_ref, nrow_pos, feat_ref,
                                nrow_feat, d_ref):
                    c.start()

            for c in copies(w, slot, pos_ref, nrow_pos, feat_ref, nrow_feat,
                            d_ref):
                c.wait()

            ncand = lax.fori_loop(0, VPW, lambda v, off: pass1(v, slot, off),
                                  0, unroll=UNROLL)
            ntrip = (ncand + (2 * L - 1)) // (2 * L)
            ncand_v = jnp.full((L,), ncand, jnp.int32)
            lax.fori_loop(0, ntrip,
                          lambda j, _: pass2(j, slot, ncand_v), 0)
            return 0

        lax.fori_loop(0, NWIN, window, 0)

    zero_words(cand, cand.shape[0])

    zero_words(slab, 12 * SLABCH)

    def body_pass1(v, slot, off):
        lanes = v * _c(L, jnp.int32) + iota
        px = buf_pos[slot, 0, pl.ds(v * L, L)]
        m = maybe_here(px)
        plsc.store_compressed(cand.at[pl.ds(off, L)], lanes, mask=m)
        return off + _popcount(m)

    def body_half(j, slot, ncand_v, half):
        jl = (j * _c(2 * L, jnp.int32) + _c(half * L, jnp.int32)) + iota
        valid = jl < ncand_v
        ids = plsc.load_gather(cand, [jl])
        px = plsc.load_gather(buf_pos.at[slot, 0], [ids])
        py = plsc.load_gather(buf_pos.at[slot, 1], [ids])
        sp, owned = coords_and_owned(px, py)
        m = owned & valid
        d = plsc.load_gather(buf_d.at[slot], [ids])
        d0 = d == _c(0, jnp.int32)
        addr0 = jnp.where(d0, _c(0, jnp.int32), _c(5 * SLABCH, jnp.int32)) + sp
        for k in range(5):
            fk = plsc.load_gather(buf_feat.at[slot, k], [ids])
            plsc.store_scatter(slab, [addr0 + _c(k * SLABCH, jnp.int32)],
                               fk, mask=m)
        fl = jnp.where(d0, _c(FLAG0, jnp.int32),
                       _c(FLAG0 + SLABCH, jnp.int32)) + sp
        plsc.store_scatter(slab, [fl], ones, mask=m)

    def body_pass2(j, slot, ncand_v):
        body_half(j, slot, ncand_v, 0)
        body_half(j, slot, ncand_v, 1)
        return 0

    windowed_scan(bp, 2, bf, 5, bd, body_pass1, body_pass2)
    outsA = [out_copy(ch * SLABCH, ch) for ch in range(10)]
    for c in outsA:
        c.start()
    for c in outsA:
        c.wait()

    zero_words(slab, 8 * SLABCH)

    def joint_pass1(v, slot, off):
        lanes = v * _c(L, jnp.int32) + iota
        ax = buf_pos[slot, 0, pl.ds(v * L, L)]
        bx = buf_pos[slot, 2, pl.ds(v * L, L)]
        m = maybe_here(ax) | maybe_here(bx)
        plsc.store_compressed(cand.at[pl.ds(off, L)], lanes, mask=m)
        return off + _popcount(m)

    def joint_half(j, slot, ncand_v, half):
        jl = (j * _c(2 * L, jnp.int32) + _c(half * L, jnp.int32)) + iota
        valid = jl < ncand_v
        ids = plsc.load_gather(cand, [jl])
        ax = plsc.load_gather(buf_pos.at[slot, 0], [ids])
        ay = plsc.load_gather(buf_pos.at[slot, 1], [ids])
        bx = plsc.load_gather(buf_pos.at[slot, 2], [ids])
        by = plsc.load_gather(buf_pos.at[slot, 3], [ids])
        spA, ownedA = coords_and_owned(ax, ay)
        spB, ownedB = coords_and_owned(bx, by)
        mA = ownedA & valid
        mB = ownedB & valid
        d = plsc.load_gather(buf_d.at[slot], [ids])
        f0 = plsc.load_gather(buf_feat.at[slot, 0], [ids])
        f1 = plsc.load_gather(buf_feat.at[slot, 1], [ids])
        d0 = d == _c(0, jnp.int32)
        baseA = jnp.where(d0, _c(0, jnp.int32), _c(4 * SLABCH, jnp.int32))
        plsc.store_scatter(slab, [baseA + spA], f0, mask=mA)
        plsc.store_scatter(slab, [baseA + _c(SLABCH, jnp.int32) + spA],
                           f1, mask=mA)
        baseB = jnp.where(d0, _c(2 * SLABCH, jnp.int32),
                          _c(6 * SLABCH, jnp.int32))
        plsc.store_scatter(slab, [baseB + spB], f0, mask=mB)
        plsc.store_scatter(slab, [baseB + _c(SLABCH, jnp.int32) + spB],
                           f1, mask=mB)
        fbase = jnp.where(d0, _c(FLAG0, jnp.int32),
                          _c(FLAG0 + SLABCH, jnp.int32))
        plsc.store_scatter(slab, [fbase + spA], ones, mask=mA)
        plsc.store_scatter(slab, [fbase + spB], ones, mask=mB)

    def joint_pass2(j, slot, ncand_v):
        joint_half(j, slot, ncand_v, 0)
        joint_half(j, slot, ncand_v, 1)
        return 0

    windowed_scan(jp, 4, jf, 2, jd, joint_pass1, joint_pass2)
    outsB = ([out_copy(ch * SLABCH, 10 + ch) for ch in range(8)] +
             [out_copy(FLAG0 + ch * SLABCH, 18 + ch) for ch in range(2)])
    for c in outsB:
        c.start()
    for c in outsB:
        c.wait()


@jax.jit
def _nngrid_sc(bp, bf, bd, jp, jf, jd, zxy):
    mesh = plsc.VectorSubcoreMesh(core_axis_name="c", subcore_axis_name="s",
                                  num_cores=NC, num_subcores=NS)
    run = pl.kernel(
        _sc_body,
        out_type=jax.ShapeDtypeStruct((20 * PLANE,), jnp.float32),
        mesh=mesh,
        scratch_types=[
            pltpu.VMEM((12 * SLABCH,), jnp.float32),
            pltpu.VMEM((2, 4, WIN), jnp.float32),
            pltpu.VMEM((2, 5, WIN), jnp.float32),
            pltpu.VMEM((2, WIN), jnp.int32),
            pltpu.VMEM((WIN + 2 * L,), jnp.int32),
            pltpu.VMEM((2 * L,), jnp.float32),
            pltpu.SemaphoreType.DMA((2,)),
            pltpu.SemaphoreType.DMA((2,)),
            pltpu.SemaphoreType.DMA,
        ],
        compiler_params=pltpu.CompilerParams(
            needs_layout_passes=False, use_tc_tiling_on_sc=False),
        name="nngrid_scatter_sc",
    )
    return run(bp, bf, bd, jp, jf, jd, zxy)


def kernel(bodies_pos, bodies_feat, bodies_d, joints_pos, joints_feat,
           joints_d, hull):
    zero_x = hull[0] - GRID_SCALE * 0.5
    zero_y = hull[1] - GRID_SCALE * 0.5
    zxy = jnp.concatenate([
        jnp.full((L,), zero_x, jnp.float32),
        jnp.full((L,), zero_y, jnp.float32),
    ])
    flat = _nngrid_sc(
        bodies_pos.T,
        bodies_feat.T,
        bodies_d.astype(jnp.int32),
        joints_pos.T,
        joints_feat.T,
        joints_d.astype(jnp.int32),
        zxy,
    )
    return flat.reshape(1, 20, GRID_EDGE, GRID_EDGE)

# --- scband reference (transcript-rebuilt; emitter-appended) ---
"""Pipeline reference for scband-nngrid-12524124635715 (READ-ONLY COPY).

The authoritative reference and input builder live on the scoring server;
editing this copy changes nothing except your own understanding.
"""

import jax, jax.numpy as jnp
import numpy as np

GRID_EDGE = 512
GRID_SCALE = 10.0


def setup_inputs(seed: int = 0) -> dict:
    key = jax.random.key(seed)
    ks = jax.random.split(key, 6)
    N = 65536
    bodies_pos = jax.random.uniform(ks[0], (N, 2), minval=-4.9, maxval=4.9, dtype=jnp.float32)
    bodies_feat = jax.random.normal(ks[1], (N, 5), dtype=jnp.float32)
    bodies_d = jax.random.randint(ks[2], (N,), 0, 2, dtype=jnp.int64) if jax.config.jax_enable_x64 else jax.random.randint(ks[2], (N,), 0, 2, dtype=jnp.int32)
    joints_pos = jax.random.uniform(ks[3], (N, 4), minval=-4.9, maxval=4.9, dtype=jnp.float32)
    joints_feat = jax.random.normal(ks[4], (N, 2), dtype=jnp.float32)
    joints_d = jax.random.randint(ks[5], (N,), 0, 2, dtype=jnp.int32)
    hull = jnp.zeros((2,), dtype=jnp.float32)
    return {
        'bodies_pos': bodies_pos,
        'bodies_feat': bodies_feat,
        'bodies_d': bodies_d.astype(jnp.int32),
        'joints_pos': joints_pos,
        'joints_feat': joints_feat,
        'joints_d': joints_d,
        'hull': hull,
    }


def _coord_to_grid(coord, zero):
    g = jnp.round((coord - zero) / GRID_SCALE * GRID_EDGE).astype(jnp.int32)
    return jnp.clip(g, 0, GRID_EDGE - 1)


def reference(bodies_pos, bodies_feat, bodies_d, joints_pos, joints_feat, joints_d, hull):
    grid = jnp.zeros((20, GRID_EDGE, GRID_EDGE), dtype=jnp.float32)
    zero_x = hull[0] - GRID_SCALE * 0.5
    zero_y = hull[1] - GRID_SCALE * 0.5

    # bodies: d==0 -> channels 0:5 features, channel 18 flag; d==1 -> 5:10, channel 19 flag
    bgx = _coord_to_grid(bodies_pos[:, 0], zero_x)
    bgy = _coord_to_grid(bodies_pos[:, 1], zero_y)
    b_base = jnp.where(bodies_d == 0, 0, 5)
    b_ch = b_base[:, None] + jnp.arange(5, dtype=jnp.int32)[None, :]
    b_flag = jnp.where(bodies_d == 0, 18, 19)
    grid = grid.at[b_ch, bgx[:, None], bgy[:, None]].set(bodies_feat)
    grid = grid.at[b_flag, bgx, bgy].set(1.0)

    # joints: d==0 -> A at 10:12, B at 12:14, flag 18; d==1 -> A at 14:16, B at 16:18, flag 19
    Agx = _coord_to_grid(joints_pos[:, 0], zero_x)
    Agy = _coord_to_grid(joints_pos[:, 1], zero_y)
    Bgx = _coord_to_grid(joints_pos[:, 2], zero_x)
    Bgy = _coord_to_grid(joints_pos[:, 3], zero_y)
    jA_base = jnp.where(joints_d == 0, 10, 14)
    jB_base = jnp.where(joints_d == 0, 12, 16)
    chA = jA_base[:, None] + jnp.arange(2, dtype=jnp.int32)[None, :]
    chB = jB_base[:, None] + jnp.arange(2, dtype=jnp.int32)[None, :]
    j_flag = jnp.where(joints_d == 0, 18, 19)
    grid = grid.at[chA, Agx[:, None], Agy[:, None]].set(joints_feat)
    grid = grid.at[chB, Bgx[:, None], Bgy[:, None]].set(joints_feat)
    grid = grid.at[j_flag, Agx, Agy].set(1.0)
    grid = grid.at[j_flag, Bgx, Bgy].set(1.0)

    return grid[None]


if False:  # reference __main__ guard neutralized (emitter)
    out = reference(**setup_inputs())
    print(out.shape, out.dtype)

if __name__ == "__main__":
    import jax
    _d = setup_inputs()
    print(jax.jit(kernel)(*tuple(_d.values())))

</pallas_src>

<mosaic_0001>
#map = affine_map<(d0, d1) -> (0, 0)>
#map1 = affine_map<(d0, d1) -> (0)>
module attributes {stable_mosaic.version = 14 : i64} {
  func.func @nngrid_scatter_sc(%arg0: i32, %arg1: i32, %arg2: memref<2x65536xf32, #tpu.memory_space<hbm>>, %arg3: memref<5x65536xf32, #tpu.memory_space<hbm>>, %arg4: memref<65536xi32, #tpu.memory_space<hbm>>, %arg5: memref<4x65536xf32, #tpu.memory_space<hbm>>, %arg6: memref<2x65536xf32, #tpu.memory_space<hbm>>, %arg7: memref<65536xi32, #tpu.memory_space<hbm>>, %arg8: memref<32xf32, #tpu.memory_space<hbm>>, %arg9: memref<5242880xf32, #tpu.memory_space<hbm>>, %arg10: memref<98304xf32, #tpu.memory_space<vmem>>, %arg11: memref<2x4x1024xf32, #tpu.memory_space<vmem>>, %arg12: memref<2x5x1024xf32, #tpu.memory_space<vmem>>, %arg13: memref<2x1024xi32, #tpu.memory_space<vmem>>, %arg14: memref<1056xi32, #tpu.memory_space<vmem>>, %arg15: memref<32xf32, #tpu.memory_space<vmem>>, %arg16: memref<2x!tpu.dma_semaphore, #tpu.memory_space<semaphore_mem>>, %arg17: memref<2x!tpu.dma_semaphore, #tpu.memory_space<semaphore_mem>>, %arg18: memref<!tpu.dma_semaphore, #tpu.memory_space<semaphore_mem>>) attributes {dimension_semantics = [#tpu.dimension_semantics<core_parallel>, #tpu.dimension_semantics<subcore_parallel>], iteration_bounds = array<i64: 2, 16>, scalar_prefetch = 0 : i64, scratch_operands = 9 : i64, tpu.core_type = #tpu.core_type<sc_vector_subcore>, window_params = [{transform_indices = #map}, {transform_indices = #map}, {transform_indices = #map1}, {transform_indices = #map}, {transform_indices = #map}, {transform_indices = #map1}, {transform_indices = #map1}, {transform_indices = #map1}]} {
    %mul3A = arith.constant 2 : i32
    %mul3A_0 = arith.muli %arg1, %mul3A : i32
    %add3A = arith.addi %mul3A_0, %arg0 : i32
    %mul3A_1 = arith.constant 16 : i32
    %mul3A_2 = arith.muli %add3A, %mul3A_1 : i32
    "tpu.region"() ({
      %run_scoped3A = tpu.sem_alloc : memref<!tpu.dma_semaphore, #tpu.memory_space<semaphore_mem>>
      tpu.enqueue_dma source(%arg8 : memref<32xf32, #tpu.memory_space<hbm>>) target(%arg15 : memref<32xf32, #tpu.memory_space<vmem>>) target_semaphore(%run_scoped3A : memref<!tpu.dma_semaphore, #tpu.memory_space<semaphore_mem>>)
      tpu.wait_dma2 semaphore(%run_scoped3A : memref<!tpu.dma_semaphore, #tpu.memory_space<semaphore_mem>>) src(%arg8 : memref<32xf32, #tpu.memory_space<hbm>>) dst(%arg15 : memref<32xf32, #tpu.memory_space<vmem>>)
      tpu.yield
    }) : () -> ()
    %get3A = arith.constant 0 : index
    %get3A_3 = tpu.vector_load %arg15[%get3A] {strides = array<i32>} : memref<32xf32, #tpu.memory_space<vmem>>, vector<16xf32>,
    %get3A_4 = arith.constant 16 : index
    %get3A_5 = tpu.vector_load %arg15[%get3A_4] {strides = array<i32>} : memref<32xf32, #tpu.memory_space<vmem>>, vector<16xf32>,
    %iota3A = tpu.iota {dimensions = array<i32: 0>} : vector<16xi32>
    %broadcast_in_dim3A = vector.broadcast %mul3A_2 : i32 to vector<16xi32>
    %add3A_6 = arith.constant 16 : i32
    %add3A_7 = arith.addi %mul3A_2, %add3A_6 : i32
    %broadcast_in_dim3A_8 = vector.broadcast %add3A_7 : i32 to vector<16xi32>
    %broadcast_in_dim3A_9 = vector.broadcast %mul3A_2 : i32 to vector<16xi32>
    %convert_element_type3A = arith.sitofp %broadcast_in_dim3A_9 : vector<16xi32> to vector<16xf32>
    %broadcast_in_dim3A_10 = arith.constant 5.100000e-01 : f32
    %broadcast_in_dim3A_11 = vector.broadcast %broadcast_in_dim3A_10 : f32 to vector<16xf32>
    %sub3A = arith.subf %convert_element_type3A, %broadcast_in_dim3A_11 : vector<16xf32>
    %add3A_12 = arith.constant 16 : i32
    %add3A_13 = arith.addi %mul3A_2, %add3A_12 : i32
    %sub3A_14 = arith.constant 1 : i32
    %sub3A_15 = arith.subi %add3A_13, %sub3A_14 : i32
    %broadcast_in_dim3A_16 = vector.broadcast %sub3A_15 : i32 to vector<16xi32>
    %convert_element_type3A_17 = arith.sitofp %broadcast_in_dim3A_16 : vector<16xi32> to vector<16xf32>
    %broadcast_in_dim3A_18 = arith.constant 5.100000e-01 : f32
    %broadcast_in_dim3A_19 = vector.broadcast %broadcast_in_dim3A_18 : f32 to vector<16xf32>
    %add3A_20 = arith.addf %convert_element_type3A_17, %broadcast_in_dim3A_19 : vector<16xf32>
    %broadcast_in_dim3A_21 = arith.constant 1.000000e+00 : f32
    %broadcast_in_dim3A_22 = vector.broadcast %broadcast_in_dim3A_21 : f32 to vector<16xf32>
    %broadcast_in_dim3A_23 = arith.constant 15 : i32
    %broadcast_in_dim3A_24 = vector.broadcast %broadcast_in_dim3A_23 : i32 to vector<16xi32>
    %broadcast_in_dim3A_25 = arith.constant 5.120000e+01 : f32
    %broadcast_in_dim3A_26 = vector.broadcast %broadcast_in_dim3A_25 : f32 to vector<16xf32>
    %broadcast_in_dim3A_27 = arith.constant 0 : i32
    %broadcast_in_dim3A_28 = vector.broadcast %broadcast_in_dim3A_27 : i32 to vector<16xi32>
    %scan3A = arith.constant 0 : i32
    %scan3A_29 = arith.constant 0 : i32
    %scan3A_30 = arith.constant 64 : i32
    %scan3A_31 = arith.addi %scan3A_29, %scan3A_30 : i32
    %scan3A_32 = arith.constant 8 : i32
    %scan3A_33 = scf.for %scan3A_498 = %scan3A_29 to %scan3A_31 step %scan3A_32 iter_args(%scan3A_499 = %scan3A) -> (i32)  : i32 {
      %mul3A_500 = arith.constant 16 : i32
      %mul3A_501 = arith.muli %scan3A_498, %mul3A_500 : i32
      %swap3A_502 = arith.index_cast %mul3A_501 : i32 to index
      %swap3A_503 = tpu.vector_load %arg14[%swap3A_502] {strides = array<i32>} : memref<1056xi32, #tpu.memory_space<vmem>>, vector<16xi32>,
      tpu.vector_store %arg14[%swap3A_502], %broadcast_in_dim3A_28 {strides = array<i32>} : memref<1056xi32, #tpu.memory_space<vmem>>, vector<16xi32>,
      %scan3A_504 = arith.constant 0 : i32
      %scan3A_505 = arith.constant 1 : i32
      %scan3A_506 = arith.addi %scan3A_498, %scan3A_505 : i32
      %mul3A_507 = arith.constant 16 : i32
      %mul3A_508 = arith.muli %scan3A_506, %mul3A_507 : i32
      %swap3A_509 = arith.index_cast %mul3A_508 : i32 to index
      %swap3A_510 = tpu.vector_load %arg14[%swap3A_509] {strides = array<i32>} : memref<1056xi32, #tpu.memory_space<vmem>>, vector<16xi32>,
      tpu.vector_store %arg14[%swap3A_509], %broadcast_in_dim3A_28 {strides = array<i32>} : memref<1056xi32, #tpu.memory_space<vmem>>, vector<16xi32>,
      %scan3A_511 = arith.constant 0 : i32
      %scan3A_512 = arith.constant 2 : i32
      %scan3A_513 = arith.addi %scan3A_498, %scan3A_512 : i32
      %mul3A_514 = arith.constant 16 : i32
      %mul3A_515 = arith.muli %scan3A_513, %mul3A_514 : i32
      %swap3A_516 = arith.index_cast %mul3A_515 : i32 to index
      %swap3A_517 = tpu.vector_load %arg14[%swap3A_516] {strides = array<i32>} : memref<1056xi32, #tpu.memory_space<vmem>>, vector<16xi32>,
      tpu.vector_store %arg14[%swap3A_516], %broadcast_in_dim3A_28 {strides = array<i32>} : memref<1056xi32, #tpu.memory_space<vmem>>, vector<16xi32>,
      %scan3A_518 = arith.constant 0 : i32
      %scan3A_519 = arith.constant 3 : i32
      %scan3A_520 = arith.addi %scan3A_498, %scan3A_519 : i32
      %mul3A_521 = arith.constant 16 : i32
      %mul3A_522 = arith.muli %scan3A_520, %mul3A_521 : i32
      %swap3A_523 = arith.index_cast %mul3A_522 : i32 to index
      %swap3A_524 = tpu.vector_load %arg14[%swap3A_523] {strides = array<i32>} : memref<1056xi32, #tpu.memory_space<vmem>>, vector<16xi32>,
      tpu.vector_store %arg14[%swap3A_523], %broadcast_in_dim3A_28 {strides = array<i32>} : memref<1056xi32, #tpu.memory_space<vmem>>, vector<16xi32>,
      %scan3A_525 = arith.constant 0 : i32
      %scan3A_526 = arith.constant 4 : i32
      %scan3A_527 = arith.addi %scan3A_498, %scan3A_526 : i32
      %mul3A_528 = arith.constant 16 : i32
      %mul3A_529 = arith.muli %scan3A_527, %mul3A_528 : i32
      %swap3A_530 = arith.index_cast %mul3A_529 : i32 to index
      %swap3A_531 = tpu.vector_load %arg14[%swap3A_530] {strides = array<i32>} : memref<1056xi32, #tpu.memory_space<vmem>>, vector<16xi32>,
      tpu.vector_store %arg14[%swap3A_530], %broadcast_in_dim3A_28 {strides = array<i32>} : memref<1056xi32, #tpu.memory_space<vmem>>, vector<16xi32>,
      %scan3A_532 = arith.constant 0 : i32
      %scan3A_533 = arith.constant 5 : i32
      %scan3A_534 = arith.addi %scan3A_498, %scan3A_533 : i32
      %mul3A_535 = arith.constant 16 : i32
      %mul3A_536 = arith.muli %scan3A_534, %mul3A_535 : i32
      %swap3A_537 = arith.index_cast %mul3A_536 : i32 to index
      %swap3A_538 = tpu.vector_load %arg14[%swap3A_537] {strides = array<i32>} : memref<1056xi32, #tpu.memory_space<vmem>>, vector<16xi32>,
      tpu.vector_store %arg14[%swap3A_537], %broadcast_in_dim3A_28 {strides = array<i32>} : memref<1056xi32, #tpu.memory_space<vmem>>, vector<16xi32>,
      %scan3A_539 = arith.constant 0 : i32
      %scan3A_540 = arith.constant 6 : i32
      %scan3A_541 = arith.addi %scan3A_498, %scan3A_540 : i32
      %mul3A_542 = arith.constant 16 : i32
      %mul3A_543 = arith.muli %scan3A_541, %mul3A_542 : i32
      %swap3A_544 = arith.index_cast %mul3A_543 : i32 to index
      %swap3A_545 = tpu.vector_load %arg14[%swap3A_544] {strides = array<i32>} : memref<1056xi32, #tpu.memory_space<vmem>>, vector<16xi32>,
      tpu.vector_store %arg14[%swap3A_544], %broadcast_in_dim3A_28 {strides = array<i32>} : memref<1056xi32, #tpu.memory_space<vmem>>, vector<16xi32>,
      %scan3A_546 = arith.constant 0 : i32
      %scan3A_547 = arith.constant 7 : i32
      %scan3A_548 = arith.addi %scan3A_498, %scan3A_547 : i32
      %mul3A_549 = arith.constant 16 : i32
      %mul3A_550 = arith.muli %scan3A_548, %mul3A_549 : i32
      %swap3A_551 = arith.index_cast %mul3A_550 : i32 to index
      %swap3A_552 = tpu.vector_load %arg14[%swap3A_551] {strides = array<i32>} : memref<1056xi32, #tpu.memory_space<vmem>>, vector<16xi32>,
      tpu.vector_store %arg14[%swap3A_551], %broadcast_in_dim3A_28 {strides = array<i32>} : memref<1056xi32, #tpu.memory_space<vmem>>, vector<16xi32>,
      %scan3A_553 = arith.constant 0 : i32
      scf.yield %scan3A_553 : i32
    }
    %scan3A_34 = arith.constant 64 : i32
    %scan3A_35 = arith.addi %scan3A_29, %scan3A_34 : i32
    %mul3A_36 = arith.constant 16 : i32
    %mul3A_37 = arith.muli %scan3A_35, %mul3A_36 : i32
    %swap3A = arith.index_cast %mul3A_37 : i32 to index
    %swap3A_38 = tpu.vector_load %arg14[%swap3A] {strides = array<i32>} : memref<1056xi32, #tpu.memory_space<vmem>>, vector<16xi32>,
    tpu.vector_store %arg14[%swap3A], %broadcast_in_dim3A_28 {strides = array<i32>} : memref<1056xi32, #tpu.memory_space<vmem>>, vector<16xi32>,
    %scan3A_39 = arith.constant 0 : i32
    %scan3A_40 = arith.constant 65 : i32
    %scan3A_41 = arith.addi %scan3A_29, %scan3A_40 : i32
    %mul3A_42 = arith.constant 16 : i32
    %mul3A_43 = arith.muli %scan3A_41, %mul3A_42 : i32
    %swap3A_44 = arith.index_cast %mul3A_43 : i32 to index
    %swap3A_45 = tpu.vector_load %arg14[%swap3A_44] {strides = array<i32>} : memref<1056xi32, #tpu.memory_space<vmem>>, vector<16xi32>,
    tpu.vector_store %arg14[%swap3A_44], %broadcast_in_dim3A_28 {strides = array<i32>} : memref<1056xi32, #tpu.memory_space<vmem>>, vector<16xi32>,
    %scan3A_46 = arith.constant 0 : i32
    %scan3A_47 = arith.constant 66 : i32
    %broadcast_in_dim3A_48 = arith.constant 0.000000e+00 : f32
    %broadcast_in_dim3A_49 = vector.broadcast %broadcast_in_dim3A_48 : f32 to vector<16xf32>
    %scan3A_50 = arith.constant 0 : i32
    %scan3A_51 = arith.constant 0 : i32
    %scan3A_52 = arith.constant 6144 : i32
    %scan3A_53 = arith.addi %scan3A_51, %scan3A_52 : i32
    %scan3A_54 = arith.constant 8 : i32
    %scan3A_55 = scf.for %scan3A_498 = %scan3A_51 to %scan3A_53 step %scan3A_54 iter_args(%scan3A_499 = %scan3A_50) -> (i32)  : i32 {
      %mul3A_500 = arith.constant 16 : i32
      %mul3A_501 = arith.muli %scan3A_498, %mul3A_500 : i32
      %swap3A_502 = arith.index_cast %mul3A_501 : i32 to index
      %swap3A_503 = tpu.vector_load %arg10[%swap3A_502] {strides = array<i32>} : memref<98304xf32, #tpu.memory_space<vmem>>, vector<16xf32>,
      tpu.vector_store %arg10[%swap3A_502], %broadcast_in_dim3A_49 {strides = array<i32>} : memref<98304xf32, #tpu.memory_space<vmem>>, vector<16xf32>,
      %scan3A_504 = arith.constant 0 : i32
      %scan3A_505 = arith.constant 1 : i32
      %scan3A_506 = arith.addi %scan3A_498, %scan3A_505 : i32
      %mul3A_507 = arith.constant 16 : i32
      %mul3A_508 = arith.muli %scan3A_506, %mul3A_507 : i32
      %swap3A_509 = arith.index_cast %mul3A_508 : i32 to index
      %swap3A_510 = tpu.vector_load %arg10[%swap3A_509] {strides = array<i32>} : memref<98304xf32, #tpu.memory_space<vmem>>, vector<16xf32>,
      tpu.vector_store %arg10[%swap3A_509], %broadcast_in_dim3A_49 {strides = array<i32>} : memref<98304xf32, #tpu.memory_space<vmem>>, vector<16xf32>,
      %scan3A_511 = arith.constant 0 : i32
      %scan3A_512 = arith.constant 2 : i32
      %scan3A_513 = arith.addi %scan3A_498, %scan3A_512 : i32
      %mul3A_514 = arith.constant 16 : i32
      %mul3A_515 = arith.muli %scan3A_513, %mul3A_514 : i32
      %swap3A_516 = arith.index_cast %mul3A_515 : i32 to index
      %swap3A_517 = tpu.vector_load %arg10[%swap3A_516] {strides = array<i32>} : memref<98304xf32, #tpu.memory_space<vmem>>, vector<16xf32>,
      tpu.vector_store %arg10[%swap3A_516], %broadcast_in_dim3A_49 {strides = array<i32>} : memref<98304xf32, #tpu.memory_space<vmem>>, vector<16xf32>,
      %scan3A_518 = arith.constant 0 : i32
      %scan3A_519 = arith.constant 3 : i32
      %scan3A_520 = arith.addi %scan3A_498, %scan3A_519 : i32
      %mul3A_521 = arith.constant 16 : i32
      %mul3A_522 = arith.muli %scan3A_520, %mul3A_521 : i32
      %swap3A_523 = arith.index_cast %mul3A_522 : i32 to index
      %swap3A_524 = tpu.vector_load %arg10[%swap3A_523] {strides = array<i32>} : memref<98304xf32, #tpu.memory_space<vmem>>, vector<16xf32>,
      tpu.vector_store %arg10[%swap3A_523], %broadcast_in_dim3A_49 {strides = array<i32>} : memref<98304xf32, #tpu.memory_space<vmem>>, vector<16xf32>,
      %scan3A_525 = arith.constant 0 : i32
      %scan3A_526 = arith.constant 4 : i32
      %scan3A_527 = arith.addi %scan3A_498, %scan3A_526 : i32
      %mul3A_528 = arith.constant 16 : i32
      %mul3A_529 = arith.muli %scan3A_527, %mul3A_528 : i32
      %swap3A_530 = arith.index_cast %mul3A_529 : i32 to index
      %swap3A_531 = tpu.vector_load %arg10[%swap3A_530] {strides = array<i32>} : memref<98304xf32, #tpu.memory_space<vmem>>, vector<16xf32>,
      tpu.vector_store %arg10[%swap3A_530], %broadcast_in_dim3A_49 {strides = array<i32>} : memref<98304xf32, #tpu.memory_space<vmem>>, vector<16xf32>,
      %scan3A_532 = arith.constant 0 : i32
      %scan3A_533 = arith.constant 5 : i32
      %scan3A_534 = arith.addi %scan3A_498, %scan3A_533 : i32
      %mul3A_535 = arith.constant 16 : i32
      %mul3A_536 = arith.muli %scan3A_534, %mul3A_535 : i32
      %swap3A_537 = arith.index_cast %mul3A_536 : i32 to index
      %swap3A_538 = tpu.vector_load %arg10[%swap3A_537] {strides = array<i32>} : memref<98304xf32, #tpu.memory_space<vmem>>, vector<16xf32>,
      tpu.vector_store %arg10[%swap3A_537], %broadcast_in_dim3A_49 {strides = array<i32>} : memref<98304xf32, #tpu.memory_space<vmem>>, vector<16xf32>,
      %scan3A_539 = arith.constant 0 : i32
      %scan3A_540 = arith.constant 6 : i32
      %scan3A_541 = arith.addi %scan3A_498, %scan3A_540 : i32
      %mul3A_542 = arith.constant 16 : i32
      %mul3A_543 = arith.muli %scan3A_541, %mul3A_542 : i32
      %swap3A_544 = arith.index_cast %mul3A_543 : i32 to index
      %swap3A_545 = tpu.vector_load %arg10[%swap3A_544] {strides = array<i32>} : memref<98304xf32, #tpu.memory_space<vmem>>, vector<16xf32>,
      tpu.vector_store %arg10[%swap3A_544], %broadcast_in_dim3A_49 {strides = array<i32>} : memref<98304xf32, #tpu.memory_space<vmem>>, vector<16xf32>,
      %scan3A_546 = arith.constant 0 : i32
      %scan3A_547 = arith.constant 7 : i32
      %scan3A_548 = arith.addi %scan3A_498, %scan3A_547 : i32
      %mul3A_549 = arith.constant 16 : i32
      %mul3A_550 = arith.muli %scan3A_548, %mul3A_549 : i32
      %swap3A_551 = arith.index_cast %mul3A_550 : i32 to index
      %swap3A_552 = tpu.vector_load %arg10[%swap3A_551] {strides = array<i32>} : memref<98304xf32, #tpu.memory_space<vmem>>, vector<16xf32>,
      tpu.vector_store %arg10[%swap3A_551], %broadcast_in_dim3A_49 {strides = array<i32>} : memref<98304xf32, #tpu.memory_space<vmem>>, vector<16xf32>,
      %scan3A_553 = arith.constant 0 : i32
      scf.yield %scan3A_553 : i32
    }
    %scan3A_56 = arith.constant 6144 : i32
    %dma_start3A = arith.constant 0 : i32
    %dma_start3A_57 = arith.constant 0 : i32
    %dma_start3A_58 = arith.constant 0 : i32
    %dma_start3A_59 = arith.constant 0 : i32
    %dma_start3A_60 = tpu.memref_slice %arg11[%dma_start3A, %dma_start3A_58, %dma_start3A_59] : memref<2x4x1024xf32, #tpu.memory_space<vmem>> -> memref<1x2x1024xf32, #tpu.memory_space<vmem>>
    %dma_start3A_61 = tpu.memref_squeeze %dma_start3A_60 : memref<1x2x1024xf32, #tpu.memory_space<vmem>> -> memref<2x1024xf32, #tpu.memory_space<vmem>>
    %dma_start3A_62 = arith.constant 0 : i32
    %dma_start3A_63 = arith.constant 0 : i32
    %dma_start3A_64 = tpu.memref_slice %arg2[%dma_start3A_62, %dma_start3A_63] : memref<2x65536xf32, #tpu.memory_space<hbm>> -> memref<2x1024xf32, #tpu.memory_space<hbm>>
    %dma_start3A_65 = tpu.memref_slice %arg16[%dma_start3A_57] : memref<2x!tpu.dma_semaphore, #tpu.memory_space<semaphore_mem>> -> memref<1x!tpu.dma_semaphore, #tpu.memory_space<semaphore_mem>>
    %dma_start3A_66 = tpu.memref_squeeze %dma_start3A_65 : memref<1x!tpu.dma_semaphore, #tpu.memory_space<semaphore_mem>> -> memref<!tpu.dma_semaphore, #tpu.memory_space<semaphore_mem>>
    %dma_start3A_67 = arith.constant 0 : i32
    %dma_start3A_68 = arith.constant 0 : i32
    %dma_start3A_69 = tpu.memref_slice %arg11[%dma_start3A, %dma_start3A_67, %dma_start3A_68] : memref<2x4x1024xf32, #tpu.memory_space<vmem>> -> memref<1x2x1024xf32, #tpu.memory_space<vmem>>
    %dma_start3A_70 = tpu.memref_squeeze %dma_start3A_69 : memref<1x2x1024xf32, #tpu.memory_space<vmem>> -> memref<2x1024xf32, #tpu.memory_space<vmem>>
    %dma_start3A_71 = arith.constant 0 : i32
    %dma_start3A_72 = arith.constant 0 : i32
    %dma_start3A_73 = tpu.memref_slice %arg2[%dma_start3A_71, %dma_start3A_72] : memref<2x65536xf32, #tpu.memory_space<hbm>> -> memref<2x1024xf32, #tpu.memory_space<hbm>>
    tpu.enqueue_dma source(%dma_start3A_73 : memref<2x1024xf32, #tpu.memory_space<hbm>>) target(%dma_start3A_70 : memref<2x1024xf32, #tpu.memory_space<vmem>>) target_semaphore(%dma_start3A_66 : memref<!tpu.dma_semaphore, #tpu.memory_space<semaphore_mem>>)
    %dma_start3A_74 = arith.constant 0 : i32
    %dma_start3A_75 = arith.constant 0 : i32
    %dma_start3A_76 = arith.constant 0 : i32
    %dma_start3A_77 = tpu.memref_slice %arg13[%dma_start3A_74, %dma_start3A_76] : memref<2x1024xi32, #tpu.memory_space<vmem>> -> memref<1x1024xi32, #tpu.memory_space<vmem>>
    %dma_start3A_78 = tpu.memref_squeeze %dma_start3A_77 : memref<1x1024xi32, #tpu.memory_space<vmem>> -> memref<1024xi32, #tpu.memory_space<vmem>>
    %dma_start3A_79 = arith.constant 0 : i32
    %dma_start3A_80 = tpu.memref_slice %arg4[%dma_start3A_79] : memref<65536xi32, #tpu.memory_space<hbm>> -> memref<1024xi32, #tpu.memory_space<hbm>>
    %dma_start3A_81 = tpu.memref_slice %arg17[%dma_start3A_75] : memref<2x!tpu.dma_semaphore, #tpu.memory_space<semaphore_mem>> -> memref<1x!tpu.dma_semaphore, #tpu.memory_space<semaphore_mem>>
    %dma_start3A_82 = tpu.memref_squeeze %dma_start3A_81 : memref<1x!tpu.dma_semaphore, #tpu.memory_space<semaphore_mem>> -> memref<!tpu.dma_semaphore, #tpu.memory_space<semaphore_mem>>
    %dma_start3A_83 = arith.constant 0 : i32
    %dma_start3A_84 = tpu.memref_slice %arg13[%dma_start3A_74, %dma_start3A_83] : memref<2x1024xi32, #tpu.memory_space<vmem>> -> memref<1x1024xi32, #tpu.memory_space<vmem>>
    %dma_start3A_85 = tpu.memref_squeeze %dma_start3A_84 : memref<1x1024xi32, #tpu.memory_space<vmem>> -> memref<1024xi32, #tpu.memory_space<vmem>>
    %dma_start3A_86 = arith.constant 0 : i32
    %dma_start3A_87 = tpu.memref_slice %arg4[%dma_start3A_86] : memref<65536xi32, #tpu.memory_space<hbm>> -> memref<1024xi32, #tpu.memory_space<hbm>>
    tpu.enqueue_dma source(%dma_start3A_87 : memref<1024xi32, #tpu.memory_space<hbm>>) target(%dma_start3A_85 : memref<1024xi32, #tpu.memory_space<vmem>>) target_semaphore(%dma_start3A_82 : memref<!tpu.dma_semaphore, #tpu.memory_space<semaphore_mem>>)
    %dma_start3A_88 = arith.constant 0 : i32
    %dma_start3A_89 = arith.constant 0 : i32
    %dma_start3A_90 = arith.constant 0 : i32
    %dma_start3A_91 = arith.constant 0 : i32
    %dma_start3A_92 = tpu.memref_slice %arg12[%dma_start3A_88, %dma_start3A_90, %dma_start3A_91] : memref<2x5x1024xf32, #tpu.memory_space<vmem>> -> memref<1x5x1024xf32, #tpu.memory_space<vmem>>
    %dma_start3A_93 = tpu.memref_squeeze %dma_start3A_92 : memref<1x5x1024xf32, #tpu.memory_space<vmem>> -> memref<5x1024xf32, #tpu.memory_space<vmem>>
    %dma_start3A_94 = arith.constant 0 : i32
    %dma_start3A_95 = arith.constant 0 : i32
    %dma_start3A_96 = tpu.memref_slice %arg3[%dma_start3A_94, %dma_start3A_95] : memref<5x65536xf32, #tpu.memory_space<hbm>> -> memref<5x1024xf32, #tpu.memory_space<hbm>>
    %dma_start3A_97 = tpu.memref_slice %arg16[%dma_start3A_89] : memref<2x!tpu.dma_semaphore, #tpu.memory_space<semaphore_mem>> -> memref<1x!tpu.dma_semaphore, #tpu.memory_space<semaphore_mem>>
    %dma_start3A_98 = tpu.memref_squeeze %dma_start3A_97 : memref<1x!tpu.dma_semaphore, #tpu.memory_space<semaphore_mem>> -> memref<!tpu.dma_semaphore, #tpu.memory_space<semaphore_mem>>
    %dma_start3A_99 = arith.constant 0 : i32
    %dma_start3A_100 = arith.constant 0 : i32
    %dma_start3A_101 = tpu.memref_slice %arg12[%dma_start3A_88, %dma_start3A_99, %dma_start3A_100] : memref<2x5x1024xf32, #tpu.memory_space<vmem>> -> memref<1x5x1024xf32, #tpu.memory_space<vmem>>
    %dma_start3A_102 = tpu.memref_squeeze %dma_start3A_101 : memref<1x5x1024xf32, #tpu.memory_space<vmem>> -> memref<5x1024xf32, #tpu.memory_space<vmem>>
    %dma_start3A_103 = arith.constant 0 : i32
    %dma_start3A_104 = arith.constant 0 : i32
    %dma_start3A_105 = tpu.memref_slice %arg3[%dma_start3A_103, %dma_start3A_104] : memref<5x65536xf32, #tpu.memory_space<hbm>> -> memref<5x1024xf32, #tpu.memory_space<hbm>>
    tpu.enqueue_dma source(%dma_start3A_105 : memref<5x1024xf32, #tpu.memory_space<hbm>>) target(%dma_start3A_102 : memref<5x1024xf32, #tpu.memory_space<vmem>>) target_semaphore(%dma_start3A_98 : memref<!tpu.dma_semaphore, #tpu.memory_space<semaphore_mem>>)
    %scan3A_106 = arith.constant 0 : i32
    %scan3A_107 = arith.constant 0 : i32
    %scan3A_108 = arith.constant 64 : i32
    %scan3A_109 = arith.addi %scan3A_107, %scan3A_108 : i32
    %scan3A_110 = arith.constant 1 : i32
    %scan3A_111 = scf.for %scan3A_498 = %scan3A_107 to %scan3A_109 step %scan3A_110 iter_args(%scan3A_499 = %scan3A_106) -> (i32)  : i32 {
      %rem3A = arith.constant 2 : i32
      %rem3A_500 = arith.remsi %scan3A_498, %rem3A : i32
      %add3A_501 = arith.constant 1 : i32
      %add3A_502 = arith.addi %scan3A_498, %add3A_501 : i32
      %rem3A_503 = arith.constant 2 : i32
      %rem3A_504 = arith.remsi %add3A_502, %rem3A_503 : i32
      %add3A_505 = arith.constant 1 : i32
      %add3A_506 = arith.addi %scan3A_498, %add3A_505 : i32
      %lt3A = arith.constant 64 : i32
      %lt3A_507 = arith.cmpi slt, %add3A_506, %lt3A : i32
      %convert_element_type3A_508 = arith.extui %lt3A_507 : i1 to i32
      %cond3A = arith.constant 0 : i32
      %cond3A_509 = arith.cmpi ne, %convert_element_type3A_508, %cond3A : i32
      scf.if %cond3A_509 {
        %add3A_594 = arith.constant 1 : i32
        %add3A_595 = arith.addi %scan3A_498, %add3A_594 : i32
        %mul3A_596 = arith.constant 1024 : i32
        %mul3A_597 = arith.muli %add3A_595, %mul3A_596 : i32
        %mul3A_598 = arith.constant 1024 : i32
        %mul3A_599 = arith.muli %add3A_595, %mul3A_598 : i32
        %mul3A_600 = arith.constant 1024 : i32
        %mul3A_601 = arith.muli %add3A_595, %mul3A_600 : i32
        %dma_start3A_602 = arith.constant 0 : i32
        %dma_start3A_603 = arith.constant 0 : i32
        %dma_start3A_604 = tpu.memref_slice %arg11[%rem3A_504, %dma_start3A_602, %dma_start3A_603] : memref<2x4x1024xf32, #tpu.memory_space<vmem>> -> memref<1x2x1024xf32, #tpu.memory_space<vmem>>
        %dma_start3A_605 = tpu.memref_squeeze %dma_start3A_604 : memref<1x2x1024xf32, #tpu.memory_space<vmem>> -> memref<2x1024xf32, #tpu.memory_space<vmem>>
        %dma_start3A_606 = arith.constant 0 : i32
        %dma_start3A_607 = tpu.memref_slice %arg2[%dma_start3A_606, %mul3A_597] : memref<2x65536xf32, #tpu.memory_space<hbm>> -> memref<2x1024xf32, #tpu.memory_space<hbm>>
        %dma_start3A_608 = tpu.memref_slice %arg16[%rem3A_504] : memref<2x!tpu.dma_semaphore, #tpu.memory_space<semaphore_mem>> -> memref<1x!tpu.dma_semaphore, #tpu.memory_space<semaphore_mem>>
        %dma_start3A_609 = tpu.memref_squeeze %dma_start3A_608 : memref<1x!tpu.dma_semaphore, #tpu.memory_space<semaphore_mem>> -> memref<!tpu.dma_semaphore, #tpu.memory_space<semaphore_mem>>
        %dma_start3A_610 = arith.constant 0 : i32
        %dma_start3A_611 = arith.constant 0 : i32
        %dma_start3A_612 = tpu.memref_slice %arg11[%rem3A_504, %dma_start3A_610, %dma_start3A_611] : memref<2x4x1024xf32, #tpu.memory_space<vmem>> -> memref<1x2x1024xf32, #tpu.memory_space<vmem>>
        %dma_start3A_613 = tpu.memref_squeeze %dma_start3A_612 : memref<1x2x1024xf32, #tpu.memory_space<vmem>> -> memref<2x1024xf32, #tpu.memory_space<vmem>>
        %dma_start3A_614 = arith.constant 0 : i32
        %dma_start3A_615 = tpu.memref_slice %arg2[%dma_start3A_614, %mul3A_597] : memref<2x65536xf32, #tpu.memory_space<hbm>> -> memref<2x1024xf32, #tpu.memory_space<hbm>>
        tpu.enqueue_dma source(%dma_start3A_615 : memref<2x1024xf32, #tpu.memory_space<hbm>>) target(%dma_start3A_613 : memref<2x1024xf32, #tpu.memory_space<vmem>>) target_semaphore(%dma_start3A_609 : memref<!tpu.dma_semaphore, #tpu.memory_space<semaphore_mem>>)
        %dma_start3A_616 = arith.constant 0 : i32
        %dma_start3A_617 = tpu.memref_slice %arg13[%rem3A_504, %dma_start3A_616] : memref<2x1024xi32, #tpu.memory_space<vmem>> -> memref<1x1024xi32, #tpu.memory_space<vmem>>
        %dma_start3A_618 = tpu.memref_squeeze %dma_start3A_617 : memref<1x1024xi32, #tpu.memory_space<vmem>> -> memref<1024xi32, #tpu.memory_space<vmem>>
        %dma_start3A_619 = tpu.memref_slice %arg4[%mul3A_599] : memref<65536xi32, #tpu.memory_space<hbm>> -> memref<1024xi32, #tpu.memory_space<hbm>>
        %dma_start3A_620 = tpu.memref_slice %arg17[%rem3A_504] : memref<2x!tpu.dma_semaphore, #tpu.memory_space<semaphore_mem>> -> memref<1x!tpu.dma_semaphore, #tpu.memory_space<semaphore_mem>>
        %dma_start3A_621 = tpu.memref_squeeze %dma_start3A_620 : memref<1x!tpu.dma_semaphore, #tpu.memory_space<semaphore_mem>> -> memref<!tpu.dma_semaphore, #tpu.memory_space<semaphore_mem>>
        %dma_start3A_622 = arith.constant 0 : i32
        %dma_start3A_623 = tpu.memref_slice %arg13[%rem3A_504, %dma_start3A_622] : memref<2x1024xi32, #tpu.memory_space<vmem>> -> memref<1x1024xi32, #tpu.memory_space<vmem>>
        %dma_start3A_624 = tpu.memref_squeeze %dma_start3A_623 : memref<1x1024xi32, #tpu.memory_space<vmem>> -> memref<1024xi32, #tpu.memory_space<vmem>>
        %dma_start3A_625 = tpu.memref_slice %arg4[%mul3A_599] : memref<65536xi32, #tpu.memory_space<hbm>> -> memref<1024xi32, #tpu.memory_space<hbm>>
        tpu.enqueue_dma source(%dma_start3A_625 : memref<1024xi32, #tpu.memory_space<hbm>>) target(%dma_start3A_624 : memref<1024xi32, #tpu.memory_space<vmem>>) target_semaphore(%dma_start3A_621 : memref<!tpu.dma_semaphore, #tpu.memory_space<semaphore_mem>>)
        %dma_start3A_626 = arith.constant 0 : i32
        %dma_start3A_627 = arith.constant 0 : i32
        %dma_start3A_628 = tpu.memref_slice %arg12[%rem3A_504, %dma_start3A_626, %dma_start3A_627] : memref<2x5x1024xf32, #tpu.memory_space<vmem>> -> memref<1x5x1024xf32, #tpu.memory_space<vmem>>
        %dma_start3A_629 = tpu.memref_squeeze %dma_start3A_628 : memref<1x5x1024xf32, #tpu.memory_space<vmem>> -> memref<5x1024xf32, #tpu.memory_space<vmem>>
        %dma_start3A_630 = arith.constant 0 : i32
        %dma_start3A_631 = tpu.memref_slice %arg3[%dma_start3A_630, %mul3A_601] : memref<5x65536xf32, #tpu.memory_space<hbm>> -> memref<5x1024xf32, #tpu.memory_space<hbm>>
        %dma_start3A_632 = tpu.memref_slice %arg16[%rem3A_504] : memref<2x!tpu.dma_semaphore, #tpu.memory_space<semaphore_mem>> -> memref<1x!tpu.dma_semaphore, #tpu.memory_space<semaphore_mem>>
        %dma_start3A_633 = tpu.memref_squeeze %dma_start3A_632 : memref<1x!tpu.dma_semaphore, #tpu.memory_space<semaphore_mem>> -> memref<!tpu.dma_semaphore, #tpu.memory_space<semaphore_mem>>
        %dma_start3A_634 = arith.constant 0 : i32
        %dma_start3A_635 = arith.constant 0 : i32
        %dma_start3A_636 = tpu.memref_slice %arg12[%rem3A_504, %dma_start3A_634, %dma_start3A_635] : memref<2x5x1024xf32, #tpu.memory_space<vmem>> -> memref<1x5x1024xf32, #tpu.memory_space<vmem>>
        %dma_start3A_637 = tpu.memref_squeeze %dma_start3A_636 : memref<1x5x1024xf32, #tpu.memory_space<vmem>> -> memref<5x1024xf32, #tpu.memory_space<vmem>>
        %dma_start3A_638 = arith.constant 0 : i32
        %dma_start3A_639 = tpu.memref_slice %arg3[%dma_start3A_638, %mul3A_601] : memref<5x65536xf32, #tpu.memory_space<hbm>> -> memref<5x1024xf32, #tpu.memory_space<hbm>>
        tpu.enqueue_dma source(%dma_start3A_639 : memref<5x1024xf32, #tpu.memory_space<hbm>>) target(%dma_start3A_637 : memref<5x1024xf32, #tpu.memory_space<vmem>>) target_semaphore(%dma_start3A_633 : memref<!tpu.dma_semaphore, #tpu.memory_space<semaphore_mem>>)
      } else {
      }
      %mul3A_510 = arith.constant 1024 : i32
      %mul3A_511 = arith.muli %scan3A_498, %mul3A_510 : i32
      %mul3A_512 = arith.constant 1024 : i32
      %mul3A_513 = arith.muli %scan3A_498, %mul3A_512 : i32
      %mul3A_514 = arith.constant 1024 : i32
      %mul3A_515 = arith.muli %scan3A_498, %mul3A_514 : i32
      %dma_wait3A_516 = arith.constant 0 : i32
      %dma_wait3A_517 = arith.constant 0 : i32
      %dma_wait3A_518 = tpu.memref_slice %arg11[%rem3A_500, %dma_wait3A_516, %dma_wait3A_517] : memref<2x4x1024xf32, #tpu.memory_space<vmem>> -> memref<1x2x1024xf32, #tpu.memory_space<vmem>>
      %dma_wait3A_519 = tpu.memref_squeeze %dma_wait3A_518 : memref<1x2x1024xf32, #tpu.memory_space<vmem>> -> memref<2x1024xf32, #tpu.memory_space<vmem>>
      %dma_wait3A_520 = arith.constant 0 : i32
      %dma_wait3A_521 = tpu.memref_slice %arg2[%dma_wait3A_520, %mul3A_511] : memref<2x65536xf32, #tpu.memory_space<hbm>> -> memref<2x1024xf32, #tpu.memory_space<hbm>>
      %dma_wait3A_522 = tpu.memref_slice %arg16[%rem3A_500] : memref<2x!tpu.dma_semaphore, #tpu.memory_space<semaphore_mem>> -> memref<1x!tpu.dma_semaphore, #tpu.memory_space<semaphore_mem>>
      %dma_wait3A_523 = tpu.memref_squeeze %dma_wait3A_522 : memref<1x!tpu.dma_semaphore, #tpu.memory_space<semaphore_mem>> -> memref<!tpu.dma_semaphore, #tpu.memory_space<semaphore_mem>>
      %dma_wait3A_524 = arith.constant 0 : i32
      %dma_wait3A_525 = arith.constant 0 : i32
      %dma_wait3A_526 = tpu.memref_slice %arg11[%rem3A_500, %dma_wait3A_524, %dma_wait3A_525] : memref<2x4x1024xf32, #tpu.memory_space<vmem>> -> memref<1x2x1024xf32, #tpu.memory_space<vmem>>
      %dma_wait3A_527 = tpu.memref_squeeze %dma_wait3A_526 : memref<1x2x1024xf32, #tpu.memory_space<vmem>> -> memref<2x1024xf32, #tpu.memory_space<vmem>>
      %dma_wait3A_528 = arith.constant 0 : i32
      %dma_wait3A_529 = tpu.memref_slice %arg2[%dma_wait3A_528, %mul3A_511] : memref<2x65536xf32, #tpu.memory_space<hbm>> -> memref<2x1024xf32, #tpu.memory_space<hbm>>
      tpu.wait_dma2 semaphore(%dma_wait3A_523 : memref<!tpu.dma_semaphore, #tpu.memory_space<semaphore_mem>>) src(%dma_wait3A_529 : memref<2x1024xf32, #tpu.memory_space<hbm>>) dst(%dma_wait3A_527 : memref<2x1024xf32, #tpu.memory_space<vmem>>)
      %dma_wait3A_530 = arith.constant 0 : i32
      %dma_wait3A_531 = tpu.memref_slice %arg13[%rem3A_500, %dma_wait3A_530] : memref<2x1024xi32, #tpu.memory_space<vmem>> -> memref<1x1024xi32, #tpu.memory_space<vmem>>
      %dma_wait3A_532 = tpu.memref_squeeze %dma_wait3A_531 : memref<1x1024xi32, #tpu.memory_space<vmem>> -> memref<1024xi32, #tpu.memory_space<vmem>>
      %dma_wait3A_533 = tpu.memref_slice %arg4[%mul3A_513] : memref<65536xi32, #tpu.memory_space<hbm>> -> memref<1024xi32, #tpu.memory_space<hbm>>
      %dma_wait3A_534 = tpu.memref_slice %arg17[%rem3A_500] : memref<2x!tpu.dma_semaphore, #tpu.memory_space<semaphore_mem>> -> memref<1x!tpu.dma_semaphore, #tpu.memory_space<semaphore_mem>>
      %dma_wait3A_535 = tpu.memref_squeeze %dma_wait3A_534 : memref<1x!tpu.dma_semaphore, #tpu.memory_space<semaphore_mem>> -> memref<!tpu.dma_semaphore, #tpu.memory_space<semaphore_mem>>
      %dma_wait3A_536 = arith.constant 0 : i32
      %dma_wait3A_537 = tpu.memref_slice %arg13[%rem3A_500, %dma_wait3A_536] : memref<2x1024xi32, #tpu.memory_space<vmem>> -> memref<1x1024xi32, #tpu.memory_space<vmem>>
      %dma_wait3A_538 = tpu.memref_squeeze %dma_wait3A_537 : memref<1x1024xi32, #tpu.memory_space<vmem>> -> memref<1024xi32, #tpu.memory_space<vmem>>
      %dma_wait3A_539 = tpu.memref_slice %arg4[%mul3A_513] : memref<65536xi32, #tpu.memory_space<hbm>> -> memref<1024xi32, #tpu.memory_space<hbm>>
      tpu.wait_dma2 semaphore(%dma_wait3A_535 : memref<!tpu.dma_semaphore, #tpu.memory_space<semaphore_mem>>) src(%dma_wait3A_539 : memref<1024xi32, #tpu.memory_space<hbm>>) dst(%dma_wait3A_538 : memref<1024xi32, #tpu.memory_space<vmem>>)
      %dma_wait3A_540 = arith.constant 0 : i32
      %dma_wait3A_541 = arith.constant 0 : i32
      %dma_wait3A_542 = tpu.memref_slice %arg12[%rem3A_500, %dma_wait3A_540, %dma_wait3A_541] : memref<2x5x1024xf32, #tpu.memory_space<vmem>> -> memref<1x5x1024xf32, #tpu.memory_space<vmem>>
      %dma_wait3A_543 = tpu.memref_squeeze %dma_wait3A_542 : memref<1x5x1024xf32, #tpu.memory_space<vmem>> -> memref<5x1024xf32, #tpu.memory_space<vmem>>
      %dma_wait3A_544 = arith.constant 0 : i32
      %dma_wait3A_545 = tpu.memref_slice %arg3[%dma_wait3A_544, %mul3A_515] : memref<5x65536xf32, #tpu.memory_space<hbm>> -> memref<5x1024xf32, #tpu.memory_space<hbm>>
      %dma_wait3A_546 = tpu.memref_slice %arg16[%rem3A_500] : memref<2x!tpu.dma_semaphore, #tpu.memory_space<semaphore_mem>> -> memref<1x!tpu.dma_semaphore, #tpu.memory_space<semaphore_mem>>
      %dma_wait3A_547 = tpu.memref_squeeze %dma_wait3A_546 : memref<1x!tpu.dma_semaphore, #tpu.memory_space<semaphore_mem>> -> memref<!tpu.dma_semaphore, #tpu.memory_space<semaphore_mem>>
      %dma_wait3A_548 = arith.constant 0 : i32
      %dma_wait3A_549 = arith.constant 0 : i32
      %dma_wait3A_550 = tpu.memref_slice %arg12[%rem3A_500, %dma_wait3A_548, %dma_wait3A_549] : memref<2x5x1024xf32, #tpu.memory_space<vmem>> -> memref<1x5x1024xf32, #tpu.memory_space<vmem>>
      %dma_wait3A_551 = tpu.memref_squeeze %dma_wait3A_550 : memref<1x5x1024xf32, #tpu.memory_space<vmem>> -> memref<5x1024xf32, #tpu.memory_space<vmem>>
      %dma_wait3A_552 = arith.constant 0 : i32
      %dma_wait3A_553 = tpu.memref_slice %arg3[%dma_wait3A_552, %mul3A_515] : memref<5x65536xf32, #tpu.memory_space<hbm>> -> memref<5x1024xf32, #tpu.memory_space<hbm>>
      tpu.wait_dma2 semaphore(%dma_wait3A_547 : memref<!tpu.dma_semaphore, #tpu.memory_space<semaphore_mem>>) src(%dma_wait3A_553 : memref<5x1024xf32, #tpu.memory_space<hbm>>) dst(%dma_wait3A_551 : memref<5x1024xf32, #tpu.memory_space<vmem>>)
      %scan3A_554 = arith.constant 0 : i32
      %scan3A_555 = arith.constant 0 : i32
      %scan3A_556 = arith.constant 64 : i32
      %scan3A_557 = arith.addi %scan3A_555, %scan3A_556 : i32
      %scan3A_558 = arith.constant 8 : i32
      %scan3A_559 = scf.for %scan3A_594 = %scan3A_555 to %scan3A_557 step %scan3A_558 iter_args(%scan3A_595 = %scan3A_554) -> (i32)  : i32 {
        %broadcast_in_dim3A_596 = arith.constant 16 : i32
        %broadcast_in_dim3A_597 = vector.broadcast %broadcast_in_dim3A_596 : i32 to vector<16xi32>
        %mul3A_598 = vector.broadcast %scan3A_594 : i32 to vector<16xi32>
        %mul3A_599 = arith.muli %mul3A_598, %broadcast_in_dim3A_597 : vector<16xi32>
        %add3A_600 = arith.addi %mul3A_599, %iota3A : vector<16xi32>
        %mul3A_601 = arith.constant 16 : i32
        %mul3A_602 = arith.muli %scan3A_594, %mul3A_601 : i32
        %get3A_603 = arith.constant 0 : i32
        %get3A_604 = arith.index_cast %rem3A_500 : i32 to index
        %get3A_605 = arith.index_cast %get3A_603 : i32 to index
        %get3A_606 = arith.index_cast %mul3A_602 : i32 to index
        %get3A_607 = tpu.vector_load %arg11[%get3A_604, %get3A_605, %get3A_606] {strides = array<i32>} : memref<2x4x1024xf32, #tpu.memory_space<vmem>>, vector<16xf32>,
        %sub3A_608 = arith.subf %get3A_607, %get3A_3 : vector<16xf32>
        %mul3A_609 = arith.mulf %sub3A_608, %broadcast_in_dim3A_26 : vector<16xf32>
        %ge3A = arith.cmpf oge, %mul3A_609, %sub3A : vector<16xf32>
        %le3A = arith.cmpf ole, %mul3A_609, %add3A_20 : vector<16xf32>
        %and3A_610 = arith.andi %ge3A, %le3A : vector<16xi1>
        %swap3A_611 = arith.index_cast %scan3A_595 : i32 to index
        %swap3A_612 = tpu.vector_load %arg14[%swap3A_611] masked %and3A_610 {strides = array<i32>} : memref<1056xi32, #tpu.memory_space<vmem>>, vector<16xi32>, vector<16xi1>
        tpu.vector_store %arg14[%swap3A_611], %add3A_600 masked %and3A_610 {strides = array<i32>} : memref<1056xi32, #tpu.memory_space<vmem>>, vector<16xi32>, vector<16xi1>
        %all_reduce_population_count3A = tpu.all_reduce %and3A_610 {dim = 0 : i64, kind = #tpu.reduction_kind<sum>} : vector<16xi1> -> vector<16xi32>
        %slice3A = vector.extract_strided_slice %all_reduce_population_count3A {offsets = [0], sizes = [1], strides = [1]} : vector<16xi32> to vector<1xi32>
        %squeeze3A = vector.extract %slice3A[0] : i32 from vector<1xi32>
        %add3A_613 = arith.addi %scan3A_595, %squeeze3A : i32
        %scan3A_614 = arith.constant 1 : i32
        %scan3A_615 = arith.addi %scan3A_594, %scan3A_614 : i32
        %broadcast_in_dim3A_616 = arith.constant 16 : i32
        %broadcast_in_dim3A_617 = vector.broadcast %broadcast_in_dim3A_616 : i32 to vector<16xi32>
        %mul3A_618 = vector.broadcast %scan3A_615 : i32 to vector<16xi32>
        %mul3A_619 = arith.muli %mul3A_618, %broadcast_in_dim3A_617 : vector<16xi32>
        %add3A_620 = arith.addi %mul3A_619, %iota3A : vector<16xi32>
        %mul3A_621 = arith.constant 16 : i32
        %mul3A_622 = arith.muli %scan3A_615, %mul3A_621 : i32
        %get3A_623 = arith.constant 0 : i32
        %get3A_624 = arith.index_cast %rem3A_500 : i32 to index
        %get3A_625 = arith.index_cast %get3A_623 : i32 to index
        %get3A_626 = arith.index_cast %mul3A_622 : i32 to index
        %get3A_627 = tpu.vector_load %arg11[%get3A_624, %get3A_625, %get3A_626] {strides = array<i32>} : memref<2x4x1024xf32, #tpu.memory_space<vmem>>, vector<16xf32>,
        %sub3A_628 = arith.subf %get3A_627, %get3A_3 : vector<16xf32>
        %mul3A_629 = arith.mulf %sub3A_628, %broadcast_in_dim3A_26 : vector<16xf32>
        %ge3A_630 = arith.cmpf oge, %mul3A_629, %sub3A : vector<16xf32>
        %le3A_631 = arith.cmpf ole, %mul3A_629, %add3A_20 : vector<16xf32>
        %and3A_632 = arith.andi %ge3A_630, %le3A_631 : vector<16xi1>
        %swap3A_633 = arith.index_cast %add3A_613 : i32 to index
        %swap3A_634 = tpu.vector_load %arg14[%swap3A_633] masked %and3A_632 {strides = array<i32>} : memref<1056xi32, #tpu.memory_space<vmem>>, vector<16xi32>, vector<16xi1>
        tpu.vector_store %arg14[%swap3A_633], %add3A_620 masked %and3A_632 {strides = array<i32>} : memref<1056xi32, #tpu.memory_space<vmem>>, vector<16xi32>, vector<16xi1>
        %all_reduce_population_count3A_635 = tpu.all_reduce %and3A_632 {dim = 0 : i64, kind = #tpu.reduction_kind<sum>} : vector<16xi1> -> vector<16xi32>
        %slice3A_636 = vector.extract_strided_slice %all_reduce_population_count3A_635 {offsets = [0], sizes = [1], strides = [1]} : vector<16xi32> to vector<1xi32>
        %squeeze3A_637 = vector.extract %slice3A_636[0] : i32 from vector<1xi32>
        %add3A_638 = arith.addi %add3A_613, %squeeze3A_637 : i32
        %scan3A_639 = arith.constant 2 : i32
        %scan3A_640 = arith.addi %scan3A_594, %scan3A_639 : i32
        %broadcast_in_dim3A_641 = arith.constant 16 : i32
        %broadcast_in_dim3A_642 = vector.broadcast %broadcast_in_dim3A_641 : i32 to vector<16xi32>
        %mul3A_643 = vector.broadcast %scan3A_640 : i32 to vector<16xi32>
        %mul3A_644 = arith.muli %mul3A_643, %broadcast_in_dim3A_642 : vector<16xi32>
        %add3A_645 = arith.addi %mul3A_644, %iota3A : vector<16xi32>
        %mul3A_646 = arith.constant 16 : i32
        %mul3A_647 = arith.muli %scan3A_640, %mul3A_646 : i32
        %get3A_648 = arith.constant 0 : i32
        %get3A_649 = arith.index_cast %rem3A_500 : i32 to index
        %get3A_650 = arith.index_cast %get3A_648 : i32 to index
        %get3A_651 = arith.index_cast %mul3A_647 : i32 to index
        %get3A_652 = tpu.vector_load %arg11[%get3A_649, %get3A_650, %get3A_651] {strides = array<i32>} : memref<2x4x1024xf32, #tpu.memory_space<vmem>>, vector<16xf32>,
        %sub3A_653 = arith.subf %get3A_652, %get3A_3 : vector<16xf32>
        %mul3A_654 = arith.mulf %sub3A_653, %broadcast_in_dim3A_26 : vector<16xf32>
        %ge3A_655 = arith.cmpf oge, %mul3A_654, %sub3A : vector<16xf32>
        %le3A_656 = arith.cmpf ole, %mul3A_654, %add3A_20 : vector<16xf32>
        %and3A_657 = arith.andi %ge3A_655, %le3A_656 : vector<16xi1>
        %swap3A_658 = arith.index_cast %add3A_638 : i32 to index
        %swap3A_659 = tpu.vector_load %arg14[%swap3A_658] masked %and3A_657 {strides = array<i32>} : memref<1056xi32, #tpu.memory_space<vmem>>, vector<16xi32>, vector<16xi1>
        tpu.vector_store %arg14[%swap3A_658], %add3A_645 masked %and3A_657 {strides = array<i32>} : memref<1056xi32, #tpu.memory_space<vmem>>, vector<16xi32>, vector<16xi1>
        %all_reduce_population_count3A_660 = tpu.all_reduce %and3A_657 {dim = 0 : i64, kind = #tpu.reduction_kind<sum>} : vector<16xi1> -> vector<16xi32>
        %slice3A_661 = vector.extract_strided_slice %all_reduce_population_count3A_660 {offsets = [0], sizes = [1], strides = [1]} : vector<16xi32> to vector<1xi32>
        %squeeze3A_662 = vector.extract %slice3A_661[0] : i32 from vector<1xi32>
        %add3A_663 = arith.addi %add3A_638, %squeeze3A_662 : i32
        %scan3A_664 = arith.constant 3 : i32
        %scan3A_665 = arith.addi %scan3A_594, %scan3A_664 : i32
        %broadcast_in_dim3A_666 = arith.constant 16 : i32
        %broadcast_in_dim3A_667 = vector.broadcast %broadcast_in_dim3A_666 : i32 to vector<16xi32>
        %mul3A_668 = vector.broadcast %scan3A_665 : i32 to vector<16xi32>
        %mul3A_669 = arith.muli %mul3A_668, %broadcast_in_dim3A_667 : vector<16xi32>
        %add3A_670 = arith.addi %mul3A_669, %iota3A : vector<16xi32>
        %mul3A_671 = arith.constant 16 : i32
        %mul3A_672 = arith.muli %scan3A_665, %mul3A_671 : i32
        %get3A_673 = arith.constant 0 : i32
        %get3A_674 = arith.index_cast %rem3A_500 : i32 to index
        %get3A_675 = arith.index_cast %get3A_673 : i32 to index
        %get3A_676 = arith.index_cast %mul3A_672 : i32 to index
        %get3A_677 = tpu.vector_load %arg11[%get3A_674, %get3A_675, %get3A_676] {strides = array<i32>} : memref<2x4x1024xf32, #tpu.memory_space<vmem>>, vector<16xf32>,
        %sub3A_678 = arith.subf %get3A_677, %get3A_3 : vector<16xf32>
        %mul3A_679 = arith.mulf %sub3A_678, %broadcast_in_dim3A_26 : vector<16xf32>
        %ge3A_680 = arith.cmpf oge, %mul3A_679, %sub3A : vector<16xf32>
        %le3A_681 = arith.cmpf ole, %mul3A_679, %add3A_20 : vector<16xf32>
        %and3A_682 = arith.andi %ge3A_680, %le3A_681 : vector<16xi1>
        %swap3A_683 = arith.index_cast %add3A_663 : i32 to index
        %swap3A_684 = tpu.vector_load %arg14[%swap3A_683] masked %and3A_682 {strides = array<i32>} : memref<1056xi32, #tpu.memory_space<vmem>>, vector<16xi32>, vector<16xi1>
        tpu.vector_store %arg14[%swap3A_683], %add3A_670 masked %and3A_682 {strides = array<i32>} : memref<1056xi32, #tpu.memory_space<vmem>>, vector<16xi32>, vector<16xi1>
        %all_reduce_population_count3A_685 = tpu.all_reduce %and3A_682 {dim = 0 : i64, kind = #tpu.reduction_kind<sum>} : vector<16xi1> -> vector<16xi32>
        %slice3A_686 = vector.extract_strided_slice %all_reduce_population_count3A_685 {offsets = [0], sizes = [1], strides = [1]} : vector<16xi32> to vector<1xi32>
        %squeeze3A_687 = vector.extract %slice3A_686[0] : i32 from vector<1xi32>
        %add3A_688 = arith.addi %add3A_663, %squeeze3A_687 : i32
        %scan3A_689 = arith.constant 4 : i32
        %scan3A_690 = arith.addi %scan3A_594, %scan3A_689 : i32
        %broadcast_in_dim3A_691 = arith.constant 16 : i32
        %broadcast_in_dim3A_692 = vector.broadcast %broadcast_in_dim3A_691 : i32 to vector<16xi32>
        %mul3A_693 = vector.broadcast %scan3A_690 : i32 to vector<16xi32>
        %mul3A_694 = arith.muli %mul3A_693, %broadcast_in_dim3A_692 : vector<16xi32>
        %add3A_695 = arith.addi %mul3A_694, %iota3A : vector<16xi32>
        %mul3A_696 = arith.constant 16 : i32
        %mul3A_697 = arith.muli %scan3A_690, %mul3A_696 : i32
        %get3A_698 = arith.constant 0 : i32
        %get3A_699 = arith.index_cast %rem3A_500 : i32 to index
        %get3A_700 = arith.index_cast %get3A_698 : i32 to index
        %get3A_701 = arith.index_cast %mul3A_697 : i32 to index
        %get3A_702 = tpu.vector_load %arg11[%get3A_699, %get3A_700, %get3A_701] {strides = array<i32>} : memref<2x4x1024xf32, #tpu.memory_space<vmem>>, vector<16xf32>,
        %sub3A_703 = arith.subf %get3A_702, %get3A_3 : vector<16xf32>
        %mul3A_704 = arith.mulf %sub3A_703, %broadcast_in_dim3A_26 : vector<16xf32>
        %ge3A_705 = arith.cmpf oge, %mul3A_704, %sub3A : vector<16xf32>
        %le3A_706 = arith.cmpf ole, %mul3A_704, %add3A_20 : vector<16xf32>
        %and3A_707 = arith.andi %ge3A_705, %le3A_706 : vector<16xi1>
        %swap3A_708 = arith.index_cast %add3A_688 : i32 to index
        %swap3A_709 = tpu.vector_load %arg14[%swap3A_708] masked %and3A_707 {strides = array<i32>} : memref<1056xi32, #tpu.memory_space<vmem>>, vector<16xi32>, vector<16xi1>
        tpu.vector_store %arg14[%swap3A_708], %add3A_695 masked %and3A_707 {strides = array<i32>} : memref<1056xi32, #tpu.memory_space<vmem>>, vector<16xi32>, vector<16xi1>
        %all_reduce_population_count3A_710 = tpu.all_reduce %and3A_707 {dim = 0 : i64, kind = #tpu.reduction_kind<sum>} : vector<16xi1> -> vector<16xi32>
        %slice3A_711 = vector.extract_strided_slice %all_reduce_population_count3A_710 {offsets = [0], sizes = [1], strides = [1]} : vector<16xi32> to vector<1xi32>
        %squeeze3A_712 = vector.extract %slice3A_711[0] : i32 from vector<1xi32>
        %add3A_713 = arith.addi %add3A_688, %squeeze3A_712 : i32
        %scan3A_714 = arith.constant 5 : i32
        %scan3A_715 = arith.addi %scan3A_594, %scan3A_714 : i32
        %broadcast_in_dim3A_716 = arith.constant 16 : i32
        %broadcast_in_dim3A_717 = vector.broadcast %broadcast_in_dim3A_716 : i32 to vector<16xi32>
        %mul3A_718 = vector.broadcast %scan3A_715 : i32 to vector<16xi32>
        %mul3A_719 = arith.muli %mul3A_718, %broadcast_in_dim3A_717 : vector<16xi32>
        %add3A_720 = arith.addi %mul3A_719, %iota3A : vector<16xi32>
        %mul3A_721 = arith.constant 16 : i32
        %mul3A_722 = arith.muli %scan3A_715, %mul3A_721 : i32
        %get3A_723 = arith.constant 0 : i32
        %get3A_724 = arith.index_cast %rem3A_500 : i32 to index
        %get3A_725 = arith.index_cast %get3A_723 : i32 to index
        %get3A_726 = arith.index_cast %mul3A_722 : i32 to index
        %get3A_727 = tpu.vector_load %arg11[%get3A_724, %get3A_725, %get3A_726] {strides = array<i32>} : memref<2x4x1024xf32, #tpu.memory_space<vmem>>, vector<16xf32>,
        %sub3A_728 = arith.subf %get3A_727, %get3A_3 : vector<16xf32>
        %mul3A_729 = arith.mulf %sub3A_728, %broadcast_in_dim3A_26 : vector<16xf32>
        %ge3A_730 = arith.cmpf oge, %mul3A_729, %sub3A : vector<16xf32>
        %le3A_731 = arith.cmpf ole, %mul3A_729, %add3A_20 : vector<16xf32>
        %and3A_732 = arith.andi %ge3A_730, %le3A_731 : vector<16xi1>
        %swap3A_733 = arith.index_cast %add3A_713 : i32 to index
        %swap3A_734 = tpu.vector_load %arg14[%swap3A_733] masked %and3A_732 {strides = array<i32>} : memref<1056xi32, #tpu.memory_space<vmem>>, vector<16xi32>, vector<16xi1>
        tpu.vector_store %arg14[%swap3A_733], %add3A_720 masked %and3A_732 {strides = array<i32>} : memref<1056xi32, #tpu.memory_space<vmem>>, vector<16xi32>, vector<16xi1>
        %all_reduce_population_count3A_735 = tpu.all_reduce %and3A_732 {dim = 0 : i64, kind = #tpu.reduction_kind<sum>} : vector<16xi1> -> vector<16xi32>
        %slice3A_736 = vector.extract_strided_slice %all_reduce_population_count3A_735 {offsets = [0], sizes = [1], strides = [1]} : vector<16xi32> to vector<1xi32>
        %squeeze3A_737 = vector.extract %slice3A_736[0] : i32 from vector<1xi32>
        %add3A_738 = arith.addi %add3A_713, %squeeze3A_737 : i32
        %scan3A_739 = arith.constant 6 : i32
        %scan3A_740 = arith.addi %scan3A_594, %scan3A_739 : i32
        %broadcast_in_dim3A_741 = arith.constant 16 : i32
        %broadcast_in_dim3A_742 = vector.broadcast %broadcast_in_dim3A_741 : i32 to vector<16xi32>
        %mul3A_743 = vector.broadcast %scan3A_740 : i32 to vector<16xi32>
        %mul3A_744 = arith.muli %mul3A_743, %broadcast_in_dim3A_742 : vector<16xi32>
        %add3A_745 = arith.addi %mul3A_744, %iota3A : vector<16xi32>
        %mul3A_746 = arith.constant 16 : i32
        %mul3A_747 = arith.muli %scan3A_740, %mul3A_746 : i32
        %get3A_748 = arith.constant 0 : i32
        %get3A_749 = arith.index_cast %rem3A_500 : i32 to index
        %get3A_750 = arith.index_cast %get3A_748 : i32 to index
        %get3A_751 = arith.index_cast %mul3A_747 : i32 to index
        %get3A_752 = tpu.vector_load %arg11[%get3A_749, %get3A_750, %get3A_751] {strides = array<i32>} : memref<2x4x1024xf32, #tpu.memory_space<vmem>>, vector<16xf32>,
        %sub3A_753 = arith.subf %get3A_752, %get3A_3 : vector<16xf32>
        %mul3A_754 = arith.mulf %sub3A_753, %broadcast_in_dim3A_26 : vector<16xf32>
        %ge3A_755 = arith.cmpf oge, %mul3A_754, %sub3A : vector<16xf32>
        %le3A_756 = arith.cmpf ole, %mul3A_754, %add3A_20 : vector<16xf32>
        %and3A_757 = arith.andi %ge3A_755, %le3A_756 : vector<16xi1>
        %swap3A_758 = arith.index_cast %add3A_738 : i32 to index
        %swap3A_759 = tpu.vector_load %arg14[%swap3A_758] masked %and3A_757 {strides = array<i32>} : memref<1056xi32, #tpu.memory_space<vmem>>, vector<16xi32>, vector<16xi1>
        tpu.vector_store %arg14[%swap3A_758], %add3A_745 masked %and3A_757 {strides = array<i32>} : memref<1056xi32, #tpu.memory_space<vmem>>, vector<16xi32>, vector<16xi1>
        %all_reduce_population_count3A_760 = tpu.all_reduce %and3A_757 {dim = 0 : i64, kind = #tpu.reduction_kind<sum>} : vector<16xi1> -> vector<16xi32>
        %slice3A_761 = vector.extract_strided_slice %all_reduce_population_count3A_760 {offsets = [0], sizes = [1], strides = [1]} : vector<16xi32> to vector<1xi32>
        %squeeze3A_762 = vector.extract %slice3A_761[0] : i32 from vector<1xi32>
        %add3A_763 = arith.addi %add3A_738, %squeeze3A_762 : i32
        %scan3A_764 = arith.constant 7 : i32
        %scan3A_765 = arith.addi %scan3A_594, %scan3A_764 : i32
        %broadcast_in_dim3A_766 = arith.constant 16 : i32
        %broadcast_in_dim3A_767 = vector.broadcast %broadcast_in_dim3A_766 : i32 to vector<16xi32>
        %mul3A_768 = vector.broadcast %scan3A_765 : i32 to vector<16xi32>
        %mul3A_769 = arith.muli %mul3A_768, %broadcast_in_dim3A_767 : vector<16xi32>
        %add3A_770 = arith.addi %mul3A_769, %iota3A : vector<16xi32>
        %mul3A_771 = arith.constant 16 : i32
        %mul3A_772 = arith.muli %scan3A_765, %mul3A_771 : i32
        %get3A_773 = arith.constant 0 : i32
        %get3A_774 = arith.index_cast %rem3A_500 : i32 to index
        %get3A_775 = arith.index_cast %get3A_773 : i32 to index
        %get3A_776 = arith.index_cast %mul3A_772 : i32 to index
        %get3A_777 = tpu.vector_load %arg11[%get3A_774, %get3A_775, %get3A_776] {strides = array<i32>} : memref<2x4x1024xf32, #tpu.memory_space<vmem>>, vector<16xf32>,
        %sub3A_778 = arith.subf %get3A_777, %get3A_3 : vector<16xf32>
        %mul3A_779 = arith.mulf %sub3A_778, %broadcast_in_dim3A_26 : vector<16xf32>
        %ge3A_780 = arith.cmpf oge, %mul3A_779, %sub3A : vector<16xf32>
        %le3A_781 = arith.cmpf ole, %mul3A_779, %add3A_20 : vector<16xf32>
        %and3A_782 = arith.andi %ge3A_780, %le3A_781 : vector<16xi1>
        %swap3A_783 = arith.index_cast %add3A_763 : i32 to index
        %swap3A_784 = tpu.vector_load %arg14[%swap3A_783] masked %and3A_782 {strides = array<i32>} : memref<1056xi32, #tpu.memory_space<vmem>>, vector<16xi32>, vector<16xi1>
        tpu.vector_store %arg14[%swap3A_783], %add3A_770 masked %and3A_782 {strides = array<i32>} : memref<1056xi32, #tpu.memory_space<vmem>>, vector<16xi32>, vector<16xi1>
        %all_reduce_population_count3A_785 = tpu.all_reduce %and3A_782 {dim = 0 : i64, kind = #tpu.reduction_kind<sum>} : vector<16xi1> -> vector<16xi32>
        %slice3A_786 = vector.extract_strided_slice %all_reduce_population_count3A_785 {offsets = [0], sizes = [1], strides = [1]} : vector<16xi32> to vector<1xi32>
        %squeeze3A_787 = vector.extract %slice3A_786[0] : i32 from vector<1xi32>
        %add3A_788 = arith.addi %add3A_763, %squeeze3A_787 : i32
        scf.yield %add3A_788 : i32
      }
      %scan3A_560 = arith.constant 64 : i32
      %add3A_561 = arith.constant 31 : i32
      %add3A_562 = arith.addi %scan3A_559, %add3A_561 : i32
      %jit3A = arith.constant 32 : i32
      %div3A = arith.divsi %add3A_562, %jit3A : i32
      %sign3A = arith.constant 0 : i32
      %sign3A_563 = arith.cmpi sgt, %add3A_562, %sign3A : i32
      %sign3A_564 = arith.extui %sign3A_563 : i1 to i32
      %sign3A_565 = arith.constant 0 : i32
      %sign3A_566 = arith.cmpi slt, %add3A_562, %sign3A_565 : i32
      %sign3A_567 = arith.extui %sign3A_566 : i1 to i32
      %sign3A_568 = arith.subi %sign3A_564, %sign3A_567 : i32
      %sign3A_569 = arith.constant 0 : i32
      %sign3A_570 = arith.cmpi sgt, %jit3A, %sign3A_569 : i32
      %sign3A_571 = arith.extui %sign3A_570 : i1 to i32
      %sign3A_572 = arith.constant 0 : i32
      %sign3A_573 = arith.cmpi slt, %jit3A, %sign3A_572 : i32
      %sign3A_574 = arith.extui %sign3A_573 : i1 to i32
      %sign3A_575 = arith.subi %sign3A_571, %sign3A_574 : i32
      %ne3A = arith.cmpi ne, %sign3A_568, %sign3A_575 : i32
      %rem3A_576 = arith.remsi %add3A_562, %jit3A : i32
      %ne3A_577 = arith.constant 0 : i32
      %ne3A_578 = arith.cmpi ne, %rem3A_576, %ne3A_577 : i32
      %and3A = arith.andi %ne3A, %ne3A_578 : i1
      %sub3A_579 = arith.constant 1 : i32
      %sub3A_580 = arith.subi %div3A, %sub3A_579 : i32
      %select_n3A = arith.select %and3A, %sub3A_580, %div3A : i32
      %broadcast_in_dim3A_581 = vector.broadcast %scan3A_559 : i32 to vector<16xi32>
      %while3A = arith.constant 0 : i32
      %while3A_582 = arith.constant 0 : i32
      %while3A_583 = arith.subi %select_n3A, %while3A : i32
      %while3A_584 = arith.addi %while3A, %while3A_583 : i32
      %while3A_585 = arith.constant 1 : i32
      %while3A_586 = arith.divsi %while3A_583, %while3A_585 : i32
      %while3A_587 = arith.muli %while3A_586, %while3A_585 : i32
      %while3A_588 = arith.addi %while3A, %while3A_587 : i32
      %while3A_589 = arith.constant 1 : i32
      %while3A_590 = scf.for %while3A_594 = %while3A to %while3A_588 step %while3A_589 iter_args(%while3A_595 = %while3A_582) -> (i32)  : i32 {
        %broadcast_in_dim3A_596 = arith.constant 32 : i32
        %broadcast_in_dim3A_597 = vector.broadcast %broadcast_in_dim3A_596 : i32 to vector<16xi32>
        %mul3A_598 = vector.broadcast %while3A_594 : i32 to vector<16xi32>
        %mul3A_599 = arith.muli %mul3A_598, %broadcast_in_dim3A_597 : vector<16xi32>
        %broadcast_in_dim3A_600 = arith.constant 0 : i32
        %broadcast_in_dim3A_601 = vector.broadcast %broadcast_in_dim3A_600 : i32 to vector<16xi32>
        %add3A_602 = arith.addi %mul3A_599, %broadcast_in_dim3A_601 : vector<16xi32>
        %add3A_603 = arith.addi %add3A_602, %iota3A : vector<16xi32>
        %lt3A_604 = arith.cmpi slt, %add3A_603, %broadcast_in_dim3A_581 : vector<16xi32>
        %gather3A = tpu.vector_load_idx %arg14[%add3A_603] : memref<1056xi32, #tpu.memory_space<vmem>>[vector<16xi32>], vector<16xi32>,
        %gather3A_605 = arith.constant 0 : i32
        %gather3A_606 = arith.constant 0 : i32
        %gather3A_607 = tpu.memref_slice %arg11[%rem3A_500, %gather3A_605, %gather3A_606] : memref<2x4x1024xf32, #tpu.memory_space<vmem>> -> memref<1x1x1024xf32, #tpu.memory_space<vmem>>
        %gather3A_608 = tpu.memref_squeeze %gather3A_607 : memref<1x1x1024xf32, #tpu.memory_space<vmem>> -> memref<1024xf32, #tpu.memory_space<vmem>>
        %gather3A_609 = tpu.vector_load_idx %gather3A_608[%gather3A] : memref<1024xf32, #tpu.memory_space<vmem>>[vector<16xi32>], vector<16xf32>,
        %gather3A_610 = arith.constant 1 : i32
        %gather3A_611 = arith.constant 0 : i32
        %gather3A_612 = tpu.memref_slice %arg11[%rem3A_500, %gather3A_610, %gather3A_611] : memref<2x4x1024xf32, #tpu.memory_space<vmem>> -> memref<1x1x1024xf32, #tpu.memory_space<vmem>>
        %gather3A_613 = tpu.memref_squeeze %gather3A_612 : memref<1x1x1024xf32, #tpu.memory_space<vmem>> -> memref<1024xf32, #tpu.memory_space<vmem>>
        %gather3A_614 = tpu.vector_load_idx %gather3A_613[%gather3A] : memref<1024xf32, #tpu.memory_space<vmem>>[vector<16xi32>], vector<16xf32>,
        %sub3A_615 = arith.subf %gather3A_609, %get3A_3 : vector<16xf32>
        %broadcast_in_dim3A_616 = arith.constant 1.000000e+01 : f32
        %broadcast_in_dim3A_617 = vector.broadcast %broadcast_in_dim3A_616 : f32 to vector<16xf32>
        %div3A_618 = arith.divf %sub3A_615, %broadcast_in_dim3A_617 : vector<16xf32>
        %broadcast_in_dim3A_619 = arith.constant 5.120000e+02 : f32
        %broadcast_in_dim3A_620 = vector.broadcast %broadcast_in_dim3A_619 : f32 to vector<16xf32>
        %mul3A_621 = arith.mulf %div3A_618, %broadcast_in_dim3A_620 : vector<16xf32>
        %convert_element_type3A_622 = arith.fptosi %mul3A_621 : vector<16xf32> to vector<16xi32>
        %convert_element_type3A_623 = arith.sitofp %convert_element_type3A_622 : vector<16xi32> to vector<16xf32>
        %sub3A_624 = arith.subf %mul3A_621, %convert_element_type3A_623 : vector<16xf32>
        %broadcast_in_dim3A_625 = arith.constant 5.000000e-01 : f32
        %broadcast_in_dim3A_626 = vector.broadcast %broadcast_in_dim3A_625 : f32 to vector<16xf32>
        %gt3A = arith.cmpf ogt, %sub3A_624, %broadcast_in_dim3A_626 : vector<16xf32>
        %eq3A = arith.cmpf oeq, %sub3A_624, %broadcast_in_dim3A_626 : vector<16xf32>
        %broadcast_in_dim3A_627 = arith.constant 1 : i32
        %broadcast_in_dim3A_628 = vector.broadcast %broadcast_in_dim3A_627 : i32 to vector<16xi32>
        %and3A_629 = arith.andi %convert_element_type3A_622, %broadcast_in_dim3A_628 : vector<16xi32>
        %broadcast_in_dim3A_630 = arith.constant 1 : i32
        %broadcast_in_dim3A_631 = vector.broadcast %broadcast_in_dim3A_630 : i32 to vector<16xi32>
        %eq3A_632 = arith.cmpi eq, %and3A_629, %broadcast_in_dim3A_631 : vector<16xi32>
        %and3A_633 = arith.andi %eq3A, %eq3A_632 : vector<16xi1>
        %or3A = arith.ori %gt3A, %and3A_633 : vector<16xi1>
        %broadcast_in_dim3A_634 = arith.constant 1 : i32
        %broadcast_in_dim3A_635 = vector.broadcast %broadcast_in_dim3A_634 : i32 to vector<16xi32>
        %broadcast_in_dim3A_636 = arith.constant 0 : i32
        %broadcast_in_dim3A_637 = vector.broadcast %broadcast_in_dim3A_636 : i32 to vector<16xi32>
        %select_n3A_638 = arith.select %or3A, %broadcast_in_dim3A_635, %broadcast_in_dim3A_637 : vector<16xi1>, vector<16xi32>
        %add3A_639 = arith.addi %convert_element_type3A_622, %select_n3A_638 : vector<16xi32>
        %sub3A_640 = arith.subf %gather3A_614, %get3A_5 : vector<16xf32>
        %broadcast_in_dim3A_641 = arith.constant 1.000000e+01 : f32
        %broadcast_in_dim3A_642 = vector.broadcast %broadcast_in_dim3A_641 : f32 to vector<16xf32>
        %div3A_643 = arith.divf %sub3A_640, %broadcast_in_dim3A_642 : vector<16xf32>
        %broadcast_in_dim3A_644 = arith.constant 5.120000e+02 : f32
        %broadcast_in_dim3A_645 = vector.broadcast %broadcast_in_dim3A_644 : f32 to vector<16xf32>
        %mul3A_646 = arith.mulf %div3A_643, %broadcast_in_dim3A_645 : vector<16xf32>
        %convert_element_type3A_647 = arith.fptosi %mul3A_646 : vector<16xf32> to vector<16xi32>
        %convert_element_type3A_648 = arith.sitofp %convert_element_type3A_647 : vector<16xi32> to vector<16xf32>
        %sub3A_649 = arith.subf %mul3A_646, %convert_element_type3A_648 : vector<16xf32>
        %broadcast_in_dim3A_650 = arith.constant 5.000000e-01 : f32
        %broadcast_in_dim3A_651 = vector.broadcast %broadcast_in_dim3A_650 : f32 to vector<16xf32>
        %gt3A_652 = arith.cmpf ogt, %sub3A_649, %broadcast_in_dim3A_651 : vector<16xf32>
        %eq3A_653 = arith.cmpf oeq, %sub3A_649, %broadcast_in_dim3A_651 : vector<16xf32>
        %broadcast_in_dim3A_654 = arith.constant 1 : i32
        %broadcast_in_dim3A_655 = vector.broadcast %broadcast_in_dim3A_654 : i32 to vector<16xi32>
        %and3A_656 = arith.andi %convert_element_type3A_647, %broadcast_in_dim3A_655 : vector<16xi32>
        %broadcast_in_dim3A_657 = arith.constant 1 : i32
        %broadcast_in_dim3A_658 = vector.broadcast %broadcast_in_dim3A_657 : i32 to vector<16xi32>
        %eq3A_659 = arith.cmpi eq, %and3A_656, %broadcast_in_dim3A_658 : vector<16xi32>
        %and3A_660 = arith.andi %eq3A_653, %eq3A_659 : vector<16xi1>
        %or3A_661 = arith.ori %gt3A_652, %and3A_660 : vector<16xi1>
        %broadcast_in_dim3A_662 = arith.constant 1 : i32
        %broadcast_in_dim3A_663 = vector.broadcast %broadcast_in_dim3A_662 : i32 to vector<16xi32>
        %broadcast_in_dim3A_664 = arith.constant 0 : i32
        %broadcast_in_dim3A_665 = vector.broadcast %broadcast_in_dim3A_664 : i32 to vector<16xi32>
        %select_n3A_666 = arith.select %or3A_661, %broadcast_in_dim3A_663, %broadcast_in_dim3A_665 : vector<16xi1>, vector<16xi32>
        %add3A_667 = arith.addi %convert_element_type3A_647, %select_n3A_666 : vector<16xi32>
        %ge3A = arith.cmpi sge, %add3A_639, %broadcast_in_dim3A : vector<16xi32>
        %lt3A_668 = arith.cmpi slt, %add3A_639, %broadcast_in_dim3A_8 : vector<16xi32>
        %and3A_669 = arith.andi %ge3A, %lt3A_668 : vector<16xi1>
        %and3A_670 = arith.andi %add3A_639, %broadcast_in_dim3A_24 : vector<16xi32>
        %broadcast_in_dim3A_671 = arith.constant 9 : i32
        %broadcast_in_dim3A_672 = vector.broadcast %broadcast_in_dim3A_671 : i32 to vector<16xi32>
        %shift_left3A = arith.shli %and3A_670, %broadcast_in_dim3A_672 : vector<16xi32>
        %add3A_673 = arith.addi %shift_left3A, %add3A_667 : vector<16xi32>
        %and3A_674 = arith.andi %and3A_669, %lt3A_604 : vector<16xi1>
        %gather3A_675 = arith.constant 0 : i32
        %gather3A_676 = tpu.memref_slice %arg13[%rem3A_500, %gather3A_675] : memref<2x1024xi32, #tpu.memory_space<vmem>> -> memref<1x1024xi32, #tpu.memory_space<vmem>>
        %gather3A_677 = tpu.memref_squeeze %gather3A_676 : memref<1x1024xi32, #tpu.memory_space<vmem>> -> memref<1024xi32, #tpu.memory_space<vmem>>
        %gather3A_678 = tpu.vector_load_idx %gather3A_677[%gather3A] : memref<1024xi32, #tpu.memory_space<vmem>>[vector<16xi32>], vector<16xi32>,
        %broadcast_in_dim3A_679 = arith.constant 0 : i32
        %broadcast_in_dim3A_680 = vector.broadcast %broadcast_in_dim3A_679 : i32 to vector<16xi32>
        %eq3A_681 = arith.cmpi eq, %gather3A_678, %broadcast_in_dim3A_680 : vector<16xi32>
        %broadcast_in_dim3A_682 = arith.constant 0 : i32
        %broadcast_in_dim3A_683 = vector.broadcast %broadcast_in_dim3A_682 : i32 to vector<16xi32>
        %broadcast_in_dim3A_684 = arith.constant 40960 : i32
        %broadcast_in_dim3A_685 = vector.broadcast %broadcast_in_dim3A_684 : i32 to vector<16xi32>
        %select_n3A_686 = arith.select %eq3A_681, %broadcast_in_dim3A_683, %broadcast_in_dim3A_685 : vector<16xi1>, vector<16xi32>
        %add3A_687 = arith.addi %select_n3A_686, %add3A_673 : vector<16xi32>
        %gather3A_688 = arith.constant 0 : i32
        %gather3A_689 = arith.constant 0 : i32
        %gather3A_690 = tpu.memref_slice %arg12[%rem3A_500, %gather3A_688, %gather3A_689] : memref<2x5x1024xf32, #tpu.memory_space<vmem>> -> memref<1x1x1024xf32, #tpu.memory_space<vmem>>
        %gather3A_691 = tpu.memref_squeeze %gather3A_690 : memref<1x1x1024xf32, #tpu.memory_space<vmem>> -> memref<1024xf32, #tpu.memory_space<vmem>>
        %gather3A_692 = tpu.vector_load_idx %gather3A_691[%gather3A] : memref<1024xf32, #tpu.memory_space<vmem>>[vector<16xi32>], vector<16xf32>,
        %broadcast_in_dim3A_693 = arith.constant 0 : i32
        %broadcast_in_dim3A_694 = vector.broadcast %broadcast_in_dim3A_693 : i32 to vector<16xi32>
        %add3A_695 = arith.addi %add3A_687, %broadcast_in_dim3A_694 : vector<16xi32>
        tpu.vector_store_idx %arg10[%add3A_695], %gather3A_692 masked %and3A_674 : memref<98304xf32, #tpu.memory_space<vmem>>[vector<16xi32>], vector<16xf32>, vector<16xi1>
        %gather3A_696 = arith.constant 1 : i32
        %gather3A_697 = arith.constant 0 : i32
        %gather3A_698 = tpu.memref_slice %arg12[%rem3A_500, %gather3A_696, %gather3A_697] : memref<2x5x1024xf32, #tpu.memory_space<vmem>> -> memref<1x1x1024xf32, #tpu.memory_space<vmem>>
        %gather3A_699 = tpu.memref_squeeze %gather3A_698 : memref<1x1x1024xf32, #tpu.memory_space<vmem>> -> memref<1024xf32, #tpu.memory_space<vmem>>
        %gather3A_700 = tpu.vector_load_idx %gather3A_699[%gather3A] : memref<1024xf32, #tpu.memory_space<vmem>>[vector<16xi32>], vector<16xf32>,
        %broadcast_in_dim3A_701 = arith.constant 8192 : i32
        %broadcast_in_dim3A_702 = vector.broadcast %broadcast_in_dim3A_701 : i32 to vector<16xi32>
        %add3A_703 = arith.addi %add3A_687, %broadcast_in_dim3A_702 : vector<16xi32>
        tpu.vector_store_idx %arg10[%add3A_703], %gather3A_700 masked %and3A_674 : memref<98304xf32, #tpu.memory_space<vmem>>[vector<16xi32>], vector<16xf32>, vector<16xi1>
        %gather3A_704 = arith.constant 2 : i32
        %gather3A_705 = arith.constant 0 : i32
        %gather3A_706 = tpu.memref_slice %arg12[%rem3A_500, %gather3A_704, %gather3A_705] : memref<2x5x1024xf32, #tpu.memory_space<vmem>> -> memref<1x1x1024xf32, #tpu.memory_space<vmem>>
        %gather3A_707 = tpu.memref_squeeze %gather3A_706 : memref<1x1x1024xf32, #tpu.memory_space<vmem>> -> memref<1024xf32, #tpu.memory_space<vmem>>
        %gather3A_708 = tpu.vector_load_idx %gather3A_707[%gather3A] : memref<1024xf32, #tpu.memory_space<vmem>>[vector<16xi32>], vector<16xf32>,
        %broadcast_in_dim3A_709 = arith.constant 16384 : i32
        %broadcast_in_dim3A_710 = vector.broadcast %broadcast_in_dim3A_709 : i32 to vector<16xi32>
        %add3A_711 = arith.addi %add3A_687, %broadcast_in_dim3A_710 : vector<16xi32>
        tpu.vector_store_idx %arg10[%add3A_711], %gather3A_708 masked %and3A_674 : memref<98304xf32, #tpu.memory_space<vmem>>[vector<16xi32>], vector<16xf32>, vector<16xi1>
        %gather3A_712 = arith.constant 3 : i32
        %gather3A_713 = arith.constant 0 : i32
        %gather3A_714 = tpu.memref_slice %arg12[%rem3A_500, %gather3A_712, %gather3A_713] : memref<2x5x1024xf32, #tpu.memory_space<vmem>> -> memref<1x1x1024xf32, #tpu.memory_space<vmem>>
        %gather3A_715 = tpu.memref_squeeze %gather3A_714 : memref<1x1x1024xf32, #tpu.memory_space<vmem>> -> memref<1024xf32, #tpu.memory_space<vmem>>
        %gather3A_716 = tpu.vector_load_idx %gather3A_715[%gather3A] : memref<1024xf32, #tpu.memory_space<vmem>>[vector<16xi32>], vector<16xf32>,
        %broadcast_in_dim3A_717 = arith.constant 24576 : i32
        %broadcast_in_dim3A_718 = vector.broadcast %broadcast_in_dim3A_717 : i32 to vector<16xi32>
        %add3A_719 = arith.addi %add3A_687, %broadcast_in_dim3A_718 : vector<16xi32>
        tpu.vector_store_idx %arg10[%add3A_719], %gather3A_716 masked %and3A_674 : memref<98304xf32, #tpu.memory_space<vmem>>[vector<16xi32>], vector<16xf32>, vector<16xi1>
        %gather3A_720 = arith.constant 4 : i32
        %gather3A_721 = arith.constant 0 : i32
        %gather3A_722 = tpu.memref_slice %arg12[%rem3A_500, %gather3A_720, %gather3A_721] : memref<2x5x1024xf32, #tpu.memory_space<vmem>> -> memref<1x1x1024xf32, #tpu.memory_space<vmem>>
        %gather3A_723 = tpu.memref_squeeze %gather3A_722 : memref<1x1x1024xf32, #tpu.memory_space<vmem>> -> memref<1024xf32, #tpu.memory_space<vmem>>
        %gather3A_724 = tpu.vector_load_idx %gather3A_723[%gather3A] : memref<1024xf32, #tpu.memory_space<vmem>>[vector<16xi32>], vector<16xf32>,
        %broadcast_in_dim3A_725 = arith.constant 32768 : i32
        %broadcast_in_dim3A_726 = vector.broadcast %broadcast_in_dim3A_725 : i32 to vector<16xi32>
        %add3A_727 = arith.addi %add3A_687, %broadcast_in_dim3A_726 : vector<16xi32>
        tpu.vector_store_idx %arg10[%add3A_727], %gather3A_724 masked %and3A_674 : memref<98304xf32, #tpu.memory_space<vmem>>[vector<16xi32>], vector<16xf32>, vector<16xi1>
        %broadcast_in_dim3A_728 = arith.constant 81920 : i32
        %broadcast_in_dim3A_729 = vector.broadcast %broadcast_in_dim3A_728 : i32 to vector<16xi32>
        %broadcast_in_dim3A_730 = arith.constant 90112 : i32
        %broadcast_in_dim3A_731 = vector.broadcast %broadcast_in_dim3A_730 : i32 to vector<16xi32>
        %select_n3A_732 = arith.select %eq3A_681, %broadcast_in_dim3A_729, %broadcast_in_dim3A_731 : vector<16xi1>, vector<16xi32>
        %add3A_733 = arith.addi %select_n3A_732, %add3A_673 : vector<16xi32>
        tpu.vector_store_idx %arg10[%add3A_733], %broadcast_in_dim3A_22 masked %and3A_674 : memref<98304xf32, #tpu.memory_space<vmem>>[vector<16xi32>], vector<16xf32>, vector<16xi1>
        %broadcast_in_dim3A_734 = arith.constant 32 : i32
        %broadcast_in_dim3A_735 = vector.broadcast %broadcast_in_dim3A_734 : i32 to vector<16xi32>
        %mul3A_736 = vector.broadcast %while3A_594 : i32 to vector<16xi32>
        %mul3A_737 = arith.muli %mul3A_736, %broadcast_in_dim3A_735 : vector<16xi32>
        %broadcast_in_dim3A_738 = arith.constant 16 : i32
        %broadcast_in_dim3A_739 = vector.broadcast %broadcast_in_dim3A_738 : i32 to vector<16xi32>
        %add3A_740 = arith.addi %mul3A_737, %broadcast_in_dim3A_739 : vector<16xi32>
        %add3A_741 = arith.addi %add3A_740, %iota3A : vector<16xi32>
        %lt3A_742 = arith.cmpi slt, %add3A_741, %broadcast_in_dim3A_581 : vector<16xi32>
        %gather3A_743 = tpu.vector_load_idx %arg14[%add3A_741] : memref<1056xi32, #tpu.memory_space<vmem>>[vector<16xi32>], vector<16xi32>,
        %gather3A_744 = arith.constant 0 : i32
        %gather3A_745 = arith.constant 0 : i32
        %gather3A_746 = tpu.memref_slice %arg11[%rem3A_500, %gather3A_744, %gather3A_745] : memref<2x4x1024xf32, #tpu.memory_space<vmem>> -> memref<1x1x1024xf32, #tpu.memory_space<vmem>>
        %gather3A_747 = tpu.memref_squeeze %gather3A_746 : memref<1x1x1024xf32, #tpu.memory_space<vmem>> -> memref<1024xf32, #tpu.memory_space<vmem>>
        %gather3A_748 = tpu.vector_load_idx %gather3A_747[%gather3A_743] : memref<1024xf32, #tpu.memory_space<vmem>>[vector<16xi32>], vector<16xf32>,
        %gather3A_749 = arith.constant 1 : i32
        %gather3A_750 = arith.constant 0 : i32
        %gather3A_751 = tpu.memref_slice %arg11[%rem3A_500, %gather3A_749, %gather3A_750] : memref<2x4x1024xf32, #tpu.memory_space<vmem>> -> memref<1x1x1024xf32, #tpu.memory_space<vmem>>
        %gather3A_752 = tpu.memref_squeeze %gather3A_751 : memref<1x1x1024xf32, #tpu.memory_space<vmem>> -> memref<1024xf32, #tpu.memory_space<vmem>>
        %gather3A_753 = tpu.vector_load_idx %gather3A_752[%gather3A_743] : memref<1024xf32, #tpu.memory_space<vmem>>[vector<16xi32>], vector<16xf32>,
        %sub3A_754 = arith.subf %gather3A_748, %get3A_3 : vector<16xf32>
        %broadcast_in_dim3A_755 = arith.constant 1.000000e+01 : f32
        %broadcast_in_dim3A_756 = vector.broadcast %broadcast_in_dim3A_755 : f32 to vector<16xf32>
        %div3A_757 = arith.divf %sub3A_754, %broadcast_in_dim3A_756 : vector<16xf32>
        %broadcast_in_dim3A_758 = arith.constant 5.120000e+02 : f32
        %broadcast_in_dim3A_759 = vector.broadcast %broadcast_in_dim3A_758 : f32 to vector<16xf32>
        %mul3A_760 = arith.mulf %div3A_757, %broadcast_in_dim3A_759 : vector<16xf32>
        %convert_element_type3A_761 = arith.fptosi %mul3A_760 : vector<16xf32> to vector<16xi32>
        %convert_element_type3A_762 = arith.sitofp %convert_element_type3A_761 : vector<16xi32> to vector<16xf32>
        %sub3A_763 = arith.subf %mul3A_760, %convert_element_type3A_762 : vector<16xf32>
        %broadcast_in_dim3A_764 = arith.constant 5.000000e-01 : f32
        %broadcast_in_dim3A_765 = vector.broadcast %broadcast_in_dim3A_764 : f32 to vector<16xf32>
        %gt3A_766 = arith.cmpf ogt, %sub3A_763, %broadcast_in_dim3A_765 : vector<16xf32>
        %eq3A_767 = arith.cmpf oeq, %sub3A_763, %broadcast_in_dim3A_765 : vector<16xf32>
        %broadcast_in_dim3A_768 = arith.constant 1 : i32
        %broadcast_in_dim3A_769 = vector.broadcast %broadcast_in_dim3A_768 : i32 to vector<16xi32>
        %and3A_770 = arith.andi %convert_element_type3A_761, %broadcast_in_dim3A_769 : vector<16xi32>
        %broadcast_in_dim3A_771 = arith.constant 1 : i32
        %broadcast_in_dim3A_772 = vector.broadcast %broadcast_in_dim3A_771 : i32 to vector<16xi32>
        %eq3A_773 = arith.cmpi eq, %and3A_770, %broadcast_in_dim3A_772 : vector<16xi32>
        %and3A_774 = arith.andi %eq3A_767, %eq3A_773 : vector<16xi1>
        %or3A_775 = arith.ori %gt3A_766, %and3A_774 : vector<16xi1>
        %broadcast_in_dim3A_776 = arith.constant 1 : i32
        %broadcast_in_dim3A_777 = vector.broadcast %broadcast_in_dim3A_776 : i32 to vector<16xi32>
        %broadcast_in_dim3A_778 = arith.constant 0 : i32
        %broadcast_in_dim3A_779 = vector.broadcast %broadcast_in_dim3A_778 : i32 to vector<16xi32>
        %select_n3A_780 = arith.select %or3A_775, %broadcast_in_dim3A_777, %broadcast_in_dim3A_779 : vector<16xi1>, vector<16xi32>
        %add3A_781 = arith.addi %convert_element_type3A_761, %select_n3A_780 : vector<16xi32>
        %sub3A_782 = arith.subf %gather3A_753, %get3A_5 : vector<16xf32>
        %broadcast_in_dim3A_783 = arith.constant 1.000000e+01 : f32
        %broadcast_in_dim3A_784 = vector.broadcast %broadcast_in_dim3A_783 : f32 to vector<16xf32>
        %div3A_785 = arith.divf %sub3A_782, %broadcast_in_dim3A_784 : vector<16xf32>
        %broadcast_in_dim3A_786 = arith.constant 5.120000e+02 : f32
        %broadcast_in_dim3A_787 = vector.broadcast %broadcast_in_dim3A_786 : f32 to vector<16xf32>
        %mul3A_788 = arith.mulf %div3A_785, %broadcast_in_dim3A_787 : vector<16xf32>
        %convert_element_type3A_789 = arith.fptosi %mul3A_788 : vector<16xf32> to vector<16xi32>
        %convert_element_type3A_790 = arith.sitofp %convert_element_type3A_789 : vector<16xi32> to vector<16xf32>
        %sub3A_791 = arith.subf %mul3A_788, %convert_element_type3A_790 : vector<16xf32>
        %broadcast_in_dim3A_792 = arith.constant 5.000000e-01 : f32
        %broadcast_in_dim3A_793 = vector.broadcast %broadcast_in_dim3A_792 : f32 to vector<16xf32>
        %gt3A_794 = arith.cmpf ogt, %sub3A_791, %broadcast_in_dim3A_793 : vector<16xf32>
        %eq3A_795 = arith.cmpf oeq, %sub3A_791, %broadcast_in_dim3A_793 : vector<16xf32>
        %broadcast_in_dim3A_796 = arith.constant 1 : i32
        %broadcast_in_dim3A_797 = vector.broadcast %broadcast_in_dim3A_796 : i32 to vector<16xi32>
        %and3A_798 = arith.andi %convert_element_type3A_789, %broadcast_in_dim3A_797 : vector<16xi32>
        %broadcast_in_dim3A_799 = arith.constant 1 : i32
        %broadcast_in_dim3A_800 = vector.broadcast %broadcast_in_dim3A_799 : i32 to vector<16xi32>
        %eq3A_801 = arith.cmpi eq, %and3A_798, %broadcast_in_dim3A_800 : vector<16xi32>
        %and3A_802 = arith.andi %eq3A_795, %eq3A_801 : vector<16xi1>
        %or3A_803 = arith.ori %gt3A_794, %and3A_802 : vector<16xi1>
        %broadcast_in_dim3A_804 = arith.constant 1 : i32
        %broadcast_in_dim3A_805 = vector.broadcast %broadcast_in_dim3A_804 : i32 to vector<16xi32>
        %broadcast_in_dim3A_806 = arith.constant 0 : i32
        %broadcast_in_dim3A_807 = vector.broadcast %broadcast_in_dim3A_806 : i32 to vector<16xi32>
        %select_n3A_808 = arith.select %or3A_803, %broadcast_in_dim3A_805, %broadcast_in_dim3A_807 : vector<16xi1>, vector<16xi32>
        %add3A_809 = arith.addi %convert_element_type3A_789, %select_n3A_808 : vector<16xi32>
        %ge3A_810 = arith.cmpi sge, %add3A_781, %broadcast_in_dim3A : vector<16xi32>
        %lt3A_811 = arith.cmpi slt, %add3A_781, %broadcast_in_dim3A_8 : vector<16xi32>
        %and3A_812 = arith.andi %ge3A_810, %lt3A_811 : vector<16xi1>
        %and3A_813 = arith.andi %add3A_781, %broadcast_in_dim3A_24 : vector<16xi32>
        %broadcast_in_dim3A_814 = arith.constant 9 : i32
        %broadcast_in_dim3A_815 = vector.broadcast %broadcast_in_dim3A_814 : i32 to vector<16xi32>
        %shift_left3A_816 = arith.shli %and3A_813, %broadcast_in_dim3A_815 : vector<16xi32>
        %add3A_817 = arith.addi %shift_left3A_816, %add3A_809 : vector<16xi32>
        %and3A_818 = arith.andi %and3A_812, %lt3A_742 : vector<16xi1>
        %gather3A_819 = arith.constant 0 : i32
        %gather3A_820 = tpu.memref_slice %arg13[%rem3A_500, %gather3A_819] : memref<2x1024xi32, #tpu.memory_space<vmem>> -> memref<1x1024xi32, #tpu.memory_space<vmem>>
        %gather3A_821 = tpu.memref_squeeze %gather3A_820 : memref<1x1024xi32, #tpu.memory_space<vmem>> -> memref<1024xi32, #tpu.memory_space<vmem>>
        %gather3A_822 = tpu.vector_load_idx %gather3A_821[%gather3A_743] : memref<1024xi32, #tpu.memory_space<vmem>>[vector<16xi32>], vector<16xi32>,
        %broadcast_in_dim3A_823 = arith.constant 0 : i32
        %broadcast_in_dim3A_824 = vector.broadcast %broadcast_in_dim3A_823 : i32 to vector<16xi32>
        %eq3A_825 = arith.cmpi eq, %gather3A_822, %broadcast_in_dim3A_824 : vector<16xi32>
        %broadcast_in_dim3A_826 = arith.constant 0 : i32
        %broadcast_in_dim3A_827 = vector.broadcast %broadcast_in_dim3A_826 : i32 to vector<16xi32>
        %broadcast_in_dim3A_828 = arith.constant 40960 : i32
        %broadcast_in_dim3A_829 = vector.broadcast %broadcast_in_dim3A_828 : i32 to vector<16xi32>
        %select_n3A_830 = arith.select %eq3A_825, %broadcast_in_dim3A_827, %broadcast_in_dim3A_829 : vector<16xi1>, vector<16xi32>
        %add3A_831 = arith.addi %select_n3A_830, %add3A_817 : vector<16xi32>
        %gather3A_832 = arith.constant 0 : i32
        %gather3A_833 = arith.constant 0 : i32
        %gather3A_834 = tpu.memref_slice %arg12[%rem3A_500, %gather3A_832, %gather3A_833] : memref<2x5x1024xf32, #tpu.memory_space<vmem>> -> memref<1x1x1024xf32, #tpu.memory_space<vmem>>
        %gather3A_835 = tpu.memref_squeeze %gather3A_834 : memref<1x1x1024xf32, #tpu.memory_space<vmem>> -> memref<1024xf32, #tpu.memory_space<vmem>>
        %gather3A_836 = tpu.vector_load_idx %gather3A_835[%gather3A_743] : memref<1024xf32, #tpu.memory_space<vmem>>[vector<16xi32>], vector<16xf32>,
        %broadcast_in_dim3A_837 = arith.constant 0 : i32
        %broadcast_in_dim3A_838 = vector.broadcast %broadcast_in_dim3A_837 : i32 to vector<16xi32>
        %add3A_839 = arith.addi %add3A_831, %broadcast_in_dim3A_838 : vector<16xi32>
        tpu.vector_store_idx %arg10[%add3A_839], %gather3A_836 masked %and3A_818 : memref<98304xf32, #tpu.memory_space<vmem>>[vector<16xi32>], vector<16xf32>, vector<16xi1>
        %gather3A_840 = arith.constant 1 : i32
        %gather3A_841 = arith.constant 0 : i32
        %gather3A_842 = tpu.memref_slice %arg12[%rem3A_500, %gather3A_840, %gather3A_841] : memref<2x5x1024xf32, #tpu.memory_space<vmem>> -> memref<1x1x1024xf32, #tpu.memory_space<vmem>>
        %gather3A_843 = tpu.memref_squeeze %gather3A_842 : memref<1x1x1024xf32, #tpu.memory_space<vmem>> -> memref<1024xf32, #tpu.memory_space<vmem>>
        %gather3A_844 = tpu.vector_load_idx %gather3A_843[%gather3A_743] : memref<1024xf32, #tpu.memory_space<vmem>>[vector<16xi32>], vector<16xf32>,
        %broadcast_in_dim3A_845 = arith.constant 8192 : i32
        %broadcast_in_dim3A_846 = vector.broadcast %broadcast_in_dim3A_845 : i32 to vector<16xi32>
        %add3A_847 = arith.addi %add3A_831, %broadcast_in_dim3A_846 : vector<16xi32>
        tpu.vector_store_idx %arg10[%add3A_847], %gather3A_844 masked %and3A_818 : memref<98304xf32, #tpu.memory_space<vmem>>[vector<16xi32>], vector<16xf32>, vector<16xi1>
        %gather3A_848 = arith.constant 2 : i32
        %gather3A_849 = arith.constant 0 : i32
        %gather3A_850 = tpu.memref_slice %arg12[%rem3A_500, %gather3A_848, %gather3A_849] : memref<2x5x1024xf32, #tpu.memory_space<vmem>> -> memref<1x1x1024xf32, #tpu.memory_space<vmem>>
        %gather3A_851 = tpu.memref_squeeze %gather3A_850 : memref<1x1x1024xf32, #tpu.memory_space<vmem>> -> memref<1024xf32, #tpu.memory_space<vmem>>
        %gather3A_852 = tpu.vector_load_idx %gather3A_851[%gather3A_743] : memref<1024xf32, #tpu.memory_space<vmem>>[vector<16xi32>], vector<16xf32>,
        %broadcast_in_dim3A_853 = arith.constant 16384 : i32
        %broadcast_in_dim3A_854 = vector.broadcast %broadcast_in_dim3A_853 : i32 to vector<16xi32>
        %add3A_855 = arith.addi %add3A_831, %broadcast_in_dim3A_854 : vector<16xi32>
        tpu.vector_store_idx %arg10[%add3A_855], %gather3A_852 masked %and3A_818 : memref<98304xf32, #tpu.memory_space<vmem>>[vector<16xi32>], vector<16xf32>, vector<16xi1>
        %gather3A_856 = arith.constant 3 : i32
        %gather3A_857 = arith.constant 0 : i32
        %gather3A_858 = tpu.memref_slice %arg12[%rem3A_500, %gather3A_856, %gather3A_857] : memref<2x5x1024xf32, #tpu.memory_space<vmem>> -> memref<1x1x1024xf32, #tpu.memory_space<vmem>>
        %gather3A_859 = tpu.memref_squeeze %gather3A_858 : memref<1x1x1024xf32, #tpu.memory_space<vmem>> -> memref<1024xf32, #tpu.memory_space<vmem>>
        %gather3A_860 = tpu.vector_load_idx %gather3A_859[%gather3A_743] : memref<1024xf32, #tpu.memory_space<vmem>>[vector<16xi32>], vector<16xf32>,
        %broadcast_in_dim3A_861 = arith.constant 24576 : i32
        %broadcast_in_dim3A_862 = vector.broadcast %broadcast_in_dim3A_861 : i32 to vector<16xi32>
        %add3A_863 = arith.addi %add3A_831, %broadcast_in_dim3A_862 : vector<16xi32>
        tpu.vector_store_idx %arg10[%add3A_863], %gather3A_860 masked %and3A_818 : memref<98304xf32, #tpu.memory_space<vmem>>[vector<16xi32>], vector<16xf32>, vector<16xi1>
        %gather3A_864 = arith.constant 4 : i32
        %gather3A_865 = arith.constant 0 : i32
        %gather3A_866 = tpu.memref_slice %arg12[%rem3A_500, %gather3A_864, %gather3A_865] : memref<2x5x1024xf32, #tpu.memory_space<vmem>> -> memref<1x1x1024xf32, #tpu.memory_space<vmem>>
        %gather3A_867 = tpu.memref_squeeze %gather3A_866 : memref<1x1x1024xf32, #tpu.memory_space<vmem>> -> memref<1024xf32, #tpu.memory_space<vmem>>
        %gather3A_868 = tpu.vector_load_idx %gather3A_867[%gather3A_743] : memref<1024xf32, #tpu.memory_space<vmem>>[vector<16xi32>], vector<16xf32>,
        %broadcast_in_dim3A_869 = arith.constant 32768 : i32
        %broadcast_in_dim3A_870 = vector.broadcast %broadcast_in_dim3A_869 : i32 to vector<16xi32>
        %add3A_871 = arith.addi %add3A_831, %broadcast_in_dim3A_870 : vector<16xi32>
        tpu.vector_store_idx %arg10[%add3A_871], %gather3A_868 masked %and3A_818 : memref<98304xf32, #tpu.memory_space<vmem>>[vector<16xi32>], vector<16xf32>, vector<16xi1>
        %broadcast_in_dim3A_872 = arith.constant 81920 : i32
        %broadcast_in_dim3A_873 = vector.broadcast %broadcast_in_dim3A_872 : i32 to vector<16xi32>
        %broadcast_in_dim3A_874 = arith.constant 90112 : i32
        %broadcast_in_dim3A_875 = vector.broadcast %broadcast_in_dim3A_874 : i32 to vector<16xi32>
        %select_n3A_876 = arith.select %eq3A_825, %broadcast_in_dim3A_873, %broadcast_in_dim3A_875 : vector<16xi1>, vector<16xi32>
        %add3A_877 = arith.addi %select_n3A_876, %add3A_817 : vector<16xi32>
        tpu.vector_store_idx %arg10[%add3A_877], %broadcast_in_dim3A_22 masked %and3A_818 : memref<98304xf32, #tpu.memory_space<vmem>>[vector<16xi32>], vector<16xf32>, vector<16xi1>
        %while3A_878 = arith.constant 0 : i32
        scf.yield %while3A_878 : i32
      }
      %while3A_591 = arith.constant 1 : i32
      %while3A_592 = scf.for %while3A_594 = %while3A_588 to %while3A_584 step %while3A_591 iter_args(%while3A_595 = %while3A_590) -> (i32)  : i32 {
        %broadcast_in_dim3A_596 = arith.constant 32 : i32
        %broadcast_in_dim3A_597 = vector.broadcast %broadcast_in_dim3A_596 : i32 to vector<16xi32>
        %mul3A_598 = vector.broadcast %while3A_594 : i32 to vector<16xi32>
        %mul3A_599 = arith.muli %mul3A_598, %broadcast_in_dim3A_597 : vector<16xi32>
        %broadcast_in_dim3A_600 = arith.constant 0 : i32
        %broadcast_in_dim3A_601 = vector.broadcast %broadcast_in_dim3A_600 : i32 to vector<16xi32>
        %add3A_602 = arith.addi %mul3A_599, %broadcast_in_dim3A_601 : vector<16xi32>
        %add3A_603 = arith.addi %add3A_602, %iota3A : vector<16xi32>
        %lt3A_604 = arith.cmpi slt, %add3A_603, %broadcast_in_dim3A_581 : vector<16xi32>
        %gather3A = tpu.vector_load_idx %arg14[%add3A_603] : memref<1056xi32, #tpu.memory_space<vmem>>[vector<16xi32>], vector<16xi32>,
        %gather3A_605 = arith.constant 0 : i32
        %gather3A_606 = arith.constant 0 : i32
        %gather3A_607 = tpu.memref_slice %arg11[%rem3A_500, %gather3A_605, %gather3A_606] : memref<2x4x1024xf32, #tpu.memory_space<vmem>> -> memref<1x1x1024xf32, #tpu.memory_space<vmem>>
        %gather3A_608 = tpu.memref_squeeze %gather3A_607 : memref<1x1x1024xf32, #tpu.memory_space<vmem>> -> memref<1024xf32, #tpu.memory_space<vmem>>
        %gather3A_609 = tpu.vector_load_idx %gather3A_608[%gather3A] : memref<1024xf32, #tpu.memory_space<vmem>>[vector<16xi32>], vector<16xf32>,
        %gather3A_610 = arith.constant 1 : i32
        %gather3A_611 = arith.constant 0 : i32
        %gather3A_612 = tpu.memref_slice %arg11[%rem3A_500, %gather3A_610, %gather3A_611] : memref<2x4x1024xf32, #tpu.memory_space<vmem>> -> memref<1x1x1024xf32, #tpu.memory_space<vmem>>
        %gather3A_613 = tpu.memref_squeeze %gather3A_612 : memref<1x1x1024xf32, #tpu.memory_space<vmem>> -> memref<1024xf32, #tpu.memory_space<vmem>>
        %gather3A_614 = tpu.vector_load_idx %gather3A_613[%gather3A] : memref<1024xf32, #tpu.memory_space<vmem>>[vector<16xi32>], vector<16xf32>,
        %sub3A_615 = arith.subf %gather3A_609, %get3A_3 : vector<16xf32>
        %broadcast_in_dim3A_616 = arith.constant 1.000000e+01 : f32
        %broadcast_in_dim3A_617 = vector.broadcast %broadcast_in_dim3A_616 : f32 to vector<16xf32>
        %div3A_618 = arith.divf %sub3A_615, %broadcast_in_dim3A_617 : vector<16xf32>
        %broadcast_in_dim3A_619 = arith.constant 5.120000e+02 : f32
        %broadcast_in_dim3A_620 = vector.broadcast %broadcast_in_dim3A_619 : f32 to vector<16xf32>
        %mul3A_621 = arith.mulf %div3A_618, %broadcast_in_dim3A_620 : vector<16xf32>
        %convert_element_type3A_622 = arith.fptosi %mul3A_621 : vector<16xf32> to vector<16xi32>
        %convert_element_type3A_623 = arith.sitofp %convert_element_type3A_622 : vector<16xi32> to vector<16xf32>
        %sub3A_624 = arith.subf %mul3A_621, %convert_element_type3A_623 : vector<16xf32>
        %broadcast_in_dim3A_625 = arith.constant 5.000000e-01 : f32
        %broadcast_in_dim3A_626 = vector.broadcast %broadcast_in_dim3A_625 : f32 to vector<16xf32>
        %gt3A = arith.cmpf ogt, %sub3A_624, %broadcast_in_dim3A_626 : vector<16xf32>
        %eq3A = arith.cmpf oeq, %sub3A_624, %broadcast_in_dim3A_626 : vector<16xf32>
        %broadcast_in_dim3A_627 = arith.constant 1 : i32
        %broadcast_in_dim3A_628 = vector.broadcast %broadcast_in_dim3A_627 : i32 to vector<16xi32>
        %and3A_629 = arith.andi %convert_element_type3A_622, %broadcast_in_dim3A_628 : vector<16xi32>
        %broadcast_in_dim3A_630 = arith.constant 1 : i32
        %broadcast_in_dim3A_631 = vector.broadcast %broadcast_in_dim3A_630 : i32 to vector<16xi32>
        %eq3A_632 = arith.cmpi eq, %and3A_629, %broadcast_in_dim3A_631 : vector<16xi32>
        %and3A_633 = arith.andi %eq3A, %eq3A_632 : vector<16xi1>
        %or3A = arith.ori %gt3A, %and3A_633 : vector<16xi1>
        %broadcast_in_dim3A_634 = arith.constant 1 : i32
        %broadcast_in_dim3A_635 = vector.broadcast %broadcast_in_dim3A_634 : i32 to vector<16xi32>
        %broadcast_in_dim3A_636 = arith.constant 0 : i32
        %broadcast_in_dim3A_637 = vector.broadcast %broadcast_in_dim3A_636 : i32 to vector<16xi32>
        %select_n3A_638 = arith.select %or3A, %broadcast_in_dim3A_635, %broadcast_in_dim3A_637 : vector<16xi1>, vector<16xi32>
        %add3A_639 = arith.addi %convert_element_type3A_622, %select_n3A_638 : vector<16xi32>
        %sub3A_640 = arith.subf %gather3A_614, %get3A_5 : vector<16xf32>
        %broadcast_in_dim3A_641 = arith.constant 1.000000e+01 : f32
        %broadcast_in_dim3A_642 = vector.broadcast %broadcast_in_dim3A_641 : f32 to vector<16xf32>
        %div3A_643 = arith.divf %sub3A_640, %broadcast_in_dim3A_642 : vector<16xf32>
        %broadcast_in_dim3A_644 = arith.constant 5.120000e+02 : f32
        %broadcast_in_dim3A_645 = vector.broadcast %broadcast_in_dim3A_644 : f32 to vector<16xf32>
        %mul3A_646 = arith.mulf %div3A_643, %broadcast_in_dim3A_645 : vector<16xf32>
        %convert_element_type3A_647 = arith.fptosi %mul3A_646 : vector<16xf32> to vector<16xi32>
        %convert_element_type3A_648 = arith.sitofp %convert_element_type3A_647 : vector<16xi32> to vector<16xf32>
        %sub3A_649 = arith.subf %mul3A_646, %convert_element_type3A_648 : vector<16xf32>
        %broadcast_in_dim3A_650 = arith.constant 5.000000e-01 : f32
        %broadcast_in_dim3A_651 = vector.broadcast %broadcast_in_dim3A_650 : f32 to vector<16xf32>
        %gt3A_652 = arith.cmpf ogt, %sub3A_649, %broadcast_in_dim3A_651 : vector<16xf32>
        %eq3A_653 = arith.cmpf oeq, %sub3A_649, %broadcast_in_dim3A_651 : vector<16xf32>
        %broadcast_in_dim3A_654 = arith.constant 1 : i32
        %broadcast_in_dim3A_655 = vector.broadcast %broadcast_in_dim3A_654 : i32 to vector<16xi32>
        %and3A_656 = arith.andi %convert_element_type3A_647, %broadcast_in_dim3A_655 : vector<16xi32>
        %broadcast_in_dim3A_657 = arith.constant 1 : i32
        %broadcast_in_dim3A_658 = vector.broadcast %broadcast_in_dim3A_657 : i32 to vector<16xi32>
        %eq3A_659 = arith.cmpi eq, %and3A_656, %broadcast_in_dim3A_658 : vector<16xi32>
        %and3A_660 = arith.andi %eq3A_653, %eq3A_659 : vector<16xi1>
        %or3A_661 = arith.ori %gt3A_652, %and3A_660 : vector<16xi1>
        %broadcast_in_dim3A_662 = arith.constant 1 : i32
        %broadcast_in_dim3A_663 = vector.broadcast %broadcast_in_dim3A_662 : i32 to vector<16xi32>
        %broadcast_in_dim3A_664 = arith.constant 0 : i32
        %broadcast_in_dim3A_665 = vector.broadcast %broadcast_in_dim3A_664 : i32 to vector<16xi32>
        %select_n3A_666 = arith.select %or3A_661, %broadcast_in_dim3A_663, %broadcast_in_dim3A_665 : vector<16xi1>, vector<16xi32>
        %add3A_667 = arith.addi %convert_element_type3A_647, %select_n3A_666 : vector<16xi32>
        %ge3A = arith.cmpi sge, %add3A_639, %broadcast_in_dim3A : vector<16xi32>
        %lt3A_668 = arith.cmpi slt, %add3A_639, %broadcast_in_dim3A_8 : vector<16xi32>
        %and3A_669 = arith.andi %ge3A, %lt3A_668 : vector<16xi1>
        %and3A_670 = arith.andi %add3A_639, %broadcast_in_dim3A_24 : vector<16xi32>
        %broadcast_in_dim3A_671 = arith.constant 9 : i32
        %broadcast_in_dim3A_672 = vector.broadcast %broadcast_in_dim3A_671 : i32 to vector<16xi32>
        %shift_left3A = arith.shli %and3A_670, %broadcast_in_dim3A_672 : vector<16xi32>
        %add3A_673 = arith.addi %shift_left3A, %add3A_667 : vector<16xi32>
        %and3A_674 = arith.andi %and3A_669, %lt3A_604 : vector<16xi1>
        %gather3A_675 = arith.constant 0 : i32
        %gather3A_676 = tpu.memref_slice %arg13[%rem3A_500, %gather3A_675] : memref<2x1024xi32, #tpu.memory_space<vmem>> -> memref<1x1024xi32, #tpu.memory_space<vmem>>
        %gather3A_677 = tpu.memref_squeeze %gather3A_676 : memref<1x1024xi32, #tpu.memory_space<vmem>> -> memref<1024xi32, #tpu.memory_space<vmem>>
        %gather3A_678 = tpu.vector_load_idx %gather3A_677[%gather3A] : memref<1024xi32, #tpu.memory_space<vmem>>[vector<16xi32>], vector<16xi32>,
        %broadcast_in_dim3A_679 = arith.constant 0 : i32
        %broadcast_in_dim3A_680 = vector.broadcast %broadcast_in_dim3A_679 : i32 to vector<16xi32>
        %eq3A_681 = arith.cmpi eq, %gather3A_678, %broadcast_in_dim3A_680 : vector<16xi32>
        %broadcast_in_dim3A_682 = arith.constant 0 : i32
        %broadcast_in_dim3A_683 = vector.broadcast %broadcast_in_dim3A_682 : i32 to vector<16xi32>
        %broadcast_in_dim3A_684 = arith.constant 40960 : i32
        %broadcast_in_dim3A_685 = vector.broadcast %broadcast_in_dim3A_684 : i32 to vector<16xi32>
        %select_n3A_686 = arith.select %eq3A_681, %broadcast_in_dim3A_683, %broadcast_in_dim3A_685 : vector<16xi1>, vector<16xi32>
        %add3A_687 = arith.addi %select_n3A_686, %add3A_673 : vector<16xi32>
        %gather3A_688 = arith.constant 0 : i32
        %gather3A_689 = arith.constant 0 : i32
        %gather3A_690 = tpu.memref_slice %arg12[%rem3A_500, %gather3A_688, %gather3A_689] : memref<2x5x1024xf32, #tpu.memory_space<vmem>> -> memref<1x1x1024xf32, #tpu.memory_space<vmem>>
        %gather3A_691 = tpu.memref_squeeze %gather3A_690 : memref<1x1x1024xf32, #tpu.memory_space<vmem>> -> memref<1024xf32, #tpu.memory_space<vmem>>
        %gather3A_692 = tpu.vector_load_idx %gather3A_691[%gather3A] : memref<1024xf32, #tpu.memory_space<vmem>>[vector<16xi32>], vector<16xf32>,
        %broadcast_in_dim3A_693 = arith.constant 0 : i32
        %broadcast_in_dim3A_694 = vector.broadcast %broadcast_in_dim3A_693 : i32 to vector<16xi32>
        %add3A_695 = arith.addi %add3A_687, %broadcast_in_dim3A_694 : vector<16xi32>
        tpu.vector_store_idx %arg10[%add3A_695], %gather3A_692 masked %and3A_674 : memref<98304xf32, #tpu.memory_space<vmem>>[vector<16xi32>], vector<16xf32>, vector<16xi1>
        %gather3A_696 = arith.constant 1 : i32
        %gather3A_697 = arith.constant 0 : i32
        %gather3A_698 = tpu.memref_slice %arg12[%rem3A_500, %gather3A_696, %gather3A_697] : memref<2x5x1024xf32, #tpu.memory_space<vmem>> -> memref<1x1x1024xf32, #tpu.memory_space<vmem>>
        %gather3A_699 = tpu.memref_squeeze %gather3A_698 : memref<1x1x1024xf32, #tpu.memory_space<vmem>> -> memref<1024xf32, #tpu.memory_space<vmem>>
        %gather3A_700 = tpu.vector_load_idx %gather3A_699[%gather3A] : memref<1024xf32, #tpu.memory_space<vmem>>[vector<16xi32>], vector<16xf32>,
        %broadcast_in_dim3A_701 = arith.constant 8192 : i32
        %broadcast_in_dim3A_702 = vector.broadcast %broadcast_in_dim3A_701 : i32 to vector<16xi32>
        %add3A_703 = arith.addi %add3A_687, %broadcast_in_dim3A_702 : vector<16xi32>
        tpu.vector_store_idx %arg10[%add3A_703], %gather3A_700 masked %and3A_674 : memref<98304xf32, #tpu.memory_space<vmem>>[vector<16xi32>], vector<16xf32>, vector<16xi1>
        %gather3A_704 = arith.constant 2 : i32
        %gather3A_705 = arith.constant 0 : i32
        %gather3A_706 = tpu.memref_slice %arg12[%rem3A_500, %gather3A_704, %gather3A_705] : memref<2x5x1024xf32, #tpu.memory_space<vmem>> -> memref<1x1x1024xf32, #tpu.memory_space<vmem>>
        %gather3A_707 = tpu.memref_squeeze %gather3A_706 : memref<1x1x1024xf32, #tpu.memory_space<vmem>> -> memref<1024xf32, #tpu.memory_space<vmem>>
        %gather3A_708 = tpu.vector_load_idx %gather3A_707[%gather3A] : memref<1024xf32, #tpu.memory_space<vmem>>[vector<16xi32>], vector<16xf32>,
        %broadcast_in_dim3A_709 = arith.constant 16384 : i32
        %broadcast_in_dim3A_710 = vector.broadcast %broadcast_in_dim3A_709 : i32 to vector<16xi32>
        %add3A_711 = arith.addi %add3A_687, %broadcast_in_dim3A_710 : vector<16xi32>
        tpu.vector_store_idx %arg10[%add3A_711], %gather3A_708 masked %and3A_674 : memref<98304xf32, #tpu.memory_space<vmem>>[vector<16xi32>], vector<16xf32>, vector<16xi1>
        %gather3A_712 = arith.constant 3 : i32
        %gather3A_713 = arith.constant 0 : i32
        %gather3A_714 = tpu.memref_slice %arg12[%rem3A_500, %gather3A_712, %gather3A_713] : memref<2x5x1024xf32, #tpu.memory_space<vmem>> -> memref<1x1x1024xf32, #tpu.memory_space<vmem>>
        %gather3A_715 = tpu.memref_squeeze %gather3A_714 : memref<1x1x1024xf32, #tpu.memory_space<vmem>> -> memref<1024xf32, #tpu.memory_space<vmem>>
        %gather3A_716 = tpu.vector_load_idx %gather3A_715[%gather3A] : memref<1024xf32, #tpu.memory_space<vmem>>[vector<16xi32>], vector<16xf32>,
        %broadcast_in_dim3A_717 = arith.constant 24576 : i32
        %broadcast_in_dim3A_718 = vector.broadcast %broadcast_in_dim3A_717 : i32 to vector<16xi32>
        %add3A_719 = arith.addi %add3A_687, %broadcast_in_dim3A_718 : vector<16xi32>
        tpu.vector_store_idx %arg10[%add3A_719], %gather3A_716 masked %and3A_674 : memref<98304xf32, #tpu.memory_space<vmem>>[vector<16xi32>], vector<16xf32>, vector<16xi1>
        %gather3A_720 = arith.constant 4 : i32
        %gather3A_721 = arith.constant 0 : i32
        %gather3A_722 = tpu.memref_slice %arg12[%rem3A_500, %gather3A_720, %gather3A_721] : memref<2x5x1024xf32, #tpu.memory_space<vmem>> -> memref<1x1x1024xf32, #tpu.memory_space<vmem>>
        %gather3A_723 = tpu.memref_squeeze %gather3A_722 : memref<1x1x1024xf32, #tpu.memory_space<vmem>> -> memref<1024xf32, #tpu.memory_space<vmem>>
        %gather3A_724 = tpu.vector_load_idx %gather3A_723[%gather3A] : memref<1024xf32, #tpu.memory_space<vmem>>[vector<16xi32>], vector<16xf32>,
        %broadcast_in_dim3A_725 = arith.constant 32768 : i32
        %broadcast_in_dim3A_726 = vector.broadcast %broadcast_in_dim3A_725 : i32 to vector<16xi32>
        %add3A_727 = arith.addi %add3A_687, %broadcast_in_dim3A_726 : vector<16xi32>
        tpu.vector_store_idx %arg10[%add3A_727], %gather3A_724 masked %and3A_674 : memref<98304xf32, #tpu.memory_space<vmem>>[vector<16xi32>], vector<16xf32>, vector<16xi1>
        %broadcast_in_dim3A_728 = arith.constant 81920 : i32
        %broadcast_in_dim3A_729 = vector.broadcast %broadcast_in_dim3A_728 : i32 to vector<16xi32>
        %broadcast_in_dim3A_730 = arith.constant 90112 : i32
        %broadcast_in_dim3A_731 = vector.broadcast %broadcast_in_dim3A_730 : i32 to vector<16xi32>
        %select_n3A_732 = arith.select %eq3A_681, %broadcast_in_dim3A_729, %broadcast_in_dim3A_731 : vector<16xi1>, vector<16xi32>
        %add3A_733 = arith.addi %select_n3A_732, %add3A_673 : vector<16xi32>
        tpu.vector_store_idx %arg10[%add3A_733], %broadcast_in_dim3A_22 masked %and3A_674 : memref<98304xf32, #tpu.memory_space<vmem>>[vector<16xi32>], vector<16xf32>, vector<16xi1>
        %broadcast_in_dim3A_734 = arith.constant 32 : i32
        %broadcast_in_dim3A_735 = vector.broadcast %broadcast_in_dim3A_734 : i32 to vector<16xi32>
        %mul3A_736 = vector.broadcast %while3A_594 : i32 to vector<16xi32>
        %mul3A_737 = arith.muli %mul3A_736, %broadcast_in_dim3A_735 : vector<16xi32>
        %broadcast_in_dim3A_738 = arith.constant 16 : i32
        %broadcast_in_dim3A_739 = vector.broadcast %broadcast_in_dim3A_738 : i32 to vector<16xi32>
        %add3A_740 = arith.addi %mul3A_737, %broadcast_in_dim3A_739 : vector<16xi32>
        %add3A_741 = arith.addi %add3A_740, %iota3A : vector<16xi32>
        %lt3A_742 = arith.cmpi slt, %add3A_741, %broadcast_in_dim3A_581 : vector<16xi32>
        %gather3A_743 = tpu.vector_load_idx %arg14[%add3A_741] : memref<1056xi32, #tpu.memory_space<vmem>>[vector<16xi32>], vector<16xi32>,
        %gather3A_744 = arith.constant 0 : i32
        %gather3A_745 = arith.constant 0 : i32
        %gather3A_746 = tpu.memref_slice %arg11[%rem3A_500, %gather3A_744, %gather3A_745] : memref<2x4x1024xf32, #tpu.memory_space<vmem>> -> memref<1x1x1024xf32, #tpu.memory_space<vmem>>
        %gather3A_747 = tpu.memref_squeeze %gather3A_746 : memref<1x1x1024xf32, #tpu.memory_space<vmem>> -> memref<1024xf32, #tpu.memory_space<vmem>>
        %gather3A_748 = tpu.vector_load_idx %gather3A_747[%gather3A_743] : memref<1024xf32, #tpu.memory_space<vmem>>[vector<16xi32>], vector<16xf32>,
        %gather3A_749 = arith.constant 1 : i32
        %gather3A_750 = arith.constant 0 : i32
        %gather3A_751 = tpu.memref_slice %arg11[%rem3A_500, %gather3A_749, %gather3A_750] : memref<2x4x1024xf32, #tpu.memory_space<vmem>> -> memref<1x1x1024xf32, #tpu.memory_space<vmem>>
        %gather3A_752 = tpu.memref_squeeze %gather3A_751 : memref<1x1x1024xf32, #tpu.memory_space<vmem>> -> memref<1024xf32, #tpu.memory_space<vmem>>
        %gather3A_753 = tpu.vector_load_idx %gather3A_752[%gather3A_743] : memref<1024xf32, #tpu.memory_space<vmem>>[vector<16xi32>], vector<16xf32>,
        %sub3A_754 = arith.subf %gather3A_748, %get3A_3 : vector<16xf32>
        %broadcast_in_dim3A_755 = arith.constant 1.000000e+01 : f32
        %broadcast_in_dim3A_756 = vector.broadcast %broadcast_in_dim3A_755 : f32 to vector<16xf32>
        %div3A_757 = arith.divf %sub3A_754, %broadcast_in_dim3A_756 : vector<16xf32>
        %broadcast_in_dim3A_758 = arith.constant 5.120000e+02 : f32
        %broadcast_in_dim3A_759 = vector.broadcast %broadcast_in_dim3A_758 : f32 to vector<16xf32>
        %mul3A_760 = arith.mulf %div3A_757, %broadcast_in_dim3A_759 : vector<16xf32>
        %convert_element_type3A_761 = arith.fptosi %mul3A_760 : vector<16xf32> to vector<16xi32>
        %convert_element_type3A_762 = arith.sitofp %convert_element_type3A_761 : vector<16xi32> to vector<16xf32>
        %sub3A_763 = arith.subf %mul3A_760, %convert_element_type3A_762 : vector<16xf32>
        %broadcast_in_dim3A_764 = arith.constant 5.000000e-01 : f32
        %broadcast_in_dim3A_765 = vector.broadcast %broadcast_in_dim3A_764 : f32 to vector<16xf32>
        %gt3A_766 = arith.cmpf ogt, %sub3A_763, %broadcast_in_dim3A_765 : vector<16xf32>
        %eq3A_767 = arith.cmpf oeq, %sub3A_763, %broadcast_in_dim3A_765 : vector<16xf32>
        %broadcast_in_dim3A_768 = arith.constant 1 : i32
        %broadcast_in_dim3A_769 = vector.broadcast %broadcast_in_dim3A_768 : i32 to vector<16xi32>
        %and3A_770 = arith.andi %convert_element_type3A_761, %broadcast_in_dim3A_769 : vector<16xi32>
        %broadcast_in_dim3A_771 = arith.constant 1 : i32
        %broadcast_in_dim3A_772 = vector.broadcast %broadcast_in_dim3A_771 : i32 to vector<16xi32>
        %eq3A_773 = arith.cmpi eq, %and3A_770, %broadcast_in_dim3A_772 : vector<16xi32>
        %and3A_774 = arith.andi %eq3A_767, %eq3A_773 : vector<16xi1>
        %or3A_775 = arith.ori %gt3A_766, %and3A_774 : vector<16xi1>
        %broadcast_in_dim3A_776 = arith.constant 1 : i32
        %broadcast_in_dim3A_777 = vector.broadcast %broadcast_in_dim3A_776 : i32 to vector<16xi32>
        %broadcast_in_dim3A_778 = arith.constant 0 : i32
        %broadcast_in_dim3A_779 = vector.broadcast %broadcast_in_dim3A_778 : i32 to vector<16xi32>
        %select_n3A_780 = arith.select %or3A_775, %broadcast_in_dim3A_777, %broadcast_in_dim3A_779 : vector<16xi1>, vector<16xi32>
        %add3A_781 = arith.addi %convert_element_type3A_761, %select_n3A_780 : vector<16xi32>
        %sub3A_782 = arith.subf %gather3A_753, %get3A_5 : vector<16xf32>
        %broadcast_in_dim3A_783 = arith.constant 1.000000e+01 : f32
        %broadcast_in_dim3A_784 = vector.broadcast %broadcast_in_dim3A_783 : f32 to vector<16xf32>
        %div3A_785 = arith.divf %sub3A_782, %broadcast_in_dim3A_784 : vector<16xf32>
        %broadcast_in_dim3A_786 = arith.constant 5.120000e+02 : f32
        %broadcast_in_dim3A_787 = vector.broadcast %broadcast_in_dim3A_786 : f32 to vector<16xf32>
        %mul3A_788 = arith.mulf %div3A_785, %broadcast_in_dim3A_787 : vector<16xf32>
        %convert_element_type3A_789 = arith.fptosi %mul3A_788 : vector<16xf32> to vector<16xi32>
        %convert_element_type3A_790 = arith.sitofp %convert_element_type3A_789 : vector<16xi32> to vector<16xf32>
        %sub3A_791 = arith.subf %mul3A_788, %convert_element_type3A_790 : vector<16xf32>
        %broadcast_in_dim3A_792 = arith.constant 5.000000e-01 : f32
        %broadcast_in_dim3A_793 = vector.broadcast %broadcast_in_dim3A_792 : f32 to vector<16xf32>
        %gt3A_794 = arith.cmpf ogt, %sub3A_791, %broadcast_in_dim3A_793 : vector<16xf32>
        %eq3A_795 = arith.cmpf oeq, %sub3A_791, %broadcast_in_dim3A_793 : vector<16xf32>
        %broadcast_in_dim3A_796 = arith.constant 1 : i32
        %broadcast_in_dim3A_797 = vector.broadcast %broadcast_in_dim3A_796 : i32 to vector<16xi32>
        %and3A_798 = arith.andi %convert_element_type3A_789, %broadcast_in_dim3A_797 : vector<16xi32>
        %broadcast_in_dim3A_799 = arith.constant 1 : i32
        %broadcast_in_dim3A_800 = vector.broadcast %broadcast_in_dim3A_799 : i32 to vector<16xi32>
        %eq3A_801 = arith.cmpi eq, %and3A_798, %broadcast_in_dim3A_800 : vector<16xi32>
        %and3A_802 = arith.andi %eq3A_795, %eq3A_801 : vector<16xi1>
        %or3A_803 = arith.ori %gt3A_794, %and3A_802 : vector<16xi1>
        %broadcast_in_dim3A_804 = arith.constant 1 : i32
        %broadcast_in_dim3A_805 = vector.broadcast %broadcast_in_dim3A_804 : i32 to vector<16xi32>
        %broadcast_in_dim3A_806 = arith.constant 0 : i32
        %broadcast_in_dim3A_807 = vector.broadcast %broadcast_in_dim3A_806 : i32 to vector<16xi32>
        %select_n3A_808 = arith.select %or3A_803, %broadcast_in_dim3A_805, %broadcast_in_dim3A_807 : vector<16xi1>, vector<16xi32>
        %add3A_809 = arith.addi %convert_element_type3A_789, %select_n3A_808 : vector<16xi32>
        %ge3A_810 = arith.cmpi sge, %add3A_781, %broadcast_in_dim3A : vector<16xi32>
        %lt3A_811 = arith.cmpi slt, %add3A_781, %broadcast_in_dim3A_8 : vector<16xi32>
        %and3A_812 = arith.andi %ge3A_810, %lt3A_811 : vector<16xi1>
        %and3A_813 = arith.andi %add3A_781, %broadcast_in_dim3A_24 : vector<16xi32>
        %broadcast_in_dim3A_814 = arith.constant 9 : i32
        %broadcast_in_dim3A_815 = vector.broadcast %broadcast_in_dim3A_814 : i32 to vector<16xi32>
        %shift_left3A_816 = arith.shli %and3A_813, %broadcast_in_dim3A_815 : vector<16xi32>
        %add3A_817 = arith.addi %shift_left3A_816, %add3A_809 : vector<16xi32>
        %and3A_818 = arith.andi %and3A_812, %lt3A_742 : vector<16xi1>
        %gather3A_819 = arith.constant 0 : i32
        %gather3A_820 = tpu.memref_slice %arg13[%rem3A_500, %gather3A_819] : memref<2x1024xi32, #tpu.memory_space<vmem>> -> memref<1x1024xi32, #tpu.memory_space<vmem>>
        %gather3A_821 = tpu.memref_squeeze %gather3A_820 : memref<1x1024xi32, #tpu.memory_space<vmem>> -> memref<1024xi32, #tpu.memory_space<vmem>>
        %gather3A_822 = tpu.vector_load_idx %gather3A_821[%gather3A_743] : memref<1024xi32, #tpu.memory_space<vmem>>[vector<16xi32>], vector<16xi32>,
        %broadcast_in_dim3A_823 = arith.constant 0 : i32
        %broadcast_in_dim3A_824 = vector.broadcast %broadcast_in_dim3A_823 : i32 to vector<16xi32>
        %eq3A_825 = arith.cmpi eq, %gather3A_822, %broadcast_in_dim3A_824 : vector<16xi32>
        %broadcast_in_dim3A_826 = arith.constant 0 : i32
        %broadcast_in_dim3A_827 = vector.broadcast %broadcast_in_dim3A_826 : i32 to vector<16xi32>
        %broadcast_in_dim3A_828 = arith.constant 40960 : i32
        %broadcast_in_dim3A_829 = vector.broadcast %broadcast_in_dim3A_828 : i32 to vector<16xi32>
        %select_n3A_830 = arith.select %eq3A_825, %broadcast_in_dim3A_827, %broadcast_in_dim3A_829 : vector<16xi1>, vector<16xi32>
        %add3A_831 = arith.addi %select_n3A_830, %add3A_817 : vector<16xi32>
        %gather3A_832 = arith.constant 0 : i32
        %gather3A_833 = arith.constant 0 : i32
        %gather3A_834 = tpu.memref_slice %arg12[%rem3A_500, %gather3A_832, %gather3A_833] : memref<2x5x1024xf32, #tpu.memory_space<vmem>> -> memref<1x1x1024xf32, #tpu.memory_space<vmem>>
        %gather3A_835 = tpu.memref_squeeze %gather3A_834 : memref<1x1x1024xf32, #tpu.memory_space<vmem>> -> memref<1024xf32, #tpu.memory_space<vmem>>
        %gather3A_836 = tpu.vector_load_idx %gather3A_835[%gather3A_743] : memref<1024xf32, #tpu.memory_space<vmem>>[vector<16xi32>], vector<16xf32>,
        %broadcast_in_dim3A_837 = arith.constant 0 : i32
        %broadcast_in_dim3A_838 = vector.broadcast %broadcast_in_dim3A_837 : i32 to vector<16xi32>
        %add3A_839 = arith.addi %add3A_831, %broadcast_in_dim3A_838 : vector<16xi32>
        tpu.vector_store_idx %arg10[%add3A_839], %gather3A_836 masked %and3A_818 : memref<98304xf32, #tpu.memory_space<vmem>>[vector<16xi32>], vector<16xf32>, vector<16xi1>
        %gather3A_840 = arith.constant 1 : i32
        %gather3A_841 = arith.constant 0 : i32
        %gather3A_842 = tpu.memref_slice %arg12[%rem3A_500, %gather3A_840, %gather3A_841] : memref<2x5x1024xf32, #tpu.memory_space<vmem>> -> memref<1x1x1024xf32, #tpu.memory_space<vmem>>
        %gather3A_843 = tpu.memref_squeeze %gather3A_842 : memref<1x1x1024xf32, #tpu.memory_space<vmem>> -> memref<1024xf32, #tpu.memory_space<vmem>>
        %gather3A_844 = tpu.vector_load_idx %gather3A_843[%gather3A_743] : memref<1024xf32, #tpu.memory_space<vmem>>[vector<16xi32>], vector<16xf32>,
        %broadcast_in_dim3A_845 = arith.constant 8192 : i32
        %broadcast_in_dim3A_846 = vector.broadcast %broadcast_in_dim3A_845 : i32 to vector<16xi32>
        %add3A_847 = arith.addi %add3A_831, %broadcast_in_dim3A_846 : vector<16xi32>
        tpu.vector_store_idx %arg10[%add3A_847], %gather3A_844 masked %and3A_818 : memref<98304xf32, #tpu.memory_space<vmem>>[vector<16xi32>], vector<16xf32>, vector<16xi1>
        %gather3A_848 = arith.constant 2 : i32
        %gather3A_849 = arith.constant 0 : i32
        %gather3A_850 = tpu.memref_slice %arg12[%rem3A_500, %gather3A_848, %gather3A_849] : memref<2x5x1024xf32, #tpu.memory_space<vmem>> -> memref<1x1x1024xf32, #tpu.memory_space<vmem>>
        %gather3A_851 = tpu.memref_squeeze %gather3A_850 : memref<1x1x1024xf32, #tpu.memory_space<vmem>> -> memref<1024xf32, #tpu.memory_space<vmem>>
        %gather3A_852 = tpu.vector_load_idx %gather3A_851[%gather3A_743] : memref<1024xf32, #tpu.memory_space<vmem>>[vector<16xi32>], vector<16xf32>,
        %broadcast_in_dim3A_853 = arith.constant 16384 : i32
        %broadcast_in_dim3A_854 = vector.broadcast %broadcast_in_dim3A_853 : i32 to vector<16xi32>
        %add3A_855 = arith.addi %add3A_831, %broadcast_in_dim3A_854 : vector<16xi32>
        tpu.vector_store_idx %arg10[%add3A_855], %gather3A_852 masked %and3A_818 : memref<98304xf32, #tpu.memory_space<vmem>>[vector<16xi32>], vector<16xf32>, vector<16xi1>
        %gather3A_856 = arith.constant 3 : i32
        %gather3A_857 = arith.constant 0 : i32
        %gather3A_858 = tpu.memref_slice %arg12[%rem3A_500, %gather3A_856, %gather3A_857] : memref<2x5x1024xf32, #tpu.memory_space<vmem>> -> memref<1x1x1024xf32, #tpu.memory_space<vmem>>
        %gather3A_859 = tpu.memref_squeeze %gather3A_858 : memref<1x1x1024xf32, #tpu.memory_space<vmem>> -> memref<1024xf32, #tpu.memory_space<vmem>>
        %gather3A_860 = tpu.vector_load_idx %gather3A_859[%gather3A_743] : memref<1024xf32, #tpu.memory_space<vmem>>[vector<16xi32>], vector<16xf32>,
        %broadcast_in_dim3A_861 = arith.constant 24576 : i32
        %broadcast_in_dim3A_862 = vector.broadcast %broadcast_in_dim3A_861 : i32 to vector<16xi32>
        %add3A_863 = arith.addi %add3A_831, %broadcast_in_dim3A_862 : vector<16xi32>
        tpu.vector_store_idx %arg10[%add3A_863], %gather3A_860 masked %and3A_818 : memref<98304xf32, #tpu.memory_space<vmem>>[vector<16xi32>], vector<16xf32>, vector<16xi1>
        %gather3A_864 = arith.constant 4 : i32
        %gather3A_865 = arith.constant 0 : i32
        %gather3A_866 = tpu.memref_slice %arg12[%rem3A_500, %gather3A_864, %gather3A_865] : memref<2x5x1024xf32, #tpu.memory_space<vmem>> -> memref<1x1x1024xf32, #tpu.memory_space<vmem>>
        %gather3A_867 = tpu.memref_squeeze %gather3A_866 : memref<1x1x1024xf32, #tpu.memory_space<vmem>> -> memref<1024xf32, #tpu.memory_space<vmem>>
        %gather3A_868 = tpu.vector_load_idx %gather3A_867[%gather3A_743] : memref<1024xf32, #tpu.memory_space<vmem>>[vector<16xi32>], vector<16xf32>,
        %broadcast_in_dim3A_869 = arith.constant 32768 : i32
        %broadcast_in_dim3A_870 = vector.broadcast %broadcast_in_dim3A_869 : i32 to vector<16xi32>
        %add3A_871 = arith.addi %add3A_831, %broadcast_in_dim3A_870 : vector<16xi32>
        tpu.vector_store_idx %arg10[%add3A_871], %gather3A_868 masked %and3A_818 : memref<98304xf32, #tpu.memory_space<vmem>>[vector<16xi32>], vector<16xf32>, vector<16xi1>
        %broadcast_in_dim3A_872 = arith.constant 81920 : i32
        %broadcast_in_dim3A_873 = vector.broadcast %broadcast_in_dim3A_872 : i32 to vector<16xi32>
        %broadcast_in_dim3A_874 = arith.constant 90112 : i32
        %broadcast_in_dim3A_875 = vector.broadcast %broadcast_in_dim3A_874 : i32 to vector<16xi32>
        %select_n3A_876 = arith.select %eq3A_825, %broadcast_in_dim3A_873, %broadcast_in_dim3A_875 : vector<16xi1>, vector<16xi32>
        %add3A_877 = arith.addi %select_n3A_876, %add3A_817 : vector<16xi32>
        tpu.vector_store_idx %arg10[%add3A_877], %broadcast_in_dim3A_22 masked %and3A_818 : memref<98304xf32, #tpu.memory_space<vmem>>[vector<16xi32>], vector<16xf32>, vector<16xi1>
        %while3A_878 = arith.constant 0 : i32
        scf.yield %while3A_878 : i32
      }
      %scan3A_593 = arith.constant 0 : i32
      scf.yield %scan3A_593 : i32
    }
    %scan3A_112 = arith.constant 64 : i32
    %mul3A_113 = arith.constant 512 : i32
    %mul3A_114 = arith.muli %mul3A_2, %mul3A_113 : i32
    %add3A_115 = arith.constant 0 : i32
    %add3A_116 = arith.addi %add3A_115, %mul3A_114 : i32
    %mul3A_117 = arith.constant 512 : i32
    %mul3A_118 = arith.muli %mul3A_2, %mul3A_117 : i32
    %add3A_119 = arith.constant 262144 : i32
    %add3A_120 = arith.addi %add3A_119, %mul3A_118 : i32
    %mul3A_121 = arith.constant 512 : i32
    %mul3A_122 = arith.muli %mul3A_2, %mul3A_121 : i32
    %add3A_123 = arith.constant 524288 : i32
    %add3A_124 = arith.addi %add3A_123, %mul3A_122 : i32
    %mul3A_125 = arith.constant 512 : i32
    %mul3A_126 = arith.muli %mul3A_2, %mul3A_125 : i32
    %add3A_127 = arith.constant 786432 : i32
    %add3A_128 = arith.addi %add3A_127, %mul3A_126 : i32
    %mul3A_129 = arith.constant 512 : i32
    %mul3A_130 = arith.muli %mul3A_2, %mul3A_129 : i32
    %add3A_131 = arith.constant 1048576 : i32
    %add3A_132 = arith.addi %add3A_131, %mul3A_130 : i32
    %mul3A_133 = arith.constant 512 : i32
    %mul3A_134 = arith.muli %mul3A_2, %mul3A_133 : i32
    %add3A_135 = arith.constant 1310720 : i32
    %add3A_136 = arith.addi %add3A_135, %mul3A_134 : i32
    %mul3A_137 = arith.constant 512 : i32
    %mul3A_138 = arith.muli %mul3A_2, %mul3A_137 : i32
    %add3A_139 = arith.constant 1572864 : i32
    %add3A_140 = arith.addi %add3A_139, %mul3A_138 : i32
    %mul3A_141 = arith.constant 512 : i32
    %mul3A_142 = arith.muli %mul3A_2, %mul3A_141 : i32
    %add3A_143 = arith.constant 1835008 : i32
    %add3A_144 = arith.addi %add3A_143, %mul3A_142 : i32
    %mul3A_145 = arith.constant 512 : i32
    %mul3A_146 = arith.muli %mul3A_2, %mul3A_145 : i32
    %add3A_147 = arith.constant 2097152 : i32
    %add3A_148 = arith.addi %add3A_147, %mul3A_146 : i32
    %mul3A_149 = arith.constant 512 : i32
    %mul3A_150 = arith.muli %mul3A_2, %mul3A_149 : i32
    %add3A_151 = arith.constant 2359296 : i32
    %add3A_152 = arith.addi %add3A_151, %mul3A_150 : i32
    %dma_start3A_153 = arith.constant 0 : i32
    %dma_start3A_154 = tpu.memref_slice %arg10[%dma_start3A_153] : memref<98304xf32, #tpu.memory_space<vmem>> -> memref<8192xf32, #tpu.memory_space<vmem>>
    %dma_start3A_155 = tpu.memref_slice %arg9[%add3A_116] : memref<5242880xf32, #tpu.memory_space<hbm>> -> memref<8192xf32, #tpu.memory_space<hbm>>
    %dma_start3A_156 = tpu.memref_slice %arg9[%add3A_116] : memref<5242880xf32, #tpu.memory_space<hbm>> -> memref<8192xf32, #tpu.memory_space<hbm>>
    %dma_start3A_157 = arith.constant 0 : i32
    %dma_start3A_158 = tpu.memref_slice %arg10[%dma_start3A_157] : memref<98304xf32, #tpu.memory_space<vmem>> -> memref<8192xf32, #tpu.memory_space<vmem>>
    tpu.enqueue_dma source(%dma_start3A_158 : memref<8192xf32, #tpu.memory_space<vmem>>) target(%dma_start3A_156 : memref<8192xf32, #tpu.memory_space<hbm>>) target_semaphore(%arg18 : memref<!tpu.dma_semaphore, #tpu.memory_space<semaphore_mem>>)
    %dma_start3A_159 = arith.constant 8192 : i32
    %dma_start3A_160 = tpu.memref_slice %arg10[%dma_start3A_159] : memref<98304xf32, #tpu.memory_space<vmem>> -> memref<8192xf32, #tpu.memory_space<vmem>>
    %dma_start3A_161 = tpu.memref_slice %arg9[%add3A_120] : memref<5242880xf32, #tpu.memory_space<hbm>> -> memref<8192xf32, #tpu.memory_space<hbm>>
    %dma_start3A_162 = tpu.memref_slice %arg9[%add3A_120] : memref<5242880xf32, #tpu.memory_space<hbm>> -> memref<8192xf32, #tpu.memory_space<hbm>>
    %dma_start3A_163 = arith.constant 8192 : i32
    %dma_start3A_164 = tpu.memref_slice %arg10[%dma_start3A_163] : memref<98304xf32, #tpu.memory_space<vmem>> -> memref<8192xf32, #tpu.memory_space<vmem>>
    tpu.enqueue_dma source(%dma_start3A_164 : memref<8192xf32, #tpu.memory_space<vmem>>) target(%dma_start3A_162 : memref<8192xf32, #tpu.memory_space<hbm>>) target_semaphore(%arg18 : memref<!tpu.dma_semaphore, #tpu.memory_space<semaphore_mem>>)
    %dma_start3A_165 = arith.constant 16384 : i32
    %dma_start3A_166 = tpu.memref_slice %arg10[%dma_start3A_165] : memref<98304xf32, #tpu.memory_space<vmem>> -> memref<8192xf32, #tpu.memory_space<vmem>>
    %dma_start3A_167 = tpu.memref_slice %arg9[%add3A_124] : memref<5242880xf32, #tpu.memory_space<hbm>> -> memref<8192xf32, #tpu.memory_space<hbm>>
    %dma_start3A_168 = tpu.memref_slice %arg9[%add3A_124] : memref<5242880xf32, #tpu.memory_space<hbm>> -> memref<8192xf32, #tpu.memory_space<hbm>>
    %dma_start3A_169 = arith.constant 16384 : i32
    %dma_start3A_170 = tpu.memref_slice %arg10[%dma_start3A_169] : memref<98304xf32, #tpu.memory_space<vmem>> -> memref<8192xf32, #tpu.memory_space<vmem>>
    tpu.enqueue_dma source(%dma_start3A_170 : memref<8192xf32, #tpu.memory_space<vmem>>) target(%dma_start3A_168 : memref<8192xf32, #tpu.memory_space<hbm>>) target_semaphore(%arg18 : memref<!tpu.dma_semaphore, #tpu.memory_space<semaphore_mem>>)
    %dma_start3A_171 = arith.constant 24576 : i32
    %dma_start3A_172 = tpu.memref_slice %arg10[%dma_start3A_171] : memref<98304xf32, #tpu.memory_space<vmem>> -> memref<8192xf32, #tpu.memory_space<vmem>>
    %dma_start3A_173 = tpu.memref_slice %arg9[%add3A_128] : memref<5242880xf32, #tpu.memory_space<hbm>> -> memref<8192xf32, #tpu.memory_space<hbm>>
    %dma_start3A_174 = tpu.memref_slice %arg9[%add3A_128] : memref<5242880xf32, #tpu.memory_space<hbm>> -> memref<8192xf32, #tpu.memory_space<hbm>>
    %dma_start3A_175 = arith.constant 24576 : i32
    %dma_start3A_176 = tpu.memref_slice %arg10[%dma_start3A_175] : memref<98304xf32, #tpu.memory_space<vmem>> -> memref<8192xf32, #tpu.memory_space<vmem>>
    tpu.enqueue_dma source(%dma_start3A_176 : memref<8192xf32, #tpu.memory_space<vmem>>) target(%dma_start3A_174 : memref<8192xf32, #tpu.memory_space<hbm>>) target_semaphore(%arg18 : memref<!tpu.dma_semaphore, #tpu.memory_space<semaphore_mem>>)
    %dma_start3A_177 = arith.constant 32768 : i32
    %dma_start3A_178 = tpu.memref_slice %arg10[%dma_start3A_177] : memref<98304xf32, #tpu.memory_space<vmem>> -> memref<8192xf32, #tpu.memory_space<vmem>>
    %dma_start3A_179 = tpu.memref_slice %arg9[%add3A_132] : memref<5242880xf32, #tpu.memory_space<hbm>> -> memref<8192xf32, #tpu.memory_space<hbm>>
    %dma_start3A_180 = tpu.memref_slice %arg9[%add3A_132] : memref<5242880xf32, #tpu.memory_space<hbm>> -> memref<8192xf32, #tpu.memory_space<hbm>>
    %dma_start3A_181 = arith.constant 32768 : i32
    %dma_start3A_182 = tpu.memref_slice %arg10[%dma_start3A_181] : memref<98304xf32, #tpu.memory_space<vmem>> -> memref<8192xf32, #tpu.memory_space<vmem>>
    tpu.enqueue_dma source(%dma_start3A_182 : memref<8192xf32, #tpu.memory_space<vmem>>) target(%dma_start3A_180 : memref<8192xf32, #tpu.memory_space<hbm>>) target_semaphore(%arg18 : memref<!tpu.dma_semaphore, #tpu.memory_space<semaphore_mem>>)
    %dma_start3A_183 = arith.constant 40960 : i32
    %dma_start3A_184 = tpu.memref_slice %arg10[%dma_start3A_183] : memref<98304xf32, #tpu.memory_space<vmem>> -> memref<8192xf32, #tpu.memory_space<vmem>>
    %dma_start3A_185 = tpu.memref_slice %arg9[%add3A_136] : memref<5242880xf32, #tpu.memory_space<hbm>> -> memref<8192xf32, #tpu.memory_space<hbm>>
    %dma_start3A_186 = tpu.memref_slice %arg9[%add3A_136] : memref<5242880xf32, #tpu.memory_space<hbm>> -> memref<8192xf32, #tpu.memory_space<hbm>>
    %dma_start3A_187 = arith.constant 40960 : i32
    %dma_start3A_188 = tpu.memref_slice %arg10[%dma_start3A_187] : memref<98304xf32, #tpu.memory_space<vmem>> -> memref<8192xf32, #tpu.memory_space<vmem>>
    tpu.enqueue_dma source(%dma_start3A_188 : memref<8192xf32, #tpu.memory_space<vmem>>) target(%dma_start3A_186 : memref<8192xf32, #tpu.memory_space<hbm>>) target_semaphore(%arg18 : memref<!tpu.dma_semaphore, #tpu.memory_space<semaphore_mem>>)
    %dma_start3A_189 = arith.constant 49152 : i32
    %dma_start3A_190 = tpu.memref_slice %arg10[%dma_start3A_189] : memref<98304xf32, #tpu.memory_space<vmem>> -> memref<8192xf32, #tpu.memory_space<vmem>>
    %dma_start3A_191 = tpu.memref_slice %arg9[%add3A_140] : memref<5242880xf32, #tpu.memory_space<hbm>> -> memref<8192xf32, #tpu.memory_space<hbm>>
    %dma_start3A_192 = tpu.memref_slice %arg9[%add3A_140] : memref<5242880xf32, #tpu.memory_space<hbm>> -> memref<8192xf32, #tpu.memory_space<hbm>>
    %dma_start3A_193 = arith.constant 49152 : i32
    %dma_start3A_194 = tpu.memref_slice %arg10[%dma_start3A_193] : memref<98304xf32, #tpu.memory_space<vmem>> -> memref<8192xf32, #tpu.memory_space<vmem>>
    tpu.enqueue_dma source(%dma_start3A_194 : memref<8192xf32, #tpu.memory_space<vmem>>) target(%dma_start3A_192 : memref<8192xf32, #tpu.memory_space<hbm>>) target_semaphore(%arg18 : memref<!tpu.dma_semaphore, #tpu.memory_space<semaphore_mem>>)
    %dma_start3A_195 = arith.constant 57344 : i32
    %dma_start3A_196 = tpu.memref_slice %arg10[%dma_start3A_195] : memref<98304xf32, #tpu.memory_space<vmem>> -> memref<8192xf32, #tpu.memory_space<vmem>>
    %dma_start3A_197 = tpu.memref_slice %arg9[%add3A_144] : memref<5242880xf32, #tpu.memory_space<hbm>> -> memref<8192xf32, #tpu.memory_space<hbm>>
    %dma_start3A_198 = tpu.memref_slice %arg9[%add3A_144] : memref<5242880xf32, #tpu.memory_space<hbm>> -> memref<8192xf32, #tpu.memory_space<hbm>>
    %dma_start3A_199 = arith.constant 57344 : i32
    %dma_start3A_200 = tpu.memref_slice %arg10[%dma_start3A_199] : memref<98304xf32, #tpu.memory_space<vmem>> -> memref<8192xf32, #tpu.memory_space<vmem>>
    tpu.enqueue_dma source(%dma_start3A_200 : memref<8192xf32, #tpu.memory_space<vmem>>) target(%dma_start3A_198 : memref<8192xf32, #tpu.memory_space<hbm>>) target_semaphore(%arg18 : memref<!tpu.dma_semaphore, #tpu.memory_space<semaphore_mem>>)
    %dma_start3A_201 = arith.constant 65536 : i32
    %dma_start3A_202 = tpu.memref_slice %arg10[%dma_start3A_201] : memref<98304xf32, #tpu.memory_space<vmem>> -> memref<8192xf32, #tpu.memory_space<vmem>>
    %dma_start3A_203 = tpu.memref_slice %arg9[%add3A_148] : memref<5242880xf32, #tpu.memory_space<hbm>> -> memref<8192xf32, #tpu.memory_space<hbm>>
    %dma_start3A_204 = tpu.memref_slice %arg9[%add3A_148] : memref<5242880xf32, #tpu.memory_space<hbm>> -> memref<8192xf32, #tpu.memory_space<hbm>>
    %dma_start3A_205 = arith.constant 65536 : i32
    %dma_start3A_206 = tpu.memref_slice %arg10[%dma_start3A_205] : memref<98304xf32, #tpu.memory_space<vmem>> -> memref<8192xf32, #tpu.memory_space<vmem>>
    tpu.enqueue_dma source(%dma_start3A_206 : memref<8192xf32, #tpu.memory_space<vmem>>) target(%dma_start3A_204 : memref<8192xf32, #tpu.memory_space<hbm>>) target_semaphore(%arg18 : memref<!tpu.dma_semaphore, #tpu.memory_space<semaphore_mem>>)
    %dma_start3A_207 = arith.constant 73728 : i32
    %dma_start3A_208 = tpu.memref_slice %arg10[%dma_start3A_207] : memref<98304xf32, #tpu.memory_space<vmem>> -> memref<8192xf32, #tpu.memory_space<vmem>>
    %dma_start3A_209 = tpu.memref_slice %arg9[%add3A_152] : memref<5242880xf32, #tpu.memory_space<hbm>> -> memref<8192xf32, #tpu.memory_space<hbm>>
    %dma_start3A_210 = tpu.memref_slice %arg9[%add3A_152] : memref<5242880xf32, #tpu.memory_space<hbm>> -> memref<8192xf32, #tpu.memory_space<hbm>>
    %dma_start3A_211 = arith.constant 73728 : i32
    %dma_start3A_212 = tpu.memref_slice %arg10[%dma_start3A_211] : memref<98304xf32, #tpu.memory_space<vmem>> -> memref<8192xf32, #tpu.memory_space<vmem>>
    tpu.enqueue_dma source(%dma_start3A_212 : memref<8192xf32, #tpu.memory_space<vmem>>) target(%dma_start3A_210 : memref<8192xf32, #tpu.memory_space<hbm>>) target_semaphore(%arg18 : memref<!tpu.dma_semaphore, #tpu.memory_space<semaphore_mem>>)
    %dma_wait3A = arith.constant 0 : i32
    %dma_wait3A_213 = tpu.memref_slice %arg10[%dma_wait3A] : memref<98304xf32, #tpu.memory_space<vmem>> -> memref<8192xf32, #tpu.memory_space<vmem>>
    %dma_wait3A_214 = tpu.memref_slice %arg9[%add3A_116] : memref<5242880xf32, #tpu.memory_space<hbm>> -> memref<8192xf32, #tpu.memory_space<hbm>>
    %dma_wait3A_215 = tpu.memref_slice %arg9[%add3A_116] : memref<5242880xf32, #tpu.memory_space<hbm>> -> memref<8192xf32, #tpu.memory_space<hbm>>
    %dma_wait3A_216 = arith.constant 0 : i32
    %dma_wait3A_217 = tpu.memref_slice %arg10[%dma_wait3A_216] : memref<98304xf32, #tpu.memory_space<vmem>> -> memref<8192xf32, #tpu.memory_space<vmem>>
    tpu.wait_dma2 semaphore(%arg18 : memref<!tpu.dma_semaphore, #tpu.memory_space<semaphore_mem>>) src(%dma_wait3A_217 : memref<8192xf32, #tpu.memory_space<vmem>>) dst(%dma_wait3A_215 : memref<8192xf32, #tpu.memory_space<hbm>>)
    %dma_wait3A_218 = arith.constant 8192 : i32
    %dma_wait3A_219 = tpu.memref_slice %arg10[%dma_wait3A_218] : memref<98304xf32, #tpu.memory_space<vmem>> -> memref<8192xf32, #tpu.memory_space<vmem>>
    %dma_wait3A_220 = tpu.memref_slice %arg9[%add3A_120] : memref<5242880xf32, #tpu.memory_space<hbm>> -> memref<8192xf32, #tpu.memory_space<hbm>>
    %dma_wait3A_221 = tpu.memref_slice %arg9[%add3A_120] : memref<5242880xf32, #tpu.memory_space<hbm>> -> memref<8192xf32, #tpu.memory_space<hbm>>
    %dma_wait3A_222 = arith.constant 8192 : i32
    %dma_wait3A_223 = tpu.memref_slice %arg10[%dma_wait3A_222] : memref<98304xf32, #tpu.memory_space<vmem>> -> memref<8192xf32, #tpu.memory_space<vmem>>
    tpu.wait_dma2 semaphore(%arg18 : memref<!tpu.dma_semaphore, #tpu.memory_space<semaphore_mem>>) src(%dma_wait3A_223 : memref<8192xf32, #tpu.memory_space<vmem>>) dst(%dma_wait3A_221 : memref<8192xf32, #tpu.memory_space<hbm>>)
    %dma_wait3A_224 = arith.constant 16384 : i32
    %dma_wait3A_225 = tpu.memref_slice %arg10[%dma_wait3A_224] : memref<98304xf32, #tpu.memory_space<vmem>> -> memref<8192xf32, #tpu.memory_space<vmem>>
    %dma_wait3A_226 = tpu.memref_slice %arg9[%add3A_124] : memref<5242880xf32, #tpu.memory_space<hbm>> -> memref<8192xf32, #tpu.memory_space<hbm>>
    %dma_wait3A_227 = tpu.memref_slice %arg9[%add3A_124] : memref<5242880xf32, #tpu.memory_space<hbm>> -> memref<8192xf32, #tpu.memory_space<hbm>>
    %dma_wait3A_228 = arith.constant 16384 : i32
    %dma_wait3A_229 = tpu.memref_slice %arg10[%dma_wait3A_228] : memref<98304xf32, #tpu.memory_space<vmem>> -> memref<8192xf32, #tpu.memory_space<vmem>>
    tpu.wait_dma2 semaphore(%arg18 : memref<!tpu.dma_semaphore, #tpu.memory_space<semaphore_mem>>) src(%dma_wait3A_229 : memref<8192xf32, #tpu.memory_space<vmem>>) dst(%dma_wait3A_227 : memref<8192xf32, #tpu.memory_space<hbm>>)
    %dma_wait3A_230 = arith.constant 24576 : i32
    %dma_wait3A_231 = tpu.memref_slice %arg10[%dma_wait3A_230] : memref<98304xf32, #tpu.memory_space<vmem>> -> memref<8192xf32, #tpu.memory_space<vmem>>
    %dma_wait3A_232 = tpu.memref_slice %arg9[%add3A_128] : memref<5242880xf32, #tpu.memory_space<hbm>> -> memref<8192xf32, #tpu.memory_space<hbm>>
    %dma_wait3A_233 = tpu.memref_slice %arg9[%add3A_128] : memref<5242880xf32, #tpu.memory_space<hbm>> -> memref<8192xf32, #tpu.memory_space<hbm>>
    %dma_wait3A_234 = arith.constant 24576 : i32
    %dma_wait3A_235 = tpu.memref_slice %arg10[%dma_wait3A_234] : memref<98304xf32, #tpu.memory_space<vmem>> -> memref<8192xf32, #tpu.memory_space<vmem>>
    tpu.wait_dma2 semaphore(%arg18 : memref<!tpu.dma_semaphore, #tpu.memory_space<semaphore_mem>>) src(%dma_wait3A_235 : memref<8192xf32, #tpu.memory_space<vmem>>) dst(%dma_wait3A_233 : memref<8192xf32, #tpu.memory_space<hbm>>)
    %dma_wait3A_236 = arith.constant 32768 : i32
    %dma_wait3A_237 = tpu.memref_slice %arg10[%dma_wait3A_236] : memref<98304xf32, #tpu.memory_space<vmem>> -> memref<8192xf32, #tpu.memory_space<vmem>>
    %dma_wait3A_238 = tpu.memref_slice %arg9[%add3A_132] : memref<5242880xf32, #tpu.memory_space<hbm>> -> memref<8192xf32, #tpu.memory_space<hbm>>
    %dma_wait3A_239 = tpu.memref_slice %arg9[%add3A_132] : memref<5242880xf32, #tpu.memory_space<hbm>> -> memref<8192xf32, #tpu.memory_space<hbm>>
    %dma_wait3A_240 = arith.constant 32768 : i32
    %dma_wait3A_241 = tpu.memref_slice %arg10[%dma_wait3A_240] : memref<98304xf32, #tpu.memory_space<vmem>> -> memref<8192xf32, #tpu.memory_space<vmem>>
    tpu.wait_dma2 semaphore(%arg18 : memref<!tpu.dma_semaphore, #tpu.memory_space<semaphore_mem>>) src(%dma_wait3A_241 : memref<8192xf32, #tpu.memory_space<vmem>>) dst(%dma_wait3A_239 : memref<8192xf32, #tpu.memory_space<hbm>>)
    %dma_wait3A_242 = arith.constant 40960 : i32
    %dma_wait3A_243 = tpu.memref_slice %arg10[%dma_wait3A_242] : memref<98304xf32, #tpu.memory_space<vmem>> -> memref<8192xf32, #tpu.memory_space<vmem>>
    %dma_wait3A_244 = tpu.memref_slice %arg9[%add3A_136] : memref<5242880xf32, #tpu.memory_space<hbm>> -> memref<8192xf32, #tpu.memory_space<hbm>>
    %dma_wait3A_245 = tpu.memref_slice %arg9[%add3A_136] : memref<5242880xf32, #tpu.memory_space<hbm>> -> memref<8192xf32, #tpu.memory_space<hbm>>
    %dma_wait3A_246 = arith.constant 40960 : i32
    %dma_wait3A_247 = tpu.memref_slice %arg10[%dma_wait3A_246] : memref<98304xf32, #tpu.memory_space<vmem>> -> memref<8192xf32, #tpu.memory_space<vmem>>
    tpu.wait_dma2 semaphore(%arg18 : memref<!tpu.dma_semaphore, #tpu.memory_space<semaphore_mem>>) src(%dma_wait3A_247 : memref<8192xf32, #tpu.memory_space<vmem>>) dst(%dma_wait3A_245 : memref<8192xf32, #tpu.memory_space<hbm>>)
    %dma_wait3A_248 = arith.constant 49152 : i32
    %dma_wait3A_249 = tpu.memref_slice %arg10[%dma_wait3A_248] : memref<98304xf32, #tpu.memory_space<vmem>> -> memref<8192xf32, #tpu.memory_space<vmem>>
    %dma_wait3A_250 = tpu.memref_slice %arg9[%add3A_140] : memref<5242880xf32, #tpu.memory_space<hbm>> -> memref<8192xf32, #tpu.memory_space<hbm>>
    %dma_wait3A_251 = tpu.memref_slice %arg9[%add3A_140] : memref<5242880xf32, #tpu.memory_space<hbm>> -> memref<8192xf32, #tpu.memory_space<hbm>>
    %dma_wait3A_252 = arith.constant 49152 : i32
    %dma_wait3A_253 = tpu.memref_slice %arg10[%dma_wait3A_252] : memref<98304xf32, #tpu.memory_space<vmem>> -> memref<8192xf32, #tpu.memory_space<vmem>>
    tpu.wait_dma2 semaphore(%arg18 : memref<!tpu.dma_semaphore, #tpu.memory_space<semaphore_mem>>) src(%dma_wait3A_253 : memref<8192xf32, #tpu.memory_space<vmem>>) dst(%dma_wait3A_251 : memref<8192xf32, #tpu.memory_space<hbm>>)
    %dma_wait3A_254 = arith.constant 57344 : i32
    %dma_wait3A_255 = tpu.memref_slice %arg10[%dma_wait3A_254] : memref<98304xf32, #tpu.memory_space<vmem>> -> memref<8192xf32, #tpu.memory_space<vmem>>
    %dma_wait3A_256 = tpu.memref_slice %arg9[%add3A_144] : memref<5242880xf32, #tpu.memory_space<hbm>> -> memref<8192xf32, #tpu.memory_space<hbm>>
    %dma_wait3A_257 = tpu.memref_slice %arg9[%add3A_144] : memref<5242880xf32, #tpu.memory_space<hbm>> -> memref<8192xf32, #tpu.memory_space<hbm>>
    %dma_wait3A_258 = arith.constant 57344 : i32
    %dma_wait3A_259 = tpu.memref_slice %arg10[%dma_wait3A_258] : memref<98304xf32, #tpu.memory_space<vmem>> -> memref<8192xf32, #tpu.memory_space<vmem>>
    tpu.wait_dma2 semaphore(%arg18 : memref<!tpu.dma_semaphore, #tpu.memory_space<semaphore_mem>>) src(%dma_wait3A_259 : memref<8192xf32, #tpu.memory_space<vmem>>) dst(%dma_wait3A_257 : memref<8192xf32, #tpu.memory_space<hbm>>)
    %dma_wait3A_260 = arith.constant 65536 : i32
    %dma_wait3A_261 = tpu.memref_slice %arg10[%dma_wait3A_260] : memref<98304xf32, #tpu.memory_space<vmem>> -> memref<8192xf32, #tpu.memory_space<vmem>>
    %dma_wait3A_262 = tpu.memref_slice %arg9[%add3A_148] : memref<5242880xf32, #tpu.memory_space<hbm>> -> memref<8192xf32, #tpu.memory_space<hbm>>
    %dma_wait3A_263 = tpu.memref_slice %arg9[%add3A_148] : memref<5242880xf32, #tpu.memory_space<hbm>> -> memref<8192xf32, #tpu.memory_space<hbm>>
    %dma_wait3A_264 = arith.constant 65536 : i32
    %dma_wait3A_265 = tpu.memref_slice %arg10[%dma_wait3A_264] : memref<98304xf32, #tpu.memory_space<vmem>> -> memref<8192xf32, #tpu.memory_space<vmem>>
    tpu.wait_dma2 semaphore(%arg18 : memref<!tpu.dma_semaphore, #tpu.memory_space<semaphore_mem>>) src(%dma_wait3A_265 : memref<8192xf32, #tpu.memory_space<vmem>>) dst(%dma_wait3A_263 : memref<8192xf32, #tpu.memory_space<hbm>>)
    %dma_wait3A_266 = arith.constant 73728 : i32
    %dma_wait3A_267 = tpu.memref_slice %arg10[%dma_wait3A_266] : memref<98304xf32, #tpu.memory_space<vmem>> -> memref<8192xf32, #tpu.memory_space<vmem>>
    %dma_wait3A_268 = tpu.memref_slice %arg9[%add3A_152] : memref<5242880xf32, #tpu.memory_space<hbm>> -> memref<8192xf32, #tpu.memory_space<hbm>>
    %dma_wait3A_269 = tpu.memref_slice %arg9[%add3A_152] : memref<5242880xf32, #tpu.memory_space<hbm>> -> memref<8192xf32, #tpu.memory_space<hbm>>
    %dma_wait3A_270 = arith.constant 73728 : i32
    %dma_wait3A_271 = tpu.memref_slice %arg10[%dma_wait3A_270] : memref<98304xf32, #tpu.memory_space<vmem>> -> memref<8192xf32, #tpu.memory_space<vmem>>
    tpu.wait_dma2 semaphore(%arg18 : memref<!tpu.dma_semaphore, #tpu.memory_space<semaphore_mem>>) src(%dma_wait3A_271 : memref<8192xf32, #tpu.memory_space<vmem>>) dst(%dma_wait3A_269 : memref<8192xf32, #tpu.memory_space<hbm>>)
    %broadcast_in_dim3A_272 = arith.constant 0.000000e+00 : f32
    %broadcast_in_dim3A_273 = vector.broadcast %broadcast_in_dim3A_272 : f32 to vector<16xf32>
    %scan3A_274 = arith.constant 0 : i32
    %scan3A_275 = arith.constant 0 : i32
    %scan3A_276 = arith.constant 4096 : i32
    %scan3A_277 = arith.addi %scan3A_275, %scan3A_276 : i32
    %scan3A_278 = arith.constant 8 : i32
    %scan3A_279 = scf.for %scan3A_498 = %scan3A_275 to %scan3A_277 step %scan3A_278 iter_args(%scan3A_499 = %scan3A_274) -> (i32)  : i32 {
      %mul3A_500 = arith.constant 16 : i32
      %mul3A_501 = arith.muli %scan3A_498, %mul3A_500 : i32
      %swap3A_502 = arith.index_cast %mul3A_501 : i32 to index
      %swap3A_503 = tpu.vector_load %arg10[%swap3A_502] {strides = array<i32>} : memref<98304xf32, #tpu.memory_space<vmem>>, vector<16xf32>,
      tpu.vector_store %arg10[%swap3A_502], %broadcast_in_dim3A_273 {strides = array<i32>} : memref<98304xf32, #tpu.memory_space<vmem>>, vector<16xf32>,
      %scan3A_504 = arith.constant 0 : i32
      %scan3A_505 = arith.constant 1 : i32
      %scan3A_506 = arith.addi %scan3A_498, %scan3A_505 : i32
      %mul3A_507 = arith.constant 16 : i32
      %mul3A_508 = arith.muli %scan3A_506, %mul3A_507 : i32
      %swap3A_509 = arith.index_cast %mul3A_508 : i32 to index
      %swap3A_510 = tpu.vector_load %arg10[%swap3A_509] {strides = array<i32>} : memref<98304xf32, #tpu.memory_space<vmem>>, vector<16xf32>,
      tpu.vector_store %arg10[%swap3A_509], %broadcast_in_dim3A_273 {strides = array<i32>} : memref<98304xf32, #tpu.memory_space<vmem>>, vector<16xf32>,
      %scan3A_511 = arith.constant 0 : i32
      %scan3A_512 = arith.constant 2 : i32
      %scan3A_513 = arith.addi %scan3A_498, %scan3A_512 : i32
      %mul3A_514 = arith.constant 16 : i32
      %mul3A_515 = arith.muli %scan3A_513, %mul3A_514 : i32
      %swap3A_516 = arith.index_cast %mul3A_515 : i32 to index
      %swap3A_517 = tpu.vector_load %arg10[%swap3A_516] {strides = array<i32>} : memref<98304xf32, #tpu.memory_space<vmem>>, vector<16xf32>,
      tpu.vector_store %arg10[%swap3A_516], %broadcast_in_dim3A_273 {strides = array<i32>} : memref<98304xf32, #tpu.memory_space<vmem>>, vector<16xf32>,
      %scan3A_518 = arith.constant 0 : i32
      %scan3A_519 = arith.constant 3 : i32
      %scan3A_520 = arith.addi %scan3A_498, %scan3A_519 : i32
      %mul3A_521 = arith.constant 16 : i32
      %mul3A_522 = arith.muli %scan3A_520, %mul3A_521 : i32
      %swap3A_523 = arith.index_cast %mul3A_522 : i32 to index
      %swap3A_524 = tpu.vector_load %arg10[%swap3A_523] {strides = array<i32>} : memref<98304xf32, #tpu.memory_space<vmem>>, vector<16xf32>,
      tpu.vector_store %arg10[%swap3A_523], %broadcast_in_dim3A_273 {strides = array<i32>} : memref<98304xf32, #tpu.memory_space<vmem>>, vector<16xf32>,
      %scan3A_525 = arith.constant 0 : i32
      %scan3A_526 = arith.constant 4 : i32
      %scan3A_527 = arith.addi %scan3A_498, %scan3A_526 : i32
      %mul3A_528 = arith.constant 16 : i32
      %mul3A_529 = arith.muli %scan3A_527, %mul3A_528 : i32
      %swap3A_530 = arith.index_cast %mul3A_529 : i32 to index
      %swap3A_531 = tpu.vector_load %arg10[%swap3A_530] {strides = array<i32>} : memref<98304xf32, #tpu.memory_space<vmem>>, vector<16xf32>,
      tpu.vector_store %arg10[%swap3A_530], %broadcast_in_dim3A_273 {strides = array<i32>} : memref<98304xf32, #tpu.memory_space<vmem>>, vector<16xf32>,
      %scan3A_532 = arith.constant 0 : i32
      %scan3A_533 = arith.constant 5 : i32
      %scan3A_534 = arith.addi %scan3A_498, %scan3A_533 : i32
      %mul3A_535 = arith.constant 16 : i32
      %mul3A_536 = arith.muli %scan3A_534, %mul3A_535 : i32
      %swap3A_537 = arith.index_cast %mul3A_536 : i32 to index
      %swap3A_538 = tpu.vector_load %arg10[%swap3A_537] {strides = array<i32>} : memref<98304xf32, #tpu.memory_space<vmem>>, vector<16xf32>,
      tpu.vector_store %arg10[%swap3A_537], %broadcast_in_dim3A_273 {strides = array<i32>} : memref<98304xf32, #tpu.memory_space<vmem>>, vector<16xf32>,
      %scan3A_539 = arith.constant 0 : i32
      %scan3A_540 = arith.constant 6 : i32
      %scan3A_541 = arith.addi %scan3A_498, %scan3A_540 : i32
      %mul3A_542 = arith.constant 16 : i32
      %mul3A_543 = arith.muli %scan3A_541, %mul3A_542 : i32
      %swap3A_544 = arith.index_cast %mul3A_543 : i32 to index
      %swap3A_545 = tpu.vector_load %arg10[%swap3A_544] {strides = array<i32>} : memref<98304xf32, #tpu.memory_space<vmem>>, vector<16xf32>,
      tpu.vector_store %arg10[%swap3A_544], %broadcast_in_dim3A_273 {strides = array<i32>} : memref<98304xf32, #tpu.memory_space<vmem>>, vector<16xf32>,
      %scan3A_546 = arith.constant 0 : i32
      %scan3A_547 = arith.constant 7 : i32
      %scan3A_548 = arith.addi %scan3A_498, %scan3A_547 : i32
      %mul3A_549 = arith.constant 16 : i32
      %mul3A_550 = arith.muli %scan3A_548, %mul3A_549 : i32
      %swap3A_551 = arith.index_cast %mul3A_550 : i32 to index
      %swap3A_552 = tpu.vector_load %arg10[%swap3A_551] {strides = array<i32>} : memref<98304xf32, #tpu.memory_space<vmem>>, vector<16xf32>,
      tpu.vector_store %arg10[%swap3A_551], %broadcast_in_dim3A_273 {strides = array<i32>} : memref<98304xf32, #tpu.memory_space<vmem>>, vector<16xf32>,
      %scan3A_553 = arith.constant 0 : i32
      scf.yield %scan3A_553 : i32
    }
    %scan3A_280 = arith.constant 4096 : i32
    %dma_start3A_281 = arith.constant 0 : i32
    %dma_start3A_282 = arith.constant 0 : i32
    %dma_start3A_283 = arith.constant 0 : i32
    %dma_start3A_284 = arith.constant 0 : i32
    %dma_start3A_285 = tpu.memref_slice %arg11[%dma_start3A_281, %dma_start3A_283, %dma_start3A_284] : memref<2x4x1024xf32, #tpu.memory_space<vmem>> -> memref<1x4x1024xf32, #tpu.memory_space<vmem>>
    %dma_start3A_286 = tpu.memref_squeeze %dma_start3A_285 : memref<1x4x1024xf32, #tpu.memory_space<vmem>> -> memref<4x1024xf32, #tpu.memory_space<vmem>>
    %dma_start3A_287 = arith.constant 0 : i32
    %dma_start3A_288 = arith.constant 0 : i32
    %dma_start3A_289 = tpu.memref_slice %arg5[%dma_start3A_287, %dma_start3A_288] : memref<4x65536xf32, #tpu.memory_space<hbm>> -> memref<4x1024xf32, #tpu.memory_space<hbm>>
    %dma_start3A_290 = tpu.memref_slice %arg16[%dma_start3A_282] : memref<2x!tpu.dma_semaphore, #tpu.memory_space<semaphore_mem>> -> memref<1x!tpu.dma_semaphore, #tpu.memory_space<semaphore_mem>>
    %dma_start3A_291 = tpu.memref_squeeze %dma_start3A_290 : memref<1x!tpu.dma_semaphore, #tpu.memory_space<semaphore_mem>> -> memref<!tpu.dma_semaphore, #tpu.memory_space<semaphore_mem>>
    %dma_start3A_292 = arith.constant 0 : i32
    %dma_start3A_293 = arith.constant 0 : i32
    %dma_start3A_294 = tpu.memref_slice %arg11[%dma_start3A_281, %dma_start3A_292, %dma_start3A_293] : memref<2x4x1024xf32, #tpu.memory_space<vmem>> -> memref<1x4x1024xf32, #tpu.memory_space<vmem>>
    %dma_start3A_295 = tpu.memref_squeeze %dma_start3A_294 : memref<1x4x1024xf32, #tpu.memory_space<vmem>> -> memref<4x1024xf32, #tpu.memory_space<vmem>>
    %dma_start3A_296 = arith.constant 0 : i32
    %dma_start3A_297 = arith.constant 0 : i32
    %dma_start3A_298 = tpu.memref_slice %arg5[%dma_start3A_296, %dma_start3A_297] : memref<4x65536xf32, #tpu.memory_space<hbm>> -> memref<4x1024xf32, #tpu.memory_space<hbm>>
    tpu.enqueue_dma source(%dma_start3A_298 : memref<4x1024xf32, #tpu.memory_space<hbm>>) target(%dma_start3A_295 : memref<4x1024xf32, #tpu.memory_space<vmem>>) target_semaphore(%dma_start3A_291 : memref<!tpu.dma_semaphore, #tpu.memory_space<semaphore_mem>>)
    %dma_start3A_299 = arith.constant 0 : i32
    %dma_start3A_300 = arith.constant 0 : i32
    %dma_start3A_301 = arith.constant 0 : i32
    %dma_start3A_302 = tpu.memref_slice %arg13[%dma_start3A_299, %dma_start3A_301] : memref<2x1024xi32, #tpu.memory_space<vmem>> -> memref<1x1024xi32, #tpu.memory_space<vmem>>
    %dma_start3A_303 = tpu.memref_squeeze %dma_start3A_302 : memref<1x1024xi32, #tpu.memory_space<vmem>> -> memref<1024xi32, #tpu.memory_space<vmem>>
    %dma_start3A_304 = arith.constant 0 : i32
    %dma_start3A_305 = tpu.memref_slice %arg7[%dma_start3A_304] : memref<65536xi32, #tpu.memory_space<hbm>> -> memref<1024xi32, #tpu.memory_space<hbm>>
    %dma_start3A_306 = tpu.memref_slice %arg17[%dma_start3A_300] : memref<2x!tpu.dma_semaphore, #tpu.memory_space<semaphore_mem>> -> memref<1x!tpu.dma_semaphore, #tpu.memory_space<semaphore_mem>>
    %dma_start3A_307 = tpu.memref_squeeze %dma_start3A_306 : memref<1x!tpu.dma_semaphore, #tpu.memory_space<semaphore_mem>> -> memref<!tpu.dma_semaphore, #tpu.memory_space<semaphore_mem>>
    %dma_start3A_308 = arith.constant 0 : i32
    %dma_start3A_309 = tpu.memref_slice %arg13[%dma_start3A_299, %dma_start3A_308] : memref<2x1024xi32, #tpu.memory_space<vmem>> -> memref<1x1024xi32, #tpu.memory_space<vmem>>
    %dma_start3A_310 = tpu.memref_squeeze %dma_start3A_309 : memref<1x1024xi32, #tpu.memory_space<vmem>> -> memref<1024xi32, #tpu.memory_space<vmem>>
    %dma_start3A_311 = arith.constant 0 : i32
    %dma_start3A_312 = tpu.memref_slice %arg7[%dma_start3A_311] : memref<65536xi32, #tpu.memory_space<hbm>> -> memref<1024xi32, #tpu.memory_space<hbm>>
    tpu.enqueue_dma source(%dma_start3A_312 : memref<1024xi32, #tpu.memory_space<hbm>>) target(%dma_start3A_310 : memref<1024xi32, #tpu.memory_space<vmem>>) target_semaphore(%dma_start3A_307 : memref<!tpu.dma_semaphore, #tpu.memory_space<semaphore_mem>>)
    %dma_start3A_313 = arith.constant 0 : i32
    %dma_start3A_314 = arith.constant 0 : i32
    %dma_start3A_315 = arith.constant 0 : i32
    %dma_start3A_316 = arith.constant 0 : i32
    %dma_start3A_317 = tpu.memref_slice %arg12[%dma_start3A_313, %dma_start3A_315, %dma_start3A_316] : memref<2x5x1024xf32, #tpu.memory_space<vmem>> -> memref<1x2x1024xf32, #tpu.memory_space<vmem>>
    %dma_start3A_318 = tpu.memref_squeeze %dma_start3A_317 : memref<1x2x1024xf32, #tpu.memory_space<vmem>> -> memref<2x1024xf32, #tpu.memory_space<vmem>>
    %dma_start3A_319 = arith.constant 0 : i32
    %dma_start3A_320 = arith.constant 0 : i32
    %dma_start3A_321 = tpu.memref_slice %arg6[%dma_start3A_319, %dma_start3A_320] : memref<2x65536xf32, #tpu.memory_space<hbm>> -> memref<2x1024xf32, #tpu.memory_space<hbm>>
    %dma_start3A_322 = tpu.memref_slice %arg16[%dma_start3A_314] : memref<2x!tpu.dma_semaphore, #tpu.memory_space<semaphore_mem>> -> memref<1x!tpu.dma_semaphore, #tpu.memory_space<semaphore_mem>>
    %dma_start3A_323 = tpu.memref_squeeze %dma_start3A_322 : memref<1x!tpu.dma_semaphore, #tpu.memory_space<semaphore_mem>> -> memref<!tpu.dma_semaphore, #tpu.memory_space<semaphore_mem>>
    %dma_start3A_324 = arith.constant 0 : i32
    %dma_start3A_325 = arith.constant 0 : i32
    %dma_start3A_326 = tpu.memref_slice %arg12[%dma_start3A_313, %dma_start3A_324, %dma_start3A_325] : memref<2x5x1024xf32, #tpu.memory_space<vmem>> -> memref<1x2x1024xf32, #tpu.memory_space<vmem>>
    %dma_start3A_327 = tpu.memref_squeeze %dma_start3A_326 : memref<1x2x1024xf32, #tpu.memory_space<vmem>> -> memref<2x1024xf32, #tpu.memory_space<vmem>>
    %dma_start3A_328 = arith.constant 0 : i32
    %dma_start3A_329 = arith.constant 0 : i32
    %dma_start3A_330 = tpu.memref_slice %arg6[%dma_start3A_328, %dma_start3A_329] : memref<2x65536xf32, #tpu.memory_space<hbm>> -> memref<2x1024xf32, #tpu.memory_space<hbm>>
    tpu.enqueue_dma source(%dma_start3A_330 : memref<2x1024xf32, #tpu.memory_space<hbm>>) target(%dma_start3A_327 : memref<2x1024xf32, #tpu.memory_space<vmem>>) target_semaphore(%dma_start3A_323 : memref<!tpu.dma_semaphore, #tpu.memory_space<semaphore_mem>>)
    %scan3A_331 = arith.constant 0 : i32
    %scan3A_332 = arith.constant 0 : i32
    %scan3A_333 = arith.constant 64 : i32
    %scan3A_334 = arith.addi %scan3A_332, %scan3A_333 : i32
    %scan3A_335 = arith.constant 1 : i32
    %scan3A_336 = scf.for %scan3A_498 = %scan3A_332 to %scan3A_334 step %scan3A_335 iter_args(%scan3A_499 = %scan3A_331) -> (i32)  : i32 {
      %rem3A = arith.constant 2 : i32
      %rem3A_500 = arith.remsi %scan3A_498, %rem3A : i32
      %add3A_501 = arith.constant 1 : i32
      %add3A_502 = arith.addi %scan3A_498, %add3A_501 : i32
      %rem3A_503 = arith.constant 2 : i32
      %rem3A_504 = arith.remsi %add3A_502, %rem3A_503 : i32
      %add3A_505 = arith.constant 1 : i32
      %add3A_506 = arith.addi %scan3A_498, %add3A_505 : i32
      %lt3A = arith.constant 64 : i32
      %lt3A_507 = arith.cmpi slt, %add3A_506, %lt3A : i32
      %convert_element_type3A_508 = arith.extui %lt3A_507 : i1 to i32
      %cond3A = arith.constant 0 : i32
      %cond3A_509 = arith.cmpi ne, %convert_element_type3A_508, %cond3A : i32
      scf.if %cond3A_509 {
        %add3A_594 = arith.constant 1 : i32
        %add3A_595 = arith.addi %scan3A_498, %add3A_594 : i32
        %mul3A_596 = arith.constant 1024 : i32
        %mul3A_597 = arith.muli %add3A_595, %mul3A_596 : i32
        %mul3A_598 = arith.constant 1024 : i32
        %mul3A_599 = arith.muli %add3A_595, %mul3A_598 : i32
        %mul3A_600 = arith.constant 1024 : i32
        %mul3A_601 = arith.muli %add3A_595, %mul3A_600 : i32
        %dma_start3A_602 = arith.constant 0 : i32
        %dma_start3A_603 = arith.constant 0 : i32
        %dma_start3A_604 = tpu.memref_slice %arg11[%rem3A_504, %dma_start3A_602, %dma_start3A_603] : memref<2x4x1024xf32, #tpu.memory_space<vmem>> -> memref<1x4x1024xf32, #tpu.memory_space<vmem>>
        %dma_start3A_605 = tpu.memref_squeeze %dma_start3A_604 : memref<1x4x1024xf32, #tpu.memory_space<vmem>> -> memref<4x1024xf32, #tpu.memory_space<vmem>>
        %dma_start3A_606 = arith.constant 0 : i32
        %dma_start3A_607 = tpu.memref_slice %arg5[%dma_start3A_606, %mul3A_597] : memref<4x65536xf32, #tpu.memory_space<hbm>> -> memref<4x1024xf32, #tpu.memory_space<hbm>>
        %dma_start3A_608 = tpu.memref_slice %arg16[%rem3A_504] : memref<2x!tpu.dma_semaphore, #tpu.memory_space<semaphore_mem>> -> memref<1x!tpu.dma_semaphore, #tpu.memory_space<semaphore_mem>>
        %dma_start3A_609 = tpu.memref_squeeze %dma_start3A_608 : memref<1x!tpu.dma_semaphore, #tpu.memory_space<semaphore_mem>> -> memref<!tpu.dma_semaphore, #tpu.memory_space<semaphore_mem>>
        %dma_start3A_610 = arith.constant 0 : i32
        %dma_start3A_611 = arith.constant 0 : i32
        %dma_start3A_612 = tpu.memref_slice %arg11[%rem3A_504, %dma_start3A_610, %dma_start3A_611] : memref<2x4x1024xf32, #tpu.memory_space<vmem>> -> memref<1x4x1024xf32, #tpu.memory_space<vmem>>
        %dma_start3A_613 = tpu.memref_squeeze %dma_start3A_612 : memref<1x4x1024xf32, #tpu.memory_space<vmem>> -> memref<4x1024xf32, #tpu.memory_space<vmem>>
        %dma_start3A_614 = arith.constant 0 : i32
        %dma_start3A_615 = tpu.memref_slice %arg5[%dma_start3A_614, %mul3A_597] : memref<4x65536xf32, #tpu.memory_space<hbm>> -> memref<4x1024xf32, #tpu.memory_space<hbm>>
        tpu.enqueue_dma source(%dma_start3A_615 : memref<4x1024xf32, #tpu.memory_space<hbm>>) target(%dma_start3A_613 : memref<4x1024xf32, #tpu.memory_space<vmem>>) target_semaphore(%dma_start3A_609 : memref<!tpu.dma_semaphore, #tpu.memory_space<semaphore_mem>>)
        %dma_start3A_616 = arith.constant 0 : i32
        %dma_start3A_617 = tpu.memref_slice %arg13[%rem3A_504, %dma_start3A_616] : memref<2x1024xi32, #tpu.memory_space<vmem>> -> memref<1x1024xi32, #tpu.memory_space<vmem>>
        %dma_start3A_618 = tpu.memref_squeeze %dma_start3A_617 : memref<1x1024xi32, #tpu.memory_space<vmem>> -> memref<1024xi32, #tpu.memory_space<vmem>>
        %dma_start3A_619 = tpu.memref_slice %arg7[%mul3A_599] : memref<65536xi32, #tpu.memory_space<hbm>> -> memref<1024xi32, #tpu.memory_space<hbm>>
        %dma_start3A_620 = tpu.memref_slice %arg17[%rem3A_504] : memref<2x!tpu.dma_semaphore, #tpu.memory_space<semaphore_mem>> -> memref<1x!tpu.dma_semaphore, #tpu.memory_space<semaphore_mem>>
        %dma_start3A_621 = tpu.memref_squeeze %dma_start3A_620 : memref<1x!tpu.dma_semaphore, #tpu.memory_space<semaphore_mem>> -> memref<!tpu.dma_semaphore, #tpu.memory_space<semaphore_mem>>
        %dma_start3A_622 = arith.constant 0 : i32
        %dma_start3A_623 = tpu.memref_slice %arg13[%rem3A_504, %dma_start3A_622] : memref<2x1024xi32, #tpu.memory_space<vmem>> -> memref<1x1024xi32, #tpu.memory_space<vmem>>
        %dma_start3A_624 = tpu.memref_squeeze %dma_start3A_623 : memref<1x1024xi32, #tpu.memory_space<vmem>> -> memref<1024xi32, #tpu.memory_space<vmem>>
        %dma_start3A_625 = tpu.memref_slice %arg7[%mul3A_599] : memref<65536xi32, #tpu.memory_space<hbm>> -> memref<1024xi32, #tpu.memory_space<hbm>>
        tpu.enqueue_dma source(%dma_start3A_625 : memref<1024xi32, #tpu.memory_space<hbm>>) target(%dma_start3A_624 : memref<1024xi32, #tpu.memory_space<vmem>>) target_semaphore(%dma_start3A_621 : memref<!tpu.dma_semaphore, #tpu.memory_space<semaphore_mem>>)
        %dma_start3A_626 = arith.constant 0 : i32
        %dma_start3A_627 = arith.constant 0 : i32
        %dma_start3A_628 = tpu.memref_slice %arg12[%rem3A_504, %dma_start3A_626, %dma_start3A_627] : memref<2x5x1024xf32, #tpu.memory_space<vmem>> -> memref<1x2x1024xf32, #tpu.memory_space<vmem>>
        %dma_start3A_629 = tpu.memref_squeeze %dma_start3A_628 : memref<1x2x1024xf32, #tpu.memory_space<vmem>> -> memref<2x1024xf32, #tpu.memory_space<vmem>>
        %dma_start3A_630 = arith.constant 0 : i32
        %dma_start3A_631 = tpu.memref_slice %arg6[%dma_start3A_630, %mul3A_601] : memref<2x65536xf32, #tpu.memory_space<hbm>> -> memref<2x1024xf32, #tpu.memory_space<hbm>>
        %dma_start3A_632 = tpu.memref_slice %arg16[%rem3A_504] : memref<2x!tpu.dma_semaphore, #tpu.memory_space<semaphore_mem>> -> memref<1x!tpu.dma_semaphore, #tpu.memory_space<semaphore_mem>>
        %dma_start3A_633 = tpu.memref_squeeze %dma_start3A_632 : memref<1x!tpu.dma_semaphore, #tpu.memory_space<semaphore_mem>> -> memref<!tpu.dma_semaphore, #tpu.memory_space<semaphore_mem>>
        %dma_start3A_634 = arith.constant 0 : i32
        %dma_start3A_635 = arith.constant 0 : i32
        %dma_start3A_636 = tpu.memref_slice %arg12[%rem3A_504, %dma_start3A_634, %dma_start3A_635] : memref<2x5x1024xf32, #tpu.memory_space<vmem>> -> memref<1x2x1024xf32, #tpu.memory_space<vmem>>
        %dma_start3A_637 = tpu.memref_squeeze %dma_start3A_636 : memref<1x2x1024xf32, #tpu.memory_space<vmem>> -> memref<2x1024xf32, #tpu.memory_space<vmem>>
        %dma_start3A_638 = arith.constant 0 : i32
        %dma_start3A_639 = tpu.memref_slice %arg6[%dma_start3A_638, %mul3A_601] : memref<2x65536xf32, #tpu.memory_space<hbm>> -> memref<2x1024xf32, #tpu.memory_space<hbm>>
        tpu.enqueue_dma source(%dma_start3A_639 : memref<2x1024xf32, #tpu.memory_space<hbm>>) target(%dma_start3A_637 : memref<2x1024xf32, #tpu.memory_space<vmem>>) target_semaphore(%dma_start3A_633 : memref<!tpu.dma_semaphore, #tpu.memory_space<semaphore_mem>>)
      } else {
      }
      %mul3A_510 = arith.constant 1024 : i32
      %mul3A_511 = arith.muli %scan3A_498, %mul3A_510 : i32
      %mul3A_512 = arith.constant 1024 : i32
      %mul3A_513 = arith.muli %scan3A_498, %mul3A_512 : i32
      %mul3A_514 = arith.constant 1024 : i32
      %mul3A_515 = arith.muli %scan3A_498, %mul3A_514 : i32
      %dma_wait3A_516 = arith.constant 0 : i32
      %dma_wait3A_517 = arith.constant 0 : i32
      %dma_wait3A_518 = tpu.memref_slice %arg11[%rem3A_500, %dma_wait3A_516, %dma_wait3A_517] : memref<2x4x1024xf32, #tpu.memory_space<vmem>> -> memref<1x4x1024xf32, #tpu.memory_space<vmem>>
      %dma_wait3A_519 = tpu.memref_squeeze %dma_wait3A_518 : memref<1x4x1024xf32, #tpu.memory_space<vmem>> -> memref<4x1024xf32, #tpu.memory_space<vmem>>
      %dma_wait3A_520 = arith.constant 0 : i32
      %dma_wait3A_521 = tpu.memref_slice %arg5[%dma_wait3A_520, %mul3A_511] : memref<4x65536xf32, #tpu.memory_space<hbm>> -> memref<4x1024xf32, #tpu.memory_space<hbm>>
      %dma_wait3A_522 = tpu.memref_slice %arg16[%rem3A_500] : memref<2x!tpu.dma_semaphore, #tpu.memory_space<semaphore_mem>> -> memref<1x!tpu.dma_semaphore, #tpu.memory_space<semaphore_mem>>
      %dma_wait3A_523 = tpu.memref_squeeze %dma_wait3A_522 : memref<1x!tpu.dma_semaphore, #tpu.memory_space<semaphore_mem>> -> memref<!tpu.dma_semaphore, #tpu.memory_space<semaphore_mem>>
      %dma_wait3A_524 = arith.constant 0 : i32
      %dma_wait3A_525 = arith.constant 0 : i32
      %dma_wait3A_526 = tpu.memref_slice %arg11[%rem3A_500, %dma_wait3A_524, %dma_wait3A_525] : memref<2x4x1024xf32, #tpu.memory_space<vmem>> -> memref<1x4x1024xf32, #tpu.memory_space<vmem>>
      %dma_wait3A_527 = tpu.memref_squeeze %dma_wait3A_526 : memref<1x4x1024xf32, #tpu.memory_space<vmem>> -> memref<4x1024xf32, #tpu.memory_space<vmem>>
      %dma_wait3A_528 = arith.constant 0 : i32
      %dma_wait3A_529 = tpu.memref_slice %arg5[%dma_wait3A_528, %mul3A_511] : memref<4x65536xf32, #tpu.memory_space<hbm>> -> memref<4x1024xf32, #tpu.memory_space<hbm>>
      tpu.wait_dma2 semaphore(%dma_wait3A_523 : memref<!tpu.dma_semaphore, #tpu.memory_space<semaphore_mem>>) src(%dma_wait3A_529 : memref<4x1024xf32, #tpu.memory_space<hbm>>) dst(%dma_wait3A_527 : memref<4x1024xf32, #tpu.memory_space<vmem>>)
      %dma_wait3A_530 = arith.constant 0 : i32
      %dma_wait3A_531 = tpu.memref_slice %arg13[%rem3A_500, %dma_wait3A_530] : memref<2x1024xi32, #tpu.memory_space<vmem>> -> memref<1x1024xi32, #tpu.memory_space<vmem>>
      %dma_wait3A_532 = tpu.memref_squeeze %dma_wait3A_531 : memref<1x1024xi32, #tpu.memory_space<vmem>> -> memref<1024xi32, #tpu.memory_space<vmem>>
      %dma_wait3A_533 = tpu.memref_slice %arg7[%mul3A_513] : memref<65536xi32, #tpu.memory_space<hbm>> -> memref<1024xi32, #tpu.memory_space<hbm>>
      %dma_wait3A_534 = tpu.memref_slice %arg17[%rem3A_500] : memref<2x!tpu.dma_semaphore, #tpu.memory_space<semaphore_mem>> -> memref<1x!tpu.dma_semaphore, #tpu.memory_space<semaphore_mem>>
      %dma_wait3A_535 = tpu.memref_squeeze %dma_wait3A_534 : memref<1x!tpu.dma_semaphore, #tpu.memory_space<semaphore_mem>> -> memref<!tpu.dma_semaphore, #tpu.memory_space<semaphore_mem>>
      %dma_wait3A_536 = arith.constant 0 : i32
      %dma_wait3A_537 = tpu.memref_slice %arg13[%rem3A_500, %dma_wait3A_536] : memref<2x1024xi32, #tpu.memory_space<vmem>> -> memref<1x1024xi32, #tpu.memory_space<vmem>>
      %dma_wait3A_538 = tpu.memref_squeeze %dma_wait3A_537 : memref<1x1024xi32, #tpu.memory_space<vmem>> -> memref<1024xi32, #tpu.memory_space<vmem>>
      %dma_wait3A_539 = tpu.memref_slice %arg7[%mul3A_513] : memref<65536xi32, #tpu.memory_space<hbm>> -> memref<1024xi32, #tpu.memory_space<hbm>>
      tpu.wait_dma2 semaphore(%dma_wait3A_535 : memref<!tpu.dma_semaphore, #tpu.memory_space<semaphore_mem>>) src(%dma_wait3A_539 : memref<1024xi32, #tpu.memory_space<hbm>>) dst(%dma_wait3A_538 : memref<1024xi32, #tpu.memory_space<vmem>>)
      %dma_wait3A_540 = arith.constant 0 : i32
      %dma_wait3A_541 = arith.constant 0 : i32
      %dma_wait3A_542 = tpu.memref_slice %arg12[%rem3A_500, %dma_wait3A_540, %dma_wait3A_541] : memref<2x5x1024xf32, #tpu.memory_space<vmem>> -> memref<1x2x1024xf32, #tpu.memory_space<vmem>>
      %dma_wait3A_543 = tpu.memref_squeeze %dma_wait3A_542 : memref<1x2x1024xf32, #tpu.memory_space<vmem>> -> memref<2x1024xf32, #tpu.memory_space<vmem>>
      %dma_wait3A_544 = arith.constant 0 : i32
      %dma_wait3A_545 = tpu.memref_slice %arg6[%dma_wait3A_544, %mul3A_515] : memref<2x65536xf32, #tpu.memory_space<hbm>> -> memref<2x1024xf32, #tpu.memory_space<hbm>>
      %dma_wait3A_546 = tpu.memref_slice %arg16[%rem3A_500] : memref<2x!tpu.dma_semaphore, #tpu.memory_space<semaphore_mem>> -> memref<1x!tpu.dma_semaphore, #tpu.memory_space<semaphore_mem>>
      %dma_wait3A_547 = tpu.memref_squeeze %dma_wait3A_546 : memref<1x!tpu.dma_semaphore, #tpu.memory_space<semaphore_mem>> -> memref<!tpu.dma_semaphore, #tpu.memory_space<semaphore_mem>>
      %dma_wait3A_548 = arith.constant 0 : i32
      %dma_wait3A_549 = arith.constant 0 : i32
      %dma_wait3A_550 = tpu.memref_slice %arg12[%rem3A_500, %dma_wait3A_548, %dma_wait3A_549] : memref<2x5x1024xf32, #tpu.memory_space<vmem>> -> memref<1x2x1024xf32, #tpu.memory_space<vmem>>
      %dma_wait3A_551 = tpu.memref_squeeze %dma_wait3A_550 : memref<1x2x1024xf32, #tpu.memory_space<vmem>> -> memref<2x1024xf32, #tpu.memory_space<vmem>>
      %dma_wait3A_552 = arith.constant 0 : i32
      %dma_wait3A_553 = tpu.memref_slice %arg6[%dma_wait3A_552, %mul3A_515] : memref<2x65536xf32, #tpu.memory_space<hbm>> -> memref<2x1024xf32, #tpu.memory_space<hbm>>
      tpu.wait_dma2 semaphore(%dma_wait3A_547 : memref<!tpu.dma_semaphore, #tpu.memory_space<semaphore_mem>>) src(%dma_wait3A_553 : memref<2x1024xf32, #tpu.memory_space<hbm>>) dst(%dma_wait3A_551 : memref<2x1024xf32, #tpu.memory_space<vmem>>)
      %scan3A_554 = arith.constant 0 : i32
      %scan3A_555 = arith.constant 0 : i32
      %scan3A_556 = arith.constant 64 : i32
      %scan3A_557 = arith.addi %scan3A_555, %scan3A_556 : i32
      %scan3A_558 = arith.constant 8 : i32
      %scan3A_559 = scf.for %scan3A_594 = %scan3A_555 to %scan3A_557 step %scan3A_558 iter_args(%scan3A_595 = %scan3A_554) -> (i32)  : i32 {
        %broadcast_in_dim3A_596 = arith.constant 16 : i32
        %broadcast_in_dim3A_597 = vector.broadcast %broadcast_in_dim3A_596 : i32 to vector<16xi32>
        %mul3A_598 = vector.broadcast %scan3A_594 : i32 to vector<16xi32>
        %mul3A_599 = arith.muli %mul3A_598, %broadcast_in_dim3A_597 : vector<16xi32>
        %add3A_600 = arith.addi %mul3A_599, %iota3A : vector<16xi32>
        %mul3A_601 = arith.constant 16 : i32
        %mul3A_602 = arith.muli %scan3A_594, %mul3A_601 : i32
        %get3A_603 = arith.constant 0 : i32
        %get3A_604 = arith.index_cast %rem3A_500 : i32 to index
        %get3A_605 = arith.index_cast %get3A_603 : i32 to index
        %get3A_606 = arith.index_cast %mul3A_602 : i32 to index
        %get3A_607 = tpu.vector_load %arg11[%get3A_604, %get3A_605, %get3A_606] {strides = array<i32>} : memref<2x4x1024xf32, #tpu.memory_space<vmem>>, vector<16xf32>,
        %mul3A_608 = arith.constant 16 : i32
        %mul3A_609 = arith.muli %scan3A_594, %mul3A_608 : i32
        %get3A_610 = arith.constant 2 : i32
        %get3A_611 = arith.index_cast %rem3A_500 : i32 to index
        %get3A_612 = arith.index_cast %get3A_610 : i32 to index
        %get3A_613 = arith.index_cast %mul3A_609 : i32 to index
        %get3A_614 = tpu.vector_load %arg11[%get3A_611, %get3A_612, %get3A_613] {strides = array<i32>} : memref<2x4x1024xf32, #tpu.memory_space<vmem>>, vector<16xf32>,
        %sub3A_615 = arith.subf %get3A_607, %get3A_3 : vector<16xf32>
        %mul3A_616 = arith.mulf %sub3A_615, %broadcast_in_dim3A_26 : vector<16xf32>
        %ge3A = arith.cmpf oge, %mul3A_616, %sub3A : vector<16xf32>
        %le3A = arith.cmpf ole, %mul3A_616, %add3A_20 : vector<16xf32>
        %and3A_617 = arith.andi %ge3A, %le3A : vector<16xi1>
        %sub3A_618 = arith.subf %get3A_614, %get3A_3 : vector<16xf32>
        %mul3A_619 = arith.mulf %sub3A_618, %broadcast_in_dim3A_26 : vector<16xf32>
        %ge3A_620 = arith.cmpf oge, %mul3A_619, %sub3A : vector<16xf32>
        %le3A_621 = arith.cmpf ole, %mul3A_619, %add3A_20 : vector<16xf32>
        %and3A_622 = arith.andi %ge3A_620, %le3A_621 : vector<16xi1>
        %or3A = arith.ori %and3A_617, %and3A_622 : vector<16xi1>
        %swap3A_623 = arith.index_cast %scan3A_595 : i32 to index
        %swap3A_624 = tpu.vector_load %arg14[%swap3A_623] masked %or3A {strides = array<i32>} : memref<1056xi32, #tpu.memory_space<vmem>>, vector<16xi32>, vector<16xi1>
        tpu.vector_store %arg14[%swap3A_623], %add3A_600 masked %or3A {strides = array<i32>} : memref<1056xi32, #tpu.memory_space<vmem>>, vector<16xi32>, vector<16xi1>
        %all_reduce_population_count3A = tpu.all_reduce %or3A {dim = 0 : i64, kind = #tpu.reduction_kind<sum>} : vector<16xi1> -> vector<16xi32>
        %slice3A = vector.extract_strided_slice %all_reduce_population_count3A {offsets = [0], sizes = [1], strides = [1]} : vector<16xi32> to vector<1xi32>
        %squeeze3A = vector.extract %slice3A[0] : i32 from vector<1xi32>
        %add3A_625 = arith.addi %scan3A_595, %squeeze3A : i32
        %scan3A_626 = arith.constant 1 : i32
        %scan3A_627 = arith.addi %scan3A_594, %scan3A_626 : i32
        %broadcast_in_dim3A_628 = arith.constant 16 : i32
        %broadcast_in_dim3A_629 = vector.broadcast %broadcast_in_dim3A_628 : i32 to vector<16xi32>
        %mul3A_630 = vector.broadcast %scan3A_627 : i32 to vector<16xi32>
        %mul3A_631 = arith.muli %mul3A_630, %broadcast_in_dim3A_629 : vector<16xi32>
        %add3A_632 = arith.addi %mul3A_631, %iota3A : vector<16xi32>
        %mul3A_633 = arith.constant 16 : i32
        %mul3A_634 = arith.muli %scan3A_627, %mul3A_633 : i32
        %get3A_635 = arith.constant 0 : i32
        %get3A_636 = arith.index_cast %rem3A_500 : i32 to index
        %get3A_637 = arith.index_cast %get3A_635 : i32 to index
        %get3A_638 = arith.index_cast %mul3A_634 : i32 to index
        %get3A_639 = tpu.vector_load %arg11[%get3A_636, %get3A_637, %get3A_638] {strides = array<i32>} : memref<2x4x1024xf32, #tpu.memory_space<vmem>>, vector<16xf32>,
        %mul3A_640 = arith.constant 16 : i32
        %mul3A_641 = arith.muli %scan3A_627, %mul3A_640 : i32
        %get3A_642 = arith.constant 2 : i32
        %get3A_643 = arith.index_cast %rem3A_500 : i32 to index
        %get3A_644 = arith.index_cast %get3A_642 : i32 to index
        %get3A_645 = arith.index_cast %mul3A_641 : i32 to index
        %get3A_646 = tpu.vector_load %arg11[%get3A_643, %get3A_644, %get3A_645] {strides = array<i32>} : memref<2x4x1024xf32, #tpu.memory_space<vmem>>, vector<16xf32>,
        %sub3A_647 = arith.subf %get3A_639, %get3A_3 : vector<16xf32>
        %mul3A_648 = arith.mulf %sub3A_647, %broadcast_in_dim3A_26 : vector<16xf32>
        %ge3A_649 = arith.cmpf oge, %mul3A_648, %sub3A : vector<16xf32>
        %le3A_650 = arith.cmpf ole, %mul3A_648, %add3A_20 : vector<16xf32>
        %and3A_651 = arith.andi %ge3A_649, %le3A_650 : vector<16xi1>
        %sub3A_652 = arith.subf %get3A_646, %get3A_3 : vector<16xf32>
        %mul3A_653 = arith.mulf %sub3A_652, %broadcast_in_dim3A_26 : vector<16xf32>
        %ge3A_654 = arith.cmpf oge, %mul3A_653, %sub3A : vector<16xf32>
        %le3A_655 = arith.cmpf ole, %mul3A_653, %add3A_20 : vector<16xf32>
        %and3A_656 = arith.andi %ge3A_654, %le3A_655 : vector<16xi1>
        %or3A_657 = arith.ori %and3A_651, %and3A_656 : vector<16xi1>
        %swap3A_658 = arith.index_cast %add3A_625 : i32 to index
        %swap3A_659 = tpu.vector_load %arg14[%swap3A_658] masked %or3A_657 {strides = array<i32>} : memref<1056xi32, #tpu.memory_space<vmem>>, vector<16xi32>, vector<16xi1>
        tpu.vector_store %arg14[%swap3A_658], %add3A_632 masked %or3A_657 {strides = array<i32>} : memref<1056xi32, #tpu.memory_space<vmem>>, vector<16xi32>, vector<16xi1>
        %all_reduce_population_count3A_660 = tpu.all_reduce %or3A_657 {dim = 0 : i64, kind = #tpu.reduction_kind<sum>} : vector<16xi1> -> vector<16xi32>
        %slice3A_661 = vector.extract_strided_slice %all_reduce_population_count3A_660 {offsets = [0], sizes = [1], strides = [1]} : vector<16xi32> to vector<1xi32>
        %squeeze3A_662 = vector.extract %slice3A_661[0] : i32 from vector<1xi32>
        %add3A_663 = arith.addi %add3A_625, %squeeze3A_662 : i32
        %scan3A_664 = arith.constant 2 : i32
        %scan3A_665 = arith.addi %scan3A_594, %scan3A_664 : i32
        %broadcast_in_dim3A_666 = arith.constant 16 : i32
        %broadcast_in_dim3A_667 = vector.broadcast %broadcast_in_dim3A_666 : i32 to vector<16xi32>
        %mul3A_668 = vector.broadcast %scan3A_665 : i32 to vector<16xi32>
        %mul3A_669 = arith.muli %mul3A_668, %broadcast_in_dim3A_667 : vector<16xi32>
        %add3A_670 = arith.addi %mul3A_669, %iota3A : vector<16xi32>
        %mul3A_671 = arith.constant 16 : i32
        %mul3A_672 = arith.muli %scan3A_665, %mul3A_671 : i32
        %get3A_673 = arith.constant 0 : i32
        %get3A_674 = arith.index_cast %rem3A_500 : i32 to index
        %get3A_675 = arith.index_cast %get3A_673 : i32 to index
        %get3A_676 = arith.index_cast %mul3A_672 : i32 to index
        %get3A_677 = tpu.vector_load %arg11[%get3A_674, %get3A_675, %get3A_676] {strides = array<i32>} : memref<2x4x1024xf32, #tpu.memory_space<vmem>>, vector<16xf32>,
        %mul3A_678 = arith.constant 16 : i32
        %mul3A_679 = arith.muli %scan3A_665, %mul3A_678 : i32
        %get3A_680 = arith.constant 2 : i32
        %get3A_681 = arith.index_cast %rem3A_500 : i32 to index
        %get3A_682 = arith.index_cast %get3A_680 : i32 to index
        %get3A_683 = arith.index_cast %mul3A_679 : i32 to index
        %get3A_684 = tpu.vector_load %arg11[%get3A_681, %get3A_682, %get3A_683] {strides = array<i32>} : memref<2x4x1024xf32, #tpu.memory_space<vmem>>, vector<16xf32>,
        %sub3A_685 = arith.subf %get3A_677, %get3A_3 : vector<16xf32>
        %mul3A_686 = arith.mulf %sub3A_685, %broadcast_in_dim3A_26 : vector<16xf32>
        %ge3A_687 = arith.cmpf oge, %mul3A_686, %sub3A : vector<16xf32>
        %le3A_688 = arith.cmpf ole, %mul3A_686, %add3A_20 : vector<16xf32>
        %and3A_689 = arith.andi %ge3A_687, %le3A_688 : vector<16xi1>
        %sub3A_690 = arith.subf %get3A_684, %get3A_3 : vector<16xf32>
        %mul3A_691 = arith.mulf %sub3A_690, %broadcast_in_dim3A_26 : vector<16xf32>
        %ge3A_692 = arith.cmpf oge, %mul3A_691, %sub3A : vector<16xf32>
        %le3A_693 = arith.cmpf ole, %mul3A_691, %add3A_20 : vector<16xf32>
        %and3A_694 = arith.andi %ge3A_692, %le3A_693 : vector<16xi1>
        %or3A_695 = arith.ori %and3A_689, %and3A_694 : vector<16xi1>
        %swap3A_696 = arith.index_cast %add3A_663 : i32 to index
        %swap3A_697 = tpu.vector_load %arg14[%swap3A_696] masked %or3A_695 {strides = array<i32>} : memref<1056xi32, #tpu.memory_space<vmem>>, vector<16xi32>, vector<16xi1>
        tpu.vector_store %arg14[%swap3A_696], %add3A_670 masked %or3A_695 {strides = array<i32>} : memref<1056xi32, #tpu.memory_space<vmem>>, vector<16xi32>, vector<16xi1>
        %all_reduce_population_count3A_698 = tpu.all_reduce %or3A_695 {dim = 0 : i64, kind = #tpu.reduction_kind<sum>} : vector<16xi1> -> vector<16xi32>
        %slice3A_699 = vector.extract_strided_slice %all_reduce_population_count3A_698 {offsets = [0], sizes = [1], strides = [1]} : vector<16xi32> to vector<1xi32>
        %squeeze3A_700 = vector.extract %slice3A_699[0] : i32 from vector<1xi32>
        %add3A_701 = arith.addi %add3A_663, %squeeze3A_700 : i32
        %scan3A_702 = arith.constant 3 : i32
        %scan3A_703 = arith.addi %scan3A_594, %scan3A_702 : i32
        %broadcast_in_dim3A_704 = arith.constant 16 : i32
        %broadcast_in_dim3A_705 = vector.broadcast %broadcast_in_dim3A_704 : i32 to vector<16xi32>
        %mul3A_706 = vector.broadcast %scan3A_703 : i32 to vector<16xi32>
        %mul3A_707 = arith.muli %mul3A_706, %broadcast_in_dim3A_705 : vector<16xi32>
        %add3A_708 = arith.addi %mul3A_707, %iota3A : vector<16xi32>
        %mul3A_709 = arith.constant 16 : i32
        %mul3A_710 = arith.muli %scan3A_703, %mul3A_709 : i32
        %get3A_711 = arith.constant 0 : i32
        %get3A_712 = arith.index_cast %rem3A_500 : i32 to index
        %get3A_713 = arith.index_cast %get3A_711 : i32 to index
        %get3A_714 = arith.index_cast %mul3A_710 : i32 to index
        %get3A_715 = tpu.vector_load %arg11[%get3A_712, %get3A_713, %get3A_714] {strides = array<i32>} : memref<2x4x1024xf32, #tpu.memory_space<vmem>>, vector<16xf32>,
        %mul3A_716 = arith.constant 16 : i32
        %mul3A_717 = arith.muli %scan3A_703, %mul3A_716 : i32
        %get3A_718 = arith.constant 2 : i32
        %get3A_719 = arith.index_cast %rem3A_500 : i32 to index
        %get3A_720 = arith.index_cast %get3A_718 : i32 to index
        %get3A_721 = arith.index_cast %mul3A_717 : i32 to index
        %get3A_722 = tpu.vector_load %arg11[%get3A_719, %get3A_720, %get3A_721] {strides = array<i32>} : memref<2x4x1024xf32, #tpu.memory_space<vmem>>, vector<16xf32>,
        %sub3A_723 = arith.subf %get3A_715, %get3A_3 : vector<16xf32>
        %mul3A_724 = arith.mulf %sub3A_723, %broadcast_in_dim3A_26 : vector<16xf32>
        %ge3A_725 = arith.cmpf oge, %mul3A_724, %sub3A : vector<16xf32>
        %le3A_726 = arith.cmpf ole, %mul3A_724, %add3A_20 : vector<16xf32>
        %and3A_727 = arith.andi %ge3A_725, %le3A_726 : vector<16xi1>
        %sub3A_728 = arith.subf %get3A_722, %get3A_3 : vector<16xf32>
        %mul3A_729 = arith.mulf %sub3A_728, %broadcast_in_dim3A_26 : vector<16xf32>
        %ge3A_730 = arith.cmpf oge, %mul3A_729, %sub3A : vector<16xf32>
        %le3A_731 = arith.cmpf ole, %mul3A_729, %add3A_20 : vector<16xf32>
        %and3A_732 = arith.andi %ge3A_730, %le3A_731 : vector<16xi1>
        %or3A_733 = arith.ori %and3A_727, %and3A_732 : vector<16xi1>
        %swap3A_734 = arith.index_cast %add3A_701 : i32 to index
        %swap3A_735 = tpu.vector_load %arg14[%swap3A_734] masked %or3A_733 {strides = array<i32>} : memref<1056xi32, #tpu.memory_space<vmem>>, vector<16xi32>, vector<16xi1>
        tpu.vector_store %arg14[%swap3A_734], %add3A_708 masked %or3A_733 {strides = array<i32>} : memref<1056xi32, #tpu.memory_space<vmem>>, vector<16xi32>, vector<16xi1>
        %all_reduce_population_count3A_736 = tpu.all_reduce %or3A_733 {dim = 0 : i64, kind = #tpu.reduction_kind<sum>} : vector<16xi1> -> vector<16xi32>
        %slice3A_737 = vector.extract_strided_slice %all_reduce_population_count3A_736 {offsets = [0], sizes = [1], strides = [1]} : vector<16xi32> to vector<1xi32>
        %squeeze3A_738 = vector.extract %slice3A_737[0] : i32 from vector<1xi32>
        %add3A_739 = arith.addi %add3A_701, %squeeze3A_738 : i32
        %scan3A_740 = arith.constant 4 : i32
        %scan3A_741 = arith.addi %scan3A_594, %scan3A_740 : i32
        %broadcast_in_dim3A_742 = arith.constant 16 : i32
        %broadcast_in_dim3A_743 = vector.broadcast %broadcast_in_dim3A_742 : i32 to vector<16xi32>
        %mul3A_744 = vector.broadcast %scan3A_741 : i32 to vector<16xi32>
        %mul3A_745 = arith.muli %mul3A_744, %broadcast_in_dim3A_743 : vector<16xi32>
        %add3A_746 = arith.addi %mul3A_745, %iota3A : vector<16xi32>
        %mul3A_747 = arith.constant 16 : i32
        %mul3A_748 = arith.muli %scan3A_741, %mul3A_747 : i32
        %get3A_749 = arith.constant 0 : i32
        %get3A_750 = arith.index_cast %rem3A_500 : i32 to index
        %get3A_751 = arith.index_cast %get3A_749 : i32 to index
        %get3A_752 = arith.index_cast %mul3A_748 : i32 to index
        %get3A_753 = tpu.vector_load %arg11[%get3A_750, %get3A_751, %get3A_752] {strides = array<i32>} : memref<2x4x1024xf32, #tpu.memory_space<vmem>>, vector<16xf32>,
        %mul3A_754 = arith.constant 16 : i32
        %mul3A_755 = arith.muli %scan3A_741, %mul3A_754 : i32
        %get3A_756 = arith.constant 2 : i32
        %get3A_757 = arith.index_cast %rem3A_500 : i32 to index
        %get3A_758 = arith.index_cast %get3A_756 : i32 to index
        %get3A_759 = arith.index_cast %mul3A_755 : i32 to index
        %get3A_760 = tpu.vector_load %arg11[%get3A_757, %get3A_758, %get3A_759] {strides = array<i32>} : memref<2x4x1024xf32, #tpu.memory_space<vmem>>, vector<16xf32>,
        %sub3A_761 = arith.subf %get3A_753, %get3A_3 : vector<16xf32>
        %mul3A_762 = arith.mulf %sub3A_761, %broadcast_in_dim3A_26 : vector<16xf32>
        %ge3A_763 = arith.cmpf oge, %mul3A_762, %sub3A : vector<16xf32>
        %le3A_764 = arith.cmpf ole, %mul3A_762, %add3A_20 : vector<16xf32>
        %and3A_765 = arith.andi %ge3A_763, %le3A_764 : vector<16xi1>
        %sub3A_766 = arith.subf %get3A_760, %get3A_3 : vector<16xf32>
        %mul3A_767 = arith.mulf %sub3A_766, %broadcast_in_dim3A_26 : vector<16xf32>
        %ge3A_768 = arith.cmpf oge, %mul3A_767, %sub3A : vector<16xf32>
        %le3A_769 = arith.cmpf ole, %mul3A_767, %add3A_20 : vector<16xf32>
        %and3A_770 = arith.andi %ge3A_768, %le3A_769 : vector<16xi1>
        %or3A_771 = arith.ori %and3A_765, %and3A_770 : vector<16xi1>
        %swap3A_772 = arith.index_cast %add3A_739 : i32 to index
        %swap3A_773 = tpu.vector_load %arg14[%swap3A_772] masked %or3A_771 {strides = array<i32>} : memref<1056xi32, #tpu.memory_space<vmem>>, vector<16xi32>, vector<16xi1>
        tpu.vector_store %arg14[%swap3A_772], %add3A_746 masked %or3A_771 {strides = array<i32>} : memref<1056xi32, #tpu.memory_space<vmem>>, vector<16xi32>, vector<16xi1>
        %all_reduce_population_count3A_774 = tpu.all_reduce %or3A_771 {dim = 0 : i64, kind = #tpu.reduction_kind<sum>} : vector<16xi1> -> vector<16xi32>
        %slice3A_775 = vector.extract_strided_slice %all_reduce_population_count3A_774 {offsets = [0], sizes = [1], strides = [1]} : vector<16xi32> to vector<1xi32>
        %squeeze3A_776 = vector.extract %slice3A_775[0] : i32 from vector<1xi32>
        %add3A_777 = arith.addi %add3A_739, %squeeze3A_776 : i32
        %scan3A_778 = arith.constant 5 : i32
        %scan3A_779 = arith.addi %scan3A_594, %scan3A_778 : i32
        %broadcast_in_dim3A_780 = arith.constant 16 : i32
        %broadcast_in_dim3A_781 = vector.broadcast %broadcast_in_dim3A_780 : i32 to vector<16xi32>
        %mul3A_782 = vector.broadcast %scan3A_779 : i32 to vector<16xi32>
        %mul3A_783 = arith.muli %mul3A_782, %broadcast_in_dim3A_781 : vector<16xi32>
        %add3A_784 = arith.addi %mul3A_783, %iota3A : vector<16xi32>
        %mul3A_785 = arith.constant 16 : i32
        %mul3A_786 = arith.muli %scan3A_779, %mul3A_785 : i32
        %get3A_787 = arith.constant 0 : i32
        %get3A_788 = arith.index_cast %rem3A_500 : i32 to index
        %get3A_789 = arith.index_cast %get3A_787 : i32 to index
        %get3A_790 = arith.index_cast %mul3A_786 : i32 to index
        %get3A_791 = tpu.vector_load %arg11[%get3A_788, %get3A_789, %get3A_790] {strides = array<i32>} : memref<2x4x1024xf32, #tpu.memory_space<vmem>>, vector<16xf32>,
        %mul3A_792 = arith.constant 16 : i32
        %mul3A_793 = arith.muli %scan3A_779, %mul3A_792 : i32
        %get3A_794 = arith.constant 2 : i32
        %get3A_795 = arith.index_cast %rem3A_500 : i32 to index
        %get3A_796 = arith.index_cast %get3A_794 : i32 to index
        %get3A_797 = arith.index_cast %mul3A_793 : i32 to index
        %get3A_798 = tpu.vector_load %arg11[%get3A_795, %get3A_796, %get3A_797] {strides = array<i32>} : memref<2x4x1024xf32, #tpu.memory_space<vmem>>, vector<16xf32>,
        %sub3A_799 = arith.subf %get3A_791, %get3A_3 : vector<16xf32>
        %mul3A_800 = arith.mulf %sub3A_799, %broadcast_in_dim3A_26 : vector<16xf32>
        %ge3A_801 = arith.cmpf oge, %mul3A_800, %sub3A : vector<16xf32>
        %le3A_802 = arith.cmpf ole, %mul3A_800, %add3A_20 : vector<16xf32>
        %and3A_803 = arith.andi %ge3A_801, %le3A_802 : vector<16xi1>
        %sub3A_804 = arith.subf %get3A_798, %get3A_3 : vector<16xf32>
        %mul3A_805 = arith.mulf %sub3A_804, %broadcast_in_dim3A_26 : vector<16xf32>
        %ge3A_806 = arith.cmpf oge, %mul3A_805, %sub3A : vector<16xf32>
        %le3A_807 = arith.cmpf ole, %mul3A_805, %add3A_20 : vector<16xf32>
        %and3A_808 = arith.andi %ge3A_806, %le3A_807 : vector<16xi1>
        %or3A_809 = arith.ori %and3A_803, %and3A_808 : vector<16xi1>
        %swap3A_810 = arith.index_cast %add3A_777 : i32 to index
        %swap3A_811 = tpu.vector_load %arg14[%swap3A_810] masked %or3A_809 {strides = array<i32>} : memref<1056xi32, #tpu.memory_space<vmem>>, vector<16xi32>, vector<16xi1>
        tpu.vector_store %arg14[%swap3A_810], %add3A_784 masked %or3A_809 {strides = array<i32>} : memref<1056xi32, #tpu.memory_space<vmem>>, vector<16xi32>, vector<16xi1>
        %all_reduce_population_count3A_812 = tpu.all_reduce %or3A_809 {dim = 0 : i64, kind = #tpu.reduction_kind<sum>} : vector<16xi1> -> vector<16xi32>
        %slice3A_813 = vector.extract_strided_slice %all_reduce_population_count3A_812 {offsets = [0], sizes = [1], strides = [1]} : vector<16xi32> to vector<1xi32>
        %squeeze3A_814 = vector.extract %slice3A_813[0] : i32 from vector<1xi32>
        %add3A_815 = arith.addi %add3A_777, %squeeze3A_814 : i32
        %scan3A_816 = arith.constant 6 : i32
        %scan3A_817 = arith.addi %scan3A_594, %scan3A_816 : i32
        %broadcast_in_dim3A_818 = arith.constant 16 : i32
        %broadcast_in_dim3A_819 = vector.broadcast %broadcast_in_dim3A_818 : i32 to vector<16xi32>
        %mul3A_820 = vector.broadcast %scan3A_817 : i32 to vector<16xi32>
        %mul3A_821 = arith.muli %mul3A_820, %broadcast_in_dim3A_819 : vector<16xi32>
        %add3A_822 = arith.addi %mul3A_821, %iota3A : vector<16xi32>
        %mul3A_823 = arith.constant 16 : i32
        %mul3A_824 = arith.muli %scan3A_817, %mul3A_823 : i32
        %get3A_825 = arith.constant 0 : i32
        %get3A_826 = arith.index_cast %rem3A_500 : i32 to index
        %get3A_827 = arith.index_cast %get3A_825 : i32 to index
        %get3A_828 = arith.index_cast %mul3A_824 : i32 to index
        %get3A_829 = tpu.vector_load %arg11[%get3A_826, %get3A_827, %get3A_828] {strides = array<i32>} : memref<2x4x1024xf32, #tpu.memory_space<vmem>>, vector<16xf32>,
        %mul3A_830 = arith.constant 16 : i32
        %mul3A_831 = arith.muli %scan3A_817, %mul3A_830 : i32
        %get3A_832 = arith.constant 2 : i32
        %get3A_833 = arith.index_cast %rem3A_500 : i32 to index
        %get3A_834 = arith.index_cast %get3A_832 : i32 to index
        %get3A_835 = arith.index_cast %mul3A_831 : i32 to index
        %get3A_836 = tpu.vector_load %arg11[%get3A_833, %get3A_834, %get3A_835] {strides = array<i32>} : memref<2x4x1024xf32, #tpu.memory_space<vmem>>, vector<16xf32>,
        %sub3A_837 = arith.subf %get3A_829, %get3A_3 : vector<16xf32>
        %mul3A_838 = arith.mulf %sub3A_837, %broadcast_in_dim3A_26 : vector<16xf32>
        %ge3A_839 = arith.cmpf oge, %mul3A_838, %sub3A : vector<16xf32>
        %le3A_840 = arith.cmpf ole, %mul3A_838, %add3A_20 : vector<16xf32>
        %and3A_841 = arith.andi %ge3A_839, %le3A_840 : vector<16xi1>
        %sub3A_842 = arith.subf %get3A_836, %get3A_3 : vector<16xf32>
        %mul3A_843 = arith.mulf %sub3A_842, %broadcast_in_dim3A_26 : vector<16xf32>
        %ge3A_844 = arith.cmpf oge, %mul3A_843, %sub3A : vector<16xf32>
        %le3A_845 = arith.cmpf ole, %mul3A_843, %add3A_20 : vector<16xf32>
        %and3A_846 = arith.andi %ge3A_844, %le3A_845 : vector<16xi1>
        %or3A_847 = arith.ori %and3A_841, %and3A_846 : vector<16xi1>
        %swap3A_848 = arith.index_cast %add3A_815 : i32 to index
        %swap3A_849 = tpu.vector_load %arg14[%swap3A_848] masked %or3A_847 {strides = array<i32>} : memref<1056xi32, #tpu.memory_space<vmem>>, vector<16xi32>, vector<16xi1>
        tpu.vector_store %arg14[%swap3A_848], %add3A_822 masked %or3A_847 {strides = array<i32>} : memref<1056xi32, #tpu.memory_space<vmem>>, vector<16xi32>, vector<16xi1>
        %all_reduce_population_count3A_850 = tpu.all_reduce %or3A_847 {dim = 0 : i64, kind = #tpu.reduction_kind<sum>} : vector<16xi1> -> vector<16xi32>
        %slice3A_851 = vector.extract_strided_slice %all_reduce_population_count3A_850 {offsets = [0], sizes = [1], strides = [1]} : vector<16xi32> to vector<1xi32>
        %squeeze3A_852 = vector.extract %slice3A_851[0] : i32 from vector<1xi32>
        %add3A_853 = arith.addi %add3A_815, %squeeze3A_852 : i32
        %scan3A_854 = arith.constant 7 : i32
        %scan3A_855 = arith.addi %scan3A_594, %scan3A_854 : i32
        %broadcast_in_dim3A_856 = arith.constant 16 : i32
        %broadcast_in_dim3A_857 = vector.broadcast %broadcast_in_dim3A_856 : i32 to vector<16xi32>
        %mul3A_858 = vector.broadcast %scan3A_855 : i32 to vector<16xi32>
        %mul3A_859 = arith.muli %mul3A_858, %broadcast_in_dim3A_857 : vector<16xi32>
        %add3A_860 = arith.addi %mul3A_859, %iota3A : vector<16xi32>
        %mul3A_861 = arith.constant 16 : i32
        %mul3A_862 = arith.muli %scan3A_855, %mul3A_861 : i32
        %get3A_863 = arith.constant 0 : i32
        %get3A_864 = arith.index_cast %rem3A_500 : i32 to index
        %get3A_865 = arith.index_cast %get3A_863 : i32 to index
        %get3A_866 = arith.index_cast %mul3A_862 : i32 to index
        %get3A_867 = tpu.vector_load %arg11[%get3A_864, %get3A_865, %get3A_866] {strides = array<i32>} : memref<2x4x1024xf32, #tpu.memory_space<vmem>>, vector<16xf32>,
        %mul3A_868 = arith.constant 16 : i32
        %mul3A_869 = arith.muli %scan3A_855, %mul3A_868 : i32
        %get3A_870 = arith.constant 2 : i32
        %get3A_871 = arith.index_cast %rem3A_500 : i32 to index
        %get3A_872 = arith.index_cast %get3A_870 : i32 to index
        %get3A_873 = arith.index_cast %mul3A_869 : i32 to index
        %get3A_874 = tpu.vector_load %arg11[%get3A_871, %get3A_872, %get3A_873] {strides = array<i32>} : memref<2x4x1024xf32, #tpu.memory_space<vmem>>, vector<16xf32>,
        %sub3A_875 = arith.subf %get3A_867, %get3A_3 : vector<16xf32>
        %mul3A_876 = arith.mulf %sub3A_875, %broadcast_in_dim3A_26 : vector<16xf32>
        %ge3A_877 = arith.cmpf oge, %mul3A_876, %sub3A : vector<16xf32>
        %le3A_878 = arith.cmpf ole, %mul3A_876, %add3A_20 : vector<16xf32>
        %and3A_879 = arith.andi %ge3A_877, %le3A_878 : vector<16xi1>
        %sub3A_880 = arith.subf %get3A_874, %get3A_3 : vector<16xf32>
        %mul3A_881 = arith.mulf %sub3A_880, %broadcast_in_dim3A_26 : vector<16xf32>
        %ge3A_882 = arith.cmpf oge, %mul3A_881, %sub3A : vector<16xf32>
        %le3A_883 = arith.cmpf ole, %mul3A_881, %add3A_20 : vector<16xf32>
        %and3A_884 = arith.andi %ge3A_882, %le3A_883 : vector<16xi1>
        %or3A_885 = arith.ori %and3A_879, %and3A_884 : vector<16xi1>
        %swap3A_886 = arith.index_cast %add3A_853 : i32 to index
        %swap3A_887 = tpu.vector_load %arg14[%swap3A_886] masked %or3A_885 {strides = array<i32>} : memref<1056xi32, #tpu.memory_space<vmem>>, vector<16xi32>, vector<16xi1>
        tpu.vector_store %arg14[%swap3A_886], %add3A_860 masked %or3A_885 {strides = array<i32>} : memref<1056xi32, #tpu.memory_space<vmem>>, vector<16xi32>, vector<16xi1>
        %all_reduce_population_count3A_888 = tpu.all_reduce %or3A_885 {dim = 0 : i64, kind = #tpu.reduction_kind<sum>} : vector<16xi1> -> vector<16xi32>
        %slice3A_889 = vector.extract_strided_slice %all_reduce_population_count3A_888 {offsets = [0], sizes = [1], strides = [1]} : vector<16xi32> to vector<1xi32>
        %squeeze3A_890 = vector.extract %slice3A_889[0] : i32 from vector<1xi32>
        %add3A_891 = arith.addi %add3A_853, %squeeze3A_890 : i32
        scf.yield %add3A_891 : i32
      }
      %scan3A_560 = arith.constant 64 : i32
      %add3A_561 = arith.constant 31 : i32
      %add3A_562 = arith.addi %scan3A_559, %add3A_561 : i32
      %jit3A = arith.constant 32 : i32
      %div3A = arith.divsi %add3A_562, %jit3A : i32
      %sign3A = arith.constant 0 : i32
      %sign3A_563 = arith.cmpi sgt, %add3A_562, %sign3A : i32
      %sign3A_564 = arith.extui %sign3A_563 : i1 to i32
      %sign3A_565 = arith.constant 0 : i32
      %sign3A_566 = arith.cmpi slt, %add3A_562, %sign3A_565 : i32
      %sign3A_567 = arith.extui %sign3A_566 : i1 to i32
      %sign3A_568 = arith.subi %sign3A_564, %sign3A_567 : i32
      %sign3A_569 = arith.constant 0 : i32
      %sign3A_570 = arith.cmpi sgt, %jit3A, %sign3A_569 : i32
      %sign3A_571 = arith.extui %sign3A_570 : i1 to i32
      %sign3A_572 = arith.constant 0 : i32
      %sign3A_573 = arith.cmpi slt, %jit3A, %sign3A_572 : i32
      %sign3A_574 = arith.extui %sign3A_573 : i1 to i32
      %sign3A_575 = arith.subi %sign3A_571, %sign3A_574 : i32
      %ne3A = arith.cmpi ne, %sign3A_568, %sign3A_575 : i32
      %rem3A_576 = arith.remsi %add3A_562, %jit3A : i32
      %ne3A_577 = arith.constant 0 : i32
      %ne3A_578 = arith.cmpi ne, %rem3A_576, %ne3A_577 : i32
      %and3A = arith.andi %ne3A, %ne3A_578 : i1
      %sub3A_579 = arith.constant 1 : i32
      %sub3A_580 = arith.subi %div3A, %sub3A_579 : i32
      %select_n3A = arith.select %and3A, %sub3A_580, %div3A : i32
      %broadcast_in_dim3A_581 = vector.broadcast %scan3A_559 : i32 to vector<16xi32>
      %while3A = arith.constant 0 : i32
      %while3A_582 = arith.constant 0 : i32
      %while3A_583 = arith.subi %select_n3A, %while3A : i32
      %while3A_584 = arith.addi %while3A, %while3A_583 : i32
      %while3A_585 = arith.constant 1 : i32
      %while3A_586 = arith.divsi %while3A_583, %while3A_585 : i32
      %while3A_587 = arith.muli %while3A_586, %while3A_585 : i32
      %while3A_588 = arith.addi %while3A, %while3A_587 : i32
      %while3A_589 = arith.constant 1 : i32
      %while3A_590 = scf.for %while3A_594 = %while3A to %while3A_588 step %while3A_589 iter_args(%while3A_595 = %while3A_582) -> (i32)  : i32 {
        %broadcast_in_dim3A_596 = arith.constant 32 : i32
        %broadcast_in_dim3A_597 = vector.broadcast %broadcast_in_dim3A_596 : i32 to vector<16xi32>
        %mul3A_598 = vector.broadcast %while3A_594 : i32 to vector<16xi32>
        %mul3A_599 = arith.muli %mul3A_598, %broadcast_in_dim3A_597 : vector<16xi32>
        %broadcast_in_dim3A_600 = arith.constant 0 : i32
        %broadcast_in_dim3A_601 = vector.broadcast %broadcast_in_dim3A_600 : i32 to vector<16xi32>
        %add3A_602 = arith.addi %mul3A_599, %broadcast_in_dim3A_601 : vector<16xi32>
        %add3A_603 = arith.addi %add3A_602, %iota3A : vector<16xi32>
        %lt3A_604 = arith.cmpi slt, %add3A_603, %broadcast_in_dim3A_581 : vector<16xi32>
        %gather3A = tpu.vector_load_idx %arg14[%add3A_603] : memref<1056xi32, #tpu.memory_space<vmem>>[vector<16xi32>], vector<16xi32>,
        %gather3A_605 = arith.constant 0 : i32
        %gather3A_606 = arith.constant 0 : i32
        %gather3A_607 = tpu.memref_slice %arg11[%rem3A_500, %gather3A_605, %gather3A_606] : memref<2x4x1024xf32, #tpu.memory_space<vmem>> -> memref<1x1x1024xf32, #tpu.memory_space<vmem>>
        %gather3A_608 = tpu.memref_squeeze %gather3A_607 : memref<1x1x1024xf32, #tpu.memory_space<vmem>> -> memref<1024xf32, #tpu.memory_space<vmem>>
        %gather3A_609 = tpu.vector_load_idx %gather3A_608[%gather3A] : memref<1024xf32, #tpu.memory_space<vmem>>[vector<16xi32>], vector<16xf32>,
        %gather3A_610 = arith.constant 1 : i32
        %gather3A_611 = arith.constant 0 : i32
        %gather3A_612 = tpu.memref_slice %arg11[%rem3A_500, %gather3A_610, %gather3A_611] : memref<2x4x1024xf32, #tpu.memory_space<vmem>> -> memref<1x1x1024xf32, #tpu.memory_space<vmem>>
        %gather3A_613 = tpu.memref_squeeze %gather3A_612 : memref<1x1x1024xf32, #tpu.memory_space<vmem>> -> memref<1024xf32, #tpu.memory_space<vmem>>
        %gather3A_614 = tpu.vector_load_idx %gather3A_613[%gather3A] : memref<1024xf32, #tpu.memory_space<vmem>>[vector<16xi32>], vector<16xf32>,
        %gather3A_615 = arith.constant 2 : i32
        %gather3A_616 = arith.constant 0 : i32
        %gather3A_617 = tpu.memref_slice %arg11[%rem3A_500, %gather3A_615, %gather3A_616] : memref<2x4x1024xf32, #tpu.memory_space<vmem>> -> memref<1x1x1024xf32, #tpu.memory_space<vmem>>
        %gather3A_618 = tpu.memref_squeeze %gather3A_617 : memref<1x1x1024xf32, #tpu.memory_space<vmem>> -> memref<1024xf32, #tpu.memory_space<vmem>>
        %gather3A_619 = tpu.vector_load_idx %gather3A_618[%gather3A] : memref<1024xf32, #tpu.memory_space<vmem>>[vector<16xi32>], vector<16xf32>,
        %gather3A_620 = arith.constant 3 : i32
        %gather3A_621 = arith.constant 0 : i32
        %gather3A_622 = tpu.memref_slice %arg11[%rem3A_500, %gather3A_620, %gather3A_621] : memref<2x4x1024xf32, #tpu.memory_space<vmem>> -> memref<1x1x1024xf32, #tpu.memory_space<vmem>>
        %gather3A_623 = tpu.memref_squeeze %gather3A_622 : memref<1x1x1024xf32, #tpu.memory_space<vmem>> -> memref<1024xf32, #tpu.memory_space<vmem>>
        %gather3A_624 = tpu.vector_load_idx %gather3A_623[%gather3A] : memref<1024xf32, #tpu.memory_space<vmem>>[vector<16xi32>], vector<16xf32>,
        %sub3A_625 = arith.subf %gather3A_609, %get3A_3 : vector<16xf32>
        %broadcast_in_dim3A_626 = arith.constant 1.000000e+01 : f32
        %broadcast_in_dim3A_627 = vector.broadcast %broadcast_in_dim3A_626 : f32 to vector<16xf32>
        %div3A_628 = arith.divf %sub3A_625, %broadcast_in_dim3A_627 : vector<16xf32>
        %broadcast_in_dim3A_629 = arith.constant 5.120000e+02 : f32
        %broadcast_in_dim3A_630 = vector.broadcast %broadcast_in_dim3A_629 : f32 to vector<16xf32>
        %mul3A_631 = arith.mulf %div3A_628, %broadcast_in_dim3A_630 : vector<16xf32>
        %convert_element_type3A_632 = arith.fptosi %mul3A_631 : vector<16xf32> to vector<16xi32>
        %convert_element_type3A_633 = arith.sitofp %convert_element_type3A_632 : vector<16xi32> to vector<16xf32>
        %sub3A_634 = arith.subf %mul3A_631, %convert_element_type3A_633 : vector<16xf32>
        %broadcast_in_dim3A_635 = arith.constant 5.000000e-01 : f32
        %broadcast_in_dim3A_636 = vector.broadcast %broadcast_in_dim3A_635 : f32 to vector<16xf32>
        %gt3A = arith.cmpf ogt, %sub3A_634, %broadcast_in_dim3A_636 : vector<16xf32>
        %eq3A = arith.cmpf oeq, %sub3A_634, %broadcast_in_dim3A_636 : vector<16xf32>
        %broadcast_in_dim3A_637 = arith.constant 1 : i32
        %broadcast_in_dim3A_638 = vector.broadcast %broadcast_in_dim3A_637 : i32 to vector<16xi32>
        %and3A_639 = arith.andi %convert_element_type3A_632, %broadcast_in_dim3A_638 : vector<16xi32>
        %broadcast_in_dim3A_640 = arith.constant 1 : i32
        %broadcast_in_dim3A_641 = vector.broadcast %broadcast_in_dim3A_640 : i32 to vector<16xi32>
        %eq3A_642 = arith.cmpi eq, %and3A_639, %broadcast_in_dim3A_641 : vector<16xi32>
        %and3A_643 = arith.andi %eq3A, %eq3A_642 : vector<16xi1>
        %or3A = arith.ori %gt3A, %and3A_643 : vector<16xi1>
        %broadcast_in_dim3A_644 = arith.constant 1 : i32
        %broadcast_in_dim3A_645 = vector.broadcast %broadcast_in_dim3A_644 : i32 to vector<16xi32>
        %broadcast_in_dim3A_646 = arith.constant 0 : i32
        %broadcast_in_dim3A_647 = vector.broadcast %broadcast_in_dim3A_646 : i32 to vector<16xi32>
        %select_n3A_648 = arith.select %or3A, %broadcast_in_dim3A_645, %broadcast_in_dim3A_647 : vector<16xi1>, vector<16xi32>
        %add3A_649 = arith.addi %convert_element_type3A_632, %select_n3A_648 : vector<16xi32>
        %sub3A_650 = arith.subf %gather3A_614, %get3A_5 : vector<16xf32>
        %broadcast_in_dim3A_651 = arith.constant 1.000000e+01 : f32
        %broadcast_in_dim3A_652 = vector.broadcast %broadcast_in_dim3A_651 : f32 to vector<16xf32>
        %div3A_653 = arith.divf %sub3A_650, %broadcast_in_dim3A_652 : vector<16xf32>
        %broadcast_in_dim3A_654 = arith.constant 5.120000e+02 : f32
        %broadcast_in_dim3A_655 = vector.broadcast %broadcast_in_dim3A_654 : f32 to vector<16xf32>
        %mul3A_656 = arith.mulf %div3A_653, %broadcast_in_dim3A_655 : vector<16xf32>
        %convert_element_type3A_657 = arith.fptosi %mul3A_656 : vector<16xf32> to vector<16xi32>
        %convert_element_type3A_658 = arith.sitofp %convert_element_type3A_657 : vector<16xi32> to vector<16xf32>
        %sub3A_659 = arith.subf %mul3A_656, %convert_element_type3A_658 : vector<16xf32>
        %broadcast_in_dim3A_660 = arith.constant 5.000000e-01 : f32
        %broadcast_in_dim3A_661 = vector.broadcast %broadcast_in_dim3A_660 : f32 to vector<16xf32>
        %gt3A_662 = arith.cmpf ogt, %sub3A_659, %broadcast_in_dim3A_661 : vector<16xf32>
        %eq3A_663 = arith.cmpf oeq, %sub3A_659, %broadcast_in_dim3A_661 : vector<16xf32>
        %broadcast_in_dim3A_664 = arith.constant 1 : i32
        %broadcast_in_dim3A_665 = vector.broadcast %broadcast_in_dim3A_664 : i32 to vector<16xi32>
        %and3A_666 = arith.andi %convert_element_type3A_657, %broadcast_in_dim3A_665 : vector<16xi32>
        %broadcast_in_dim3A_667 = arith.constant 1 : i32
        %broadcast_in_dim3A_668 = vector.broadcast %broadcast_in_dim3A_667 : i32 to vector<16xi32>
        %eq3A_669 = arith.cmpi eq, %and3A_666, %broadcast_in_dim3A_668 : vector<16xi32>
        %and3A_670 = arith.andi %eq3A_663, %eq3A_669 : vector<16xi1>
        %or3A_671 = arith.ori %gt3A_662, %and3A_670 : vector<16xi1>
        %broadcast_in_dim3A_672 = arith.constant 1 : i32
        %broadcast_in_dim3A_673 = vector.broadcast %broadcast_in_dim3A_672 : i32 to vector<16xi32>
        %broadcast_in_dim3A_674 = arith.constant 0 : i32
        %broadcast_in_dim3A_675 = vector.broadcast %broadcast_in_dim3A_674 : i32 to vector<16xi32>
        %select_n3A_676 = arith.select %or3A_671, %broadcast_in_dim3A_673, %broadcast_in_dim3A_675 : vector<16xi1>, vector<16xi32>
        %add3A_677 = arith.addi %convert_element_type3A_657, %select_n3A_676 : vector<16xi32>
        %ge3A = arith.cmpi sge, %add3A_649, %broadcast_in_dim3A : vector<16xi32>
        %lt3A_678 = arith.cmpi slt, %add3A_649, %broadcast_in_dim3A_8 : vector<16xi32>
        %and3A_679 = arith.andi %ge3A, %lt3A_678 : vector<16xi1>
        %and3A_680 = arith.andi %add3A_649, %broadcast_in_dim3A_24 : vector<16xi32>
        %broadcast_in_dim3A_681 = arith.constant 9 : i32
        %broadcast_in_dim3A_682 = vector.broadcast %broadcast_in_dim3A_681 : i32 to vector<16xi32>
        %shift_left3A = arith.shli %and3A_680, %broadcast_in_dim3A_682 : vector<16xi32>
        %add3A_683 = arith.addi %shift_left3A, %add3A_677 : vector<16xi32>
        %sub3A_684 = arith.subf %gather3A_619, %get3A_3 : vector<16xf32>
        %broadcast_in_dim3A_685 = arith.constant 1.000000e+01 : f32
        %broadcast_in_dim3A_686 = vector.broadcast %broadcast_in_dim3A_685 : f32 to vector<16xf32>
        %div3A_687 = arith.divf %sub3A_684, %broadcast_in_dim3A_686 : vector<16xf32>
        %broadcast_in_dim3A_688 = arith.constant 5.120000e+02 : f32
        %broadcast_in_dim3A_689 = vector.broadcast %broadcast_in_dim3A_688 : f32 to vector<16xf32>
        %mul3A_690 = arith.mulf %div3A_687, %broadcast_in_dim3A_689 : vector<16xf32>
        %convert_element_type3A_691 = arith.fptosi %mul3A_690 : vector<16xf32> to vector<16xi32>
        %convert_element_type3A_692 = arith.sitofp %convert_element_type3A_691 : vector<16xi32> to vector<16xf32>
        %sub3A_693 = arith.subf %mul3A_690, %convert_element_type3A_692 : vector<16xf32>
        %broadcast_in_dim3A_694 = arith.constant 5.000000e-01 : f32
        %broadcast_in_dim3A_695 = vector.broadcast %broadcast_in_dim3A_694 : f32 to vector<16xf32>
        %gt3A_696 = arith.cmpf ogt, %sub3A_693, %broadcast_in_dim3A_695 : vector<16xf32>
        %eq3A_697 = arith.cmpf oeq, %sub3A_693, %broadcast_in_dim3A_695 : vector<16xf32>
        %broadcast_in_dim3A_698 = arith.constant 1 : i32
        %broadcast_in_dim3A_699 = vector.broadcast %broadcast_in_dim3A_698 : i32 to vector<16xi32>
        %and3A_700 = arith.andi %convert_element_type3A_691, %broadcast_in_dim3A_699 : vector<16xi32>
        %broadcast_in_dim3A_701 = arith.constant 1 : i32
        %broadcast_in_dim3A_702 = vector.broadcast %broadcast_in_dim3A_701 : i32 to vector<16xi32>
        %eq3A_703 = arith.cmpi eq, %and3A_700, %broadcast_in_dim3A_702 : vector<16xi32>
        %and3A_704 = arith.andi %eq3A_697, %eq3A_703 : vector<16xi1>
        %or3A_705 = arith.ori %gt3A_696, %and3A_704 : vector<16xi1>
        %broadcast_in_dim3A_706 = arith.constant 1 : i32
        %broadcast_in_dim3A_707 = vector.broadcast %broadcast_in_dim3A_706 : i32 to vector<16xi32>
        %broadcast_in_dim3A_708 = arith.constant 0 : i32
        %broadcast_in_dim3A_709 = vector.broadcast %broadcast_in_dim3A_708 : i32 to vector<16xi32>
        %select_n3A_710 = arith.select %or3A_705, %broadcast_in_dim3A_707, %broadcast_in_dim3A_709 : vector<16xi1>, vector<16xi32>
        %add3A_711 = arith.addi %convert_element_type3A_691, %select_n3A_710 : vector<16xi32>
        %sub3A_712 = arith.subf %gather3A_624, %get3A_5 : vector<16xf32>
        %broadcast_in_dim3A_713 = arith.constant 1.000000e+01 : f32
        %broadcast_in_dim3A_714 = vector.broadcast %broadcast_in_dim3A_713 : f32 to vector<16xf32>
        %div3A_715 = arith.divf %sub3A_712, %broadcast_in_dim3A_714 : vector<16xf32>
        %broadcast_in_dim3A_716 = arith.constant 5.120000e+02 : f32
        %broadcast_in_dim3A_717 = vector.broadcast %broadcast_in_dim3A_716 : f32 to vector<16xf32>
        %mul3A_718 = arith.mulf %div3A_715, %broadcast_in_dim3A_717 : vector<16xf32>
        %convert_element_type3A_719 = arith.fptosi %mul3A_718 : vector<16xf32> to vector<16xi32>
        %convert_element_type3A_720 = arith.sitofp %convert_element_type3A_719 : vector<16xi32> to vector<16xf32>
        %sub3A_721 = arith.subf %mul3A_718, %convert_element_type3A_720 : vector<16xf32>
        %broadcast_in_dim3A_722 = arith.constant 5.000000e-01 : f32
        %broadcast_in_dim3A_723 = vector.broadcast %broadcast_in_dim3A_722 : f32 to vector<16xf32>
        %gt3A_724 = arith.cmpf ogt, %sub3A_721, %broadcast_in_dim3A_723 : vector<16xf32>
        %eq3A_725 = arith.cmpf oeq, %sub3A_721, %broadcast_in_dim3A_723 : vector<16xf32>
        %broadcast_in_dim3A_726 = arith.constant 1 : i32
        %broadcast_in_dim3A_727 = vector.broadcast %broadcast_in_dim3A_726 : i32 to vector<16xi32>
        %and3A_728 = arith.andi %convert_element_type3A_719, %broadcast_in_dim3A_727 : vector<16xi32>
        %broadcast_in_dim3A_729 = arith.constant 1 : i32
        %broadcast_in_dim3A_730 = vector.broadcast %broadcast_in_dim3A_729 : i32 to vector<16xi32>
        %eq3A_731 = arith.cmpi eq, %and3A_728, %broadcast_in_dim3A_730 : vector<16xi32>
        %and3A_732 = arith.andi %eq3A_725, %eq3A_731 : vector<16xi1>
        %or3A_733 = arith.ori %gt3A_724, %and3A_732 : vector<16xi1>
        %broadcast_in_dim3A_734 = arith.constant 1 : i32
        %broadcast_in_dim3A_735 = vector.broadcast %broadcast_in_dim3A_734 : i32 to vector<16xi32>
        %broadcast_in_dim3A_736 = arith.constant 0 : i32
        %broadcast_in_dim3A_737 = vector.broadcast %broadcast_in_dim3A_736 : i32 to vector<16xi32>
        %select_n3A_738 = arith.select %or3A_733, %broadcast_in_dim3A_735, %broadcast_in_dim3A_737 : vector<16xi1>, vector<16xi32>
        %add3A_739 = arith.addi %convert_element_type3A_719, %select_n3A_738 : vector<16xi32>
        %ge3A_740 = arith.cmpi sge, %add3A_711, %broadcast_in_dim3A : vector<16xi32>
        %lt3A_741 = arith.cmpi slt, %add3A_711, %broadcast_in_dim3A_8 : vector<16xi32>
        %and3A_742 = arith.andi %ge3A_740, %lt3A_741 : vector<16xi1>
        %and3A_743 = arith.andi %add3A_711, %broadcast_in_dim3A_24 : vector<16xi32>
        %broadcast_in_dim3A_744 = arith.constant 9 : i32
        %broadcast_in_dim3A_745 = vector.broadcast %broadcast_in_dim3A_744 : i32 to vector<16xi32>
        %shift_left3A_746 = arith.shli %and3A_743, %broadcast_in_dim3A_745 : vector<16xi32>
        %add3A_747 = arith.addi %shift_left3A_746, %add3A_739 : vector<16xi32>
        %and3A_748 = arith.andi %and3A_679, %lt3A_604 : vector<16xi1>
        %and3A_749 = arith.andi %and3A_742, %lt3A_604 : vector<16xi1>
        %gather3A_750 = arith.constant 0 : i32
        %gather3A_751 = tpu.memref_slice %arg13[%rem3A_500, %gather3A_750] : memref<2x1024xi32, #tpu.memory_space<vmem>> -> memref<1x1024xi32, #tpu.memory_space<vmem>>
        %gather3A_752 = tpu.memref_squeeze %gather3A_751 : memref<1x1024xi32, #tpu.memory_space<vmem>> -> memref<1024xi32, #tpu.memory_space<vmem>>
        %gather3A_753 = tpu.vector_load_idx %gather3A_752[%gather3A] : memref<1024xi32, #tpu.memory_space<vmem>>[vector<16xi32>], vector<16xi32>,
        %gather3A_754 = arith.constant 0 : i32
        %gather3A_755 = arith.constant 0 : i32
        %gather3A_756 = tpu.memref_slice %arg12[%rem3A_500, %gather3A_754, %gather3A_755] : memref<2x5x1024xf32, #tpu.memory_space<vmem>> -> memref<1x1x1024xf32, #tpu.memory_space<vmem>>
        %gather3A_757 = tpu.memref_squeeze %gather3A_756 : memref<1x1x1024xf32, #tpu.memory_space<vmem>> -> memref<1024xf32, #tpu.memory_space<vmem>>
        %gather3A_758 = tpu.vector_load_idx %gather3A_757[%gather3A] : memref<1024xf32, #tpu.memory_space<vmem>>[vector<16xi32>], vector<16xf32>,
        %gather3A_759 = arith.constant 1 : i32
        %gather3A_760 = arith.constant 0 : i32
        %gather3A_761 = tpu.memref_slice %arg12[%rem3A_500, %gather3A_759, %gather3A_760] : memref<2x5x1024xf32, #tpu.memory_space<vmem>> -> memref<1x1x1024xf32, #tpu.memory_space<vmem>>
        %gather3A_762 = tpu.memref_squeeze %gather3A_761 : memref<1x1x1024xf32, #tpu.memory_space<vmem>> -> memref<1024xf32, #tpu.memory_space<vmem>>
        %gather3A_763 = tpu.vector_load_idx %gather3A_762[%gather3A] : memref<1024xf32, #tpu.memory_space<vmem>>[vector<16xi32>], vector<16xf32>,
        %broadcast_in_dim3A_764 = arith.constant 0 : i32
        %broadcast_in_dim3A_765 = vector.broadcast %broadcast_in_dim3A_764 : i32 to vector<16xi32>
        %eq3A_766 = arith.cmpi eq, %gather3A_753, %broadcast_in_dim3A_765 : vector<16xi32>
        %broadcast_in_dim3A_767 = arith.constant 0 : i32
        %broadcast_in_dim3A_768 = vector.broadcast %broadcast_in_dim3A_767 : i32 to vector<16xi32>
        %broadcast_in_dim3A_769 = arith.constant 32768 : i32
        %broadcast_in_dim3A_770 = vector.broadcast %broadcast_in_dim3A_769 : i32 to vector<16xi32>
        %select_n3A_771 = arith.select %eq3A_766, %broadcast_in_dim3A_768, %broadcast_in_dim3A_770 : vector<16xi1>, vector<16xi32>
        %add3A_772 = arith.addi %select_n3A_771, %add3A_683 : vector<16xi32>
        tpu.vector_store_idx %arg10[%add3A_772], %gather3A_758 masked %and3A_748 : memref<98304xf32, #tpu.memory_space<vmem>>[vector<16xi32>], vector<16xf32>, vector<16xi1>
        %broadcast_in_dim3A_773 = arith.constant 8192 : i32
        %broadcast_in_dim3A_774 = vector.broadcast %broadcast_in_dim3A_773 : i32 to vector<16xi32>
        %add3A_775 = arith.addi %select_n3A_771, %broadcast_in_dim3A_774 : vector<16xi32>
        %add3A_776 = arith.addi %add3A_775, %add3A_683 : vector<16xi32>
        tpu.vector_store_idx %arg10[%add3A_776], %gather3A_763 masked %and3A_748 : memref<98304xf32, #tpu.memory_space<vmem>>[vector<16xi32>], vector<16xf32>, vector<16xi1>
        %broadcast_in_dim3A_777 = arith.constant 16384 : i32
        %broadcast_in_dim3A_778 = vector.broadcast %broadcast_in_dim3A_777 : i32 to vector<16xi32>
        %broadcast_in_dim3A_779 = arith.constant 49152 : i32
        %broadcast_in_dim3A_780 = vector.broadcast %broadcast_in_dim3A_779 : i32 to vector<16xi32>
        %select_n3A_781 = arith.select %eq3A_766, %broadcast_in_dim3A_778, %broadcast_in_dim3A_780 : vector<16xi1>, vector<16xi32>
        %add3A_782 = arith.addi %select_n3A_781, %add3A_747 : vector<16xi32>
        tpu.vector_store_idx %arg10[%add3A_782], %gather3A_758 masked %and3A_749 : memref<98304xf32, #tpu.memory_space<vmem>>[vector<16xi32>], vector<16xf32>, vector<16xi1>
        %broadcast_in_dim3A_783 = arith.constant 8192 : i32
        %broadcast_in_dim3A_784 = vector.broadcast %broadcast_in_dim3A_783 : i32 to vector<16xi32>
        %add3A_785 = arith.addi %select_n3A_781, %broadcast_in_dim3A_784 : vector<16xi32>
        %add3A_786 = arith.addi %add3A_785, %add3A_747 : vector<16xi32>
        tpu.vector_store_idx %arg10[%add3A_786], %gather3A_763 masked %and3A_749 : memref<98304xf32, #tpu.memory_space<vmem>>[vector<16xi32>], vector<16xf32>, vector<16xi1>
        %broadcast_in_dim3A_787 = arith.constant 81920 : i32
        %broadcast_in_dim3A_788 = vector.broadcast %broadcast_in_dim3A_787 : i32 to vector<16xi32>
        %broadcast_in_dim3A_789 = arith.constant 90112 : i32
        %broadcast_in_dim3A_790 = vector.broadcast %broadcast_in_dim3A_789 : i32 to vector<16xi32>
        %select_n3A_791 = arith.select %eq3A_766, %broadcast_in_dim3A_788, %broadcast_in_dim3A_790 : vector<16xi1>, vector<16xi32>
        %add3A_792 = arith.addi %select_n3A_791, %add3A_683 : vector<16xi32>
        tpu.vector_store_idx %arg10[%add3A_792], %broadcast_in_dim3A_22 masked %and3A_748 : memref<98304xf32, #tpu.memory_space<vmem>>[vector<16xi32>], vector<16xf32>, vector<16xi1>
        %add3A_793 = arith.addi %select_n3A_791, %add3A_747 : vector<16xi32>
        tpu.vector_store_idx %arg10[%add3A_793], %broadcast_in_dim3A_22 masked %and3A_749 : memref<98304xf32, #tpu.memory_space<vmem>>[vector<16xi32>], vector<16xf32>, vector<16xi1>
        %broadcast_in_dim3A_794 = arith.constant 32 : i32
        %broadcast_in_dim3A_795 = vector.broadcast %broadcast_in_dim3A_794 : i32 to vector<16xi32>
        %mul3A_796 = vector.broadcast %while3A_594 : i32 to vector<16xi32>
        %mul3A_797 = arith.muli %mul3A_796, %broadcast_in_dim3A_795 : vector<16xi32>
        %broadcast_in_dim3A_798 = arith.constant 16 : i32
        %broadcast_in_dim3A_799 = vector.broadcast %broadcast_in_dim3A_798 : i32 to vector<16xi32>
        %add3A_800 = arith.addi %mul3A_797, %broadcast_in_dim3A_799 : vector<16xi32>
        %add3A_801 = arith.addi %add3A_800, %iota3A : vector<16xi32>
        %lt3A_802 = arith.cmpi slt, %add3A_801, %broadcast_in_dim3A_581 : vector<16xi32>
        %gather3A_803 = tpu.vector_load_idx %arg14[%add3A_801] : memref<1056xi32, #tpu.memory_space<vmem>>[vector<16xi32>], vector<16xi32>,
        %gather3A_804 = arith.constant 0 : i32
        %gather3A_805 = arith.constant 0 : i32
        %gather3A_806 = tpu.memref_slice %arg11[%rem3A_500, %gather3A_804, %gather3A_805] : memref<2x4x1024xf32, #tpu.memory_space<vmem>> -> memref<1x1x1024xf32, #tpu.memory_space<vmem>>
        %gather3A_807 = tpu.memref_squeeze %gather3A_806 : memref<1x1x1024xf32, #tpu.memory_space<vmem>> -> memref<1024xf32, #tpu.memory_space<vmem>>
        %gather3A_808 = tpu.vector_load_idx %gather3A_807[%gather3A_803] : memref<1024xf32, #tpu.memory_space<vmem>>[vector<16xi32>], vector<16xf32>,
        %gather3A_809 = arith.constant 1 : i32
        %gather3A_810 = arith.constant 0 : i32
        %gather3A_811 = tpu.memref_slice %arg11[%rem3A_500, %gather3A_809, %gather3A_810] : memref<2x4x1024xf32, #tpu.memory_space<vmem>> -> memref<1x1x1024xf32, #tpu.memory_space<vmem>>
        %gather3A_812 = tpu.memref_squeeze %gather3A_811 : memref<1x1x1024xf32, #tpu.memory_space<vmem>> -> memref<1024xf32, #tpu.memory_space<vmem>>
        %gather3A_813 = tpu.vector_load_idx %gather3A_812[%gather3A_803] : memref<1024xf32, #tpu.memory_space<vmem>>[vector<16xi32>], vector<16xf32>,
        %gather3A_814 = arith.constant 2 : i32
        %gather3A_815 = arith.constant 0 : i32
        %gather3A_816 = tpu.memref_slice %arg11[%rem3A_500, %gather3A_814, %gather3A_815] : memref<2x4x1024xf32, #tpu.memory_space<vmem>> -> memref<1x1x1024xf32, #tpu.memory_space<vmem>>
        %gather3A_817 = tpu.memref_squeeze %gather3A_816 : memref<1x1x1024xf32, #tpu.memory_space<vmem>> -> memref<1024xf32, #tpu.memory_space<vmem>>
        %gather3A_818 = tpu.vector_load_idx %gather3A_817[%gather3A_803] : memref<1024xf32, #tpu.memory_space<vmem>>[vector<16xi32>], vector<16xf32>,
        %gather3A_819 = arith.constant 3 : i32
        %gather3A_820 = arith.constant 0 : i32
        %gather3A_821 = tpu.memref_slice %arg11[%rem3A_500, %gather3A_819, %gather3A_820] : memref<2x4x1024xf32, #tpu.memory_space<vmem>> -> memref<1x1x1024xf32, #tpu.memory_space<vmem>>
        %gather3A_822 = tpu.memref_squeeze %gather3A_821 : memref<1x1x1024xf32, #tpu.memory_space<vmem>> -> memref<1024xf32, #tpu.memory_space<vmem>>
        %gather3A_823 = tpu.vector_load_idx %gather3A_822[%gather3A_803] : memref<1024xf32, #tpu.memory_space<vmem>>[vector<16xi32>], vector<16xf32>,
        %sub3A_824 = arith.subf %gather3A_808, %get3A_3 : vector<16xf32>
        %broadcast_in_dim3A_825 = arith.constant 1.000000e+01 : f32
        %broadcast_in_dim3A_826 = vector.broadcast %broadcast_in_dim3A_825 : f32 to vector<16xf32>
        %div3A_827 = arith.divf %sub3A_824, %broadcast_in_dim3A_826 : vector<16xf32>
        %broadcast_in_dim3A_828 = arith.constant 5.120000e+02 : f32
        %broadcast_in_dim3A_829 = vector.broadcast %broadcast_in_dim3A_828 : f32 to vector<16xf32>
        %mul3A_830 = arith.mulf %div3A_827, %broadcast_in_dim3A_829 : vector<16xf32>
        %convert_element_type3A_831 = arith.fptosi %mul3A_830 : vector<16xf32> to vector<16xi32>
        %convert_element_type3A_832 = arith.sitofp %convert_element_type3A_831 : vector<16xi32> to vector<16xf32>
        %sub3A_833 = arith.subf %mul3A_830, %convert_element_type3A_832 : vector<16xf32>
        %broadcast_in_dim3A_834 = arith.constant 5.000000e-01 : f32
        %broadcast_in_dim3A_835 = vector.broadcast %broadcast_in_dim3A_834 : f32 to vector<16xf32>
        %gt3A_836 = arith.cmpf ogt, %sub3A_833, %broadcast_in_dim3A_835 : vector<16xf32>
        %eq3A_837 = arith.cmpf oeq, %sub3A_833, %broadcast_in_dim3A_835 : vector<16xf32>
        %broadcast_in_dim3A_838 = arith.constant 1 : i32
        %broadcast_in_dim3A_839 = vector.broadcast %broadcast_in_dim3A_838 : i32 to vector<16xi32>
        %and3A_840 = arith.andi %convert_element_type3A_831, %broadcast_in_dim3A_839 : vector<16xi32>
        %broadcast_in_dim3A_841 = arith.constant 1 : i32
        %broadcast_in_dim3A_842 = vector.broadcast %broadcast_in_dim3A_841 : i32 to vector<16xi32>
        %eq3A_843 = arith.cmpi eq, %and3A_840, %broadcast_in_dim3A_842 : vector<16xi32>
        %and3A_844 = arith.andi %eq3A_837, %eq3A_843 : vector<16xi1>
        %or3A_845 = arith.ori %gt3A_836, %and3A_844 : vector<16xi1>
        %broadcast_in_dim3A_846 = arith.constant 1 : i32
        %broadcast_in_dim3A_847 = vector.broadcast %broadcast_in_dim3A_846 : i32 to vector<16xi32>
        %broadcast_in_dim3A_848 = arith.constant 0 : i32
        %broadcast_in_dim3A_849 = vector.broadcast %broadcast_in_dim3A_848 : i32 to vector<16xi32>
        %select_n3A_850 = arith.select %or3A_845, %broadcast_in_dim3A_847, %broadcast_in_dim3A_849 : vector<16xi1>, vector<16xi32>
        %add3A_851 = arith.addi %convert_element_type3A_831, %select_n3A_850 : vector<16xi32>
        %sub3A_852 = arith.subf %gather3A_813, %get3A_5 : vector<16xf32>
        %broadcast_in_dim3A_853 = arith.constant 1.000000e+01 : f32
        %broadcast_in_dim3A_854 = vector.broadcast %broadcast_in_dim3A_853 : f32 to vector<16xf32>
        %div3A_855 = arith.divf %sub3A_852, %broadcast_in_dim3A_854 : vector<16xf32>
        %broadcast_in_dim3A_856 = arith.constant 5.120000e+02 : f32
        %broadcast_in_dim3A_857 = vector.broadcast %broadcast_in_dim3A_856 : f32 to vector<16xf32>
        %mul3A_858 = arith.mulf %div3A_855, %broadcast_in_dim3A_857 : vector<16xf32>
        %convert_element_type3A_859 = arith.fptosi %mul3A_858 : vector<16xf32> to vector<16xi32>
        %convert_element_type3A_860 = arith.sitofp %convert_element_type3A_859 : vector<16xi32> to vector<16xf32>
        %sub3A_861 = arith.subf %mul3A_858, %convert_element_type3A_860 : vector<16xf32>
        %broadcast_in_dim3A_862 = arith.constant 5.000000e-01 : f32
        %broadcast_in_dim3A_863 = vector.broadcast %broadcast_in_dim3A_862 : f32 to vector<16xf32>
        %gt3A_864 = arith.cmpf ogt, %sub3A_861, %broadcast_in_dim3A_863 : vector<16xf32>
        %eq3A_865 = arith.cmpf oeq, %sub3A_861, %broadcast_in_dim3A_863 : vector<16xf32>
        %broadcast_in_dim3A_866 = arith.constant 1 : i32
        %broadcast_in_dim3A_867 = vector.broadcast %broadcast_in_dim3A_866 : i32 to vector<16xi32>
        %and3A_868 = arith.andi %convert_element_type3A_859, %broadcast_in_dim3A_867 : vector<16xi32>
        %broadcast_in_dim3A_869 = arith.constant 1 : i32
        %broadcast_in_dim3A_870 = vector.broadcast %broadcast_in_dim3A_869 : i32 to vector<16xi32>
        %eq3A_871 = arith.cmpi eq, %and3A_868, %broadcast_in_dim3A_870 : vector<16xi32>
        %and3A_872 = arith.andi %eq3A_865, %eq3A_871 : vector<16xi1>
        %or3A_873 = arith.ori %gt3A_864, %and3A_872 : vector<16xi1>
        %broadcast_in_dim3A_874 = arith.constant 1 : i32
        %broadcast_in_dim3A_875 = vector.broadcast %broadcast_in_dim3A_874 : i32 to vector<16xi32>
        %broadcast_in_dim3A_876 = arith.constant 0 : i32
        %broadcast_in_dim3A_877 = vector.broadcast %broadcast_in_dim3A_876 : i32 to vector<16xi32>
        %select_n3A_878 = arith.select %or3A_873, %broadcast_in_dim3A_875, %broadcast_in_dim3A_877 : vector<16xi1>, vector<16xi32>
        %add3A_879 = arith.addi %convert_element_type3A_859, %select_n3A_878 : vector<16xi32>
        %ge3A_880 = arith.cmpi sge, %add3A_851, %broadcast_in_dim3A : vector<16xi32>
        %lt3A_881 = arith.cmpi slt, %add3A_851, %broadcast_in_dim3A_8 : vector<16xi32>
        %and3A_882 = arith.andi %ge3A_880, %lt3A_881 : vector<16xi1>
        %and3A_883 = arith.andi %add3A_851, %broadcast_in_dim3A_24 : vector<16xi32>
        %broadcast_in_dim3A_884 = arith.constant 9 : i32
        %broadcast_in_dim3A_885 = vector.broadcast %broadcast_in_dim3A_884 : i32 to vector<16xi32>
        %shift_left3A_886 = arith.shli %and3A_883, %broadcast_in_dim3A_885 : vector<16xi32>
        %add3A_887 = arith.addi %shift_left3A_886, %add3A_879 : vector<16xi32>
        %sub3A_888 = arith.subf %gather3A_818, %get3A_3 : vector<16xf32>
        %broadcast_in_dim3A_889 = arith.constant 1.000000e+01 : f32
        %broadcast_in_dim3A_890 = vector.broadcast %broadcast_in_dim3A_889 : f32 to vector<16xf32>
        %div3A_891 = arith.divf %sub3A_888, %broadcast_in_dim3A_890 : vector<16xf32>
        %broadcast_in_dim3A_892 = arith.constant 5.120000e+02 : f32
        %broadcast_in_dim3A_893 = vector.broadcast %broadcast_in_dim3A_892 : f32 to vector<16xf32>
        %mul3A_894 = arith.mulf %div3A_891, %broadcast_in_dim3A_893 : vector<16xf32>
        %convert_element_type3A_895 = arith.fptosi %mul3A_894 : vector<16xf32> to vector<16xi32>
        %convert_element_type3A_896 = arith.sitofp %convert_element_type3A_895 : vector<16xi32> to vector<16xf32>
        %sub3A_897 = arith.subf %mul3A_894, %convert_element_type3A_896 : vector<16xf32>
        %broadcast_in_dim3A_898 = arith.constant 5.000000e-01 : f32
        %broadcast_in_dim3A_899 = vector.broadcast %broadcast_in_dim3A_898 : f32 to vector<16xf32>
        %gt3A_900 = arith.cmpf ogt, %sub3A_897, %broadcast_in_dim3A_899 : vector<16xf32>
        %eq3A_901 = arith.cmpf oeq, %sub3A_897, %broadcast_in_dim3A_899 : vector<16xf32>
        %broadcast_in_dim3A_902 = arith.constant 1 : i32
        %broadcast_in_dim3A_903 = vector.broadcast %broadcast_in_dim3A_902 : i32 to vector<16xi32>
        %and3A_904 = arith.andi %convert_element_type3A_895, %broadcast_in_dim3A_903 : vector<16xi32>
        %broadcast_in_dim3A_905 = arith.constant 1 : i32
        %broadcast_in_dim3A_906 = vector.broadcast %broadcast_in_dim3A_905 : i32 to vector<16xi32>
        %eq3A_907 = arith.cmpi eq, %and3A_904, %broadcast_in_dim3A_906 : vector<16xi32>
        %and3A_908 = arith.andi %eq3A_901, %eq3A_907 : vector<16xi1>
        %or3A_909 = arith.ori %gt3A_900, %and3A_908 : vector<16xi1>
        %broadcast_in_dim3A_910 = arith.constant 1 : i32
        %broadcast_in_dim3A_911 = vector.broadcast %broadcast_in_dim3A_910 : i32 to vector<16xi32>
        %broadcast_in_dim3A_912 = arith.constant 0 : i32
        %broadcast_in_dim3A_913 = vector.broadcast %broadcast_in_dim3A_912 : i32 to vector<16xi32>
        %select_n3A_914 = arith.select %or3A_909, %broadcast_in_dim3A_911, %broadcast_in_dim3A_913 : vector<16xi1>, vector<16xi32>
        %add3A_915 = arith.addi %convert_element_type3A_895, %select_n3A_914 : vector<16xi32>
        %sub3A_916 = arith.subf %gather3A_823, %get3A_5 : vector<16xf32>
        %broadcast_in_dim3A_917 = arith.constant 1.000000e+01 : f32
        %broadcast_in_dim3A_918 = vector.broadcast %broadcast_in_dim3A_917 : f32 to vector<16xf32>
        %div3A_919 = arith.divf %sub3A_916, %broadcast_in_dim3A_918 : vector<16xf32>
        %broadcast_in_dim3A_920 = arith.constant 5.120000e+02 : f32
        %broadcast_in_dim3A_921 = vector.broadcast %broadcast_in_dim3A_920 : f32 to vector<16xf32>
        %mul3A_922 = arith.mulf %div3A_919, %broadcast_in_dim3A_921 : vector<16xf32>
        %convert_element_type3A_923 = arith.fptosi %mul3A_922 : vector<16xf32> to vector<16xi32>
        %convert_element_type3A_924 = arith.sitofp %convert_element_type3A_923 : vector<16xi32> to vector<16xf32>
        %sub3A_925 = arith.subf %mul3A_922, %convert_element_type3A_924 : vector<16xf32>
        %broadcast_in_dim3A_926 = arith.constant 5.000000e-01 : f32
        %broadcast_in_dim3A_927 = vector.broadcast %broadcast_in_dim3A_926 : f32 to vector<16xf32>
        %gt3A_928 = arith.cmpf ogt, %sub3A_925, %broadcast_in_dim3A_927 : vector<16xf32>
        %eq3A_929 = arith.cmpf oeq, %sub3A_925, %broadcast_in_dim3A_927 : vector<16xf32>
        %broadcast_in_dim3A_930 = arith.constant 1 : i32
        %broadcast_in_dim3A_931 = vector.broadcast %broadcast_in_dim3A_930 : i32 to vector<16xi32>
        %and3A_932 = arith.andi %convert_element_type3A_923, %broadcast_in_dim3A_931 : vector<16xi32>
        %broadcast_in_dim3A_933 = arith.constant 1 : i32
        %broadcast_in_dim3A_934 = vector.broadcast %broadcast_in_dim3A_933 : i32 to vector<16xi32>
        %eq3A_935 = arith.cmpi eq, %and3A_932, %broadcast_in_dim3A_934 : vector<16xi32>
        %and3A_936 = arith.andi %eq3A_929, %eq3A_935 : vector<16xi1>
        %or3A_937 = arith.ori %gt3A_928, %and3A_936 : vector<16xi1>
        %broadcast_in_dim3A_938 = arith.constant 1 : i32
        %broadcast_in_dim3A_939 = vector.broadcast %broadcast_in_dim3A_938 : i32 to vector<16xi32>
        %broadcast_in_dim3A_940 = arith.constant 0 : i32
        %broadcast_in_dim3A_941 = vector.broadcast %broadcast_in_dim3A_940 : i32 to vector<16xi32>
        %select_n3A_942 = arith.select %or3A_937, %broadcast_in_dim3A_939, %broadcast_in_dim3A_941 : vector<16xi1>, vector<16xi32>
        %add3A_943 = arith.addi %convert_element_type3A_923, %select_n3A_942 : vector<16xi32>
        %ge3A_944 = arith.cmpi sge, %add3A_915, %broadcast_in_dim3A : vector<16xi32>
        %lt3A_945 = arith.cmpi slt, %add3A_915, %broadcast_in_dim3A_8 : vector<16xi32>
        %and3A_946 = arith.andi %ge3A_944, %lt3A_945 : vector<16xi1>
        %and3A_947 = arith.andi %add3A_915, %broadcast_in_dim3A_24 : vector<16xi32>
        %broadcast_in_dim3A_948 = arith.constant 9 : i32
        %broadcast_in_dim3A_949 = vector.broadcast %broadcast_in_dim3A_948 : i32 to vector<16xi32>
        %shift_left3A_950 = arith.shli %and3A_947, %broadcast_in_dim3A_949 : vector<16xi32>
        %add3A_951 = arith.addi %shift_left3A_950, %add3A_943 : vector<16xi32>
        %and3A_952 = arith.andi %and3A_882, %lt3A_802 : vector<16xi1>
        %and3A_953 = arith.andi %and3A_946, %lt3A_802 : vector<16xi1>
        %gather3A_954 = arith.constant 0 : i32
        %gather3A_955 = tpu.memref_slice %arg13[%rem3A_500, %gather3A_954] : memref<2x1024xi32, #tpu.memory_space<vmem>> -> memref<1x1024xi32, #tpu.memory_space<vmem>>
        %gather3A_956 = tpu.memref_squeeze %gather3A_955 : memref<1x1024xi32, #tpu.memory_space<vmem>> -> memref<1024xi32, #tpu.memory_space<vmem>>
        %gather3A_957 = tpu.vector_load_idx %gather3A_956[%gather3A_803] : memref<1024xi32, #tpu.memory_space<vmem>>[vector<16xi32>], vector<16xi32>,
        %gather3A_958 = arith.constant 0 : i32
        %gather3A_959 = arith.constant 0 : i32
        %gather3A_960 = tpu.memref_slice %arg12[%rem3A_500, %gather3A_958, %gather3A_959] : memref<2x5x1024xf32, #tpu.memory_space<vmem>> -> memref<1x1x1024xf32, #tpu.memory_space<vmem>>
        %gather3A_961 = tpu.memref_squeeze %gather3A_960 : memref<1x1x1024xf32, #tpu.memory_space<vmem>> -> memref<1024xf32, #tpu.memory_space<vmem>>
        %gather3A_962 = tpu.vector_load_idx %gather3A_961[%gather3A_803] : memref<1024xf32, #tpu.memory_space<vmem>>[vector<16xi32>], vector<16xf32>,
        %gather3A_963 = arith.constant 1 : i32
        %gather3A_964 = arith.constant 0 : i32
        %gather3A_965 = tpu.memref_slice %arg12[%rem3A_500, %gather3A_963, %gather3A_964] : memref<2x5x1024xf32, #tpu.memory_space<vmem>> -> memref<1x1x1024xf32, #tpu.memory_space<vmem>>
        %gather3A_966 = tpu.memref_squeeze %gather3A_965 : memref<1x1x1024xf32, #tpu.memory_space<vmem>> -> memref<1024xf32, #tpu.memory_space<vmem>>
        %gather3A_967 = tpu.vector_load_idx %gather3A_966[%gather3A_803] : memref<1024xf32, #tpu.memory_space<vmem>>[vector<16xi32>], vector<16xf32>,
        %broadcast_in_dim3A_968 = arith.constant 0 : i32
        %broadcast_in_dim3A_969 = vector.broadcast %broadcast_in_dim3A_968 : i32 to vector<16xi32>
        %eq3A_970 = arith.cmpi eq, %gather3A_957, %broadcast_in_dim3A_969 : vector<16xi32>
        %broadcast_in_dim3A_971 = arith.constant 0 : i32
        %broadcast_in_dim3A_972 = vector.broadcast %broadcast_in_dim3A_971 : i32 to vector<16xi32>
        %broadcast_in_dim3A_973 = arith.constant 32768 : i32
        %broadcast_in_dim3A_974 = vector.broadcast %broadcast_in_dim3A_973 : i32 to vector<16xi32>
        %select_n3A_975 = arith.select %eq3A_970, %broadcast_in_dim3A_972, %broadcast_in_dim3A_974 : vector<16xi1>, vector<16xi32>
        %add3A_976 = arith.addi %select_n3A_975, %add3A_887 : vector<16xi32>
        tpu.vector_store_idx %arg10[%add3A_976], %gather3A_962 masked %and3A_952 : memref<98304xf32, #tpu.memory_space<vmem>>[vector<16xi32>], vector<16xf32>, vector<16xi1>
        %broadcast_in_dim3A_977 = arith.constant 8192 : i32
        %broadcast_in_dim3A_978 = vector.broadcast %broadcast_in_dim3A_977 : i32 to vector<16xi32>
        %add3A_979 = arith.addi %select_n3A_975, %broadcast_in_dim3A_978 : vector<16xi32>
        %add3A_980 = arith.addi %add3A_979, %add3A_887 : vector<16xi32>
        tpu.vector_store_idx %arg10[%add3A_980], %gather3A_967 masked %and3A_952 : memref<98304xf32, #tpu.memory_space<vmem>>[vector<16xi32>], vector<16xf32>, vector<16xi1>
        %broadcast_in_dim3A_981 = arith.constant 16384 : i32
        %broadcast_in_dim3A_982 = vector.broadcast %broadcast_in_dim3A_981 : i32 to vector<16xi32>
        %broadcast_in_dim3A_983 = arith.constant 49152 : i32
        %broadcast_in_dim3A_984 = vector.broadcast %broadcast_in_dim3A_983 : i32 to vector<16xi32>
        %select_n3A_985 = arith.select %eq3A_970, %broadcast_in_dim3A_982, %broadcast_in_dim3A_984 : vector<16xi1>, vector<16xi32>
        %add3A_986 = arith.addi %select_n3A_985, %add3A_951 : vector<16xi32>
        tpu.vector_store_idx %arg10[%add3A_986], %gather3A_962 masked %and3A_953 : memref<98304xf32, #tpu.memory_space<vmem>>[vector<16xi32>], vector<16xf32>, vector<16xi1>
        %broadcast_in_dim3A_987 = arith.constant 8192 : i32
        %broadcast_in_dim3A_988 = vector.broadcast %broadcast_in_dim3A_987 : i32 to vector<16xi32>
        %add3A_989 = arith.addi %select_n3A_985, %broadcast_in_dim3A_988 : vector<16xi32>
        %add3A_990 = arith.addi %add3A_989, %add3A_951 : vector<16xi32>
        tpu.vector_store_idx %arg10[%add3A_990], %gather3A_967 masked %and3A_953 : memref<98304xf32, #tpu.memory_space<vmem>>[vector<16xi32>], vector<16xf32>, vector<16xi1>
        %broadcast_in_dim3A_991 = arith.constant 81920 : i32
        %broadcast_in_dim3A_992 = vector.broadcast %broadcast_in_dim3A_991 : i32 to vector<16xi32>
        %broadcast_in_dim3A_993 = arith.constant 90112 : i32
        %broadcast_in_dim3A_994 = vector.broadcast %broadcast_in_dim3A_993 : i32 to vector<16xi32>
        %select_n3A_995 = arith.select %eq3A_970, %broadcast_in_dim3A_992, %broadcast_in_dim3A_994 : vector<16xi1>, vector<16xi32>
        %add3A_996 = arith.addi %select_n3A_995, %add3A_887 : vector<16xi32>
        tpu.vector_store_idx %arg10[%add3A_996], %broadcast_in_dim3A_22 masked %and3A_952 : memref<98304xf32, #tpu.memory_space<vmem>>[vector<16xi32>], vector<16xf32>, vector<16xi1>
        %add3A_997 = arith.addi %select_n3A_995, %add3A_951 : vector<16xi32>
        tpu.vector_store_idx %arg10[%add3A_997], %broadcast_in_dim3A_22 masked %and3A_953 : memref<98304xf32, #tpu.memory_space<vmem>>[vector<16xi32>], vector<16xf32>, vector<16xi1>
        %while3A_998 = arith.constant 0 : i32
        scf.yield %while3A_998 : i32
      }
      %while3A_591 = arith.constant 1 : i32
      %while3A_592 = scf.for %while3A_594 = %while3A_588 to %while3A_584 step %while3A_591 iter_args(%while3A_595 = %while3A_590) -> (i32)  : i32 {
        %broadcast_in_dim3A_596 = arith.constant 32 : i32
        %broadcast_in_dim3A_597 = vector.broadcast %broadcast_in_dim3A_596 : i32 to vector<16xi32>
        %mul3A_598 = vector.broadcast %while3A_594 : i32 to vector<16xi32>
        %mul3A_599 = arith.muli %mul3A_598, %broadcast_in_dim3A_597 : vector<16xi32>
        %broadcast_in_dim3A_600 = arith.constant 0 : i32
        %broadcast_in_dim3A_601 = vector.broadcast %broadcast_in_dim3A_600 : i32 to vector<16xi32>
        %add3A_602 = arith.addi %mul3A_599, %broadcast_in_dim3A_601 : vector<16xi32>
        %add3A_603 = arith.addi %add3A_602, %iota3A : vector<16xi32>
        %lt3A_604 = arith.cmpi slt, %add3A_603, %broadcast_in_dim3A_581 : vector<16xi32>
        %gather3A = tpu.vector_load_idx %arg14[%add3A_603] : memref<1056xi32, #tpu.memory_space<vmem>>[vector<16xi32>], vector<16xi32>,
        %gather3A_605 = arith.constant 0 : i32
        %gather3A_606 = arith.constant 0 : i32
        %gather3A_607 = tpu.memref_slice %arg11[%rem3A_500, %gather3A_605, %gather3A_606] : memref<2x4x1024xf32, #tpu.memory_space<vmem>> -> memref<1x1x1024xf32, #tpu.memory_space<vmem>>
        %gather3A_608 = tpu.memref_squeeze %gather3A_607 : memref<1x1x1024xf32, #tpu.memory_space<vmem>> -> memref<1024xf32, #tpu.memory_space<vmem>>
        %gather3A_609 = tpu.vector_load_idx %gather3A_608[%gather3A] : memref<1024xf32, #tpu.memory_space<vmem>>[vector<16xi32>], vector<16xf32>,
        %gather3A_610 = arith.constant 1 : i32
        %gather3A_611 = arith.constant 0 : i32
        %gather3A_612 = tpu.memref_slice %arg11[%rem3A_500, %gather3A_610, %gather3A_611] : memref<2x4x1024xf32, #tpu.memory_space<vmem>> -> memref<1x1x1024xf32, #tpu.memory_space<vmem>>
        %gather3A_613 = tpu.memref_squeeze %gather3A_612 : memref<1x1x1024xf32, #tpu.memory_space<vmem>> -> memref<1024xf32, #tpu.memory_space<vmem>>
        %gather3A_614 = tpu.vector_load_idx %gather3A_613[%gather3A] : memref<1024xf32, #tpu.memory_space<vmem>>[vector<16xi32>], vector<16xf32>,
        %gather3A_615 = arith.constant 2 : i32
        %gather3A_616 = arith.constant 0 : i32
        %gather3A_617 = tpu.memref_slice %arg11[%rem3A_500, %gather3A_615, %gather3A_616] : memref<2x4x1024xf32, #tpu.memory_space<vmem>> -> memref<1x1x1024xf32, #tpu.memory_space<vmem>>
        %gather3A_618 = tpu.memref_squeeze %gather3A_617 : memref<1x1x1024xf32, #tpu.memory_space<vmem>> -> memref<1024xf32, #tpu.memory_space<vmem>>
        %gather3A_619 = tpu.vector_load_idx %gather3A_618[%gather3A] : memref<1024xf32, #tpu.memory_space<vmem>>[vector<16xi32>], vector<16xf32>,
        %gather3A_620 = arith.constant 3 : i32
        %gather3A_621 = arith.constant 0 : i32
        %gather3A_622 = tpu.memref_slice %arg11[%rem3A_500, %gather3A_620, %gather3A_621] : memref<2x4x1024xf32, #tpu.memory_space<vmem>> -> memref<1x1x1024xf32, #tpu.memory_space<vmem>>
        %gather3A_623 = tpu.memref_squeeze %gather3A_622 : memref<1x1x1024xf32, #tpu.memory_space<vmem>> -> memref<1024xf32, #tpu.memory_space<vmem>>
        %gather3A_624 = tpu.vector_load_idx %gather3A_623[%gather3A] : memref<1024xf32, #tpu.memory_space<vmem>>[vector<16xi32>], vector<16xf32>,
        %sub3A_625 = arith.subf %gather3A_609, %get3A_3 : vector<16xf32>
        %broadcast_in_dim3A_626 = arith.constant 1.000000e+01 : f32
        %broadcast_in_dim3A_627 = vector.broadcast %broadcast_in_dim3A_626 : f32 to vector<16xf32>
        %div3A_628 = arith.divf %sub3A_625, %broadcast_in_dim3A_627 : vector<16xf32>
        %broadcast_in_dim3A_629 = arith.constant 5.120000e+02 : f32
        %broadcast_in_dim3A_630 = vector.broadcast %broadcast_in_dim3A_629 : f32 to vector<16xf32>
        %mul3A_631 = arith.mulf %div3A_628, %broadcast_in_dim3A_630 : vector<16xf32>
        %convert_element_type3A_632 = arith.fptosi %mul3A_631 : vector<16xf32> to vector<16xi32>
        %convert_element_type3A_633 = arith.sitofp %convert_element_type3A_632 : vector<16xi32> to vector<16xf32>
        %sub3A_634 = arith.subf %mul3A_631, %convert_element_type3A_633 : vector<16xf32>
        %broadcast_in_dim3A_635 = arith.constant 5.000000e-01 : f32
        %broadcast_in_dim3A_636 = vector.broadcast %broadcast_in_dim3A_635 : f32 to vector<16xf32>
        %gt3A = arith.cmpf ogt, %sub3A_634, %broadcast_in_dim3A_636 : vector<16xf32>
        %eq3A = arith.cmpf oeq, %sub3A_634, %broadcast_in_dim3A_636 : vector<16xf32>
        %broadcast_in_dim3A_637 = arith.constant 1 : i32
        %broadcast_in_dim3A_638 = vector.broadcast %broadcast_in_dim3A_637 : i32 to vector<16xi32>
        %and3A_639 = arith.andi %convert_element_type3A_632, %broadcast_in_dim3A_638 : vector<16xi32>
        %broadcast_in_dim3A_640 = arith.constant 1 : i32
        %broadcast_in_dim3A_641 = vector.broadcast %broadcast_in_dim3A_640 : i32 to vector<16xi32>
        %eq3A_642 = arith.cmpi eq, %and3A_639, %broadcast_in_dim3A_641 : vector<16xi32>
        %and3A_643 = arith.andi %eq3A, %eq3A_642 : vector<16xi1>
        %or3A = arith.ori %gt3A, %and3A_643 : vector<16xi1>
        %broadcast_in_dim3A_644 = arith.constant 1 : i32
        %broadcast_in_dim3A_645 = vector.broadcast %broadcast_in_dim3A_644 : i32 to vector<16xi32>
        %broadcast_in_dim3A_646 = arith.constant 0 : i32
        %broadcast_in_dim3A_647 = vector.broadcast %broadcast_in_dim3A_646 : i32 to vector<16xi32>
        %select_n3A_648 = arith.select %or3A, %broadcast_in_dim3A_645, %broadcast_in_dim3A_647 : vector<16xi1>, vector<16xi32>
        %add3A_649 = arith.addi %convert_element_type3A_632, %select_n3A_648 : vector<16xi32>
        %sub3A_650 = arith.subf %gather3A_614, %get3A_5 : vector<16xf32>
        %broadcast_in_dim3A_651 = arith.constant 1.000000e+01 : f32
        %broadcast_in_dim3A_652 = vector.broadcast %broadcast_in_dim3A_651 : f32 to vector<16xf32>
        %div3A_653 = arith.divf %sub3A_650, %broadcast_in_dim3A_652 : vector<16xf32>
        %broadcast_in_dim3A_654 = arith.constant 5.120000e+02 : f32
        %broadcast_in_dim3A_655 = vector.broadcast %broadcast_in_dim3A_654 : f32 to vector<16xf32>
        %mul3A_656 = arith.mulf %div3A_653, %broadcast_in_dim3A_655 : vector<16xf32>
        %convert_element_type3A_657 = arith.fptosi %mul3A_656 : vector<16xf32> to vector<16xi32>
        %convert_element_type3A_658 = arith.sitofp %convert_element_type3A_657 : vector<16xi32> to vector<16xf32>
        %sub3A_659 = arith.subf %mul3A_656, %convert_element_type3A_658 : vector<16xf32>
        %broadcast_in_dim3A_660 = arith.constant 5.000000e-01 : f32
        %broadcast_in_dim3A_661 = vector.broadcast %broadcast_in_dim3A_660 : f32 to vector<16xf32>
        %gt3A_662 = arith.cmpf ogt, %sub3A_659, %broadcast_in_dim3A_661 : vector<16xf32>
        %eq3A_663 = arith.cmpf oeq, %sub3A_659, %broadcast_in_dim3A_661 : vector<16xf32>
        %broadcast_in_dim3A_664 = arith.constant 1 : i32
        %broadcast_in_dim3A_665 = vector.broadcast %broadcast_in_dim3A_664 : i32 to vector<16xi32>
        %and3A_666 = arith.andi %convert_element_type3A_657, %broadcast_in_dim3A_665 : vector<16xi32>
        %broadcast_in_dim3A_667 = arith.constant 1 : i32
        %broadcast_in_dim3A_668 = vector.broadcast %broadcast_in_dim3A_667 : i32 to vector<16xi32>
        %eq3A_669 = arith.cmpi eq, %and3A_666, %broadcast_in_dim3A_668 : vector<16xi32>
        %and3A_670 = arith.andi %eq3A_663, %eq3A_669 : vector<16xi1>
        %or3A_671 = arith.ori %gt3A_662, %and3A_670 : vector<16xi1>
        %broadcast_in_dim3A_672 = arith.constant 1 : i32
        %broadcast_in_dim3A_673 = vector.broadcast %broadcast_in_dim3A_672 : i32 to vector<16xi32>
        %broadcast_in_dim3A_674 = arith.constant 0 : i32
        %broadcast_in_dim3A_675 = vector.broadcast %broadcast_in_dim3A_674 : i32 to vector<16xi32>
        %select_n3A_676 = arith.select %or3A_671, %broadcast_in_dim3A_673, %broadcast_in_dim3A_675 : vector<16xi1>, vector<16xi32>
        %add3A_677 = arith.addi %convert_element_type3A_657, %select_n3A_676 : vector<16xi32>
        %ge3A = arith.cmpi sge, %add3A_649, %broadcast_in_dim3A : vector<16xi32>
        %lt3A_678 = arith.cmpi slt, %add3A_649, %broadcast_in_dim3A_8 : vector<16xi32>
        %and3A_679 = arith.andi %ge3A, %lt3A_678 : vector<16xi1>
        %and3A_680 = arith.andi %add3A_649, %broadcast_in_dim3A_24 : vector<16xi32>
        %broadcast_in_dim3A_681 = arith.constant 9 : i32
        %broadcast_in_dim3A_682 = vector.broadcast %broadcast_in_dim3A_681 : i32 to vector<16xi32>
        %shift_left3A = arith.shli %and3A_680, %broadcast_in_dim3A_682 : vector<16xi32>
        %add3A_683 = arith.addi %shift_left3A, %add3A_677 : vector<16xi32>
        %sub3A_684 = arith.subf %gather3A_619, %get3A_3 : vector<16xf32>
        %broadcast_in_dim3A_685 = arith.constant 1.000000e+01 : f32
        %broadcast_in_dim3A_686 = vector.broadcast %broadcast_in_dim3A_685 : f32 to vector<16xf32>
        %div3A_687 = arith.divf %sub3A_684, %broadcast_in_dim3A_686 : vector<16xf32>
        %broadcast_in_dim3A_688 = arith.constant 5.120000e+02 : f32
        %broadcast_in_dim3A_689 = vector.broadcast %broadcast_in_dim3A_688 : f32 to vector<16xf32>
        %mul3A_690 = arith.mulf %div3A_687, %broadcast_in_dim3A_689 : vector<16xf32>
        %convert_element_type3A_691 = arith.fptosi %mul3A_690 : vector<16xf32> to vector<16xi32>
        %convert_element_type3A_692 = arith.sitofp %convert_element_type3A_691 : vector<16xi32> to vector<16xf32>
        %sub3A_693 = arith.subf %mul3A_690, %convert_element_type3A_692 : vector<16xf32>
        %broadcast_in_dim3A_694 = arith.constant 5.000000e-01 : f32
        %broadcast_in_dim3A_695 = vector.broadcast %broadcast_in_dim3A_694 : f32 to vector<16xf32>
        %gt3A_696 = arith.cmpf ogt, %sub3A_693, %broadcast_in_dim3A_695 : vector<16xf32>
        %eq3A_697 = arith.cmpf oeq, %sub3A_693, %broadcast_in_dim3A_695 : vector<16xf32>
        %broadcast_in_dim3A_698 = arith.constant 1 : i32
        %broadcast_in_dim3A_699 = vector.broadcast %broadcast_in_dim3A_698 : i32 to vector<16xi32>
        %and3A_700 = arith.andi %convert_element_type3A_691, %broadcast_in_dim3A_699 : vector<16xi32>
        %broadcast_in_dim3A_701 = arith.constant 1 : i32
        %broadcast_in_dim3A_702 = vector.broadcast %broadcast_in_dim3A_701 : i32 to vector<16xi32>
        %eq3A_703 = arith.cmpi eq, %and3A_700, %broadcast_in_dim3A_702 : vector<16xi32>
        %and3A_704 = arith.andi %eq3A_697, %eq3A_703 : vector<16xi1>
        %or3A_705 = arith.ori %gt3A_696, %and3A_704 : vector<16xi1>
        %broadcast_in_dim3A_706 = arith.constant 1 : i32
        %broadcast_in_dim3A_707 = vector.broadcast %broadcast_in_dim3A_706 : i32 to vector<16xi32>
        %broadcast_in_dim3A_708 = arith.constant 0 : i32
        %broadcast_in_dim3A_709 = vector.broadcast %broadcast_in_dim3A_708 : i32 to vector<16xi32>
        %select_n3A_710 = arith.select %or3A_705, %broadcast_in_dim3A_707, %broadcast_in_dim3A_709 : vector<16xi1>, vector<16xi32>
        %add3A_711 = arith.addi %convert_element_type3A_691, %select_n3A_710 : vector<16xi32>
        %sub3A_712 = arith.subf %gather3A_624, %get3A_5 : vector<16xf32>
        %broadcast_in_dim3A_713 = arith.constant 1.000000e+01 : f32
        %broadcast_in_dim3A_714 = vector.broadcast %broadcast_in_dim3A_713 : f32 to vector<16xf32>
        %div3A_715 = arith.divf %sub3A_712, %broadcast_in_dim3A_714 : vector<16xf32>
        %broadcast_in_dim3A_716 = arith.constant 5.120000e+02 : f32
        %broadcast_in_dim3A_717 = vector.broadcast %broadcast_in_dim3A_716 : f32 to vector<16xf32>
        %mul3A_718 = arith.mulf %div3A_715, %broadcast_in_dim3A_717 : vector<16xf32>
        %convert_element_type3A_719 = arith.fptosi %mul3A_718 : vector<16xf32> to vector<16xi32>
        %convert_element_type3A_720 = arith.sitofp %convert_element_type3A_719 : vector<16xi32> to vector<16xf32>
        %sub3A_721 = arith.subf %mul3A_718, %convert_element_type3A_720 : vector<16xf32>
        %broadcast_in_dim3A_722 = arith.constant 5.000000e-01 : f32
        %broadcast_in_dim3A_723 = vector.broadcast %broadcast_in_dim3A_722 : f32 to vector<16xf32>
        %gt3A_724 = arith.cmpf ogt, %sub3A_721, %broadcast_in_dim3A_723 : vector<16xf32>
        %eq3A_725 = arith.cmpf oeq, %sub3A_721, %broadcast_in_dim3A_723 : vector<16xf32>
        %broadcast_in_dim3A_726 = arith.constant 1 : i32
        %broadcast_in_dim3A_727 = vector.broadcast %broadcast_in_dim3A_726 : i32 to vector<16xi32>
        %and3A_728 = arith.andi %convert_element_type3A_719, %broadcast_in_dim3A_727 : vector<16xi32>
        %broadcast_in_dim3A_729 = arith.constant 1 : i32
        %broadcast_in_dim3A_730 = vector.broadcast %broadcast_in_dim3A_729 : i32 to vector<16xi32>
        %eq3A_731 = arith.cmpi eq, %and3A_728, %broadcast_in_dim3A_730 : vector<16xi32>
        %and3A_732 = arith.andi %eq3A_725, %eq3A_731 : vector<16xi1>
        %or3A_733 = arith.ori %gt3A_724, %and3A_732 : vector<16xi1>
        %broadcast_in_dim3A_734 = arith.constant 1 : i32
        %broadcast_in_dim3A_735 = vector.broadcast %broadcast_in_dim3A_734 : i32 to vector<16xi32>
        %broadcast_in_dim3A_736 = arith.constant 0 : i32
        %broadcast_in_dim3A_737 = vector.broadcast %broadcast_in_dim3A_736 : i32 to vector<16xi32>
        %select_n3A_738 = arith.select %or3A_733, %broadcast_in_dim3A_735, %broadcast_in_dim3A_737 : vector<16xi1>, vector<16xi32>
        %add3A_739 = arith.addi %convert_element_type3A_719, %select_n3A_738 : vector<16xi32>
        %ge3A_740 = arith.cmpi sge, %add3A_711, %broadcast_in_dim3A : vector<16xi32>
        %lt3A_741 = arith.cmpi slt, %add3A_711, %broadcast_in_dim3A_8 : vector<16xi32>
        %and3A_742 = arith.andi %ge3A_740, %lt3A_741 : vector<16xi1>
        %and3A_743 = arith.andi %add3A_711, %broadcast_in_dim3A_24 : vector<16xi32>
        %broadcast_in_dim3A_744 = arith.constant 9 : i32
        %broadcast_in_dim3A_745 = vector.broadcast %broadcast_in_dim3A_744 : i32 to vector<16xi32>
        %shift_left3A_746 = arith.shli %and3A_743, %broadcast_in_dim3A_745 : vector<16xi32>
        %add3A_747 = arith.addi %shift_left3A_746, %add3A_739 : vector<16xi32>
        %and3A_748 = arith.andi %and3A_679, %lt3A_604 : vector<16xi1>
        %and3A_749 = arith.andi %and3A_742, %lt3A_604 : vector<16xi1>
        %gather3A_750 = arith.constant 0 : i32
        %gather3A_751 = tpu.memref_slice %arg13[%rem3A_500, %gather3A_750] : memref<2x1024xi32, #tpu.memory_space<vmem>> -> memref<1x1024xi32, #tpu.memory_space<vmem>>
        %gather3A_752 = tpu.memref_squeeze %gather3A_751 : memref<1x1024xi32, #tpu.memory_space<vmem>> -> memref<1024xi32, #tpu.memory_space<vmem>>
        %gather3A_753 = tpu.vector_load_idx %gather3A_752[%gather3A] : memref<1024xi32, #tpu.memory_space<vmem>>[vector<16xi32>], vector<16xi32>,
        %gather3A_754 = arith.constant 0 : i32
        %gather3A_755 = arith.constant 0 : i32
        %gather3A_756 = tpu.memref_slice %arg12[%rem3A_500, %gather3A_754, %gather3A_755] : memref<2x5x1024xf32, #tpu.memory_space<vmem>> -> memref<1x1x1024xf32, #tpu.memory_space<vmem>>
        %gather3A_757 = tpu.memref_squeeze %gather3A_756 : memref<1x1x1024xf32, #tpu.memory_space<vmem>> -> memref<1024xf32, #tpu.memory_space<vmem>>
        %gather3A_758 = tpu.vector_load_idx %gather3A_757[%gather3A] : memref<1024xf32, #tpu.memory_space<vmem>>[vector<16xi32>], vector<16xf32>,
        %gather3A_759 = arith.constant 1 : i32
        %gather3A_760 = arith.constant 0 : i32
        %gather3A_761 = tpu.memref_slice %arg12[%rem3A_500, %gather3A_759, %gather3A_760] : memref<2x5x1024xf32, #tpu.memory_space<vmem>> -> memref<1x1x1024xf32, #tpu.memory_space<vmem>>
        %gather3A_762 = tpu.memref_squeeze %gather3A_761 : memref<1x1x1024xf32, #tpu.memory_space<vmem>> -> memref<1024xf32, #tpu.memory_space<vmem>>
        %gather3A_763 = tpu.vector_load_idx %gather3A_762[%gather3A] : memref<1024xf32, #tpu.memory_space<vmem>>[vector<16xi32>], vector<16xf32>,
        %broadcast_in_dim3A_764 = arith.constant 0 : i32
        %broadcast_in_dim3A_765 = vector.broadcast %broadcast_in_dim3A_764 : i32 to vector<16xi32>
        %eq3A_766 = arith.cmpi eq, %gather3A_753, %broadcast_in_dim3A_765 : vector<16xi32>
        %broadcast_in_dim3A_767 = arith.constant 0 : i32
        %broadcast_in_dim3A_768 = vector.broadcast %broadcast_in_dim3A_767 : i32 to vector<16xi32>
        %broadcast_in_dim3A_769 = arith.constant 32768 : i32
        %broadcast_in_dim3A_770 = vector.broadcast %broadcast_in_dim3A_769 : i32 to vector<16xi32>
        %select_n3A_771 = arith.select %eq3A_766, %broadcast_in_dim3A_768, %broadcast_in_dim3A_770 : vector<16xi1>, vector<16xi32>
        %add3A_772 = arith.addi %select_n3A_771, %add3A_683 : vector<16xi32>
        tpu.vector_store_idx %arg10[%add3A_772], %gather3A_758 masked %and3A_748 : memref<98304xf32, #tpu.memory_space<vmem>>[vector<16xi32>], vector<16xf32>, vector<16xi1>
        %broadcast_in_dim3A_773 = arith.constant 8192 : i32
        %broadcast_in_dim3A_774 = vector.broadcast %broadcast_in_dim3A_773 : i32 to vector<16xi32>
        %add3A_775 = arith.addi %select_n3A_771, %broadcast_in_dim3A_774 : vector<16xi32>
        %add3A_776 = arith.addi %add3A_775, %add3A_683 : vector<16xi32>
        tpu.vector_store_idx %arg10[%add3A_776], %gather3A_763 masked %and3A_748 : memref<98304xf32, #tpu.memory_space<vmem>>[vector<16xi32>], vector<16xf32>, vector<16xi1>
        %broadcast_in_dim3A_777 = arith.constant 16384 : i32
        %broadcast_in_dim3A_778 = vector.broadcast %broadcast_in_dim3A_777 : i32 to vector<16xi32>
        %broadcast_in_dim3A_779 = arith.constant 49152 : i32
        %broadcast_in_dim3A_780 = vector.broadcast %broadcast_in_dim3A_779 : i32 to vector<16xi32>
        %select_n3A_781 = arith.select %eq3A_766, %broadcast_in_dim3A_778, %broadcast_in_dim3A_780 : vector<16xi1>, vector<16xi32>
        %add3A_782 = arith.addi %select_n3A_781, %add3A_747 : vector<16xi32>
        tpu.vector_store_idx %arg10[%add3A_782], %gather3A_758 masked %and3A_749 : memref<98304xf32, #tpu.memory_space<vmem>>[vector<16xi32>], vector<16xf32>, vector<16xi1>
        %broadcast_in_dim3A_783 = arith.constant 8192 : i32
        %broadcast_in_dim3A_784 = vector.broadcast %broadcast_in_dim3A_783 : i32 to vector<16xi32>
        %add3A_785 = arith.addi %select_n3A_781, %broadcast_in_dim3A_784 : vector<16xi32>
        %add3A_786 = arith.addi %add3A_785, %add3A_747 : vector<16xi32>
        tpu.vector_store_idx %arg10[%add3A_786], %gather3A_763 masked %and3A_749 : memref<98304xf32, #tpu.memory_space<vmem>>[vector<16xi32>], vector<16xf32>, vector<16xi1>
        %broadcast_in_dim3A_787 = arith.constant 81920 : i32
        %broadcast_in_dim3A_788 = vector.broadcast %broadcast_in_dim3A_787 : i32 to vector<16xi32>
        %broadcast_in_dim3A_789 = arith.constant 90112 : i32
        %broadcast_in_dim3A_790 = vector.broadcast %broadcast_in_dim3A_789 : i32 to vector<16xi32>
        %select_n3A_791 = arith.select %eq3A_766, %broadcast_in_dim3A_788, %broadcast_in_dim3A_790 : vector<16xi1>, vector<16xi32>
        %add3A_792 = arith.addi %select_n3A_791, %add3A_683 : vector<16xi32>
        tpu.vector_store_idx %arg10[%add3A_792], %broadcast_in_dim3A_22 masked %and3A_748 : memref<98304xf32, #tpu.memory_space<vmem>>[vector<16xi32>], vector<16xf32>, vector<16xi1>
        %add3A_793 = arith.addi %select_n3A_791, %add3A_747 : vector<16xi32>
        tpu.vector_store_idx %arg10[%add3A_793], %broadcast_in_dim3A_22 masked %and3A_749 : memref<98304xf32, #tpu.memory_space<vmem>>[vector<16xi32>], vector<16xf32>, vector<16xi1>
        %broadcast_in_dim3A_794 = arith.constant 32 : i32
        %broadcast_in_dim3A_795 = vector.broadcast %broadcast_in_dim3A_794 : i32 to vector<16xi32>
        %mul3A_796 = vector.broadcast %while3A_594 : i32 to vector<16xi32>
        %mul3A_797 = arith.muli %mul3A_796, %broadcast_in_dim3A_795 : vector<16xi32>
        %broadcast_in_dim3A_798 = arith.constant 16 : i32
        %broadcast_in_dim3A_799 = vector.broadcast %broadcast_in_dim3A_798 : i32 to vector<16xi32>
        %add3A_800 = arith.addi %mul3A_797, %broadcast_in_dim3A_799 : vector<16xi32>
        %add3A_801 = arith.addi %add3A_800, %iota3A : vector<16xi32>
        %lt3A_802 = arith.cmpi slt, %add3A_801, %broadcast_in_dim3A_581 : vector<16xi32>
        %gather3A_803 = tpu.vector_load_idx %arg14[%add3A_801] : memref<1056xi32, #tpu.memory_space<vmem>>[vector<16xi32>], vector<16xi32>,
        %gather3A_804 = arith.constant 0 : i32
        %gather3A_805 = arith.constant 0 : i32
        %gather3A_806 = tpu.memref_slice %arg11[%rem3A_500, %gather3A_804, %gather3A_805] : memref<2x4x1024xf32, #tpu.memory_space<vmem>> -> memref<1x1x1024xf32, #tpu.memory_space<vmem>>
        %gather3A_807 = tpu.memref_squeeze %gather3A_806 : memref<1x1x1024xf32, #tpu.memory_space<vmem>> -> memref<1024xf32, #tpu.memory_space<vmem>>
        %gather3A_808 = tpu.vector_load_idx %gather3A_807[%gather3A_803] : memref<1024xf32, #tpu.memory_space<vmem>>[vector<16xi32>], vector<16xf32>,
        %gather3A_809 = arith.constant 1 : i32
        %gather3A_810 = arith.constant 0 : i32
        %gather3A_811 = tpu.memref_slice %arg11[%rem3A_500, %gather3A_809, %gather3A_810] : memref<2x4x1024xf32, #tpu.memory_space<vmem>> -> memref<1x1x1024xf32, #tpu.memory_space<vmem>>
        %gather3A_812 = tpu.memref_squeeze %gather3A_811 : memref<1x1x1024xf32, #tpu.memory_space<vmem>> -> memref<1024xf32, #tpu.memory_space<vmem>>
        %gather3A_813 = tpu.vector_load_idx %gather3A_812[%gather3A_803] : memref<1024xf32, #tpu.memory_space<vmem>>[vector<16xi32>], vector<16xf32>,
        %gather3A_814 = arith.constant 2 : i32
        %gather3A_815 = arith.constant 0 : i32
        %gather3A_816 = tpu.memref_slice %arg11[%rem3A_500, %gather3A_814, %gather3A_815] : memref<2x4x1024xf32, #tpu.memory_space<vmem>> -> memref<1x1x1024xf32, #tpu.memory_space<vmem>>
        %gather3A_817 = tpu.memref_squeeze %gather3A_816 : memref<1x1x1024xf32, #tpu.memory_space<vmem>> -> memref<1024xf32, #tpu.memory_space<vmem>>
        %gather3A_818 = tpu.vector_load_idx %gather3A_817[%gather3A_803] : memref<1024xf32, #tpu.memory_space<vmem>>[vector<16xi32>], vector<16xf32>,
        %gather3A_819 = arith.constant 3 : i32
        %gather3A_820 = arith.constant 0 : i32
        %gather3A_821 = tpu.memref_slice %arg11[%rem3A_500, %gather3A_819, %gather3A_820] : memref<2x4x1024xf32, #tpu.memory_space<vmem>> -> memref<1x1x1024xf32, #tpu.memory_space<vmem>>
        %gather3A_822 = tpu.memref_squeeze %gather3A_821 : memref<1x1x1024xf32, #tpu.memory_space<vmem>> -> memref<1024xf32, #tpu.memory_space<vmem>>
        %gather3A_823 = tpu.vector_load_idx %gather3A_822[%gather3A_803] : memref<1024xf32, #tpu.memory_space<vmem>>[vector<16xi32>], vector<16xf32>,
        %sub3A_824 = arith.subf %gather3A_808, %get3A_3 : vector<16xf32>
        %broadcast_in_dim3A_825 = arith.constant 1.000000e+01 : f32
        %broadcast_in_dim3A_826 = vector.broadcast %broadcast_in_dim3A_825 : f32 to vector<16xf32>
        %div3A_827 = arith.divf %sub3A_824, %broadcast_in_dim3A_826 : vector<16xf32>
        %broadcast_in_dim3A_828 = arith.constant 5.120000e+02 : f32
        %broadcast_in_dim3A_829 = vector.broadcast %broadcast_in_dim3A_828 : f32 to vector<16xf32>
        %mul3A_830 = arith.mulf %div3A_827, %broadcast_in_dim3A_829 : vector<16xf32>
        %convert_element_type3A_831 = arith.fptosi %mul3A_830 : vector<16xf32> to vector<16xi32>
        %convert_element_type3A_832 = arith.sitofp %convert_element_type3A_831 : vector<16xi32> to vector<16xf32>
        %sub3A_833 = arith.subf %mul3A_830, %convert_element_type3A_832 : vector<16xf32>
        %broadcast_in_dim3A_834 = arith.constant 5.000000e-01 : f32
        %broadcast_in_dim3A_835 = vector.broadcast %broadcast_in_dim3A_834 : f32 to vector<16xf32>
        %gt3A_836 = arith.cmpf ogt, %sub3A_833, %broadcast_in_dim3A_835 : vector<16xf32>
        %eq3A_837 = arith.cmpf oeq, %sub3A_833, %broadcast_in_dim3A_835 : vector<16xf32>
        %broadcast_in_dim3A_838 = arith.constant 1 : i32
        %broadcast_in_dim3A_839 = vector.broadcast %broadcast_in_dim3A_838 : i32 to vector<16xi32>
        %and3A_840 = arith.andi %convert_element_type3A_831, %broadcast_in_dim3A_839 : vector<16xi32>
        %broadcast_in_dim3A_841 = arith.constant 1 : i32
        %broadcast_in_dim3A_842 = vector.broadcast %broadcast_in_dim3A_841 : i32 to vector<16xi32>
        %eq3A_843 = arith.cmpi eq, %and3A_840, %broadcast_in_dim3A_842 : vector<16xi32>
        %and3A_844 = arith.andi %eq3A_837, %eq3A_843 : vector<16xi1>
        %or3A_845 = arith.ori %gt3A_836, %and3A_844 : vector<16xi1>
        %broadcast_in_dim3A_846 = arith.constant 1 : i32
        %broadcast_in_dim3A_847 = vector.broadcast %broadcast_in_dim3A_846 : i32 to vector<16xi32>
        %broadcast_in_dim3A_848 = arith.constant 0 : i32
        %broadcast_in_dim3A_849 = vector.broadcast %broadcast_in_dim3A_848 : i32 to vector<16xi32>
        %select_n3A_850 = arith.select %or3A_845, %broadcast_in_dim3A_847, %broadcast_in_dim3A_849 : vector<16xi1>, vector<16xi32>
        %add3A_851 = arith.addi %convert_element_type3A_831, %select_n3A_850 : vector<16xi32>
        %sub3A_852 = arith.subf %gather3A_813, %get3A_5 : vector<16xf32>
        %broadcast_in_dim3A_853 = arith.constant 1.000000e+01 : f32
        %broadcast_in_dim3A_854 = vector.broadcast %broadcast_in_dim3A_853 : f32 to vector<16xf32>
        %div3A_855 = arith.divf %sub3A_852, %broadcast_in_dim3A_854 : vector<16xf32>
        %broadcast_in_dim3A_856 = arith.constant 5.120000e+02 : f32
        %broadcast_in_dim3A_857 = vector.broadcast %broadcast_in_dim3A_856 : f32 to vector<16xf32>
        %mul3A_858 = arith.mulf %div3A_855, %broadcast_in_dim3A_857 : vector<16xf32>
        %convert_element_type3A_859 = arith.fptosi %mul3A_858 : vector<16xf32> to vector<16xi32>
        %convert_element_type3A_860 = arith.sitofp %convert_element_type3A_859 : vector<16xi32> to vector<16xf32>
        %sub3A_861 = arith.subf %mul3A_858, %convert_element_type3A_860 : vector<16xf32>
        %broadcast_in_dim3A_862 = arith.constant 5.000000e-01 : f32
        %broadcast_in_dim3A_863 = vector.broadcast %broadcast_in_dim3A_862 : f32 to vector<16xf32>
        %gt3A_864 = arith.cmpf ogt, %sub3A_861, %broadcast_in_dim3A_863 : vector<16xf32>
        %eq3A_865 = arith.cmpf oeq, %sub3A_861, %broadcast_in_dim3A_863 : vector<16xf32>
        %broadcast_in_dim3A_866 = arith.constant 1 : i32
        %broadcast_in_dim3A_867 = vector.broadcast %broadcast_in_dim3A_866 : i32 to vector<16xi32>
        %and3A_868 = arith.andi %convert_element_type3A_859, %broadcast_in_dim3A_867 : vector<16xi32>
        %broadcast_in_dim3A_869 = arith.constant 1 : i32
        %broadcast_in_dim3A_870 = vector.broadcast %broadcast_in_dim3A_869 : i32 to vector<16xi32>
        %eq3A_871 = arith.cmpi eq, %and3A_868, %broadcast_in_dim3A_870 : vector<16xi32>
        %and3A_872 = arith.andi %eq3A_865, %eq3A_871 : vector<16xi1>
        %or3A_873 = arith.ori %gt3A_864, %and3A_872 : vector<16xi1>
        %broadcast_in_dim3A_874 = arith.constant 1 : i32
        %broadcast_in_dim3A_875 = vector.broadcast %broadcast_in_dim3A_874 : i32 to vector<16xi32>
        %broadcast_in_dim3A_876 = arith.constant 0 : i32
        %broadcast_in_dim3A_877 = vector.broadcast %broadcast_in_dim3A_876 : i32 to vector<16xi32>
        %select_n3A_878 = arith.select %or3A_873, %broadcast_in_dim3A_875, %broadcast_in_dim3A_877 : vector<16xi1>, vector<16xi32>
        %add3A_879 = arith.addi %convert_element_type3A_859, %select_n3A_878 : vector<16xi32>
        %ge3A_880 = arith.cmpi sge, %add3A_851, %broadcast_in_dim3A : vector<16xi32>
        %lt3A_881 = arith.cmpi slt, %add3A_851, %broadcast_in_dim3A_8 : vector<16xi32>
        %and3A_882 = arith.andi %ge3A_880, %lt3A_881 : vector<16xi1>
        %and3A_883 = arith.andi %add3A_851, %broadcast_in_dim3A_24 : vector<16xi32>
        %broadcast_in_dim3A_884 = arith.constant 9 : i32
        %broadcast_in_dim3A_885 = vector.broadcast %broadcast_in_dim3A_884 : i32 to vector<16xi32>
        %shift_left3A_886 = arith.shli %and3A_883, %broadcast_in_dim3A_885 : vector<16xi32>
        %add3A_887 = arith.addi %shift_left3A_886, %add3A_879 : vector<16xi32>
        %sub3A_888 = arith.subf %gather3A_818, %get3A_3 : vector<16xf32>
        %broadcast_in_dim3A_889 = arith.constant 1.000000e+01 : f32
        %broadcast_in_dim3A_890 = vector.broadcast %broadcast_in_dim3A_889 : f32 to vector<16xf32>
        %div3A_891 = arith.divf %sub3A_888, %broadcast_in_dim3A_890 : vector<16xf32>
        %broadcast_in_dim3A_892 = arith.constant 5.120000e+02 : f32
        %broadcast_in_dim3A_893 = vector.broadcast %broadcast_in_dim3A_892 : f32 to vector<16xf32>
        %mul3A_894 = arith.mulf %div3A_891, %broadcast_in_dim3A_893 : vector<16xf32>
        %convert_element_type3A_895 = arith.fptosi %mul3A_894 : vector<16xf32> to vector<16xi32>
        %convert_element_type3A_896 = arith.sitofp %convert_element_type3A_895 : vector<16xi32> to vector<16xf32>
        %sub3A_897 = arith.subf %mul3A_894, %convert_element_type3A_896 : vector<16xf32>
        %broadcast_in_dim3A_898 = arith.constant 5.000000e-01 : f32
        %broadcast_in_dim3A_899 = vector.broadcast %broadcast_in_dim3A_898 : f32 to vector<16xf32>
        %gt3A_900 = arith.cmpf ogt, %sub3A_897, %broadcast_in_dim3A_899 : vector<16xf32>
        %eq3A_901 = arith.cmpf oeq, %sub3A_897, %broadcast_in_dim3A_899 : vector<16xf32>
        %broadcast_in_dim3A_902 = arith.constant 1 : i32
        %broadcast_in_dim3A_903 = vector.broadcast %broadcast_in_dim3A_902 : i32 to vector<16xi32>
        %and3A_904 = arith.andi %convert_element_type3A_895, %broadcast_in_dim3A_903 : vector<16xi32>
        %broadcast_in_dim3A_905 = arith.constant 1 : i32
        %broadcast_in_dim3A_906 = vector.broadcast %broadcast_in_dim3A_905 : i32 to vector<16xi32>
        %eq3A_907 = arith.cmpi eq, %and3A_904, %broadcast_in_dim3A_906 : vector<16xi32>
        %and3A_908 = arith.andi %eq3A_901, %eq3A_907 : vector<16xi1>
        %or3A_909 = arith.ori %gt3A_900, %and3A_908 : vector<16xi1>
        %broadcast_in_dim3A_910 = arith.constant 1 : i32
        %broadcast_in_dim3A_911 = vector.broadcast %broadcast_in_dim3A_910 : i32 to vector<16xi32>
        %broadcast_in_dim3A_912 = arith.constant 0 : i32
        %broadcast_in_dim3A_913 = vector.broadcast %broadcast_in_dim3A_912 : i32 to vector<16xi32>
        %select_n3A_914 = arith.select %or3A_909, %broadcast_in_dim3A_911, %broadcast_in_dim3A_913 : vector<16xi1>, vector<16xi32>
        %add3A_915 = arith.addi %convert_element_type3A_895, %select_n3A_914 : vector<16xi32>
        %sub3A_916 = arith.subf %gather3A_823, %get3A_5 : vector<16xf32>
        %broadcast_in_dim3A_917 = arith.constant 1.000000e+01 : f32
        %broadcast_in_dim3A_918 = vector.broadcast %broadcast_in_dim3A_917 : f32 to vector<16xf32>
        %div3A_919 = arith.divf %sub3A_916, %broadcast_in_dim3A_918 : vector<16xf32>
        %broadcast_in_dim3A_920 = arith.constant 5.120000e+02 : f32
        %broadcast_in_dim3A_921 = vector.broadcast %broadcast_in_dim3A_920 : f32 to vector<16xf32>
        %mul3A_922 = arith.mulf %div3A_919, %broadcast_in_dim3A_921 : vector<16xf32>
        %convert_element_type3A_923 = arith.fptosi %mul3A_922 : vector<16xf32> to vector<16xi32>
        %convert_element_type3A_924 = arith.sitofp %convert_element_type3A_923 : vector<16xi32> to vector<16xf32>
        %sub3A_925 = arith.subf %mul3A_922, %convert_element_type3A_924 : vector<16xf32>
        %broadcast_in_dim3A_926 = arith.constant 5.000000e-01 : f32
        %broadcast_in_dim3A_927 = vector.broadcast %broadcast_in_dim3A_926 : f32 to vector<16xf32>
        %gt3A_928 = arith.cmpf ogt, %sub3A_925, %broadcast_in_dim3A_927 : vector<16xf32>
        %eq3A_929 = arith.cmpf oeq, %sub3A_925, %broadcast_in_dim3A_927 : vector<16xf32>
        %broadcast_in_dim3A_930 = arith.constant 1 : i32
        %broadcast_in_dim3A_931 = vector.broadcast %broadcast_in_dim3A_930 : i32 to vector<16xi32>
        %and3A_932 = arith.andi %convert_element_type3A_923, %broadcast_in_dim3A_931 : vector<16xi32>
        %broadcast_in_dim3A_933 = arith.constant 1 : i32
        %broadcast_in_dim3A_934 = vector.broadcast %broadcast_in_dim3A_933 : i32 to vector<16xi32>
        %eq3A_935 = arith.cmpi eq, %and3A_932, %broadcast_in_dim3A_934 : vector<16xi32>
        %and3A_936 = arith.andi %eq3A_929, %eq3A_935 : vector<16xi1>
        %or3A_937 = arith.ori %gt3A_928, %and3A_936 : vector<16xi1>
        %broadcast_in_dim3A_938 = arith.constant 1 : i32
        %broadcast_in_dim3A_939 = vector.broadcast %broadcast_in_dim3A_938 : i32 to vector<16xi32>
        %broadcast_in_dim3A_940 = arith.constant 0 : i32
        %broadcast_in_dim3A_941 = vector.broadcast %broadcast_in_dim3A_940 : i32 to vector<16xi32>
        %select_n3A_942 = arith.select %or3A_937, %broadcast_in_dim3A_939, %broadcast_in_dim3A_941 : vector<16xi1>, vector<16xi32>
        %add3A_943 = arith.addi %convert_element_type3A_923, %select_n3A_942 : vector<16xi32>
        %ge3A_944 = arith.cmpi sge, %add3A_915, %broadcast_in_dim3A : vector<16xi32>
        %lt3A_945 = arith.cmpi slt, %add3A_915, %broadcast_in_dim3A_8 : vector<16xi32>
        %and3A_946 = arith.andi %ge3A_944, %lt3A_945 : vector<16xi1>
        %and3A_947 = arith.andi %add3A_915, %broadcast_in_dim3A_24 : vector<16xi32>
        %broadcast_in_dim3A_948 = arith.constant 9 : i32
        %broadcast_in_dim3A_949 = vector.broadcast %broadcast_in_dim3A_948 : i32 to vector<16xi32>
        %shift_left3A_950 = arith.shli %and3A_947, %broadcast_in_dim3A_949 : vector<16xi32>
        %add3A_951 = arith.addi %shift_left3A_950, %add3A_943 : vector<16xi32>
        %and3A_952 = arith.andi %and3A_882, %lt3A_802 : vector<16xi1>
        %and3A_953 = arith.andi %and3A_946, %lt3A_802 : vector<16xi1>
        %gather3A_954 = arith.constant 0 : i32
        %gather3A_955 = tpu.memref_slice %arg13[%rem3A_500, %gather3A_954] : memref<2x1024xi32, #tpu.memory_space<vmem>> -> memref<1x1024xi32, #tpu.memory_space<vmem>>
        %gather3A_956 = tpu.memref_squeeze %gather3A_955 : memref<1x1024xi32, #tpu.memory_space<vmem>> -> memref<1024xi32, #tpu.memory_space<vmem>>
        %gather3A_957 = tpu.vector_load_idx %gather3A_956[%gather3A_803] : memref<1024xi32, #tpu.memory_space<vmem>>[vector<16xi32>], vector<16xi32>,
        %gather3A_958 = arith.constant 0 : i32
        %gather3A_959 = arith.constant 0 : i32
        %gather3A_960 = tpu.memref_slice %arg12[%rem3A_500, %gather3A_958, %gather3A_959] : memref<2x5x1024xf32, #tpu.memory_space<vmem>> -> memref<1x1x1024xf32, #tpu.memory_space<vmem>>
        %gather3A_961 = tpu.memref_squeeze %gather3A_960 : memref<1x1x1024xf32, #tpu.memory_space<vmem>> -> memref<1024xf32, #tpu.memory_space<vmem>>
        %gather3A_962 = tpu.vector_load_idx %gather3A_961[%gather3A_803] : memref<1024xf32, #tpu.memory_space<vmem>>[vector<16xi32>], vector<16xf32>,
        %gather3A_963 = arith.constant 1 : i32
        %gather3A_964 = arith.constant 0 : i32
        %gather3A_965 = tpu.memref_slice %arg12[%rem3A_500, %gather3A_963, %gather3A_964] : memref<2x5x1024xf32, #tpu.memory_space<vmem>> -> memref<1x1x1024xf32, #tpu.memory_space<vmem>>
        %gather3A_966 = tpu.memref_squeeze %gather3A_965 : memref<1x1x1024xf32, #tpu.memory_space<vmem>> -> memref<1024xf32, #tpu.memory_space<vmem>>
        %gather3A_967 = tpu.vector_load_idx %gather3A_966[%gather3A_803] : memref<1024xf32, #tpu.memory_space<vmem>>[vector<16xi32>], vector<16xf32>,
        %broadcast_in_dim3A_968 = arith.constant 0 : i32
        %broadcast_in_dim3A_969 = vector.broadcast %broadcast_in_dim3A_968 : i32 to vector<16xi32>
        %eq3A_970 = arith.cmpi eq, %gather3A_957, %broadcast_in_dim3A_969 : vector<16xi32>
        %broadcast_in_dim3A_971 = arith.constant 0 : i32
        %broadcast_in_dim3A_972 = vector.broadcast %broadcast_in_dim3A_971 : i32 to vector<16xi32>
        %broadcast_in_dim3A_973 = arith.constant 32768 : i32
        %broadcast_in_dim3A_974 = vector.broadcast %broadcast_in_dim3A_973 : i32 to vector<16xi32>
        %select_n3A_975 = arith.select %eq3A_970, %broadcast_in_dim3A_972, %broadcast_in_dim3A_974 : vector<16xi1>, vector<16xi32>
        %add3A_976 = arith.addi %select_n3A_975, %add3A_887 : vector<16xi32>
        tpu.vector_store_idx %arg10[%add3A_976], %gather3A_962 masked %and3A_952 : memref<98304xf32, #tpu.memory_space<vmem>>[vector<16xi32>], vector<16xf32>, vector<16xi1>
        %broadcast_in_dim3A_977 = arith.constant 8192 : i32
        %broadcast_in_dim3A_978 = vector.broadcast %broadcast_in_dim3A_977 : i32 to vector<16xi32>
        %add3A_979 = arith.addi %select_n3A_975, %broadcast_in_dim3A_978 : vector<16xi32>
        %add3A_980 = arith.addi %add3A_979, %add3A_887 : vector<16xi32>
        tpu.vector_store_idx %arg10[%add3A_980], %gather3A_967 masked %and3A_952 : memref<98304xf32, #tpu.memory_space<vmem>>[vector<16xi32>], vector<16xf32>, vector<16xi1>
        %broadcast_in_dim3A_981 = arith.constant 16384 : i32
        %broadcast_in_dim3A_982 = vector.broadcast %broadcast_in_dim3A_981 : i32 to vector<16xi32>
        %broadcast_in_dim3A_983 = arith.constant 49152 : i32
        %broadcast_in_dim3A_984 = vector.broadcast %broadcast_in_dim3A_983 : i32 to vector<16xi32>
        %select_n3A_985 = arith.select %eq3A_970, %broadcast_in_dim3A_982, %broadcast_in_dim3A_984 : vector<16xi1>, vector<16xi32>
        %add3A_986 = arith.addi %select_n3A_985, %add3A_951 : vector<16xi32>
        tpu.vector_store_idx %arg10[%add3A_986], %gather3A_962 masked %and3A_953 : memref<98304xf32, #tpu.memory_space<vmem>>[vector<16xi32>], vector<16xf32>, vector<16xi1>
        %broadcast_in_dim3A_987 = arith.constant 8192 : i32
        %broadcast_in_dim3A_988 = vector.broadcast %broadcast_in_dim3A_987 : i32 to vector<16xi32>
        %add3A_989 = arith.addi %select_n3A_985, %broadcast_in_dim3A_988 : vector<16xi32>
        %add3A_990 = arith.addi %add3A_989, %add3A_951 : vector<16xi32>
        tpu.vector_store_idx %arg10[%add3A_990], %gather3A_967 masked %and3A_953 : memref<98304xf32, #tpu.memory_space<vmem>>[vector<16xi32>], vector<16xf32>, vector<16xi1>
        %broadcast_in_dim3A_991 = arith.constant 81920 : i32
        %broadcast_in_dim3A_992 = vector.broadcast %broadcast_in_dim3A_991 : i32 to vector<16xi32>
        %broadcast_in_dim3A_993 = arith.constant 90112 : i32
        %broadcast_in_dim3A_994 = vector.broadcast %broadcast_in_dim3A_993 : i32 to vector<16xi32>
        %select_n3A_995 = arith.select %eq3A_970, %broadcast_in_dim3A_992, %broadcast_in_dim3A_994 : vector<16xi1>, vector<16xi32>
        %add3A_996 = arith.addi %select_n3A_995, %add3A_887 : vector<16xi32>
        tpu.vector_store_idx %arg10[%add3A_996], %broadcast_in_dim3A_22 masked %and3A_952 : memref<98304xf32, #tpu.memory_space<vmem>>[vector<16xi32>], vector<16xf32>, vector<16xi1>
        %add3A_997 = arith.addi %select_n3A_995, %add3A_951 : vector<16xi32>
        tpu.vector_store_idx %arg10[%add3A_997], %broadcast_in_dim3A_22 masked %and3A_953 : memref<98304xf32, #tpu.memory_space<vmem>>[vector<16xi32>], vector<16xf32>, vector<16xi1>
        %while3A_998 = arith.constant 0 : i32
        scf.yield %while3A_998 : i32
      }
      %scan3A_593 = arith.constant 0 : i32
      scf.yield %scan3A_593 : i32
    }
    %scan3A_337 = arith.constant 64 : i32
    %mul3A_338 = arith.constant 512 : i32
    %mul3A_339 = arith.muli %mul3A_2, %mul3A_338 : i32
    %add3A_340 = arith.constant 2621440 : i32
    %add3A_341 = arith.addi %add3A_340, %mul3A_339 : i32
    %mul3A_342 = arith.constant 512 : i32
    %mul3A_343 = arith.muli %mul3A_2, %mul3A_342 : i32
    %add3A_344 = arith.constant 2883584 : i32
    %add3A_345 = arith.addi %add3A_344, %mul3A_343 : i32
    %mul3A_346 = arith.constant 512 : i32
    %mul3A_347 = arith.muli %mul3A_2, %mul3A_346 : i32
    %add3A_348 = arith.constant 3145728 : i32
    %add3A_349 = arith.addi %add3A_348, %mul3A_347 : i32
    %mul3A_350 = arith.constant 512 : i32
    %mul3A_351 = arith.muli %mul3A_2, %mul3A_350 : i32
    %add3A_352 = arith.constant 3407872 : i32
    %add3A_353 = arith.addi %add3A_352, %mul3A_351 : i32
    %mul3A_354 = arith.constant 512 : i32
    %mul3A_355 = arith.muli %mul3A_2, %mul3A_354 : i32
    %add3A_356 = arith.constant 3670016 : i32
    %add3A_357 = arith.addi %add3A_356, %mul3A_355 : i32
    %mul3A_358 = arith.constant 512 : i32
    %mul3A_359 = arith.muli %mul3A_2, %mul3A_358 : i32
    %add3A_360 = arith.constant 3932160 : i32
    %add3A_361 = arith.addi %add3A_360, %mul3A_359 : i32
    %mul3A_362 = arith.constant 512 : i32
    %mul3A_363 = arith.muli %mul3A_2, %mul3A_362 : i32
    %add3A_364 = arith.constant 4194304 : i32
    %add3A_365 = arith.addi %add3A_364, %mul3A_363 : i32
    %mul3A_366 = arith.constant 512 : i32
    %mul3A_367 = arith.muli %mul3A_2, %mul3A_366 : i32
    %add3A_368 = arith.constant 4456448 : i32
    %add3A_369 = arith.addi %add3A_368, %mul3A_367 : i32
    %mul3A_370 = arith.constant 512 : i32
    %mul3A_371 = arith.muli %mul3A_2, %mul3A_370 : i32
    %add3A_372 = arith.constant 4718592 : i32
    %add3A_373 = arith.addi %add3A_372, %mul3A_371 : i32
    %mul3A_374 = arith.constant 512 : i32
    %mul3A_375 = arith.muli %mul3A_2, %mul3A_374 : i32
    %add3A_376 = arith.constant 4980736 : i32
    %add3A_377 = arith.addi %add3A_376, %mul3A_375 : i32
    %dma_start3A_378 = arith.constant 0 : i32
    %dma_start3A_379 = tpu.memref_slice %arg10[%dma_start3A_378] : memref<98304xf32, #tpu.memory_space<vmem>> -> memref<8192xf32, #tpu.memory_space<vmem>>
    %dma_start3A_380 = tpu.memref_slice %arg9[%add3A_341] : memref<5242880xf32, #tpu.memory_space<hbm>> -> memref<8192xf32, #tpu.memory_space<hbm>>
    %dma_start3A_381 = tpu.memref_slice %arg9[%add3A_341] : memref<5242880xf32, #tpu.memory_space<hbm>> -> memref<8192xf32, #tpu.memory_space<hbm>>
    %dma_start3A_382 = arith.constant 0 : i32
    %dma_start3A_383 = tpu.memref_slice %arg10[%dma_start3A_382] : memref<98304xf32, #tpu.memory_space<vmem>> -> memref<8192xf32, #tpu.memory_space<vmem>>
    tpu.enqueue_dma source(%dma_start3A_383 : memref<8192xf32, #tpu.memory_space<vmem>>) target(%dma_start3A_381 : memref<8192xf32, #tpu.memory_space<hbm>>) target_semaphore(%arg18 : memref<!tpu.dma_semaphore, #tpu.memory_space<semaphore_mem>>)
    %dma_start3A_384 = arith.constant 8192 : i32
    %dma_start3A_385 = tpu.memref_slice %arg10[%dma_start3A_384] : memref<98304xf32, #tpu.memory_space<vmem>> -> memref<8192xf32, #tpu.memory_space<vmem>>
    %dma_start3A_386 = tpu.memref_slice %arg9[%add3A_345] : memref<5242880xf32, #tpu.memory_space<hbm>> -> memref<8192xf32, #tpu.memory_space<hbm>>
    %dma_start3A_387 = tpu.memref_slice %arg9[%add3A_345] : memref<5242880xf32, #tpu.memory_space<hbm>> -> memref<8192xf32, #tpu.memory_space<hbm>>
    %dma_start3A_388 = arith.constant 8192 : i32
    %dma_start3A_389 = tpu.memref_slice %arg10[%dma_start3A_388] : memref<98304xf32, #tpu.memory_space<vmem>> -> memref<8192xf32, #tpu.memory_space<vmem>>
    tpu.enqueue_dma source(%dma_start3A_389 : memref<8192xf32, #tpu.memory_space<vmem>>) target(%dma_start3A_387 : memref<8192xf32, #tpu.memory_space<hbm>>) target_semaphore(%arg18 : memref<!tpu.dma_semaphore, #tpu.memory_space<semaphore_mem>>)
    %dma_start3A_390 = arith.constant 16384 : i32
    %dma_start3A_391 = tpu.memref_slice %arg10[%dma_start3A_390] : memref<98304xf32, #tpu.memory_space<vmem>> -> memref<8192xf32, #tpu.memory_space<vmem>>
    %dma_start3A_392 = tpu.memref_slice %arg9[%add3A_349] : memref<5242880xf32, #tpu.memory_space<hbm>> -> memref<8192xf32, #tpu.memory_space<hbm>>
    %dma_start3A_393 = tpu.memref_slice %arg9[%add3A_349] : memref<5242880xf32, #tpu.memory_space<hbm>> -> memref<8192xf32, #tpu.memory_space<hbm>>
    %dma_start3A_394 = arith.constant 16384 : i32
    %dma_start3A_395 = tpu.memref_slice %arg10[%dma_start3A_394] : memref<98304xf32, #tpu.memory_space<vmem>> -> memref<8192xf32, #tpu.memory_space<vmem>>
    tpu.enqueue_dma source(%dma_start3A_395 : memref<8192xf32, #tpu.memory_space<vmem>>) target(%dma_start3A_393 : memref<8192xf32, #tpu.memory_space<hbm>>) target_semaphore(%arg18 : memref<!tpu.dma_semaphore, #tpu.memory_space<semaphore_mem>>)
    %dma_start3A_396 = arith.constant 24576 : i32
    %dma_start3A_397 = tpu.memref_slice %arg10[%dma_start3A_396] : memref<98304xf32, #tpu.memory_space<vmem>> -> memref<8192xf32, #tpu.memory_space<vmem>>
    %dma_start3A_398 = tpu.memref_slice %arg9[%add3A_353] : memref<5242880xf32, #tpu.memory_space<hbm>> -> memref<8192xf32, #tpu.memory_space<hbm>>
    %dma_start3A_399 = tpu.memref_slice %arg9[%add3A_353] : memref<5242880xf32, #tpu.memory_space<hbm>> -> memref<8192xf32, #tpu.memory_space<hbm>>
    %dma_start3A_400 = arith.constant 24576 : i32
    %dma_start3A_401 = tpu.memref_slice %arg10[%dma_start3A_400] : memref<98304xf32, #tpu.memory_space<vmem>> -> memref<8192xf32, #tpu.memory_space<vmem>>
    tpu.enqueue_dma source(%dma_start3A_401 : memref<8192xf32, #tpu.memory_space<vmem>>) target(%dma_start3A_399 : memref<8192xf32, #tpu.memory_space<hbm>>) target_semaphore(%arg18 : memref<!tpu.dma_semaphore, #tpu.memory_space<semaphore_mem>>)
    %dma_start3A_402 = arith.constant 32768 : i32
    %dma_start3A_403 = tpu.memref_slice %arg10[%dma_start3A_402] : memref<98304xf32, #tpu.memory_space<vmem>> -> memref<8192xf32, #tpu.memory_space<vmem>>
    %dma_start3A_404 = tpu.memref_slice %arg9[%add3A_357] : memref<5242880xf32, #tpu.memory_space<hbm>> -> memref<8192xf32, #tpu.memory_space<hbm>>
    %dma_start3A_405 = tpu.memref_slice %arg9[%add3A_357] : memref<5242880xf32, #tpu.memory_space<hbm>> -> memref<8192xf32, #tpu.memory_space<hbm>>
    %dma_start3A_406 = arith.constant 32768 : i32
    %dma_start3A_407 = tpu.memref_slice %arg10[%dma_start3A_406] : memref<98304xf32, #tpu.memory_space<vmem>> -> memref<8192xf32, #tpu.memory_space<vmem>>
    tpu.enqueue_dma source(%dma_start3A_407 : memref<8192xf32, #tpu.memory_space<vmem>>) target(%dma_start3A_405 : memref<8192xf32, #tpu.memory_space<hbm>>) target_semaphore(%arg18 : memref<!tpu.dma_semaphore, #tpu.memory_space<semaphore_mem>>)
    %dma_start3A_408 = arith.constant 40960 : i32
    %dma_start3A_409 = tpu.memref_slice %arg10[%dma_start3A_408] : memref<98304xf32, #tpu.memory_space<vmem>> -> memref<8192xf32, #tpu.memory_space<vmem>>
    %dma_start3A_410 = tpu.memref_slice %arg9[%add3A_361] : memref<5242880xf32, #tpu.memory_space<hbm>> -> memref<8192xf32, #tpu.memory_space<hbm>>
    %dma_start3A_411 = tpu.memref_slice %arg9[%add3A_361] : memref<5242880xf32, #tpu.memory_space<hbm>> -> memref<8192xf32, #tpu.memory_space<hbm>>
    %dma_start3A_412 = arith.constant 40960 : i32
    %dma_start3A_413 = tpu.memref_slice %arg10[%dma_start3A_412] : memref<98304xf32, #tpu.memory_space<vmem>> -> memref<8192xf32, #tpu.memory_space<vmem>>
    tpu.enqueue_dma source(%dma_start3A_413 : memref<8192xf32, #tpu.memory_space<vmem>>) target(%dma_start3A_411 : memref<8192xf32, #tpu.memory_space<hbm>>) target_semaphore(%arg18 : memref<!tpu.dma_semaphore, #tpu.memory_space<semaphore_mem>>)
    %dma_start3A_414 = arith.constant 49152 : i32
    %dma_start3A_415 = tpu.memref_slice %arg10[%dma_start3A_414] : memref<98304xf32, #tpu.memory_space<vmem>> -> memref<8192xf32, #tpu.memory_space<vmem>>
    %dma_start3A_416 = tpu.memref_slice %arg9[%add3A_365] : memref<5242880xf32, #tpu.memory_space<hbm>> -> memref<8192xf32, #tpu.memory_space<hbm>>
    %dma_start3A_417 = tpu.memref_slice %arg9[%add3A_365] : memref<5242880xf32, #tpu.memory_space<hbm>> -> memref<8192xf32, #tpu.memory_space<hbm>>
    %dma_start3A_418 = arith.constant 49152 : i32
    %dma_start3A_419 = tpu.memref_slice %arg10[%dma_start3A_418] : memref<98304xf32, #tpu.memory_space<vmem>> -> memref<8192xf32, #tpu.memory_space<vmem>>
    tpu.enqueue_dma source(%dma_start3A_419 : memref<8192xf32, #tpu.memory_space<vmem>>) target(%dma_start3A_417 : memref<8192xf32, #tpu.memory_space<hbm>>) target_semaphore(%arg18 : memref<!tpu.dma_semaphore, #tpu.memory_space<semaphore_mem>>)
    %dma_start3A_420 = arith.constant 57344 : i32
    %dma_start3A_421 = tpu.memref_slice %arg10[%dma_start3A_420] : memref<98304xf32, #tpu.memory_space<vmem>> -> memref<8192xf32, #tpu.memory_space<vmem>>
    %dma_start3A_422 = tpu.memref_slice %arg9[%add3A_369] : memref<5242880xf32, #tpu.memory_space<hbm>> -> memref<8192xf32, #tpu.memory_space<hbm>>
    %dma_start3A_423 = tpu.memref_slice %arg9[%add3A_369] : memref<5242880xf32, #tpu.memory_space<hbm>> -> memref<8192xf32, #tpu.memory_space<hbm>>
    %dma_start3A_424 = arith.constant 57344 : i32
    %dma_start3A_425 = tpu.memref_slice %arg10[%dma_start3A_424] : memref<98304xf32, #tpu.memory_space<vmem>> -> memref<8192xf32, #tpu.memory_space<vmem>>
    tpu.enqueue_dma source(%dma_start3A_425 : memref<8192xf32, #tpu.memory_space<vmem>>) target(%dma_start3A_423 : memref<8192xf32, #tpu.memory_space<hbm>>) target_semaphore(%arg18 : memref<!tpu.dma_semaphore, #tpu.memory_space<semaphore_mem>>)
    %dma_start3A_426 = arith.constant 81920 : i32
    %dma_start3A_427 = tpu.memref_slice %arg10[%dma_start3A_426] : memref<98304xf32, #tpu.memory_space<vmem>> -> memref<8192xf32, #tpu.memory_space<vmem>>
    %dma_start3A_428 = tpu.memref_slice %arg9[%add3A_373] : memref<5242880xf32, #tpu.memory_space<hbm>> -> memref<8192xf32, #tpu.memory_space<hbm>>
    %dma_start3A_429 = tpu.memref_slice %arg9[%add3A_373] : memref<5242880xf32, #tpu.memory_space<hbm>> -> memref<8192xf32, #tpu.memory_space<hbm>>
    %dma_start3A_430 = arith.constant 81920 : i32
    %dma_start3A_431 = tpu.memref_slice %arg10[%dma_start3A_430] : memref<98304xf32, #tpu.memory_space<vmem>> -> memref<8192xf32, #tpu.memory_space<vmem>>
    tpu.enqueue_dma source(%dma_start3A_431 : memref<8192xf32, #tpu.memory_space<vmem>>) target(%dma_start3A_429 : memref<8192xf32, #tpu.memory_space<hbm>>) target_semaphore(%arg18 : memref<!tpu.dma_semaphore, #tpu.memory_space<semaphore_mem>>)
    %dma_start3A_432 = arith.constant 90112 : i32
    %dma_start3A_433 = tpu.memref_slice %arg10[%dma_start3A_432] : memref<98304xf32, #tpu.memory_space<vmem>> -> memref<8192xf32, #tpu.memory_space<vmem>>
    %dma_start3A_434 = tpu.memref_slice %arg9[%add3A_377] : memref<5242880xf32, #tpu.memory_space<hbm>> -> memref<8192xf32, #tpu.memory_space<hbm>>
    %dma_start3A_435 = tpu.memref_slice %arg9[%add3A_377] : memref<5242880xf32, #tpu.memory_space<hbm>> -> memref<8192xf32, #tpu.memory_space<hbm>>
    %dma_start3A_436 = arith.constant 90112 : i32
    %dma_start3A_437 = tpu.memref_slice %arg10[%dma_start3A_436] : memref<98304xf32, #tpu.memory_space<vmem>> -> memref<8192xf32, #tpu.memory_space<vmem>>
    tpu.enqueue_dma source(%dma_start3A_437 : memref<8192xf32, #tpu.memory_space<vmem>>) target(%dma_start3A_435 : memref<8192xf32, #tpu.memory_space<hbm>>) target_semaphore(%arg18 : memref<!tpu.dma_semaphore, #tpu.memory_space<semaphore_mem>>)
    %dma_wait3A_438 = arith.constant 0 : i32
    %dma_wait3A_439 = tpu.memref_slice %arg10[%dma_wait3A_438] : memref<98304xf32, #tpu.memory_space<vmem>> -> memref<8192xf32, #tpu.memory_space<vmem>>
    %dma_wait3A_440 = tpu.memref_slice %arg9[%add3A_341] : memref<5242880xf32, #tpu.memory_space<hbm>> -> memref<8192xf32, #tpu.memory_space<hbm>>
    %dma_wait3A_441 = tpu.memref_slice %arg9[%add3A_341] : memref<5242880xf32, #tpu.memory_space<hbm>> -> memref<8192xf32, #tpu.memory_space<hbm>>
    %dma_wait3A_442 = arith.constant 0 : i32
    %dma_wait3A_443 = tpu.memref_slice %arg10[%dma_wait3A_442] : memref<98304xf32, #tpu.memory_space<vmem>> -> memref<8192xf32, #tpu.memory_space<vmem>>
    tpu.wait_dma2 semaphore(%arg18 : memref<!tpu.dma_semaphore, #tpu.memory_space<semaphore_mem>>) src(%dma_wait3A_443 : memref<8192xf32, #tpu.memory_space<vmem>>) dst(%dma_wait3A_441 : memref<8192xf32, #tpu.memory_space<hbm>>)
    %dma_wait3A_444 = arith.constant 8192 : i32
    %dma_wait3A_445 = tpu.memref_slice %arg10[%dma_wait3A_444] : memref<98304xf32, #tpu.memory_space<vmem>> -> memref<8192xf32, #tpu.memory_space<vmem>>
    %dma_wait3A_446 = tpu.memref_slice %arg9[%add3A_345] : memref<5242880xf32, #tpu.memory_space<hbm>> -> memref<8192xf32, #tpu.memory_space<hbm>>
    %dma_wait3A_447 = tpu.memref_slice %arg9[%add3A_345] : memref<5242880xf32, #tpu.memory_space<hbm>> -> memref<8192xf32, #tpu.memory_space<hbm>>
    %dma_wait3A_448 = arith.constant 8192 : i32
    %dma_wait3A_449 = tpu.memref_slice %arg10[%dma_wait3A_448] : memref<98304xf32, #tpu.memory_space<vmem>> -> memref<8192xf32, #tpu.memory_space<vmem>>
    tpu.wait_dma2 semaphore(%arg18 : memref<!tpu.dma_semaphore, #tpu.memory_space<semaphore_mem>>) src(%dma_wait3A_449 : memref<8192xf32, #tpu.memory_space<vmem>>) dst(%dma_wait3A_447 : memref<8192xf32, #tpu.memory_space<hbm>>)
    %dma_wait3A_450 = arith.constant 16384 : i32
    %dma_wait3A_451 = tpu.memref_slice %arg10[%dma_wait3A_450] : memref<98304xf32, #tpu.memory_space<vmem>> -> memref<8192xf32, #tpu.memory_space<vmem>>
    %dma_wait3A_452 = tpu.memref_slice %arg9[%add3A_349] : memref<5242880xf32, #tpu.memory_space<hbm>> -> memref<8192xf32, #tpu.memory_space<hbm>>
    %dma_wait3A_453 = tpu.memref_slice %arg9[%add3A_349] : memref<5242880xf32, #tpu.memory_space<hbm>> -> memref<8192xf32, #tpu.memory_space<hbm>>
    %dma_wait3A_454 = arith.constant 16384 : i32
    %dma_wait3A_455 = tpu.memref_slice %arg10[%dma_wait3A_454] : memref<98304xf32, #tpu.memory_space<vmem>> -> memref<8192xf32, #tpu.memory_space<vmem>>
    tpu.wait_dma2 semaphore(%arg18 : memref<!tpu.dma_semaphore, #tpu.memory_space<semaphore_mem>>) src(%dma_wait3A_455 : memref<8192xf32, #tpu.memory_space<vmem>>) dst(%dma_wait3A_453 : memref<8192xf32, #tpu.memory_space<hbm>>)
    %dma_wait3A_456 = arith.constant 24576 : i32
    %dma_wait3A_457 = tpu.memref_slice %arg10[%dma_wait3A_456] : memref<98304xf32, #tpu.memory_space<vmem>> -> memref<8192xf32, #tpu.memory_space<vmem>>
    %dma_wait3A_458 = tpu.memref_slice %arg9[%add3A_353] : memref<5242880xf32, #tpu.memory_space<hbm>> -> memref<8192xf32, #tpu.memory_space<hbm>>
    %dma_wait3A_459 = tpu.memref_slice %arg9[%add3A_353] : memref<5242880xf32, #tpu.memory_space<hbm>> -> memref<8192xf32, #tpu.memory_space<hbm>>
    %dma_wait3A_460 = arith.constant 24576 : i32
    %dma_wait3A_461 = tpu.memref_slice %arg10[%dma_wait3A_460] : memref<98304xf32, #tpu.memory_space<vmem>> -> memref<8192xf32, #tpu.memory_space<vmem>>
    tpu.wait_dma2 semaphore(%arg18 : memref<!tpu.dma_semaphore, #tpu.memory_space<semaphore_mem>>) src(%dma_wait3A_461 : memref<8192xf32, #tpu.memory_space<vmem>>) dst(%dma_wait3A_459 : memref<8192xf32, #tpu.memory_space<hbm>>)
    %dma_wait3A_462 = arith.constant 32768 : i32
    %dma_wait3A_463 = tpu.memref_slice %arg10[%dma_wait3A_462] : memref<98304xf32, #tpu.memory_space<vmem>> -> memref<8192xf32, #tpu.memory_space<vmem>>
    %dma_wait3A_464 = tpu.memref_slice %arg9[%add3A_357] : memref<5242880xf32, #tpu.memory_space<hbm>> -> memref<8192xf32, #tpu.memory_space<hbm>>
    %dma_wait3A_465 = tpu.memref_slice %arg9[%add3A_357] : memref<5242880xf32, #tpu.memory_space<hbm>> -> memref<8192xf32, #tpu.memory_space<hbm>>
    %dma_wait3A_466 = arith.constant 32768 : i32
    %dma_wait3A_467 = tpu.memref_slice %arg10[%dma_wait3A_466] : memref<98304xf32, #tpu.memory_space<vmem>> -> memref<8192xf32, #tpu.memory_space<vmem>>
    tpu.wait_dma2 semaphore(%arg18 : memref<!tpu.dma_semaphore, #tpu.memory_space<semaphore_mem>>) src(%dma_wait3A_467 : memref<8192xf32, #tpu.memory_space<vmem>>) dst(%dma_wait3A_465 : memref<8192xf32, #tpu.memory_space<hbm>>)
    %dma_wait3A_468 = arith.constant 40960 : i32
    %dma_wait3A_469 = tpu.memref_slice %arg10[%dma_wait3A_468] : memref<98304xf32, #tpu.memory_space<vmem>> -> memref<8192xf32, #tpu.memory_space<vmem>>
    %dma_wait3A_470 = tpu.memref_slice %arg9[%add3A_361] : memref<5242880xf32, #tpu.memory_space<hbm>> -> memref<8192xf32, #tpu.memory_space<hbm>>
    %dma_wait3A_471 = tpu.memref_slice %arg9[%add3A_361] : memref<5242880xf32, #tpu.memory_space<hbm>> -> memref<8192xf32, #tpu.memory_space<hbm>>
    %dma_wait3A_472 = arith.constant 40960 : i32
    %dma_wait3A_473 = tpu.memref_slice %arg10[%dma_wait3A_472] : memref<98304xf32, #tpu.memory_space<vmem>> -> memref<8192xf32, #tpu.memory_space<vmem>>
    tpu.wait_dma2 semaphore(%arg18 : memref<!tpu.dma_semaphore, #tpu.memory_space<semaphore_mem>>) src(%dma_wait3A_473 : memref<8192xf32, #tpu.memory_space<vmem>>) dst(%dma_wait3A_471 : memref<8192xf32, #tpu.memory_space<hbm>>)
    %dma_wait3A_474 = arith.constant 49152 : i32
    %dma_wait3A_475 = tpu.memref_slice %arg10[%dma_wait3A_474] : memref<98304xf32, #tpu.memory_space<vmem>> -> memref<8192xf32, #tpu.memory_space<vmem>>
    %dma_wait3A_476 = tpu.memref_slice %arg9[%add3A_365] : memref<5242880xf32, #tpu.memory_space<hbm>> -> memref<8192xf32, #tpu.memory_space<hbm>>
    %dma_wait3A_477 = tpu.memref_slice %arg9[%add3A_365] : memref<5242880xf32, #tpu.memory_space<hbm>> -> memref<8192xf32, #tpu.memory_space<hbm>>
    %dma_wait3A_478 = arith.constant 49152 : i32
    %dma_wait3A_479 = tpu.memref_slice %arg10[%dma_wait3A_478] : memref<98304xf32, #tpu.memory_space<vmem>> -> memref<8192xf32, #tpu.memory_space<vmem>>
    tpu.wait_dma2 semaphore(%arg18 : memref<!tpu.dma_semaphore, #tpu.memory_space<semaphore_mem>>) src(%dma_wait3A_479 : memref<8192xf32, #tpu.memory_space<vmem>>) dst(%dma_wait3A_477 : memref<8192xf32, #tpu.memory_space<hbm>>)
    %dma_wait3A_480 = arith.constant 57344 : i32
    %dma_wait3A_481 = tpu.memref_slice %arg10[%dma_wait3A_480] : memref<98304xf32, #tpu.memory_space<vmem>> -> memref<8192xf32, #tpu.memory_space<vmem>>
    %dma_wait3A_482 = tpu.memref_slice %arg9[%add3A_369] : memref<5242880xf32, #tpu.memory_space<hbm>> -> memref<8192xf32, #tpu.memory_space<hbm>>
    %dma_wait3A_483 = tpu.memref_slice %arg9[%add3A_369] : memref<5242880xf32, #tpu.memory_space<hbm>> -> memref<8192xf32, #tpu.memory_space<hbm>>
    %dma_wait3A_484 = arith.constant 57344 : i32
    %dma_wait3A_485 = tpu.memref_slice %arg10[%dma_wait3A_484] : memref<98304xf32, #tpu.memory_space<vmem>> -> memref<8192xf32, #tpu.memory_space<vmem>>
    tpu.wait_dma2 semaphore(%arg18 : memref<!tpu.dma_semaphore, #tpu.memory_space<semaphore_mem>>) src(%dma_wait3A_485 : memref<8192xf32, #tpu.memory_space<vmem>>) dst(%dma_wait3A_483 : memref<8192xf32, #tpu.memory_space<hbm>>)
    %dma_wait3A_486 = arith.constant 81920 : i32
    %dma_wait3A_487 = tpu.memref_slice %arg10[%dma_wait3A_486] : memref<98304xf32, #tpu.memory_space<vmem>> -> memref<8192xf32, #tpu.memory_space<vmem>>
    %dma_wait3A_488 = tpu.memref_slice %arg9[%add3A_373] : memref<5242880xf32, #tpu.memory_space<hbm>> -> memref<8192xf32, #tpu.memory_space<hbm>>
    %dma_wait3A_489 = tpu.memref_slice %arg9[%add3A_373] : memref<5242880xf32, #tpu.memory_space<hbm>> -> memref<8192xf32, #tpu.memory_space<hbm>>
    %dma_wait3A_490 = arith.constant 81920 : i32
    %dma_wait3A_491 = tpu.memref_slice %arg10[%dma_wait3A_490] : memref<98304xf32, #tpu.memory_space<vmem>> -> memref<8192xf32, #tpu.memory_space<vmem>>
    tpu.wait_dma2 semaphore(%arg18 : memref<!tpu.dma_semaphore, #tpu.memory_space<semaphore_mem>>) src(%dma_wait3A_491 : memref<8192xf32, #tpu.memory_space<vmem>>) dst(%dma_wait3A_489 : memref<8192xf32, #tpu.memory_space<hbm>>)
    %dma_wait3A_492 = arith.constant 90112 : i32
    %dma_wait3A_493 = tpu.memref_slice %arg10[%dma_wait3A_492] : memref<98304xf32, #tpu.memory_space<vmem>> -> memref<8192xf32, #tpu.memory_space<vmem>>
    %dma_wait3A_494 = tpu.memref_slice %arg9[%add3A_377] : memref<5242880xf32, #tpu.memory_space<hbm>> -> memref<8192xf32, #tpu.memory_space<hbm>>
    %dma_wait3A_495 = tpu.memref_slice %arg9[%add3A_377] : memref<5242880xf32, #tpu.memory_space<hbm>> -> memref<8192xf32, #tpu.memory_space<hbm>>
    %dma_wait3A_496 = arith.constant 90112 : i32
    %dma_wait3A_497 = tpu.memref_slice %arg10[%dma_wait3A_496] : memref<98304xf32, #tpu.memory_space<vmem>> -> memref<8192xf32, #tpu.memory_space<vmem>>
    tpu.wait_dma2 semaphore(%arg18 : memref<!tpu.dma_semaphore, #tpu.memory_space<semaphore_mem>>) src(%dma_wait3A_497 : memref<8192xf32, #tpu.memory_space<vmem>>) dst(%dma_wait3A_495 : memref<8192xf32, #tpu.memory_space<hbm>>)
    return
  }
}

</mosaic_0001>

<sc_bundles>
// kernel: nngrid_scatter_sc.3.cloned.1.call-start
scs
__scs_entry_jumppad:
0x0: {  	(pc) =	sbr.rel $0x88, $3  }
0x1: {  	(tag) =	ssettag $0x0;
	lr =	simm.s32 $0x1  }
0x2: {  	[smem:$0x3F9A] =	sst lr;
	_ =	strace $0xD0000000  }
0x3: {  	_ = 	snop  }
0x4: {  	_ = 	snop  }
0x5: {  	_ = 	snop  }
0x6: {  	_ = 	snop  }
0x7: {  	_ = 	snop  }
__scs_overlays_trampoline_lowered:
0x8: {  	[smem:$0x3FA9] =	sst s0  }
0x9: {  	[smem:$0x3FAA] =	sst s1  }
0xa: {  	[smem:$0x3FAB] =	sst s2  }
0xb: {  	[smem:$0x3FAC] =	sst s3  }
0xc: {  	[smem:$0x3FAD] =	sst s4  }
0xd: {  	[smem:$0x3FAE] =	sst s5  }
0xe: {  	[smem:$0x3FAF] =	sst s6  }
0xf: {  	[smem:$0x3FB0] =	sst s7  }
0x10: {  	[smem:$0x3FB1] =	sst s8  }
0x11: {  	[smem:$0x3FB2] =	sst s9;
	s0 =	simm.s32 @!p0 $0x0  }
0x12: {  	s1 =	sld [smem:$0x3F98];
	s0 =	simm.s32 @p0 $0x1  }
0x13: {  	[smem:$0x3FB3] =	sst s0;
	s0 =	simm.s32 @!p1 $0x0  }
0x14: {  	s2 =	sld [smem:$0x3F97];
	s0 =	simm.s32 @p1 $0x1  }
0x15: {  	[smem:$0x3FB4] =	sst s0;
	s0 =	simm.s32 @!p2 $0x0  }
0x16: {  	s3 =	sld [smem:$0x3FDB];
	s0 =	simm.s32 @p2 $0x1  }
0x17: {  	s4 =	simm.s32 $0x1BF5;
	[smem:$0x3FB6] =	sst s0  }
0x18: {  	s0 =	sld [smem:$0x3F99];
	_ =	swait.ge [sflag:s4], $0x0  }
0x19: {  	s7 =	sld [smem:$0x3F9A]  }
0x1a: {  	s8 =	sadd.s32 $0xFFFFE003, lr  }
0x1b: {  	s9 =	sadd.s32 $0xFFFFFEF7, lr;
	s5 =	simm.s32 $0xFFFFFFFF;
	p2 =	slt.u32 s8, $0xFFFFF086  }
0x1c: {  	p1 =	slt.u32 s9, $0xF7A;
	s5 =	simm.s32 @!p2 $0x0  }
0x1d: {  	s5 =	simm.s32 @p1 $0x1;
	p0 =	seq.s32 s7, s2  }
0x1e: {  	s7 =	smul.u32 @!p0 $0xF7A, s2;
	p2 =	seq.s32 @!p0 s5, $0x0  }
0x1f: {  	s9 =	smul.u32 $0xF7A, s1;
	s8 =	simm.s32 @!p0 $0x1BF5;
	p2 =	por !p2, p0  }
0x20: {  	[sflag:s8] =	ssyncset.s32 @!p0 $0xFFFFF086;
	s6 =	sadd.s32 @!p0 s3, s7;
	s7 =	simm.s32 @!p0 $0x108  }
0x21: {  	s3 =	sadd.s32 s3, s9;
	s6 =	sadd.s32 @!p0 $0x88, s6;
	s7 =	simm.s32 @p2 $0x1082  }
0x22: {  	[simem:s7], [sflag:s8] =	dma.local @!p0 [hbm:s6], $0xF7A  }
0x23: {  	s9 =	sor.u32 $0xD0000000, s2;
	s6 =	simm.s32 $0x108;
	_ =	swait.ge @!p0 [sflag:s8], $0x0  }
0x24: {  	s3 =	sadd.s32 $0x88, s3;
	s6 =	simm.s32 @!p1 $0x1082;
	[sflag:s4] =	ssyncset.s32 $0xFFFFF086  }
0x25: {  	[simem:s6], [sflag:s4] =	dma.local [hbm:s3], $0xF7A  }
0x26: {  	[smem:$0x3F9A] =	sst s1;
	(tag) =	ssettag s2;
	_ =	strace s9  }
0x27: {  	s1 =	sld [smem:$0x3FAA]  }
0x28: {  	s2 =	sld [smem:$0x3FAB]  }
0x29: {  	s4 =	sld [smem:$0x3FAD]  }
0x2a: {  	p0 =	seq.s32 s5, $0x0;
	s5 =	sld [smem:$0x3FAE]  }
0x2b: {  	s6 =	sld [smem:$0x3FAF]  }
0x2c: {  	s7 =	sld [smem:$0x3FB0]  }
0x2d: {  	s3 =	simm.s32 $0x108;
	s8 =	sld [smem:$0x3FB1]  }
0x2e: {  	s3 =	simm.s32 @!p0 $0x1082;
	s9 =	sld [smem:$0x3FB2]  }
0x2f: {  	lr =	sadd.s32 s0, s3;
	s0 =	sld [smem:$0x3FA9]  }
0x30: {  	s3 =	sld [smem:$0x3FAC]  }
0x31: {  	[smem:$0x3FB5] =	sst s10  }
0x32: {  	s10 =	sld [smem:$0x3FB3];
	_ =	sdelay $0x3  }
0x33: {  	p0 =	seq.s32 s10, $0x1;
	s10 =	sld [smem:$0x3FB5];
	_ =	sdelay $0x3  }
0x34: {  	[smem:$0x3FB5] =	sst s10  }
0x35: {  	s10 =	sld [smem:$0x3FB4];
	_ =	sdelay $0x3  }
0x36: {  	p1 =	seq.s32 s10, $0x1;
	s10 =	sld [smem:$0x3FB5];
	_ =	sdelay $0x3  }
0x37: {  	[smem:$0x3FB5] =	sst s10  }
0x38: {  	s10 =	sld [smem:$0x3FB6]  }
0x39: {  	_ = 	snop;
	(pc) =	sbr.ind lr, $3  }
0x3a: {  	_ = 	snop  }
0x3b: {  	_ = 	snop  }
0x3c: {  	p2 =	seq.s32 s10, $0x1;
	s10 =	sld [smem:$0x3FB5]  }
0x3d: {  	_ =	shalt  }
0x3e: {  	_ =	shalt  }
0x3f: {  	_ =	shalt  }
0x40: {  	_ =	shalt  }
0x41: {  	_ =	shalt  }
0x42: {  	_ =	shalt  }
0x43: {  	_ =	shalt  }
0x44: {  	_ =	shalt  }
0x45: {  	_ =	shalt  }
0x46: {  	_ =	shalt  }
0x47: {  	_ =	shalt  }
0x48: {  	_ =	shalt  }
0x49: {  	_ =	shalt  }
0x4a: {  	_ =	shalt  }
0x4b: {  	_ =	shalt  }
0x4c: {  	_ =	shalt  }
0x4d: {  	_ =	shalt  }
0x4e: {  	_ =	shalt  }
0x4f: {  	_ =	shalt  }
0x50: {  	_ =	shalt  }
0x51: {  	_ =	shalt  }
0x52: {  	_ =	shalt  }
0x53: {  	_ =	shalt  }
0x54: {  	_ =	shalt  }
0x55: {  	_ =	shalt  }
0x56: {  	_ =	shalt  }
0x57: {  	_ =	shalt  }
0x58: {  	_ =	shalt  }
0x59: {  	_ =	shalt  }
0x5a: {  	_ =	shalt  }
0x5b: {  	_ =	shalt  }
0x5c: {  	_ =	shalt  }
0x5d: {  	_ =	shalt  }
0x5e: {  	_ =	shalt  }
0x5f: {  	_ =	shalt  }
0x60: {  	_ =	shalt  }
0x61: {  	_ =	shalt  }
0x62: {  	_ =	shalt  }
0x63: {  	_ =	shalt  }
0x64: {  	_ =	shalt  }
0x65: {  	_ =	shalt  }
0x66: {  	_ =	shalt  }
0x67: {  	_ =	shalt  }
0x68: {  	_ =	shalt  }
0x69: {  	_ =	shalt  }
0x6a: {  	_ =	shalt  }
0x6b: {  	_ =	shalt  }
0x6c: {  	_ =	shalt  }
0x6d: {  	_ =	shalt  }
0x6e: {  	_ =	shalt  }
0x6f: {  	_ =	shalt  }
0x70: {  	_ =	shalt  }
0x71: {  	_ =	shalt  }
0x72: {  	_ =	shalt  }
0x73: {  	_ =	shalt  }
0x74: {  	_ =	shalt  }
0x75: {  	_ =	shalt  }
0x76: {  	_ =	shalt  }
0x77: {  	_ =	shalt  }
0x78: {  	_ =	shalt  }
0x79: {  	_ =	shalt  }
0x7a: {  	_ =	shalt  }
0x7b: {  	_ =	shalt  }
0x7c: {  	_ =	shalt  }
0x7d: {  	_ =	shalt  }
0x7e: {  	_ =	shalt  }
0x7f: {  	_ =	shalt  }
0x80: {  	_ =	shalt  }
0x81: {  	_ =	shalt  }
0x82: {  	_ =	shalt  }
0x83: {  	_ =	shalt  }
0x84: {  	_ =	shalt  }
0x85: {  	_ =	shalt  }
0x86: {  	_ =	shalt  }
0x87: {  	_ =	shalt  }
.Lfunc_end0:
.L_simem_size_0:
called_computation_lowered:
.L_overlay_start_0:
0x88: {  	s2 =	sld [smem:$0x3FD9]  }
0x89: {  	s3 =	sld [smem:$0x3FFE];
	_ =	sdelay $0x1  }
0x8a: {  	s1 =	srdreg.scid  }
0x8b: {  	s0 =	sand.u32 $0x1, s1  }
0x8c: {  	s17 =	sshll.u32 s0, $0xA;
	s2 =	sadd.s32 s3, s2  }
0x8d: {  	s2 =	sadd.s32 s2, s17  }
0x8e: {  	[smem:$0x3FC1] =	sst s2  }
0x8f: {  	_ = 	snop  }
0x90: {  	s2 =	sld [smem:$0x3FC7]  }
0x91: {  	s18 =	sld [smem:$0x3FC4]  }
0x92: {  	s4 =	sld [smem:$0x3FC3]  }
0x93: {  	s5 =	sld [smem:$0x3FD0];
	(tm) =	ssettm $0x1  }
0x94: {  	s6 =	sld [smem:$0x3FFB];
	_ =	sdelay $0x3  }
0x95: {  	_ =	strace s6  }
0x96: {  	s6 =	sld [smem:$0x3FFC];
	_ =	sdelay $0x3  }
0x97: {  	_ =	strace s6  }
0x98: {  	s6 =	sld [smem:$0x3FFD];
	_ =	sdelay $0x3  }
0x99: {  	_ =	strace s6  }
0x9a: {  	_ =	strace $0x8FFFFFFF  }
0x9b: {  	s19 =	sld [smem:$0x3FDB];
	_ =	sdelay $0x1  }
0x9c: {  	s7 =	simm.s32 $_scs_section_size  }
0x9d: {  	s8 =	simm.s32 $_size__tile_overlayer_lowered;
	s9 =	simm.s32 $_tile_overlayer_lowered  }
0x9e: {  	s22 =	simm.s32 $0x1BFF;
	s21 =	sshll.u32 s9, $0x1;
	s6 =	sadd.s32 s7, s19  }
0x9f: {  	s10 =	simm.s32 $0x0;
	s20 =	sshll.u32 s8, $0x1;
	s8 =	sadd.s32 s21, s6  }
0xa0: {  	[timem:s10], [sflag:s22] =	dma.local [hbm:s8], s20  }
0xa1: {  	_ =	swait.ge [sflag:s22], s20  }
0xa2: {  	s7 =	ssub.s32 $0x0, s20;
	[sflag:s22] =	ssyncset.done $0x0  }
0xa3: {  	[sflag:s22] =	ssyncadd.s32 s7;
	_ =	sdelay $0x1  }
0xa4: {  	s23 =	simm.s32 $0x1B8B  }
0xa5: {  	_ =	swait.ge [sflag:s23], $0x1  }
0xa6: {  	[sflag:s23] =	ssyncset.done $0x0  }
0xa7: {  	s25 =	simm.s32 $0x1B8E;
	s24 =	sld [smem:$0x3FFE];
	[sflag:s23] =	ssyncadd.s32 $0xFFFFFFFF  }
0xa8: {  	s26 =	simm.s32 $execute0_lowered;
	[smem:$0x3FD2] =	sst s25  }
0xa9: {  	s8 =	sshll.u32 s26, $0x1;
	_ =	strace $0x80000046;
	[dreg:$0x1] =	wrdreg $0xFFFFFFFF  }
0xaa: {  	s28 =	simm.s32 $_size_execute0_lowered;
	s6 =	sadd.s32 s6, s8;
	[dreg:$0x0] =	wrdreg $0x0  }
0xab: {  	s8 =	sshll.u32 s28, $0x1;
	[dreg:$0x2] =	wrdreg s6  }
0xac: {  	[dreg:$0x3] =	wrdreg s8  }
0xad: {  	[dreg:$0x4] =	wrdreg $0xC0  }
0xae: {  	_ =	task [dreg:s10], $0x5FFFF  }
0xaf: {  	[dreg:$0x1] =	wrdreg $0xFFFFFFFF  }
0xb0: {  	[dreg:$0x0] =	wrdreg $0x60  }
0xb1: {  	[dreg:$0x2] =	wrdreg s24  }
0xb2: {  	[dreg:$0x3] =	wrdreg s2  }
0xb3: {  	[dreg:$0x4] =	wrdreg s18  }
0xb4: {  	[dreg:$0x5] =	wrdreg s4  }
0xb5: {  	[dreg:$0x6] =	wrdreg s5  }
0xb6: {  	[dreg:$0x7] =	wrdreg $0x9  }
0xb7: {  	_ =	task.clear_ibuf [dreg:s10], $0x8FFFF;
	_ =	strace $0x90000046  }
0xb8: {  	s29 =	simm.s32 $0x9;
	_ =	strace $0x80000048  }
0xb9: {  	_ =	swait.ge [sflag:s29], $0x1  }
0xba: {  	[sflag:s29] =	ssyncadd.s32 $0xFFFFFFFF  }
0xbb: {  	_ =	strace $0x90000048  }
0xbc: {  	_ =	sfence  }
0xbd: {  	s30 =	sld [smem:$0x0];
	_ =	sdelay $0x2  }
0xbe: {  	s31 =	sshll.u32 s1, $0xD;
	s1 =	sshrl.u32 s1, $0x2  }
0xbf: {  	s3 =	sand.u32 $0x4000, s31;
	s1 =	sadd.s32 s1, s30  }
0xc0: {  	s0 =	sor.u32 s3, s0;
	s1 =	sshll.u32 s1, $0x11  }
0xc1: {  	s0 =	sor.u32 s1, s0  }
0xc2: {  	s0 =	sadd.s32 $0x8F2B, s0  }
0xc3: {  	[sflag:s0] =	ssyncadd.remote.s32 $0x1  }
0xc4: {  	_ =	sfence.sel $0xFFFF  }
0xc5: {  	[dreg:$0x0] =	wrdreg $0xFFFFFFFF;
	(pc) =	sbr.abs _section_cstart, $3  }
0xc6: {  	[dreg:$0x1] =	wrdreg $0xFFFFFFFF  }
0xc7: {  	_ =	task.clear_ibuf [dreg:s10], $0x2FFFF;
	_ =	strace $0x9FFFFFFF  }
0xc8: {  	(tm) =	ssettm $0x7FFFFFFF  }
0xc9: {  	_ =	shalt  }
tec
execute0_lowered:
.L_overlay_start_1:
0x0: {  	(tag) =	ssettag $0x1  }
0x1: {  	s0 =	rddreg [dreg:$0x0]  }
0x2: {  	s1 =	rddreg [dreg:$0x1]  }
0x3: {  	s2 =	rddreg [dreg:$0x2]  }
0x4: {  	s3 =	rddreg [dreg:$0x4]  }
0x5: {  	s4 =	simm.s32 $0x0;
	s5 =	srdreg.scid;
	s8 =	stileid.u32  }
0x6: {  	s6 =	sadd.s32 $0x800, s0;
	s5 =	sand.u32 $0x1, s5;
	s9 =	sshll.u32 s8, $0x1  }
0x7: {  	s7 =	sadd.s32 $0x10800, s0;
	s10 =	ssub.s32 $0x2, s5;
	s5 =	sor.u32 s5, s9  }
0x8: {  	s8 =	sadd.s32 $0x8800, s0;
	s22 =	sshrl.u32 s10, $0x1;
	s11 =	sshll.u32 s5, $0xA  }
0x9: {  	s9 =	sadd.s32 $0x4800, s0;
	s0 =	ssub.s32 s10, s22;
	s10 =	sadd.s32 s3, s11  }
0xa: {  	[smem:$0x7FF] =	sst s4;
	s24 =	sadd.s32 $0x8000, s10  }
0xb: {  	_ =	strace $0x80000047;
	s25 =	sadd.s32 $0x10000, s10;
	[dreg:$0x6] =	wrdreg s24  }
0xc: {  	s26 =	sadd.s32 $0x18000, s10;
	[dreg:$0x7] =	wrdreg s25  }
0xd: {  	s28 =	sadd.s32 $0x20000, s10;
	[dreg:$0x8] =	wrdreg s26  }
0xe: {  	s13 =	sadd.s32 $0x28000, s10;
	[dreg:$0x9] =	wrdreg s28  }
0xf: {  	s14 =	sadd.s32 $0x30000, s10;
	[dreg:$0xa] =	wrdreg s13  }
0x10: {  	s15 =	sadd.s32 $0x38000, s10;
	[dreg:$0xb] =	wrdreg s14  }
0x11: {  	s16 =	sadd.s32 $0x40000, s10;
	[dreg:$0xc] =	wrdreg s15  }
0x12: {  	s17 =	sadd.s32 $0x48000, s10;
	[dreg:$0xd] =	wrdreg s16  }
0x13: {  	s29 =	simm.s32 $0x1C800;
	s18 =	sadd.s32 $0x50000, s10;
	[dreg:$0xe] =	wrdreg s17  }
0x14: {  	v0 =	vimm.f32 $1.000000000e+01;
	s30 =	simm.s32 $0x1A000;
	s19 =	sadd.s32 $0x58000, s10;
	[dreg:$0xf] =	wrdreg s18  }
0x15: {  	s31 =	simm.s32 $0x2000;
	(erf) = vrcp.f32 v0;
	s0 =	smax.u32 s0, $0x1;
	[dreg:$0x10] =	wrdreg s19  }
0x16: {  	s12 =	sshll.u32 s5, $0x4;
	s20 =	sadd.s32 $0x60000, s10;
	[dreg:$0x11] =	wrdreg s0  }
0x17: {  	s23 =	sshllo.u32 s5, $0x4;
	s21 =	sadd.s32 $0x68000, s10;
	[dreg:$0x12] =	wrdreg s20  }
0x18: {  	v4 =	vimm.s32 $0x0;
	s11 =	sadd.s32 $0x10, s12;
	s22 =	sadd.s32 $0x70000, s10;
	[dreg:$0x13] =	wrdreg s21  }
0x19: {  	v5 =	vlaneseq.u32;
	v6 =	vimm.f32 $0.0e+00;
	v1 =	vmov s23;
	s3 =	simm.s32 $0x400;
	s23 =	sadd.s32 $0x78000, s10;
	[dreg:$0x14] =	wrdreg s22  }
.Ltmp0:
0x1a: {  	v8 =	vimm.s32 $0xA000;
	v9 =	vimm.s32 $0x16000;
	v1 =	vcvt.s32.f32 v1;
	[dreg:$0x15] =	wrdreg s23;
	s24 =	sadd.s32 $0x80000, s10;
	(pc) =	sbr.rel .LBB2_1-.Ltmp0, $4  }
0x1b: {  	v10 =	vimm.f32 $1.000000000e+00;
	v14 =	vimm.s32 $0x8000;
	v0 =	vmov s12;
	s25 =	sadd.s32 $0x88000, s10;
	s26 =	sadd.s32 $0x90000, s10;
	[dreg:$0x16] =	wrdreg s24  }
0x1c: {  	v15 =	vimm.s32 $0xC000;
	v2 =	vcvt.s32.f32 v0;
	s28 =	sadd.s32 $0x98000, s10;
	s0 =	simm.s32 $0x10000;
	[dreg:$0x17] =	wrdreg s25;
	v3 =	vadd.f32 $5.099999900e-01, v1  }
0x1d: {  	v7 =	vor.u32 $0xFFFFFFE8, v5;
	v11 =	vor.u32 $0x10, v5;
	v13 =	vor.u32 $0xFFFFFFF8, v5;
	s18 =	simm.s32 $0x18000;
	s13 =	simm.s32 $0x1D000;
	[dreg:$0x18] =	wrdreg s26  }
0x1e: {  	s19 =	simm.s32 $0x5;
	s20 =	simm.s32 $0x0;
	[dreg:$0x19] =	wrdreg s28;
	v1 =	vmov s11;
	v2 =	vadd.f32 $-5.099999900e-01, v2;
	v3 =	vbroadcast v3, $0x0;
	v12 =	vpop (erf)  }
.LBB2_19:
0x1f: {  	s5 =	rddreg [dreg:$0xf]  }
0x20: {  	[hbm4b:s5+s4] =	stream.linear.scatter [tilespmem:s4], [sflag:$0x5], $0x2000, $0x38;
	[tilespmem:$0x1D440] =	vst v63  }
0x21: {  	s24 =	rddreg [dreg:$0x10];
	s31 =	simm.s32 $0x2000  }
0x22: {  	[hbm4b:s24+s4] =	stream.linear.scatter [tilespmem:s31], [sflag:$0x5], $0x2000, $0x38;
	[tilespmem:$0x1D440] =	vst v63  }
0x23: {  	s25 =	rddreg [dreg:$0x12];
	s11 =	simm.s32 $0x4000  }
0x24: {  	[hbm4b:s25+s4] =	stream.linear.scatter [tilespmem:s11], [sflag:$0x5], $0x2000, $0x38;
	[tilespmem:$0x1D440] =	vst v63  }
0x25: {  	s26 =	rddreg [dreg:$0x13];
	s28 =	simm.s32 $0x6000  }
0x26: {  	[hbm4b:s26+s4] =	stream.linear.scatter [tilespmem:s28], [sflag:$0x5], $0x2000, $0x38;
	[tilespmem:$0x1D440] =	vst v63  }
0x27: {  	s12 =	rddreg [dreg:$0x14];
	s14 =	simm.s32 $0x8000  }
0x28: {  	[hbm4b:s12+s4] =	stream.linear.scatter [tilespmem:s14], [sflag:$0x5], $0x2000, $0x38;
	[tilespmem:$0x1D440] =	vst v63  }
0x29: {  	s15 =	rddreg [dreg:$0x15];
	s16 =	simm.s32 $0xA000  }
0x2a: {  	[hbm4b:s15+s4] =	stream.linear.scatter [tilespmem:s16], [sflag:$0x5], $0x2000, $0x38;
	[tilespmem:$0x1D440] =	vst v63  }
0x2b: {  	s17 =	rddreg [dreg:$0x16];
	s18 =	simm.s32 $0xC000  }
0x2c: {  	[hbm4b:s17+s4] =	stream.linear.scatter [tilespmem:s18], [sflag:$0x5], $0x2000, $0x38;
	[tilespmem:$0x1D440] =	vst v63  }
0x2d: {  	s21 =	rddreg [dreg:$0x17];
	s22 =	simm.s32 $0xE000  }
0x2e: {  	[hbm4b:s21+s4] =	stream.linear.scatter [tilespmem:s22], [sflag:$0x5], $0x2000, $0x38;
	[tilespmem:$0x1D440] =	vst v63  }
0x2f: {  	s23 =	rddreg [dreg:$0x18];
	s24 =	simm.s32 $0x14000  }
0x30: {  	[hbm4b:s23+s4] =	stream.linear.scatter [tilespmem:s24], [sflag:$0x5], $0x2000, $0x38;
	[tilespmem:$0x1D440] =	vst v63  }
0x31: {  	s25 =	rddreg [dreg:$0x19];
	s26 =	simm.s32 $0x16000  }
0x32: {  	[hbm4b:s25+s4] =	stream.linear.scatter [tilespmem:s26], [sflag:$0x5], $0x2000, $0x38;
	[tilespmem:$0x1D440] =	vst v63  }
0x33: {  	_ =	swait.ge [sflag:s19], $0x2000  }
0x34: {  	[sflag:s19] =	ssyncset.done $0x0  }
0x35: {  	[sflag:s19] =	ssyncadd.s32 $0xFFFFE000  }
0x36: {  	_ =	swait.ge [sflag:s19], $0x2000  }
0x37: {  	[sflag:s19] =	ssyncset.done $0x0  }
0x38: {  	[sflag:s19] =	ssyncadd.s32 $0xFFFFE000  }
0x39: {  	_ =	swait.ge [sflag:s19], $0x2000  }
0x3a: {  	[sflag:s19] =	ssyncset.done $0x0  }
0x3b: {  	[sflag:s19] =	ssyncadd.s32 $0xFFFFE000  }
0x3c: {  	_ =	swait.ge [sflag:s19], $0x2000  }
0x3d: {  	[sflag:s19] =	ssyncset.done $0x0  }
0x3e: {  	[sflag:s19] =	ssyncadd.s32 $0xFFFFE000  }
0x3f: {  	_ =	swait.ge [sflag:s19], $0x2000  }
0x40: {  	[sflag:s19] =	ssyncset.done $0x0  }
0x41: {  	[sflag:s19] =	ssyncadd.s32 $0xFFFFE000  }
0x42: {  	_ =	swait.ge [sflag:s19], $0x2000  }
0x43: {  	[sflag:s19] =	ssyncset.done $0x0  }
0x44: {  	[sflag:s19] =	ssyncadd.s32 $0xFFFFE000  }
0x45: {  	_ =	swait.ge [sflag:s19], $0x2000  }
0x46: {  	[sflag:s19] =	ssyncset.done $0x0  }
0x47: {  	[sflag:s19] =	ssyncadd.s32 $0xFFFFE000  }
0x48: {  	_ =	swait.ge [sflag:s19], $0x2000  }
0x49: {  	[sflag:s19] =	ssyncset.done $0x0  }
0x4a: {  	[sflag:s19] =	ssyncadd.s32 $0xFFFFE000  }
0x4b: {  	_ =	swait.ge [sflag:s19], $0x2000  }
0x4c: {  	[sflag:s19] =	ssyncset.done $0x0  }
0x4d: {  	[sflag:s19] =	ssyncadd.s32 $0xFFFFE000  }
0x4e: {  	_ =	swait.ge [sflag:s19], $0x2000  }
0x4f: {  	s20 =	sadd.s32 $0x1, s20;
	s28 =	rddreg [dreg:$0x11]  }
0x50: {  	p0 =	sne.s32 s20, s28  }
.Ltmp1:
0x51: {  	_ = 	snop;
	(pc) =	sbr.rel @!p0 .LBB2_20-.Ltmp1, $3  }
0x52: {  	_ =	sdelay $0x1  }
0x53: {  	s29 =	simm.s32 $0x1C800;
	[sflag:s19] =	ssyncset.done $0x0  }
0x54: {  	s30 =	simm.s32 $0x1A000;
	s18 =	simm.s32 $0x18000;
	[sflag:s19] =	ssyncadd.s32 $0xFFFFE000  }
.LBB2_1:
0x55: {  	s5 =	rddreg [dreg:$0x3];
	s11 =	simm.s32 $0x1D420;
	s28 =	simm.s32 $0x6  }
0x56: {  	[tilespmem:s11], [sflag:$0x6] =	stream.linear.gather [hbm4b:s5+s4], $0x20, $0x38;
	[tilespmem:$0x1D440] =	vst v63  }
0x57: {  	_ =	swait.ge [sflag:s28], $0x20  }
0x58: {  	[sflag:s28] =	ssyncset.done $0x0  }
0x59: {  	[sflag:s28] =	ssyncadd.s32 $0xFFFFFFE0  }
0x5a: {  	[tilespmem:$0x1D000] =	vst v4  }
0x5b: {  	[tilespmem:$0x1D010] =	vst v4  }
0x5c: {  	[tilespmem:$0x1D020] =	vst v4  }
0x5d: {  	[tilespmem:$0x1D030] =	vst v4  }
0x5e: {  	[tilespmem:$0x1D040] =	vst v4  }
0x5f: {  	[tilespmem:$0x1D050] =	vst v4  }
0x60: {  	[tilespmem:$0x1D060] =	vst v4  }
0x61: {  	[tilespmem:$0x1D070] =	vst v4  }
0x62: {  	[tilespmem:$0x1D080] =	vst v4  }
0x63: {  	[tilespmem:$0x1D090] =	vst v4  }
0x64: {  	[tilespmem:$0x1D0A0] =	vst v4  }
0x65: {  	[tilespmem:$0x1D0B0] =	vst v4  }
0x66: {  	[tilespmem:$0x1D0C0] =	vst v4  }
0x67: {  	[tilespmem:$0x1D0D0] =	vst v4  }
0x68: {  	[tilespmem:$0x1D0E0] =	vst v4  }
0x69: {  	[tilespmem:$0x1D0F0] =	vst v4  }
0x6a: {  	[tilespmem:$0x1D100] =	vst v4  }
0x6b: {  	[tilespmem:$0x1D110] =	vst v4  }
0x6c: {  	[tilespmem:$0x1D120] =	vst v4  }
0x6d: {  	[tilespmem:$0x1D130] =	vst v4  }
0x6e: {  	[tilespmem:$0x1D140] =	vst v4  }
0x6f: {  	[tilespmem:$0x1D150] =	vst v4  }
0x70: {  	[tilespmem:$0x1D160] =	vst v4  }
0x71: {  	[tilespmem:$0x1D170] =	vst v4  }
0x72: {  	[tilespmem:$0x1D180] =	vst v4  }
0x73: {  	[tilespmem:$0x1D190] =	vst v4  }
0x74: {  	[tilespmem:$0x1D1A0] =	vst v4  }
0x75: {  	[tilespmem:$0x1D1B0] =	vst v4  }
0x76: {  	[tilespmem:$0x1D1C0] =	vst v4  }
0x77: {  	[tilespmem:$0x1D1D0] =	vst v4  }
0x78: {  	[tilespmem:$0x1D1E0] =	vst v4  }
0x79: {  	[tilespmem:$0x1D1F0] =	vst v4  }
0x7a: {  	[tilespmem:$0x1D200] =	vst v4  }
0x7b: {  	[tilespmem:$0x1D210] =	vst v4  }
0x7c: {  	[tilespmem:$0x1D220] =	vst v4  }
0x7d: {  	[tilespmem:$0x1D230] =	vst v4  }
0x7e: {  	[tilespmem:$0x1D240] =	vst v4  }
0x7f: {  	[tilespmem:$0x1D250] =	vst v4  }
0x80: {  	[tilespmem:$0x1D260] =	vst v4  }
0x81: {  	[tilespmem:$0x1D270] =	vst v4  }
0x82: {  	[tilespmem:$0x1D280] =	vst v4  }
0x83: {  	[tilespmem:$0x1D290] =	vst v4  }
0x84: {  	[tilespmem:$0x1D2A0] =	vst v4  }
0x85: {  	[tilespmem:$0x1D2B0] =	vst v4  }
0x86: {  	[tilespmem:$0x1D2C0] =	vst v4  }
0x87: {  	[tilespmem:$0x1D2D0] =	vst v4  }
0x88: {  	[tilespmem:$0x1D2E0] =	vst v4  }
0x89: {  	[tilespmem:$0x1D2F0] =	vst v4  }
0x8a: {  	[tilespmem:$0x1D300] =	vst v4  }
0x8b: {  	[tilespmem:$0x1D310] =	vst v4  }
0x8c: {  	[tilespmem:$0x1D320] =	vst v4  }
0x8d: {  	[tilespmem:$0x1D330] =	vst v4  }
0x8e: {  	[tilespmem:$0x1D340] =	vst v4  }
0x8f: {  	[tilespmem:$0x1D350] =	vst v4  }
0x90: {  	[tilespmem:$0x1D360] =	vst v4  }
0x91: {  	[tilespmem:$0x1D370] =	vst v4  }
0x92: {  	[tilespmem:$0x1D380] =	vst v4  }
0x93: {  	[tilespmem:$0x1D390] =	vst v4  }
0x94: {  	[tilespmem:$0x1D3A0] =	vst v4  }
0x95: {  	[tilespmem:$0x1D3B0] =	vst v4  }
0x96: {  	[tilespmem:$0x1D3C0] =	vst v4  }
0x97: {  	[tilespmem:$0x1D3D0] =	vst v4  }
0x98: {  	[tilespmem:$0x1D3E0] =	vst v4  }
0x99: {  	[tilespmem:$0x1D3F0] =	vst v4  }
0x9a: {  	[tilespmem:$0x1D400] =	vst v4  }
0x9b: {  	s11 =	simm.s32 $0x40;
	v16 =	vld [tilespmem:$0x1D420];
	[tilespmem:$0x1D410] =	vst v4  }
0x9c: {  	v17 =	vld [tilespmem:$0x1D430];
	[tilespmem:s11+$0xFFFFFFC0] =	vst v6  }
0x9d: {  	[tilespmem:s11+$0x30] =	vst v6  }
0x9e: {  	[tilespmem:s11+$0x20] =	vst v6  }
0x9f: {  	[tilespmem:s11+$0x10] =	vst v6  }
0xa0: {  	[tilespmem:s11+$0x0] =	vst v6  }
0xa1: {  	[tilespmem:s11+$0xFFFFFFF0] =	vst v6  }
0xa2: {  	s12 =	simm.s32 $0x0;
	[tilespmem:s11+$0xFFFFFFE0] =	vst v6  }
.LBB2_2:
0xa3: {  	s12 =	sadd.s32 $0x8, s12;
	[tilespmem:s11+$0xFFFFFFD0] =	vst v6;
	s11 =	sadd.s32 $0x80, s11  }
0xa4: {  	[tilespmem:s11+$0xFFFFFFC0] =	vst v6;
	p0 =	slt.u32 s12, $0x17F8  }
0xa5: {  	[tilespmem:s11+$0x30] =	vst v6  }
.Ltmp2:
0xa6: {  	[tilespmem:s11+$0x20] =	vst v6;
	(pc) =	sbr.rel @p0 .LBB2_2-.Ltmp2, $4  }
0xa7: {  	[tilespmem:s11+$0x10] =	vst v6  }
0xa8: {  	[tilespmem:s11+$0x0] =	vst v6  }
0xa9: {  	[tilespmem:s11+$0xFFFFFFF0] =	vst v6  }
0xaa: {  	[tilespmem:s11+$0xFFFFFFE0] =	vst v6  }
0xab: {  	[tilespmem:s11+$0xFFFFFFD0] =	vst v6  }
0xac: {  	[tilespmem:s18], [sflag:$0x1] =	stream.strided.gather [hbm4b:s6+s3], $0x800, s0, s3, $0x38;
	[tilespmem:$0x1D440] =	vst v63  }
.Ltmp3:
0xad: {  	_ = 	snop;
	(pc) =	sbr.rel .LBB2_5-.Ltmp3, $4  }
0xae: {  	s14 =	simm.s32 $0x0  }
0xaf: {  	[tilespmem:s29], [sflag:$0x3] =	stream.linear.gather [hbm4b:s1+s14], $0x400, $0x38;
	[tilespmem:$0x1D440] =	vst v63  }
0xb0: {  	p0 =	por $0x0, $0x0;
	s15 =	simm.s32 $0x0  }
0xb1: {  	[tilespmem:s30], [sflag:$0x1] =	stream.strided.gather [hbm4b:s7+s3], $0x1400, s0, s3, $0x38;
	[tilespmem:$0x1D440] =	vst v63  }
.LBB2_4:
0xb2: {  	p1 =	seq.s32 s15, $0x40  }
.Ltmp4:
0xb3: {  	_ = 	snop;
	(pc) =	sbr.rel @p1 .LBB2_10-.Ltmp4, $2  }
0xb4: {  	_ =	sdelay $0x2  }
0xb5: {  	p0 =	por !p0, !p0  }
.LBB2_5:
0xb6: {  	s11 =	smov.u32 s15  }
0xb7: {  	s15 =	sadd.s32 $0x1, s15;
	p1 =	seq.s32 s11, $0x3F  }
0xb8: {  	s12 =	sand.u32 @!p1 $0x1, s15;
	s22 =	sshll.u32 @!p1 s15, $0x7  }
0xb9: {  	s23 =	simm.s32 @!p1 $0x400;
	s24 =	simm.s32 @!p1 $0x10000;
	s16 =	sshll.u32 @!p1 s12, $0xC  }
0xba: {  	s17 =	sadd.s32 @!p1 $0x1, s12;
	s21 =	sadd.s32 @!p1 s6, s22;
	s16 =	sor.u32 @!p1 $0x18000, s16  }
0xbb: {  	[tilespmem:s16], [sflag:s17] =	stream.strided.gather @!p1 [hbm4b:s21+s23], $0x800, s24, s23, $0x38;
	[tilespmem:$0x1D440] =	vst v63  }
0xbc: {  	s26 =	simm.s32 @!p1 $0x0;
	s25 =	sadd.s32 @!p1 s1, s22;
	s16 =	sshll.u32 @!p1 s12, $0xA  }
0xbd: {  	s21 =	sadd.s32 @!p1 $0x3, s12;
	s12 =	smul.u32 @!p1 $0x5000, s12;
	s16 =	sor.u32 @!p1 $0x1C800, s16  }
0xbe: {  	[tilespmem:s16], [sflag:s21] =	stream.linear.gather @!p1 [hbm4b:s25+s26], $0x400, $0x38;
	[tilespmem:$0x1D440] =	vst v63  }
0xbf: {  	s12 =	sshrl.u32 @!p1 s12, $0x2;
	s21 =	sand.u32 $0x1, s11  }
0xc0: {  	s11 =	sor.u32 @!p1 $0x1A000, s12;
	s12 =	sadd.s32 @!p1 s7, s22;
	s26 =	sadd.s32 $0x1, s21  }
0xc1: {  	[tilespmem:s11], [sflag:s17] =	stream.strided.gather @!p1 [hbm4b:s12+s23], $0x1400, s24, s23, $0x38;
	[tilespmem:$0x1D440] =	vst v63  }
0xc2: {  	_ =	swait.ge [sflag:s26], $0x800  }
0xc3: {  	[sflag:s26] =	ssyncset.done $0x0  }
0xc4: {  	s28 =	sadd.s32 $0x3, s21;
	[sflag:s26] =	ssyncadd.s32 $0xFFFFF800  }
0xc5: {  	_ =	swait.ge [sflag:s28], $0x400  }
0xc6: {  	[sflag:s28] =	ssyncset.done $0x0  }
0xc7: {  	s16 =	simm.s32 $0x1;
	[sflag:s28] =	ssyncadd.s32 $0xFFFFFC00  }
0xc8: {  	s16 =	simm.s32 @!p0 $0x0;
	_ =	swait.ge [sflag:s26], $0x1400  }
0xc9: {  	s5 =	sshll.u32 s16, $0xC;
	[sflag:s26] =	ssyncset.done $0x0  }
0xca: {  	s11 =	sor.u32 $0x18040, s5;
	[sflag:s26] =	ssyncadd.s32 $0xFFFFEC00  }
0xcb: {  	v18 =	vld [tilespmem:s11+$0xFFFFFFC0];
	_ =	sdelay $0x4  }
0xcc: {  	v18 =	vsub.f32 v18, v16;
	_ =	sdelay $0x1  }
0xcd: {  	v18 =	vmul.f32 $5.120000080e+01, v18;
	_ =	sdelay $0x1  }
0xce: {  	s16 =	simm.s32 $0x0;
	vm0 =	vge.f32 v18, v2;
	vm1 =	vle.f32 v18, v3  }
0xcf: {  	v18 =	vor.u32 s16, v5;
	vm0 =	vmand vm0, vm1  }
0xd0: {  	[tilespmem:s14+$0x1D000] =	vst.msk vm0, v18;
	v18 =	vmpcnt.ones.xlane vm0  }
0xd1: {  	v19 =	vld [tilespmem:s11+$0xFFFFFFD0]  }
0xd2: {  	(v2sf) =	vpush v18, $0x0;
	_ =	sdelay $0x3  }
0xd3: {  	v18 =	vsub.f32 v19, v16;
	_ =	sdelay $0x1  }
0xd4: {  	v18 =	vmul.f32 $5.120000080e+01, v18;
	_ =	sdelay $0x1  }
0xd5: {  	vm0 =	vge.f32 v18, v2;
	vm1 =	vle.f32 v18, v3  }
0xd6: {  	vm0 =	vmand vm0, vm1  }
0xd7: {  	v18 =	vmpcnt.ones.xlane vm0;
	_ =	sdelay $0x1  }
0xd8: {  	(v2sf) =	vpush v18, $0x0;
	_ =	sdelay $0x2  }
0xd9: {  	s17 =	simm.s32 $0x10;
	s22 =	spop (v2sf)  }
0xda: {  	v18 =	vor.u32 s17, v5;
	s16 =	sadd.s32 $0x0, s22  }
0xdb: {  	[tilespmem:s16+$0x1D000] =	vst.msk vm0, v18  }
0xdc: {  	v18 =	vld [tilespmem:s11+$0xFFFFFFE0];
	_ =	sdelay $0x4  }
0xdd: {  	v18 =	vsub.f32 v18, v16;
	_ =	sdelay $0x1  }
0xde: {  	v18 =	vmul.f32 $5.120000080e+01, v18;
	_ =	sdelay $0x1  }
0xdf: {  	s23 =	simm.s32 $0x20;
	vm0 =	vge.f32 v18, v2;
	vm1 =	vle.f32 v18, v3;
	s24 =	spop (v2sf)  }
0xe0: {  	v18 =	vor.u32 s23, v5;
	s16 =	sadd.s32 s16, s24;
	vm0 =	vmand vm0, vm1  }
0xe1: {  	[tilespmem:s16+$0x1D000] =	vst.msk vm0, v18;
	v18 =	vmpcnt.ones.xlane vm0  }
0xe2: {  	v19 =	vld [tilespmem:s11+$0xFFFFFFF0]  }
0xe3: {  	(v2sf) =	vpush v18, $0x0;
	_ =	sdelay $0x3  }
0xe4: {  	v18 =	vsub.f32 v19, v16;
	_ =	sdelay $0x1  }
0xe5: {  	v18 =	vmul.f32 $5.120000080e+01, v18;
	_ =	sdelay $0x1  }
0xe6: {  	vm0 =	vge.f32 v18, v2;
	vm1 =	vle.f32 v18, v3  }
0xe7: {  	vm0 =	vmand vm0, vm1  }
0xe8: {  	v18 =	vmpcnt.ones.xlane vm0;
	_ =	sdelay $0x1  }
0xe9: {  	(v2sf) =	vpush v18, $0x0;
	_ =	sdelay $0x2  }
0xea: {  	s25 =	simm.s32 $0x30;
	s26 =	spop (v2sf)  }
0xeb: {  	v18 =	vor.u32 s25, v5;
	s16 =	sadd.s32 s16, s26  }
0xec: {  	[tilespmem:s16+$0x1D000] =	vst.msk vm0, v18  }
0xed: {  	v18 =	vld [tilespmem:s11+$0x0];
	_ =	sdelay $0x4  }
0xee: {  	v18 =	vsub.f32 v18, v16;
	_ =	sdelay $0x1  }
0xef: {  	v18 =	vmul.f32 $5.120000080e+01, v18;
	_ =	sdelay $0x1  }
0xf0: {  	s28 =	simm.s32 $0x40;
	vm0 =	vge.f32 v18, v2;
	vm1 =	vle.f32 v18, v3;
	s5 =	spop (v2sf)  }
0xf1: {  	v18 =	vor.u32 s28, v5;
	s16 =	sadd.s32 s16, s5;
	vm0 =	vmand vm0, vm1  }
0xf2: {  	[tilespmem:s16+$0x1D000] =	vst.msk vm0, v18;
	v18 =	vmpcnt.ones.xlane vm0  }
0xf3: {  	v19 =	vld [tilespmem:s11+$0x10]  }
0xf4: {  	(v2sf) =	vpush v18, $0x0;
	_ =	sdelay $0x3  }
0xf5: {  	v18 =	vsub.f32 v19, v16;
	_ =	sdelay $0x1  }
0xf6: {  	v18 =	vmul.f32 $5.120000080e+01, v18;
	_ =	sdelay $0x1  }
0xf7: {  	vm0 =	vge.f32 v18, v2;
	vm1 =	vle.f32 v18, v3  }
0xf8: {  	vm0 =	vmand vm0, vm1  }
0xf9: {  	v18 =	vmpcnt.ones.xlane vm0;
	_ =	sdelay $0x1  }
0xfa: {  	(v2sf) =	vpush v18, $0x0;
	_ =	sdelay $0x2  }
0xfb: {  	s22 =	simm.s32 $0x50;
	s23 =	spop (v2sf)  }
0xfc: {  	v18 =	vor.u32 s22, v5;
	s16 =	sadd.s32 s16, s23  }
0xfd: {  	[tilespmem:s16+$0x1D000] =	vst.msk vm0, v18  }
0xfe: {  	v18 =	vld [tilespmem:s11+$0x20];
	_ =	sdelay $0x4  }
0xff: {  	v18 =	vsub.f32 v18, v16;
	_ =	sdelay $0x1  }
0x100: {  	v18 =	vmul.f32 $5.120000080e+01, v18;
	_ =	sdelay $0x1  }
0x101: {  	s24 =	simm.s32 $0x60;
	vm0 =	vge.f32 v18, v2;
	vm1 =	vle.f32 v18, v3;
	s25 =	spop (v2sf)  }
0x102: {  	v18 =	vor.u32 s24, v5;
	s16 =	sadd.s32 s16, s25;
	vm0 =	vmand vm0, vm1  }
0x103: {  	[tilespmem:s16+$0x1D000] =	vst.msk vm0, v18;
	v18 =	vmpcnt.ones.xlane vm0  }
0x104: {  	v19 =	vld [tilespmem:s11+$0x30]  }
0x105: {  	(v2sf) =	vpush v18, $0x0;
	_ =	sdelay $0x3  }
0x106: {  	v18 =	vsub.f32 v19, v16;
	_ =	sdelay $0x1  }
0x107: {  	v18 =	vmul.f32 $5.120000080e+01, v18;
	_ =	sdelay $0x1  }
0x108: {  	vm0 =	vge.f32 v18, v2;
	vm1 =	vle.f32 v18, v3  }
0x109: {  	vm0 =	vmand vm0, vm1  }
0x10a: {  	v18 =	vmpcnt.ones.xlane vm0;
	_ =	sdelay $0x1  }
0x10b: {  	(v2sf) =	vpush v18, $0x0;
	_ =	sdelay $0x2  }
0x10c: {  	s26 =	simm.s32 $0x70;
	s28 =	spop (v2sf)  }
0x10d: {  	v18 =	vor.u32 s26, v5;
	s17 =	sadd.s32 s16, s28  }
0x10e: {  	s23 =	sadd.s32 $0x80, s11;
	[tilespmem:s17+$0x1D000] =	vst.msk vm0, v18  }
0x10f: {  	v18 =	vld [tilespmem:s23+$0xFFFFFFC0];
	_ =	sdelay $0x4  }
0x110: {  	v18 =	vsub.f32 v18, v16;
	_ =	sdelay $0x1  }
0x111: {  	s22 =	sshll.u32 s21, $0xC;
	v18 =	vmul.f32 $5.120000080e+01, v18  }
0x112: {  	s12 =	sor.u32 $0x18000, s22  }
0x113: {  	s24 =	simm.s32 $0x80;
	s16 =	simm.s32 $0x10;
	vm0 =	vge.f32 v18, v2;
	vm1 =	vle.f32 v18, v3;
	s11 =	spop (v2sf)  }
.LBB2_6:
0x114: {  	p1 =	slt.u32 s16, $0x38  }
0x115: {  	v18 =	vor.u32 s24, v5;
	vm0 =	vmand vm0, vm1;
	s17 =	sadd.s32 s17, s11;
	s11 =	smov.u32 s16;
	s16 =	sadd.s32 $0x8, s16  }
0x116: {  	[tilespmem:s17+$0x1D000] =	vst.msk vm0, v18;
	v18 =	vmpcnt.ones.xlane vm0  }
0x117: {  	v19 =	vld [tilespmem:s23+$0xFFFFFFD0]  }
0x118: {  	(v2sf) =	vpush v18, $0x0;
	_ =	sdelay $0x3  }
0x119: {  	v18 =	vsub.f32 v19, v16;
	_ =	sdelay $0x1  }
0x11a: {  	v18 =	vmul.f32 $5.120000080e+01, v18;
	_ =	sdelay $0x1  }
0x11b: {  	vm0 =	vge.f32 v18, v2;
	vm1 =	vle.f32 v18, v3  }
0x11c: {  	vm0 =	vmand vm0, vm1  }
0x11d: {  	v18 =	vmpcnt.ones.xlane vm0;
	_ =	sdelay $0x1  }
0x11e: {  	(v2sf) =	vpush v18, $0x0;
	_ =	sdelay $0x2  }
0x11f: {  	s25 =	sadd.s32 $0x10, s24;
	s26 =	spop (v2sf)  }
0x120: {  	v18 =	vor.u32 s25, v5;
	s17 =	sadd.s32 s17, s26  }
0x121: {  	[tilespmem:s17+$0x1D000] =	vst.msk vm0, v18  }
0x122: {  	v18 =	vld [tilespmem:s23+$0xFFFFFFE0];
	_ =	sdelay $0x4  }
0x123: {  	v18 =	vsub.f32 v18, v16;
	_ =	sdelay $0x1  }
0x124: {  	v18 =	vmul.f32 $5.120000080e+01, v18;
	_ =	sdelay $0x1  }
0x125: {  	s25 =	sadd.s32 $0x20, s24;
	vm0 =	vge.f32 v18, v2;
	vm1 =	vle.f32 v18, v3;
	s26 =	spop (v2sf)  }
0x126: {  	v18 =	vor.u32 s25, v5;
	s17 =	sadd.s32 s17, s26;
	vm0 =	vmand vm0, vm1  }
0x127: {  	[tilespmem:s17+$0x1D000] =	vst.msk vm0, v18;
	v18 =	vmpcnt.ones.xlane vm0  }
0x128: {  	v19 =	vld [tilespmem:s23+$0xFFFFFFF0]  }
0x129: {  	(v2sf) =	vpush v18, $0x0;
	_ =	sdelay $0x3  }
0x12a: {  	v18 =	vsub.f32 v19, v16;
	_ =	sdelay $0x1  }
0x12b: {  	v18 =	vmul.f32 $5.120000080e+01, v18;
	_ =	sdelay $0x1  }
0x12c: {  	vm0 =	vge.f32 v18, v2;
	vm1 =	vle.f32 v18, v3  }
0x12d: {  	vm0 =	vmand vm0, vm1  }
0x12e: {  	v18 =	vmpcnt.ones.xlane vm0;
	_ =	sdelay $0x1  }
0x12f: {  	(v2sf) =	vpush v18, $0x0;
	_ =	sdelay $0x2  }
0x130: {  	s25 =	sadd.s32 $0x30, s24;
	s26 =	spop (v2sf)  }
0x131: {  	v18 =	vor.u32 s25, v5;
	s17 =	sadd.s32 s17, s26  }
0x132: {  	[tilespmem:s17+$0x1D000] =	vst.msk vm0, v18  }
0x133: {  	v18 =	vld [tilespmem:s23+$0x0];
	_ =	sdelay $0x4  }
0x134: {  	v18 =	vsub.f32 v18, v16;
	_ =	sdelay $0x1  }
0x135: {  	v18 =	vmul.f32 $5.120000080e+01, v18;
	_ =	sdelay $0x1  }
0x136: {  	s25 =	sadd.s32 $0x40, s24;
	vm0 =	vge.f32 v18, v2;
	vm1 =	vle.f32 v18, v3;
	s26 =	spop (v2sf)  }
0x137: {  	v18 =	vor.u32 s25, v5;
	s17 =	sadd.s32 s17, s26;
	vm0 =	vmand vm0, vm1  }
0x138: {  	[tilespmem:s17+$0x1D000] =	vst.msk vm0, v18;
	v18 =	vmpcnt.ones.xlane vm0  }
0x139: {  	v19 =	vld [tilespmem:s23+$0x10]  }
0x13a: {  	(v2sf) =	vpush v18, $0x0;
	_ =	sdelay $0x3  }
0x13b: {  	v18 =	vsub.f32 v19, v16;
	_ =	sdelay $0x1  }
0x13c: {  	v18 =	vmul.f32 $5.120000080e+01, v18;
	_ =	sdelay $0x1  }
0x13d: {  	vm0 =	vge.f32 v18, v2;
	vm1 =	vle.f32 v18, v3  }
0x13e: {  	vm0 =	vmand vm0, vm1  }
0x13f: {  	v18 =	vmpcnt.ones.xlane vm0;
	_ =	sdelay $0x1  }
0x140: {  	(v2sf) =	vpush v18, $0x0;
	_ =	sdelay $0x2  }
0x141: {  	s25 =	sadd.s32 $0x50, s24;
	s26 =	spop (v2sf)  }
0x142: {  	v18 =	vor.u32 s25, v5;
	s17 =	sadd.s32 s17, s26  }
0x143: {  	[tilespmem:s17+$0x1D000] =	vst.msk vm0, v18  }
0x144: {  	v18 =	vld [tilespmem:s23+$0x20];
	_ =	sdelay $0x4  }
0x145: {  	v18 =	vsub.f32 v18, v16;
	_ =	sdelay $0x1  }
0x146: {  	v18 =	vmul.f32 $5.120000080e+01, v18;
	_ =	sdelay $0x1  }
0x147: {  	s25 =	sadd.s32 $0x60, s24;
	vm0 =	vge.f32 v18, v2;
	vm1 =	vle.f32 v18, v3;
	s26 =	spop (v2sf)  }
0x148: {  	v18 =	vor.u32 s25, v5;
	s17 =	sadd.s32 s17, s26;
	vm0 =	vmand vm0, vm1  }
0x149: {  	[tilespmem:s17+$0x1D000] =	vst.msk vm0, v18;
	v18 =	vmpcnt.ones.xlane vm0  }
0x14a: {  	v19 =	vld [tilespmem:s23+$0x30]  }
0x14b: {  	(v2sf) =	vpush v18, $0x0;
	_ =	sdelay $0x3  }
0x14c: {  	v18 =	vsub.f32 v19, v16;
	_ =	sdelay $0x1  }
0x14d: {  	v18 =	vmul.f32 $5.120000080e+01, v18;
	_ =	sdelay $0x1  }
0x14e: {  	vm0 =	vge.f32 v18, v2;
	vm1 =	vle.f32 v18, v3  }
0x14f: {  	vm0 =	vmand vm0, vm1  }
0x150: {  	v18 =	vmpcnt.ones.xlane vm0;
	_ =	sdelay $0x1  }
0x151: {  	(v2sf) =	vpush v18, $0x0;
	_ =	sdelay $0x2  }
0x152: {  	s24 =	sadd.s32 $0x70, s24;
	s25 =	spop (v2sf)  }
0x153: {  	v18 =	vor.u32 s24, v5;
	s17 =	sadd.s32 s17, s25  }
0x154: {  	s23 =	sadd.s32 $0x80, s23;
	[tilespmem:s17+$0x1D000] =	vst.msk vm0, v18  }
0x155: {  	v18 =	vld [tilespmem:s23+$0xFFFFFFC0];
	_ =	sdelay $0x4  }
.Ltmp5:
0x156: {  	v18 =	vsub.f32 v18, v16;
	(pc) =	sbr.rel @p1 .LBB2_6-.Ltmp5, $3  }
0x157: {  	_ = 	snop  }
0x158: {  	v18 =	vmul.f32 $5.120000080e+01, v18;
	_ =	sdelay $0x1  }
0x159: {  	s24 =	sshll.u32 s11, $0x4;
	vm0 =	vge.f32 v18, v2;
	vm1 =	vle.f32 v18, v3;
	s11 =	spop (v2sf)  }
0x15a: {  	v18 =	vor.u32 s24, v5;
	vm0 =	vmand vm0, vm1;
	s11 =	sadd.s32 s17, s11  }
0x15b: {  	[tilespmem:s11+$0x1D000] =	vst.msk vm0, v18;
	v18 =	vmpcnt.ones.xlane vm0  }
0x15c: {  	v19 =	vld [tilespmem:s23+$0xFFFFFFD0]  }
0x15d: {  	(v2sf) =	vpush v18, $0x0;
	_ =	sdelay $0x3  }
0x15e: {  	v18 =	vsub.f32 v19, v16;
	_ =	sdelay $0x1  }
0x15f: {  	v18 =	vmul.f32 $5.120000080e+01, v18;
	_ =	sdelay $0x1  }
0x160: {  	vm14 =	vge.f32 v18, v2;
	vm15 =	vle.f32 v18, v3  }
0x161: {  	vm0 =	vmand vm14, vm15  }
0x162: {  	v18 =	vmpcnt.ones.xlane vm0;
	_ =	sdelay $0x1  }
0x163: {  	(v2sf) =	vpush v18, $0x0;
	_ =	sdelay $0x2  }
0x164: {  	s16 =	sadd.s32 $0x10, s24;
	s25 =	spop (v2sf)  }
0x165: {  	v18 =	vor.u32 s16, v5;
	s11 =	sadd.s32 s11, s25  }
0x166: {  	[tilespmem:s11+$0x1D000] =	vst.msk vm0, v18  }
0x167: {  	v18 =	vld [tilespmem:s23+$0xFFFFFFE0];
	_ =	sdelay $0x4  }
0x168: {  	v18 =	vsub.f32 v18, v16;
	_ =	sdelay $0x1  }
0x169: {  	v18 =	vmul.f32 $5.120000080e+01, v18;
	_ =	sdelay $0x1  }
0x16a: {  	s26 =	sadd.s32 $0x20, s24;
	vm4 =	vge.f32 v18, v2;
	vm5 =	vle.f32 v18, v3;
	s28 =	spop (v2sf)  }
0x16b: {  	v18 =	vor.u32 s26, v5;
	s11 =	sadd.s32 s11, s28;
	vm0 =	vmand vm4, vm5  }
0x16c: {  	[tilespmem:s11+$0x1D000] =	vst.msk vm0, v18;
	v18 =	vmpcnt.ones.xlane vm0  }
0x16d: {  	v19 =	vld [tilespmem:s23+$0xFFFFFFF0]  }
0x16e: {  	(v2sf) =	vpush v18, $0x0;
	_ =	sdelay $0x3  }
0x16f: {  	v18 =	vsub.f32 v19, v16;
	_ =	sdelay $0x1  }
0x170: {  	v18 =	vmul.f32 $5.120000080e+01, v18;
	_ =	sdelay $0x1  }
0x171: {  	vm6 =	vge.f32 v18, v2;
	vm7 =	vle.f32 v18, v3  }
0x172: {  	vm0 =	vmand vm6, vm7  }
0x173: {  	v18 =	vmpcnt.ones.xlane vm0;
	_ =	sdelay $0x1  }
0x174: {  	(v2sf) =	vpush v18, $0x0;
	_ =	sdelay $0x2  }
0x175: {  	s5 =	sadd.s32 $0x30, s24;
	s25 =	spop (v2sf)  }
0x176: {  	v18 =	vor.u32 s5, v5;
	s11 =	sadd.s32 s11, s25  }
0x177: {  	[tilespmem:s11+$0x1D000] =	vst.msk vm0, v18  }
0x178: {  	v18 =	vld [tilespmem:s23+$0x0];
	_ =	sdelay $0x4  }
0x179: {  	v18 =	vsub.f32 v18, v16;
	_ =	sdelay $0x1  }
0x17a: {  	v18 =	vmul.f32 $5.120000080e+01, v18;
	_ =	sdelay $0x1  }
0x17b: {  	s26 =	sadd.s32 $0x40, s24;
	vm8 =	vge.f32 v18, v2;
	vm9 =	vle.f32 v18, v3;
	s28 =	spop (v2sf)  }
0x17c: {  	v18 =	vor.u32 s26, v5;
	s11 =	sadd.s32 s11, s28;
	vm0 =	vmand vm8, vm9  }
0x17d: {  	[tilespmem:s11+$0x1D000] =	vst.msk vm0, v18;
	v18 =	vmpcnt.ones.xlane vm0  }
0x17e: {  	v19 =	vld [tilespmem:s23+$0x10]  }
0x17f: {  	(v2sf) =	vpush v18, $0x0;
	_ =	sdelay $0x3  }
0x180: {  	v18 =	vsub.f32 v19, v16;
	_ =	sdelay $0x1  }
0x181: {  	v18 =	vmul.f32 $5.120000080e+01, v18;
	_ =	sdelay $0x1  }
0x182: {  	vm10 =	vge.f32 v18, v2;
	vm11 =	vle.f32 v18, v3  }
0x183: {  	vm0 =	vmand vm10, vm11  }
0x184: {  	v18 =	vmpcnt.ones.xlane vm0;
	_ =	sdelay $0x1  }
0x185: {  	(v2sf) =	vpush v18, $0x0;
	_ =	sdelay $0x2  }
0x186: {  	s5 =	sadd.s32 $0x50, s24;
	s25 =	spop (v2sf)  }
0x187: {  	v18 =	vor.u32 s5, v5;
	s11 =	sadd.s32 s11, s25  }
0x188: {  	[tilespmem:s11+$0x1D000] =	vst.msk vm0, v18  }
0x189: {  	v18 =	vld [tilespmem:s23+$0x20];
	_ =	sdelay $0x4  }
0x18a: {  	v18 =	vsub.f32 v18, v16;
	_ =	sdelay $0x1  }
0x18b: {  	v18 =	vmul.f32 $5.120000080e+01, v18;
	_ =	sdelay $0x1  }
0x18c: {  	s26 =	sadd.s32 $0x60, s24;
	vm12 =	vge.f32 v18, v2;
	vm13 =	vle.f32 v18, v3;
	s28 =	spop (v2sf)  }
0x18d: {  	v18 =	vor.u32 s26, v5;
	s11 =	sadd.s32 s11, s28;
	vm0 =	vmand vm12, vm13  }
0x18e: {  	[tilespmem:s11+$0x1D000] =	vst.msk vm0, v18  }
0x18f: {  	v18 =	vld [tilespmem:s23+$0x30];
	_ =	sdelay $0x4  }
0x190: {  	v18 =	vsub.f32 v18, v16;
	_ =	sdelay $0x1  }
0x191: {  	v18 =	vmul.f32 $5.120000080e+01, v18;
	_ =	sdelay $0x1  }
0x192: {  	vm14 =	vge.f32 v18, v2;
	vm2 =	vle.f32 v18, v3  }
0x193: {  	v18 =	vmpcnt.ones.xlane vm0;
	vm15 =	vmand vm14, vm2  }
0x194: {  	v19 =	vmpcnt.ones.xlane vm15  }
0x195: {  	(v2sf) =	vpush v18, $0x0  }
0x196: {  	(v2sf) =	vpush v19, $0x0;
	_ =	sdelay $0xd  }
0x197: {  	s5 =	spop (v2sf)  }
0x198: {  	s16 =	sadd.s32 s11, s5;
	s17 =	spop (v2sf)  }
0x199: {  	s25 =	sadd.s32 s16, s17  }
0x19a: {  	s11 =	sadd.s32 $0x1F, s25  }
0x19b: {  	s23 =	sand.u32 $0x1F, s11  }
0x19c: {  	s26 =	sshra.s32 s11, $0x1F;
	p2 =	slt.s32 s11, $0x1;
	p1 =	sne.s32 s23, $0x0  }
0x19d: {  	s17 =	sshrl.u32 s26, $0x1B;
	p1 =	por !p2, !p1  }
0x19e: {  	s11 =	sadd.s32 s17, s11;
	s17 =	simm.s32 $0x1;
	p1 =	por !p1, !p1  }
0x19f: {  	s11 =	sshra.s32 s11, $0x5;
	s17 =	simm.s32 @!p1 $0x0  }
0x1a0: {  	s11 =	ssub.s32 s11, s17  }
0x1a1: {  	p1 =	slt.s32 s11, $0x1  }
.Ltmp6:
0x1a2: {  	_ = 	snop;
	(pc) =	sbr.rel @p1 .LBB2_4-.Ltmp6, $4  }
0x1a3: {  	_ = 	snop  }
0x1a4: {  	s28 =	sadd.s32 $0x70, s24  }
0x1a5: {  	v18 =	vor.u32 s28, v5  }
0x1a6: {  	[tilespmem:s16+$0x1D000] =	vst.msk vm15, v18  }
0x1a7: {  	s21 =	smul.u32 $0x5000, s21  }
0x1a8: {  	s16 =	sshrl.u32 s22, $0x2  }
0x1a9: {  	s17 =	sadd.s32 $0x18400, s22;
	s16 =	sor.u32 $0x1C800, s16;
	s26 =	sshrl.u32 s21, $0x2  }
0x1aa: {  	s21 =	sor.u32 $0x1A000, s26;
	s22 =	sadd.s32 $0x1A400, s26;
	s23 =	sadd.s32 $0x1A800, s26  }
0x1ab: {  	v18 =	vmov s25;
	s24 =	sadd.s32 $0x1AC00, s26;
	s25 =	sadd.s32 $0x1B000, s26;
	s26 =	simm.s32 $0x0  }
.LBB2_9:
0x1ac: {  	s28 =	sshll.u32 s26, $0x5  }
0x1ad: {  	v19 =	vor.u32 s28, v5  }
0x1ae: {  	v20 =	vand.u32 v7, v19;
	_ =	sdelay $0x4  }
0x1af: {  	v20 =	vld.idx.msk [tilespmem:v20+s13+$0x0], $0xffff;
	_ =	sdelay $0x7  }
0x1b0: {  	v21 =	vld.idx.msk [tilespmem:v20+s12+$0x0], $0xffff;
	_ =	sdelay $0x1  }
0x1b1: {  	v22 =	vld.idx.msk [tilespmem:v20+s17+$0x0], $0xffff;
	_ =	sdelay $0x2  }
0x1b2: {  	v21 =	vsub.f32 v21, v16;
	_ =	sdelay $0x1  }
0x1b3: {  	v22 =	vsub.f32 v22, v17;
	v21 =	vmul.f32 v21, v12;
	_ =	sdelay $0x1  }
0x1b4: {  	v22 =	vmul.f32 v22, v12;
	v21 =	vmul.f32 $5.120000000e+02, v21;
	_ =	sdelay $0x1  }
0x1b5: {  	v22 =	vmul.f32 $5.120000000e+02, v22;
	v23 =	vtrunc.f32 v21  }
0x1b6: {  	v23 =	vcvt.f32.s32 v23  }
0x1b7: {  	v24 =	vtrunc.f32 v22  }
0x1b8: {  	v24 =	vcvt.f32.s32 v24;
	v25 =	vcvt.s32.f32 v23;
	_ =	sdelay $0x1  }
0x1b9: {  	v38 =	vcvt.s32.f32 v24;
	v21 =	vsub.f32 v21, v25  }
0x1ba: {  	v26 =	vand.u32 $0x1, v23  }
0x1bb: {  	vm1 =	veq.s32 v26, $0x1;
	v22 =	vsub.f32 v22, v38;
	vm0 =	veq.f32 v21, $5.000000000e-01  }
0x1bc: {  	v40 =	vld.idx.msk [tilespmem:v20+s16+$0x0], $0xffff;
	v39 =	vand.u32 $0x1, v24;
	vm2 =	vgt.f32 v21, $5.000000000e-01;
	vm0 =	vmand vm0, vm1  }
0x1bd: {  	vm11 =	veq.s32 v39, $0x1;
	vm10 =	veq.f32 v22, $5.000000000e-01;
	vm0 =	vmor vm2, vm0  }
0x1be: {  	vm12 =	vgt.f32 v22, $5.000000000e-01;
	vm1 =	vmand vm10, vm11;
	v41 =	vsel vm0, $0x1, v4  }
0x1bf: {  	vm0 =	vmor vm12, vm1;
	v21 =	vadd.s32 v23, v41  }
0x1c0: {  	vm13 =	vlt.s32 v19, v18;
	v19 =	vsel vm0, $0x1, v4;
	v42 =	vshll.u32 v21, $0x9  }
0x1c1: {  	vm14 =	veq.s32 v40, $0x0;
	v19 =	vadd.s32 v24, v19;
	v22 =	vand.u32 $0x1E00, v42  }
0x1c2: {  	v43 =	vsel vm14, $0x0, v8;
	vm15 =	vlt.s32 v21, v1;
	v22 =	vadd.s32 v19, v22  }
0x1c3: {  	vm3 =	vge.s32 v21, v0;
	vm1 =	vmand vm15, vm13;
	v44 =	vadd.s32 v43, v22  }
0x1c4: {  	vm1 =	vmand vm1, vm3;
	v19 =	vand.u32 $0x7, v19;
	v21 =	vand.u32 $0xFFFFFFF8, v44  }
0x1c5: {  	v45 =	vld.idx.msk [tilespmem:v20+s21+$0x0], $0xffff;
	v21 =	vor.u32 v19, v21;
	_ =	sdelay $0x4  }
0x1c6: {  	[tilespmem:v21+s4+$0x0] =	vst.idx.msk vm1, v45  }
0x1c7: {  	v46 =	vadd.s32 $0x2000, v21;
	v23 =	vld.idx.msk [tilespmem:v20+s22+$0x0], $0xffff;
	_ =	sdelay $0x4  }
0x1c8: {  	[tilespmem:v46+s4+$0x0] =	vst.idx.msk vm1, v23  }
0x1c9: {  	v47 =	vadd.s32 $0x4000, v21;
	v23 =	vld.idx.msk [tilespmem:v20+s23+$0x0], $0xffff;
	_ =	sdelay $0x4  }
0x1ca: {  	[tilespmem:v47+s4+$0x0] =	vst.idx.msk vm1, v23  }
0x1cb: {  	v48 =	vadd.s32 $0x6000, v21;
	v23 =	vld.idx.msk [tilespmem:v20+s24+$0x0], $0xffff;
	_ =	sdelay $0x3  }
0x1cc: {  	v25 =	vsel vm14, $0x14000, v9  }
0x1cd: {  	v22 =	vadd.s32 v25, v22;
	[tilespmem:v48+s4+$0x0] =	vst.idx.msk vm1, v23  }
0x1ce: {  	v22 =	vand.u32 $0xFFFFFFF8, v22;
	v21 =	vadd.s32 $0x8000, v21;
	v20 =	vld.idx.msk [tilespmem:v20+s25+$0x0], $0xffff  }
0x1cf: {  	v49 =	vor.u32 s28, v11;
	v19 =	vor.u32 v19, v22  }
0x1d0: {  	v50 =	vand.u32 v13, v49;
	_ =	sdelay $0x2  }
0x1d1: {  	[tilespmem:v21+s4+$0x0] =	vst.idx.msk vm1, v20  }
0x1d2: {  	[tilespmem:v19+s4+$0x0] =	vst.idx.msk vm1, v10  }
0x1d3: {  	v19 =	vld.idx.msk [tilespmem:v50+s13+$0x0], $0xffff;
	_ =	sdelay $0x7  }
0x1d4: {  	v20 =	vld.idx.msk [tilespmem:v19+s12+$0x0], $0xffff;
	_ =	sdelay $0x1  }
0x1d5: {  	v21 =	vld.idx.msk [tilespmem:v19+s17+$0x0], $0xffff;
	_ =	sdelay $0x2  }
0x1d6: {  	v20 =	vsub.f32 v20, v16;
	_ =	sdelay $0x1  }
0x1d7: {  	v21 =	vsub.f32 v21, v17;
	v20 =	vmul.f32 v20, v12;
	_ =	sdelay $0x1  }
0x1d8: {  	v21 =	vmul.f32 v21, v12;
	v20 =	vmul.f32 $5.120000000e+02, v20;
	_ =	sdelay $0x1  }
0x1d9: {  	v21 =	vmul.f32 $5.120000000e+02, v21;
	v51 =	vtrunc.f32 v20  }
0x1da: {  	v23 =	vcvt.f32.s32 v51  }
0x1db: {  	v52 =	vtrunc.f32 v21  }
0x1dc: {  	v24 =	vcvt.f32.s32 v52;
	v53 =	vcvt.s32.f32 v23;
	_ =	sdelay $0x1  }
0x1dd: {  	v54 =	vcvt.s32.f32 v24;
	v20 =	vsub.f32 v20, v53  }
0x1de: {  	v55 =	vand.u32 $0x1, v23  }
0x1df: {  	vm6 =	veq.s32 v55, $0x1;
	v21 =	vsub.f32 v21, v54;
	vm7 =	veq.f32 v20, $5.000000000e-01  }
0x1e0: {  	v56 =	vld.idx.msk [tilespmem:v19+s16+$0x0], $0xffff;
	vm8 =	vgt.f32 v20, $5.000000000e-01;
	v20 =	vand.u32 $0x1, v24;
	vm0 =	vmand vm7, vm6  }
0x1e1: {  	vm9 =	veq.f32 v21, $5.000000000e-01;
	vm10 =	veq.s32 v20, $0x1;
	vm0 =	vmor vm8, vm0  }
0x1e2: {  	vm11 =	vgt.f32 v21, $5.000000000e-01;
	vm1 =	vmand vm9, vm10;
	v20 =	vsel vm0, $0x1, v4  }
0x1e3: {  	vm0 =	vmor vm11, vm1;
	v20 =	vadd.s32 v23, v20  }
0x1e4: {  	vm12 =	vlt.s32 v49, v18;
	v57 =	vsel vm0, $0x1, v4;
	v58 =	vshll.u32 v20, $0x9  }
0x1e5: {  	vm13 =	veq.s32 v56, $0x0;
	v21 =	vadd.s32 v24, v57;
	v22 =	vand.u32 $0x1E00, v58  }
0x1e6: {  	v59 =	vsel vm13, $0x0, v8;
	vm14 =	vlt.s32 v20, v1;
	v22 =	vadd.s32 v21, v22  }
0x1e7: {  	vm15 =	vge.s32 v20, v0;
	vm1 =	vmand vm14, vm12;
	v20 =	vadd.s32 v59, v22  }
0x1e8: {  	vm1 =	vmand vm1, vm15;
	v21 =	vand.u32 $0x7, v21;
	v20 =	vand.u32 $0xFFFFFFF8, v20  }
0x1e9: {  	v60 =	vld.idx.msk [tilespmem:v19+s21+$0x0], $0xffff;
	v20 =	vor.u32 v21, v20;
	_ =	sdelay $0x4  }
0x1ea: {  	[tilespmem:v20+s4+$0x0] =	vst.idx.msk vm1, v60  }
0x1eb: {  	v61 =	vadd.s32 $0x2000, v20;
	v23 =	vld.idx.msk [tilespmem:v19+s22+$0x0], $0xffff;
	_ =	sdelay $0x4  }
0x1ec: {  	[tilespmem:v61+s4+$0x0] =	vst.idx.msk vm1, v23  }
0x1ed: {  	v62 =	vadd.s32 $0x4000, v20;
	v23 =	vld.idx.msk [tilespmem:v19+s23+$0x0], $0xffff;
	_ =	sdelay $0x4  }
0x1ee: {  	[tilespmem:v62+s4+$0x0] =	vst.idx.msk vm1, v23  }
0x1ef: {  	v63 =	vadd.s32 $0x6000, v20;
	v23 =	vld.idx.msk [tilespmem:v19+s24+$0x0], $0xffff;
	_ =	sdelay $0x3  }
0x1f0: {  	v25 =	vsel vm13, $0x14000, v9  }
0x1f1: {  	v22 =	vadd.s32 v25, v22;
	[tilespmem:v63+s4+$0x0] =	vst.idx.msk vm1, v23  }
0x1f2: {  	s26 =	sadd.s32 $0x1, s26;
	v22 =	vand.u32 $0xFFFFFFF8, v22;
	v20 =	vadd.s32 $0x8000, v20;
	v19 =	vld.idx.msk [tilespmem:v19+s25+$0x0], $0xffff  }
0x1f3: {  	p1 =	seq.s32 s11, s26;
	v21 =	vor.u32 v21, v22  }
.Ltmp7:
0x1f4: {  	_ = 	snop;
	(pc) =	sbr.rel @!p1 .LBB2_9-.Ltmp7, $3  }
0x1f5: {  	_ =	sdelay $0x1  }
0x1f6: {  	[tilespmem:v20+s4+$0x0] =	vst.idx.msk vm1, v19  }
0x1f7: {  	[tilespmem:v21+s4+$0x0] =	vst.idx.msk vm1, v10  }
.Ltmp8:
0x1f8: {  	_ = 	snop;
	(pc) =	sbr.rel .LBB2_4-.Ltmp8, $1  }
0x1f9: {  	_ =	sdelay $0x3  }
.LBB2_10:
0x1fa: {  	[hbm4b:s10+s4] =	stream.linear.scatter [tilespmem:s4], [sflag:$0x5], $0x2000, $0x38;
	[tilespmem:$0x1D440] =	vst v63  }
0x1fb: {  	s5 =	rddreg [dreg:$0x6]  }
0x1fc: {  	[hbm4b:s5+s4] =	stream.linear.scatter [tilespmem:s31], [sflag:$0x5], $0x2000, $0x38;
	[tilespmem:$0x1D440] =	vst v63  }
0x1fd: {  	s11 =	simm.s32 $0x4000;
	s31 =	rddreg [dreg:$0x7]  }
0x1fe: {  	[hbm4b:s31+s4] =	stream.linear.scatter [tilespmem:s11], [sflag:$0x5], $0x2000, $0x38;
	[tilespmem:$0x1D440] =	vst v63  }
0x1ff: {  	s12 =	rddreg [dreg:$0x8];
	s14 =	simm.s32 $0x6000  }
0x200: {  	[hbm4b:s12+s4] =	stream.linear.scatter [tilespmem:s14], [sflag:$0x5], $0x2000, $0x38;
	[tilespmem:$0x1D440] =	vst v63  }
0x201: {  	s15 =	rddreg [dreg:$0x9];
	s16 =	simm.s32 $0x8000  }
0x202: {  	[hbm4b:s15+s4] =	stream.linear.scatter [tilespmem:s16], [sflag:$0x5], $0x2000, $0x38;
	[tilespmem:$0x1D440] =	vst v63  }
0x203: {  	s17 =	rddreg [dreg:$0xa];
	s21 =	simm.s32 $0xA000  }
0x204: {  	[hbm4b:s17+s4] =	stream.linear.scatter [tilespmem:s21], [sflag:$0x5], $0x2000, $0x38;
	[tilespmem:$0x1D440] =	vst v63  }
0x205: {  	s22 =	rddreg [dreg:$0xb];
	s23 =	simm.s32 $0xC000  }
0x206: {  	[hbm4b:s22+s4] =	stream.linear.scatter [tilespmem:s23], [sflag:$0x5], $0x2000, $0x38;
	[tilespmem:$0x1D440] =	vst v63  }
0x207: {  	s24 =	rddreg [dreg:$0xc];
	s25 =	simm.s32 $0xE000  }
0x208: {  	[hbm4b:s24+s4] =	stream.linear.scatter [tilespmem:s25], [sflag:$0x5], $0x2000, $0x38;
	[tilespmem:$0x1D440] =	vst v63  }
0x209: {  	s26 =	rddreg [dreg:$0xd]  }
0x20a: {  	[hbm4b:s26+s4] =	stream.linear.scatter [tilespmem:s0], [sflag:$0x5], $0x2000, $0x38;
	[tilespmem:$0x1D440] =	vst v63  }
0x20b: {  	s28 =	rddreg [dreg:$0xe];
	s31 =	simm.s32 $0x12000  }
0x20c: {  	[hbm4b:s28+s4] =	stream.linear.scatter [tilespmem:s31], [sflag:$0x5], $0x2000, $0x38;
	[tilespmem:$0x1D440] =	vst v63  }
0x20d: {  	_ =	swait.ge [sflag:s19], $0x2000  }
0x20e: {  	[sflag:s19] =	ssyncset.done $0x0  }
0x20f: {  	[sflag:s19] =	ssyncadd.s32 $0xFFFFE000  }
0x210: {  	_ =	swait.ge [sflag:s19], $0x2000  }
0x211: {  	[sflag:s19] =	ssyncset.done $0x0  }
0x212: {  	[sflag:s19] =	ssyncadd.s32 $0xFFFFE000  }
0x213: {  	_ =	swait.ge [sflag:s19], $0x2000  }
0x214: {  	[sflag:s19] =	ssyncset.done $0x0  }
0x215: {  	[sflag:s19] =	ssyncadd.s32 $0xFFFFE000  }
0x216: {  	_ =	swait.ge [sflag:s19], $0x2000  }
0x217: {  	[sflag:s19] =	ssyncset.done $0x0  }
0x218: {  	[sflag:s19] =	ssyncadd.s32 $0xFFFFE000  }
0x219: {  	_ =	swait.ge [sflag:s19], $0x2000  }
0x21a: {  	[sflag:s19] =	ssyncset.done $0x0  }
0x21b: {  	[sflag:s19] =	ssyncadd.s32 $0xFFFFE000  }
0x21c: {  	_ =	swait.ge [sflag:s19], $0x2000  }
0x21d: {  	[sflag:s19] =	ssyncset.done $0x0  }
0x21e: {  	[sflag:s19] =	ssyncadd.s32 $0xFFFFE000  }
0x21f: {  	_ =	swait.ge [sflag:s19], $0x2000  }
0x220: {  	[sflag:s19] =	ssyncset.done $0x0  }
0x221: {  	[sflag:s19] =	ssyncadd.s32 $0xFFFFE000  }
0x222: {  	_ =	swait.ge [sflag:s19], $0x2000  }
0x223: {  	[sflag:s19] =	ssyncset.done $0x0  }
0x224: {  	[sflag:s19] =	ssyncadd.s32 $0xFFFFE000  }
0x225: {  	_ =	swait.ge [sflag:s19], $0x2000  }
0x226: {  	[sflag:s19] =	ssyncset.done $0x0  }
0x227: {  	[sflag:s19] =	ssyncadd.s32 $0xFFFFE000  }
0x228: {  	_ =	swait.ge [sflag:s19], $0x2000  }
0x229: {  	[sflag:s19] =	ssyncset.done $0x0  }
0x22a: {  	s11 =	simm.s32 $0x40;
	[sflag:s19] =	ssyncadd.s32 $0xFFFFE000  }
0x22b: {  	[tilespmem:s11+$0xFFFFFFC0] =	vst v6  }
0x22c: {  	[tilespmem:s11+$0x30] =	vst v6  }
0x22d: {  	[tilespmem:s11+$0x20] =	vst v6  }
0x22e: {  	[tilespmem:s11+$0x10] =	vst v6  }
0x22f: {  	[tilespmem:s11+$0x0] =	vst v6  }
0x230: {  	[tilespmem:s11+$0xFFFFFFF0] =	vst v6  }
0x231: {  	s12 =	simm.s32 $0x0;
	[tilespmem:s11+$0xFFFFFFE0] =	vst v6  }
.LBB2_11:
0x232: {  	s12 =	sadd.s32 $0x8, s12;
	[tilespmem:s11+$0xFFFFFFD0] =	vst v6;
	s11 =	sadd.s32 $0x80, s11  }
0x233: {  	[tilespmem:s11+$0xFFFFFFC0] =	vst v6;
	p0 =	slt.u32 s12, $0xFF8  }
0x234: {  	[tilespmem:s11+$0x30] =	vst v6  }
.Ltmp9:
0x235: {  	[tilespmem:s11+$0x20] =	vst v6;
	(pc) =	sbr.rel @p0 .LBB2_11-.Ltmp9, $4  }
0x236: {  	[tilespmem:s11+$0x10] =	vst v6  }
0x237: {  	[tilespmem:s11+$0x0] =	vst v6  }
0x238: {  	[tilespmem:s11+$0xFFFFFFF0] =	vst v6  }
0x239: {  	[tilespmem:s11+$0xFFFFFFE0] =	vst v6  }
0x23a: {  	[tilespmem:s11+$0xFFFFFFD0] =	vst v6  }
0x23b: {  	[tilespmem:s18], [sflag:$0x1] =	stream.strided.gather [hbm4b:s8+s3], $0x1000, s0, s3, $0x38;
	[tilespmem:$0x1D440] =	vst v63  }
.Ltmp10:
0x23c: {  	_ = 	snop;
	(pc) =	sbr.rel .LBB2_14-.Ltmp10, $4  }
0x23d: {  	s14 =	simm.s32 $0x0  }
0x23e: {  	[tilespmem:s29], [sflag:$0x3] =	stream.linear.gather [hbm4b:s2+s14], $0x400, $0x38;
	[tilespmem:$0x1D440] =	vst v63  }
0x23f: {  	p0 =	por $0x0, $0x0;
	s15 =	simm.s32 $0x0  }
0x240: {  	[tilespmem:s30], [sflag:$0x1] =	stream.strided.gather [hbm4b:s9+s3], $0x800, s0, s3, $0x38;
	[tilespmem:$0x1D440] =	vst v63  }
.LBB2_13:
0x241: {  	p1 =	seq.s32 s15, $0x40  }
.Ltmp11:
0x242: {  	_ = 	snop;
	(pc) =	sbr.rel @p1 .LBB2_19-.Ltmp11, $2  }
0x243: {  	_ =	sdelay $0x2  }
0x244: {  	p0 =	por !p0, !p0  }
.LBB2_14:
0x245: {  	s11 =	smov.u32 s15  }
0x246: {  	s15 =	sadd.s32 $0x1, s15;
	p1 =	seq.s32 s11, $0x3F  }
0x247: {  	s12 =	sand.u32 @!p1 $0x1, s15;
	s21 =	sshll.u32 @!p1 s15, $0x7  }
0x248: {  	s23 =	simm.s32 @!p1 $0x400;
	s24 =	simm.s32 @!p1 $0x10000;
	s16 =	sshll.u32 @!p1 s12, $0xC  }
0x249: {  	s17 =	sadd.s32 @!p1 $0x1, s12;
	s22 =	sadd.s32 @!p1 s8, s21;
	s16 =	sor.u32 @!p1 $0x18000, s16  }
0x24a: {  	[tilespmem:s16], [sflag:s17] =	stream.strided.gather @!p1 [hbm4b:s22+s23], $0x1000, s24, s23, $0x38;
	[tilespmem:$0x1D440] =	vst v63  }
0x24b: {  	s26 =	simm.s32 @!p1 $0x0;
	s25 =	sadd.s32 @!p1 s2, s21;
	s16 =	sshll.u32 @!p1 s12, $0xA  }
0x24c: {  	s22 =	sadd.s32 @!p1 $0x3, s12;
	s12 =	smul.u32 @!p1 $0x5000, s12;
	s16 =	sor.u32 @!p1 $0x1C800, s16  }
0x24d: {  	[tilespmem:s16], [sflag:s22] =	stream.linear.gather @!p1 [hbm4b:s25+s26], $0x400, $0x38;
	[tilespmem:$0x1D440] =	vst v63  }
0x24e: {  	s16 =	sshrl.u32 @!p1 s12, $0x2  }
0x24f: {  	s12 =	sand.u32 $0x1, s11;
	s11 =	sor.u32 @!p1 $0x1A000, s16;
	s16 =	sadd.s32 @!p1 s9, s21  }
0x250: {  	[tilespmem:s11], [sflag:s17] =	stream.strided.gather @!p1 [hbm4b:s16+s23], $0x800, s24, s23, $0x38;
	[tilespmem:$0x1D440] =	vst v63  }
0x251: {  	s24 =	sadd.s32 $0x1, s12  }
0x252: {  	_ =	swait.ge [sflag:s24], $0x1000  }
0x253: {  	[sflag:s24] =	ssyncset.done $0x0  }
0x254: {  	s25 =	sadd.s32 $0x3, s12;
	[sflag:s24] =	ssyncadd.s32 $0xFFFFF000  }
0x255: {  	_ =	swait.ge [sflag:s25], $0x400  }
0x256: {  	[sflag:s25] =	ssyncset.done $0x0  }
0x257: {  	s17 =	simm.s32 $0x1;
	[sflag:s25] =	ssyncadd.s32 $0xFFFFFC00  }
0x258: {  	s17 =	simm.s32 @!p0 $0x0;
	_ =	swait.ge [sflag:s24], $0x800  }
0x259: {  	s26 =	sshll.u32 s17, $0xC;
	[sflag:s24] =	ssyncset.done $0x0  }
0x25a: {  	s11 =	sor.u32 $0x18800, s26;
	[sflag:s24] =	ssyncadd.s32 $0xFFFFF800  }
0x25b: {  	v18 =	vld [tilespmem:s11+$0x0]  }
0x25c: {  	v19 =	vld [tilespmem:s11+$0xFFFFF800];
	_ =	sdelay $0x3  }
0x25d: {  	v18 =	vsub.f32 v18, v16  }
0x25e: {  	v19 =	vsub.f32 v19, v16  }
0x25f: {  	v18 =	vmul.f32 $5.120000080e+01, v18  }
0x260: {  	v19 =	vmul.f32 $5.120000080e+01, v19  }
0x261: {  	vm0 =	vge.f32 v18, v2  }
0x262: {  	vm1 =	vle.f32 v18, v3;
	vm2 =	vge.f32 v19, v2;
	vm3 =	vle.f32 v19, v3  }
0x263: {  	vm0 =	vmand vm0, vm1;
	vm11 =	vmand vm2, vm3  }
0x264: {  	vm0 =	vmor vm11, vm0  }
0x265: {  	v18 =	vmpcnt.ones.xlane vm0  }
0x266: {  	s28 =	simm.s32 $0x0  }
0x267: {  	(v2sf) =	vpush v18, $0x0;
	v18 =	vor.u32 s28, v5  }
0x268: {  	[tilespmem:s14+$0x1D000] =	vst.msk vm0, v18  }
0x269: {  	v18 =	vld [tilespmem:s11+$0xFFFFF810]  }
0x26a: {  	v19 =	vld [tilespmem:s11+$0x10];
	_ =	sdelay $0x3  }
0x26b: {  	v18 =	vsub.f32 v18, v16  }
0x26c: {  	v19 =	vsub.f32 v19, v16  }
0x26d: {  	v18 =	vmul.f32 $5.120000080e+01, v18  }
0x26e: {  	v19 =	vmul.f32 $5.120000080e+01, v19  }
0x26f: {  	vm12 =	vge.f32 v18, v2  }
0x270: {  	vm13 =	vle.f32 v18, v3;
	vm14 =	vge.f32 v19, v2;
	vm15 =	vle.f32 v19, v3  }
0x271: {  	vm0 =	vmand vm12, vm13;
	vm6 =	vmand vm14, vm15  }
0x272: {  	vm0 =	vmor vm0, vm6  }
0x273: {  	s29 =	simm.s32 $0x10;
	v19 =	vmpcnt.ones.xlane vm0;
	s30 =	spop (v2sf)  }
0x274: {  	v18 =	vor.u32 s29, v5;
	s17 =	sadd.s32 $0x0, s30  }
0x275: {  	(v2sf) =	vpush v19, $0x0;
	[tilespmem:s17+$0x1D000] =	vst.msk vm0, v18  }
0x276: {  	v18 =	vld [tilespmem:s11+$0xFFFFF820]  }
0x277: {  	v19 =	vld [tilespmem:s11+$0x20];
	_ =	sdelay $0x3  }
0x278: {  	v18 =	vsub.f32 v18, v16  }
0x279: {  	v19 =	vsub.f32 v19, v16  }
0x27a: {  	v18 =	vmul.f32 $5.120000080e+01, v18  }
0x27b: {  	v19 =	vmul.f32 $5.120000080e+01, v19  }
0x27c: {  	vm7 =	vge.f32 v18, v2  }
0x27d: {  	vm8 =	vle.f32 v18, v3;
	vm9 =	vge.f32 v19, v2;
	vm10 =	vle.f32 v19, v3  }
0x27e: {  	vm0 =	vmand vm7, vm8;
	vm11 =	vmand vm9, vm10  }
0x27f: {  	vm0 =	vmor vm0, vm11  }
0x280: {  	v18 =	vmpcnt.ones.xlane vm0  }
0x281: {  	s31 =	simm.s32 $0x20;
	s5 =	spop (v2sf)  }
0x282: {  	(v2sf) =	vpush v18, $0x0;
	v18 =	vor.u32 s31, v5;
	s18 =	sadd.s32 s17, s5  }
0x283: {  	[tilespmem:s18+$0x1D000] =	vst.msk vm0, v18  }
0x284: {  	v18 =	vld [tilespmem:s11+$0xFFFFF830]  }
0x285: {  	v19 =	vld [tilespmem:s11+$0x30];
	_ =	sdelay $0x3  }
0x286: {  	v18 =	vsub.f32 v18, v16  }
0x287: {  	v19 =	vsub.f32 v19, v16  }
0x288: {  	v18 =	vmul.f32 $5.120000080e+01, v18  }
0x289: {  	v19 =	vmul.f32 $5.120000080e+01, v19  }
0x28a: {  	vm12 =	vge.f32 v18, v2  }
0x28b: {  	vm13 =	vle.f32 v18, v3;
	vm14 =	vge.f32 v19, v2;
	vm15 =	vle.f32 v19, v3  }
0x28c: {  	vm0 =	vmand vm12, vm13;
	vm6 =	vmand vm14, vm15  }
0x28d: {  	vm0 =	vmor vm0, vm6  }
0x28e: {  	s21 =	simm.s32 $0x30;
	v19 =	vmpcnt.ones.xlane vm0;
	s22 =	spop (v2sf)  }
0x28f: {  	v18 =	vor.u32 s21, v5;
	s16 =	sadd.s32 s18, s22  }
0x290: {  	(v2sf) =	vpush v19, $0x0;
	[tilespmem:s16+$0x1D000] =	vst.msk vm0, v18  }
0x291: {  	v18 =	vld [tilespmem:s11+$0xFFFFF840]  }
0x292: {  	v19 =	vld [tilespmem:s11+$0x40];
	_ =	sdelay $0x3  }
0x293: {  	v18 =	vsub.f32 v18, v16  }
0x294: {  	v19 =	vsub.f32 v19, v16  }
0x295: {  	v18 =	vmul.f32 $5.120000080e+01, v18  }
0x296: {  	v19 =	vmul.f32 $5.120000080e+01, v19  }
0x297: {  	vm7 =	vge.f32 v18, v2  }
0x298: {  	vm8 =	vle.f32 v18, v3;
	vm9 =	vge.f32 v19, v2;
	vm10 =	vle.f32 v19, v3  }
0x299: {  	vm0 =	vmand vm7, vm8;
	vm11 =	vmand vm9, vm10  }
0x29a: {  	vm0 =	vmor vm0, vm11  }
0x29b: {  	v18 =	vmpcnt.ones.xlane vm0  }
0x29c: {  	s23 =	simm.s32 $0x40;
	s24 =	spop (v2sf)  }
0x29d: {  	(v2sf) =	vpush v18, $0x0;
	v18 =	vor.u32 s23, v5;
	s16 =	sadd.s32 s16, s24  }
0x29e: {  	[tilespmem:s16+$0x1D000] =	vst.msk vm0, v18  }
0x29f: {  	v18 =	vld [tilespmem:s11+$0xFFFFF850]  }
0x2a0: {  	v19 =	vld [tilespmem:s11+$0x50];
	_ =	sdelay $0x3  }
0x2a1: {  	v18 =	vsub.f32 v18, v16  }
0x2a2: {  	v19 =	vsub.f32 v19, v16  }
0x2a3: {  	v18 =	vmul.f32 $5.120000080e+01, v18  }
0x2a4: {  	v19 =	vmul.f32 $5.120000080e+01, v19  }
0x2a5: {  	vm12 =	vge.f32 v18, v2  }
0x2a6: {  	vm13 =	vle.f32 v18, v3;
	vm14 =	vge.f32 v19, v2;
	vm15 =	vle.f32 v19, v3  }
0x2a7: {  	vm0 =	vmand vm12, vm13;
	vm5 =	vmand vm14, vm15  }
0x2a8: {  	vm0 =	vmor vm0, vm5  }
0x2a9: {  	s25 =	simm.s32 $0x50;
	v19 =	vmpcnt.ones.xlane vm0;
	s26 =	spop (v2sf)  }
0x2aa: {  	v18 =	vor.u32 s25, v5;
	s16 =	sadd.s32 s16, s26  }
0x2ab: {  	(v2sf) =	vpush v19, $0x0;
	[tilespmem:s16+$0x1D000] =	vst.msk vm0, v18  }
0x2ac: {  	v18 =	vld [tilespmem:s11+$0xFFFFF860]  }
0x2ad: {  	v19 =	vld [tilespmem:s11+$0x60];
	_ =	sdelay $0x3  }
0x2ae: {  	v18 =	vsub.f32 v18, v16  }
0x2af: {  	v19 =	vsub.f32 v19, v16  }
0x2b0: {  	v18 =	vmul.f32 $5.120000080e+01, v18  }
0x2b1: {  	v19 =	vmul.f32 $5.120000080e+01, v19  }
0x2b2: {  	vm6 =	vge.f32 v18, v2  }
0x2b3: {  	vm7 =	vle.f32 v18, v3;
	vm8 =	vge.f32 v19, v2;
	vm9 =	vle.f32 v19, v3  }
0x2b4: {  	vm0 =	vmand vm6, vm7;
	vm10 =	vmand vm8, vm9  }
0x2b5: {  	vm0 =	vmor vm0, vm10  }
0x2b6: {  	v18 =	vmpcnt.ones.xlane vm0  }
0x2b7: {  	s28 =	simm.s32 $0x60;
	s29 =	spop (v2sf)  }
0x2b8: {  	(v2sf) =	vpush v18, $0x0;
	v18 =	vor.u32 s28, v5;
	s16 =	sadd.s32 s16, s29  }
0x2b9: {  	[tilespmem:s16+$0x1D000] =	vst.msk vm0, v18  }
0x2ba: {  	v18 =	vld [tilespmem:s11+$0xFFFFF870]  }
0x2bb: {  	v19 =	vld [tilespmem:s11+$0x70];
	_ =	sdelay $0x3  }
0x2bc: {  	v18 =	vsub.f32 v18, v16  }
0x2bd: {  	v19 =	vsub.f32 v19, v16  }
0x2be: {  	v18 =	vmul.f32 $5.120000080e+01, v18  }
0x2bf: {  	v19 =	vmul.f32 $5.120000080e+01, v19  }
0x2c0: {  	vm11 =	vge.f32 v18, v2  }
0x2c1: {  	vm12 =	vle.f32 v18, v3;
	vm13 =	vge.f32 v19, v2;
	vm14 =	vle.f32 v19, v3  }
0x2c2: {  	vm0 =	vmand vm11, vm12;
	vm15 =	vmand vm13, vm14  }
0x2c3: {  	vm0 =	vmor vm0, vm15  }
0x2c4: {  	v20 =	vmpcnt.ones.xlane vm0;
	_ =	sdelay $0x1  }
0x2c5: {  	(v2sf) =	vpush v20, $0x0  }
0x2c6: {  	s30 =	simm.s32 $0x70;
	s31 =	spop (v2sf)  }
0x2c7: {  	v18 =	vor.u32 s30, v5;
	s17 =	sadd.s32 s16, s31  }
0x2c8: {  	s24 =	sadd.s32 $0x80, s11;
	[tilespmem:s17+$0x1D000] =	vst.msk vm0, v18  }
0x2c9: {  	v18 =	vld [tilespmem:s24+$0x0]  }
0x2ca: {  	v19 =	vld [tilespmem:s24+$0xFFFFF800];
	_ =	sdelay $0x3  }
0x2cb: {  	s23 =	sshll.u32 s12, $0xC;
	v18 =	vsub.f32 v18, v16  }
0x2cc: {  	s21 =	sor.u32 $0x18000, s23;
	v19 =	vsub.f32 v19, v16  }
0x2cd: {  	s22 =	sor.u32 $0x18800, s23;
	s25 =	simm.s32 $0x8;
	s16 =	simm.s32 $0x10;
	v18 =	vmul.f32 $5.120000080e+01, v18  }
.LBB2_15:
0x2ce: {  	p1 =	slt.u32 s16, $0x38;
	v19 =	vmul.f32 $5.120000080e+01, v19;
	s11 =	smov.u32 s16;
	s16 =	sadd.s32 $0x8, s16  }
0x2cf: {  	vm0 =	vge.f32 v18, v2;
	vm1 =	vle.f32 v18, v3  }
0x2d0: {  	vm2 =	vge.f32 v19, v2;
	vm3 =	vle.f32 v19, v3;
	vm0 =	vmand vm0, vm1  }
0x2d1: {  	s26 =	sshll.u32 s25, $0x4;
	s25 =	smov.u32 s11;
	vm1 =	vmand vm2, vm3;
	s28 =	spop (v2sf)  }
0x2d2: {  	v18 =	vor.u32 s26, v5;
	s18 =	sadd.s32 $0x10, s26;
	s30 =	sadd.s32 $0x20, s26;
	vm0 =	vmor vm1, vm0;
	s31 =	sadd.s32 s17, s28  }
0x2d3: {  	s29 =	sadd.s32 $0x30, s26;
	s28 =	sadd.s32 $0x40, s26;
	s17 =	sadd.s32 $0x50, s26;
	[tilespmem:s31+$0x1D000] =	vst.msk vm0, v18;
	v18 =	vmpcnt.ones.xlane vm0  }
0x2d4: {  	s11 =	sadd.s32 $0x60, s26;
	s26 =	sadd.s32 $0x70, s26;
	v19 =	vld [tilespmem:s24+$0xFFFFF810]  }
0x2d5: {  	v20 =	vld [tilespmem:s24+$0x10];
	(v2sf) =	vpush v18, $0x0;
	_ =	sdelay $0x3  }
0x2d6: {  	v18 =	vsub.f32 v19, v16  }
0x2d7: {  	v19 =	vsub.f32 v20, v16  }
0x2d8: {  	v18 =	vmul.f32 $5.120000080e+01, v18  }
0x2d9: {  	v19 =	vmul.f32 $5.120000080e+01, v19  }
0x2da: {  	vm0 =	vge.f32 v18, v2;
	vm1 =	vle.f32 v18, v3  }
0x2db: {  	vm0 =	vmand vm0, vm1;
	vm1 =	vge.f32 v19, v2;
	vm2 =	vle.f32 v19, v3  }
0x2dc: {  	vm1 =	vmand vm1, vm2  }
0x2dd: {  	vm0 =	vmor vm0, vm1  }
0x2de: {  	v18 =	vmpcnt.ones.xlane vm0;
	_ =	sdelay $0x1  }
0x2df: {  	(v2sf) =	vpush v18, $0x0  }
0x2e0: {  	s5 =	spop (v2sf)  }
0x2e1: {  	v18 =	vor.u32 s18, v5;
	s5 =	sadd.s32 s31, s5  }
0x2e2: {  	[tilespmem:s5+$0x1D000] =	vst.msk vm0, v18  }
0x2e3: {  	v18 =	vld [tilespmem:s24+$0xFFFFF820]  }
0x2e4: {  	v19 =	vld [tilespmem:s24+$0x20];
	_ =	sdelay $0x3  }
0x2e5: {  	v18 =	vsub.f32 v18, v16  }
0x2e6: {  	v19 =	vsub.f32 v19, v16  }
0x2e7: {  	v18 =	vmul.f32 $5.120000080e+01, v18  }
0x2e8: {  	v19 =	vmul.f32 $5.120000080e+01, v19  }
0x2e9: {  	vm0 =	vge.f32 v18, v2;
	vm1 =	vle.f32 v18, v3  }
0x2ea: {  	vm0 =	vmand vm0, vm1;
	vm1 =	vge.f32 v19, v2;
	vm2 =	vle.f32 v19, v3  }
0x2eb: {  	v18 =	vor.u32 s30, v5;
	vm1 =	vmand vm1, vm2;
	s18 =	spop (v2sf)  }
0x2ec: {  	s5 =	sadd.s32 s5, s18;
	vm0 =	vmor vm0, vm1  }
0x2ed: {  	[tilespmem:s5+$0x1D000] =	vst.msk vm0, v18;
	v18 =	vmpcnt.ones.xlane vm0  }
0x2ee: {  	v19 =	vld [tilespmem:s24+$0xFFFFF830]  }
0x2ef: {  	v20 =	vld [tilespmem:s24+$0x30];
	(v2sf) =	vpush v18, $0x0;
	_ =	sdelay $0x3  }
0x2f0: {  	v18 =	vsub.f32 v19, v16  }
0x2f1: {  	v19 =	vsub.f32 v20, v16  }
0x2f2: {  	v18 =	vmul.f32 $5.120000080e+01, v18  }
0x2f3: {  	v19 =	vmul.f32 $5.120000080e+01, v19  }
0x2f4: {  	vm0 =	vge.f32 v18, v2;
	vm1 =	vle.f32 v18, v3  }
0x2f5: {  	vm0 =	vmand vm0, vm1;
	vm1 =	vge.f32 v19, v2;
	vm2 =	vle.f32 v19, v3  }
0x2f6: {  	vm1 =	vmand vm1, vm2  }
0x2f7: {  	vm0 =	vmor vm0, vm1  }
0x2f8: {  	v18 =	vmpcnt.ones.xlane vm0;
	_ =	sdelay $0x1  }
0x2f9: {  	(v2sf) =	vpush v18, $0x0  }
0x2fa: {  	v18 =	vor.u32 s29, v5;
	s18 =	spop (v2sf)  }
0x2fb: {  	s5 =	sadd.s32 s5, s18  }
0x2fc: {  	[tilespmem:s5+$0x1D000] =	vst.msk vm0, v18  }
0x2fd: {  	v18 =	vld [tilespmem:s24+$0xFFFFF840]  }
0x2fe: {  	v19 =	vld [tilespmem:s24+$0x40];
	_ =	sdelay $0x3  }
0x2ff: {  	v18 =	vsub.f32 v18, v16  }
0x300: {  	v19 =	vsub.f32 v19, v16  }
0x301: {  	v18 =	vmul.f32 $5.120000080e+01, v18  }
0x302: {  	v19 =	vmul.f32 $5.120000080e+01, v19  }
0x303: {  	v20 =	vor.u32 s28, v5;
	vm0 =	vge.f32 v18, v2;
	vm1 =	vle.f32 v18, v3  }
0x304: {  	vm0 =	vmand vm0, vm1;
	vm1 =	vge.f32 v19, v2;
	vm2 =	vle.f32 v19, v3  }
0x305: {  	vm1 =	vmand vm1, vm2;
	s18 =	spop (v2sf)  }
0x306: {  	s5 =	sadd.s32 s5, s18;
	vm0 =	vmor vm0, vm1  }
0x307: {  	[tilespmem:s5+$0x1D000] =	vst.msk vm0, v20;
	v18 =	vmpcnt.ones.xlane vm0  }
0x308: {  	v19 =	vld [tilespmem:s24+$0xFFFFF850]  }
0x309: {  	v20 =	vld [tilespmem:s24+$0x50];
	(v2sf) =	vpush v18, $0x0;
	_ =	sdelay $0x3  }
0x30a: {  	v18 =	vsub.f32 v19, v16  }
0x30b: {  	v19 =	vsub.f32 v20, v16  }
0x30c: {  	v18 =	vmul.f32 $5.120000080e+01, v18  }
0x30d: {  	v19 =	vmul.f32 $5.120000080e+01, v19  }
0x30e: {  	vm0 =	vge.f32 v18, v2;
	vm1 =	vle.f32 v18, v3  }
0x30f: {  	vm0 =	vmand vm0, vm1;
	vm1 =	vge.f32 v19, v2;
	vm2 =	vle.f32 v19, v3  }
0x310: {  	vm1 =	vmand vm1, vm2  }
0x311: {  	vm0 =	vmor vm0, vm1  }
0x312: {  	v18 =	vmpcnt.ones.xlane vm0;
	_ =	sdelay $0x1  }
0x313: {  	v19 =	vor.u32 s17, v5;
	(v2sf) =	vpush v18, $0x0  }
0x314: {  	s17 =	spop (v2sf)  }
0x315: {  	s5 =	sadd.s32 s5, s17  }
0x316: {  	[tilespmem:s5+$0x1D000] =	vst.msk vm0, v19  }
0x317: {  	v18 =	vld [tilespmem:s24+$0xFFFFF860]  }
0x318: {  	v19 =	vld [tilespmem:s24+$0x60];
	_ =	sdelay $0x3  }
0x319: {  	v18 =	vsub.f32 v18, v16  }
0x31a: {  	v19 =	vsub.f32 v19, v16  }
0x31b: {  	v18 =	vmul.f32 $5.120000080e+01, v18  }
0x31c: {  	v19 =	vmul.f32 $5.120000080e+01, v19  }
0x31d: {  	v20 =	vor.u32 s11, v5;
	vm0 =	vge.f32 v18, v2;
	vm1 =	vle.f32 v18, v3  }
0x31e: {  	vm0 =	vmand vm0, vm1;
	vm1 =	vge.f32 v19, v2;
	vm2 =	vle.f32 v19, v3  }
0x31f: {  	vm1 =	vmand vm1, vm2;
	s11 =	spop (v2sf)  }
0x320: {  	s5 =	sadd.s32 s5, s11;
	vm0 =	vmor vm0, vm1  }
0x321: {  	[tilespmem:s5+$0x1D000] =	vst.msk vm0, v20;
	v18 =	vmpcnt.ones.xlane vm0  }
0x322: {  	v19 =	vld [tilespmem:s24+$0xFFFFF870]  }
0x323: {  	v20 =	vld [tilespmem:s24+$0x70];
	(v2sf) =	vpush v18, $0x0;
	_ =	sdelay $0x3  }
0x324: {  	v18 =	vsub.f32 v19, v16  }
0x325: {  	v19 =	vsub.f32 v20, v16  }
0x326: {  	v18 =	vmul.f32 $5.120000080e+01, v18  }
0x327: {  	v19 =	vmul.f32 $5.120000080e+01, v19  }
0x328: {  	vm0 =	vge.f32 v18, v2;
	vm1 =	vle.f32 v18, v3  }
0x329: {  	vm0 =	vmand vm0, vm1;
	vm1 =	vge.f32 v19, v2;
	vm2 =	vle.f32 v19, v3  }
0x32a: {  	vm1 =	vmand vm1, vm2  }
0x32b: {  	vm0 =	vmor vm0, vm1  }
0x32c: {  	v18 =	vmpcnt.ones.xlane vm0;
	_ =	sdelay $0x1  }
0x32d: {  	(v2sf) =	vpush v18, $0x0  }
0x32e: {  	s11 =	spop (v2sf)  }
0x32f: {  	v18 =	vor.u32 s26, v5;
	s17 =	sadd.s32 s5, s11  }
0x330: {  	s24 =	sadd.s32 $0x80, s24;
	[tilespmem:s17+$0x1D000] =	vst.msk vm0, v18  }
0x331: {  	v18 =	vld [tilespmem:s24+$0x0]  }
0x332: {  	v19 =	vld [tilespmem:s24+$0xFFFFF800];
	_ =	sdelay $0x1  }
.Ltmp12:
0x333: {  	(pc) =	sbr.rel @p1 .LBB2_15-.Ltmp12, $4  }
0x334: {  	_ = 	snop  }
0x335: {  	v18 =	vsub.f32 v18, v16  }
0x336: {  	v19 =	vsub.f32 v19, v16  }
0x337: {  	v18 =	vmul.f32 $5.120000080e+01, v18  }
0x338: {  	v19 =	vmul.f32 $5.120000080e+01, v19  }
0x339: {  	vm0 =	vge.f32 v18, v2  }
0x33a: {  	vm1 =	vle.f32 v18, v3;
	vm2 =	vge.f32 v19, v2;
	vm3 =	vle.f32 v19, v3  }
0x33b: {  	s11 =	sshll.u32 s25, $0x4;
	vm0 =	vmand vm0, vm1;
	vm11 =	vmand vm2, vm3;
	s5 =	spop (v2sf)  }
0x33c: {  	v18 =	vor.u32 s11, v5;
	vm0 =	vmor vm11, vm0;
	s5 =	sadd.s32 s17, s5  }
0x33d: {  	[tilespmem:s5+$0x1D000] =	vst.msk vm0, v18;
	v18 =	vmpcnt.ones.xlane vm0  }
0x33e: {  	v19 =	vld [tilespmem:s24+$0xFFFFF810]  }
0x33f: {  	v20 =	vld [tilespmem:s24+$0x10];
	(v2sf) =	vpush v18, $0x0;
	_ =	sdelay $0x3  }
0x340: {  	v18 =	vsub.f32 v19, v16  }
0x341: {  	v19 =	vsub.f32 v20, v16  }
0x342: {  	v18 =	vmul.f32 $5.120000080e+01, v18  }
0x343: {  	v19 =	vmul.f32 $5.120000080e+01, v19  }
0x344: {  	vm12 =	vge.f32 v18, v2  }
0x345: {  	vm13 =	vle.f32 v18, v3;
	vm14 =	vge.f32 v19, v2;
	vm15 =	vle.f32 v19, v3  }
0x346: {  	vm0 =	vmand vm12, vm13;
	vm6 =	vmand vm14, vm15  }
0x347: {  	vm0 =	vmor vm0, vm6  }
0x348: {  	v18 =	vmpcnt.ones.xlane vm0;
	_ =	sdelay $0x1  }
0x349: {  	(v2sf) =	vpush v18, $0x0  }
0x34a: {  	s16 =	sadd.s32 $0x10, s11;
	s18 =	spop (v2sf)  }
0x34b: {  	v18 =	vor.u32 s16, v5;
	s5 =	sadd.s32 s5, s18  }
0x34c: {  	[tilespmem:s5+$0x1D000] =	vst.msk vm0, v18  }
0x34d: {  	v18 =	vld [tilespmem:s24+$0xFFFFF820]  }
0x34e: {  	v19 =	vld [tilespmem:s24+$0x20];
	_ =	sdelay $0x3  }
0x34f: {  	v18 =	vsub.f32 v18, v16  }
0x350: {  	v19 =	vsub.f32 v19, v16  }
0x351: {  	v18 =	vmul.f32 $5.120000080e+01, v18  }
0x352: {  	v19 =	vmul.f32 $5.120000080e+01, v19  }
0x353: {  	vm7 =	vge.f32 v18, v2  }
0x354: {  	vm8 =	vle.f32 v18, v3;
	vm9 =	vge.f32 v19, v2;
	vm10 =	vle.f32 v19, v3  }
0x355: {  	s25 =	sadd.s32 $0x20, s11;
	vm0 =	vmand vm7, vm8;
	vm11 =	vmand vm9, vm10;
	s26 =	spop (v2sf)  }
0x356: {  	v18 =	vor.u32 s25, v5;
	s5 =	sadd.s32 s5, s26;
	vm0 =	vmor vm0, vm11  }
0x357: {  	[tilespmem:s5+$0x1D000] =	vst.msk vm0, v18;
	v18 =	vmpcnt.ones.xlane vm0  }
0x358: {  	v19 =	vld [tilespmem:s24+$0xFFFFF830]  }
0x359: {  	v62 =	vld [tilespmem:s24+$0x30];
	(v2sf) =	vpush v18, $0x0;
	_ =	sdelay $0x3  }
0x35a: {  	v18 =	vsub.f32 v19, v16  }
0x35b: {  	v19 =	vsub.f32 v62, v16  }
0x35c: {  	v18 =	vmul.f32 $5.120000080e+01, v18  }
0x35d: {  	v19 =	vmul.f32 $5.120000080e+01, v19  }
0x35e: {  	vm12 =	vge.f32 v18, v2  }
0x35f: {  	vm13 =	vle.f32 v18, v3;
	vm14 =	vge.f32 v19, v2;
	vm15 =	vle.f32 v19, v3  }
0x360: {  	vm0 =	vmand vm12, vm13;
	vm6 =	vmand vm14, vm15  }
0x361: {  	vm0 =	vmor vm0, vm6  }
0x362: {  	v18 =	vmpcnt.ones.xlane vm0;
	_ =	sdelay $0x1  }
0x363: {  	(v2sf) =	vpush v18, $0x0  }
0x364: {  	s28 =	sadd.s32 $0x30, s11;
	s29 =	spop (v2sf)  }
0x365: {  	v18 =	vor.u32 s28, v5;
	s5 =	sadd.s32 s5, s29  }
0x366: {  	[tilespmem:s5+$0x1D000] =	vst.msk vm0, v18  }
0x367: {  	v18 =	vld [tilespmem:s24+$0xFFFFF840]  }
0x368: {  	v19 =	vld [tilespmem:s24+$0x40];
	_ =	sdelay $0x3  }
0x369: {  	v18 =	vsub.f32 v18, v16  }
0x36a: {  	v19 =	vsub.f32 v19, v16  }
0x36b: {  	v18 =	vmul.f32 $5.120000080e+01, v18  }
0x36c: {  	v19 =	vmul.f32 $5.120000080e+01, v19  }
0x36d: {  	vm7 =	vge.f32 v18, v2  }
0x36e: {  	vm8 =	vle.f32 v18, v3;
	vm9 =	vge.f32 v19, v2;
	vm10 =	vle.f32 v19, v3  }
0x36f: {  	s30 =	sadd.s32 $0x40, s11;
	vm0 =	vmand vm7, vm8;
	vm11 =	vmand vm9, vm10;
	s31 =	spop (v2sf)  }
0x370: {  	v18 =	vor.u32 s30, v5;
	s5 =	sadd.s32 s5, s31;
	vm0 =	vmor vm0, vm11  }
0x371: {  	[tilespmem:s5+$0x1D000] =	vst.msk vm0, v18;
	v18 =	vmpcnt.ones.xlane vm0  }
0x372: {  	v19 =	vld [tilespmem:s24+$0xFFFFF850]  }
0x373: {  	v63 =	vld [tilespmem:s24+$0x50];
	(v2sf) =	vpush v18, $0x0;
	_ =	sdelay $0x3  }
0x374: {  	v18 =	vsub.f32 v19, v16  }
0x375: {  	v19 =	vsub.f32 v63, v16  }
0x376: {  	v18 =	vmul.f32 $5.120000080e+01, v18  }
0x377: {  	v19 =	vmul.f32 $5.120000080e+01, v19  }
0x378: {  	vm12 =	vge.f32 v18, v2  }
0x379: {  	vm13 =	vle.f32 v18, v3;
	vm14 =	vge.f32 v19, v2;
	vm15 =	vle.f32 v19, v3  }
0x37a: {  	vm0 =	vmand vm12, vm13;
	vm5 =	vmand vm14, vm15  }
0x37b: {  	vm0 =	vmor vm0, vm5  }
0x37c: {  	v18 =	vmpcnt.ones.xlane vm0;
	_ =	sdelay $0x1  }
0x37d: {  	(v2sf) =	vpush v18, $0x0  }
0x37e: {  	s17 =	sadd.s32 $0x50, s11;
	s18 =	spop (v2sf)  }
0x37f: {  	v18 =	vor.u32 s17, v5;
	s5 =	sadd.s32 s5, s18  }
0x380: {  	[tilespmem:s5+$0x1D000] =	vst.msk vm0, v18  }
0x381: {  	v18 =	vld [tilespmem:s24+$0xFFFFF860]  }
0x382: {  	v19 =	vld [tilespmem:s24+$0x60];
	_ =	sdelay $0x3  }
0x383: {  	v18 =	vsub.f32 v18, v16  }
0x384: {  	v19 =	vsub.f32 v19, v16  }
0x385: {  	v18 =	vmul.f32 $5.120000080e+01, v18  }
0x386: {  	v19 =	vmul.f32 $5.120000080e+01, v19  }
0x387: {  	vm6 =	vge.f32 v18, v2  }
0x388: {  	vm7 =	vle.f32 v18, v3;
	vm8 =	vge.f32 v19, v2;
	vm9 =	vle.f32 v19, v3  }
0x389: {  	s25 =	sadd.s32 $0x60, s11;
	vm0 =	vmand vm6, vm7;
	vm10 =	vmand vm8, vm9;
	s26 =	spop (v2sf)  }
0x38a: {  	v18 =	vor.u32 s25, v5;
	s5 =	sadd.s32 s5, s26;
	vm0 =	vmor vm0, vm10  }
0x38b: {  	[tilespmem:s5+$0x1D000] =	vst.msk vm0, v18  }
0x38c: {  	v18 =	vld [tilespmem:s24+$0xFFFFF870]  }
0x38d: {  	v19 =	vld [tilespmem:s24+$0x70];
	_ =	sdelay $0x3  }
0x38e: {  	v18 =	vsub.f32 v18, v16  }
0x38f: {  	v19 =	vsub.f32 v19, v16  }
0x390: {  	v18 =	vmul.f32 $5.120000080e+01, v18  }
0x391: {  	v19 =	vmul.f32 $5.120000080e+01, v19  }
0x392: {  	vm11 =	vge.f32 v18, v2  }
0x393: {  	vm12 =	vle.f32 v18, v3;
	vm13 =	vge.f32 v19, v2;
	vm4 =	vle.f32 v19, v3  }
0x394: {  	vm1 =	vmand vm11, vm12;
	vm14 =	vmand vm13, vm4  }
0x395: {  	v18 =	vmpcnt.ones.xlane vm0;
	vm15 =	vmor vm1, vm14  }
0x396: {  	v19 =	vmpcnt.ones.xlane vm15  }
0x397: {  	(v2sf) =	vpush v18, $0x0  }
0x398: {  	(v2sf) =	vpush v19, $0x0;
	_ =	sdelay $0xd  }
0x399: {  	s28 =	spop (v2sf)  }
0x39a: {  	s5 =	sadd.s32 s5, s28;
	s29 =	spop (v2sf)  }
0x39b: {  	s17 =	sadd.s32 s5, s29  }
0x39c: {  	s16 =	sadd.s32 $0x1F, s17  }
0x39d: {  	s18 =	sand.u32 $0x1F, s16  }
0x39e: {  	s30 =	sshra.s32 s16, $0x1F;
	p1 =	slt.s32 s16, $0x1;
	p2 =	sne.s32 s18, $0x0  }
0x39f: {  	s31 =	sshrl.u32 s30, $0x1B;
	p1 =	por !p1, !p2  }
0x3a0: {  	s18 =	simm.s32 $0x1;
	s16 =	sadd.s32 s31, s16;
	p1 =	por !p1, !p1  }
0x3a1: {  	s16 =	sshra.s32 s16, $0x5;
	s18 =	simm.s32 @!p1 $0x0  }
0x3a2: {  	s16 =	ssub.s32 s16, s18  }
0x3a3: {  	p1 =	slt.s32 s16, $0x1  }
.Ltmp13:
0x3a4: {  	_ = 	snop;
	(pc) =	sbr.rel @p1 .LBB2_13-.Ltmp13, $4  }
0x3a5: {  	_ = 	snop  }
0x3a6: {  	s11 =	sadd.s32 $0x70, s11  }
0x3a7: {  	v18 =	vor.u32 s11, v5  }
0x3a8: {  	[tilespmem:s5+$0x1D000] =	vst.msk vm15, v18  }
0x3a9: {  	s11 =	smul.u32 $0x5000, s12  }
0x3aa: {  	s5 =	sshrl.u32 s23, $0x2;
	s24 =	sadd.s32 $0x18400, s23  }
0x3ab: {  	s23 =	sadd.s32 $0x18C00, s23;
	s12 =	sor.u32 $0x1C800, s5;
	s31 =	sshrl.u32 s11, $0x2  }
0x3ac: {  	v18 =	vmov s17;
	s11 =	simm.s32 $0x0;
	s25 =	sor.u32 $0x1A000, s31;
	s26 =	sadd.s32 $0x1A400, s31  }
.LBB2_18:
0x3ad: {  	s17 =	sshll.u32 s11, $0x5  }
0x3ae: {  	v19 =	vor.u32 s17, v5  }
0x3af: {  	v20 =	vand.u32 v7, v19;
	_ =	sdelay $0x4  }
0x3b0: {  	v20 =	vld.idx.msk [tilespmem:v20+s13+$0x0], $0xffff;
	_ =	sdelay $0x7  }
0x3b1: {  	v21 =	vld.idx.msk [tilespmem:v20+s21+$0x0], $0xffff  }
0x3b2: {  	v22 =	vld.idx.msk [tilespmem:v20+s24+$0x0], $0xffff  }
0x3b3: {  	v24 =	vld.idx.msk [tilespmem:v20+s22+$0x0], $0xffff  }
0x3b4: {  	v25 =	vld.idx.msk [tilespmem:v20+s23+$0x0], $0xffff;
	_ =	sdelay $0x2  }
0x3b5: {  	v21 =	vsub.f32 v21, v16  }
0x3b6: {  	v22 =	vsub.f32 v22, v17;
	v24 =	vsub.f32 v24, v16  }
0x3b7: {  	v25 =	vsub.f32 v25, v17;
	v21 =	vmul.f32 v21, v12  }
0x3b8: {  	v22 =	vmul.f32 v22, v12;
	v24 =	vmul.f32 v24, v12  }
0x3b9: {  	v50 =	vmul.f32 v25, v12;
	v21 =	vmul.f32 $5.120000000e+02, v21  }
0x3ba: {  	v22 =	vmul.f32 $5.120000000e+02, v22;
	v49 =	vmul.f32 $5.120000000e+02, v24  }
0x3bb: {  	v24 =	vmul.f32 $5.120000000e+02, v50;
	v23 =	vtrunc.f32 v21  }
0x3bc: {  	v27 =	vtrunc.f32 v22;
	v52 =	vtrunc.f32 v49  }
0x3bd: {  	v23 =	vcvt.f32.s32 v23;
	v47 =	vcvt.f32.s32 v27  }
0x3be: {  	v55 =	vtrunc.f32 v24;
	v53 =	vcvt.f32.s32 v52  }
0x3bf: {  	v26 =	vcvt.s32.f32 v23;
	v27 =	vcvt.s32.f32 v47  }
0x3c0: {  	v28 =	vand.u32 $0x1, v23;
	v51 =	vand.u32 $0x1, v47;
	v29 =	vcvt.s32.f32 v53  }
0x3c1: {  	v59 =	vand.u32 $0x1, v53;
	vm2 =	veq.s32 v28, $0x1;
	v21 =	vsub.f32 v21, v26  }
0x3c2: {  	vm15 =	veq.s32 v51, $0x1;
	vm4 =	veq.s32 v59, $0x1;
	v48 =	vsub.f32 v22, v27  }
0x3c3: {  	v61 =	vld.idx.msk [tilespmem:v20+s12+$0x0], $0xffff;
	v27 =	vcvt.f32.s32 v55;
	v22 =	vsub.f32 v49, v29;
	vm0 =	vgt.f32 v21, $5.000000000e-01  }
0x3c4: {  	vm1 =	veq.f32 v21, $5.000000000e-01;
	vm14 =	veq.f32 v48, $5.000000000e-01;
	vm3 =	vgt.f32 v48, $5.000000000e-01  }
0x3c5: {  	v58 =	vcvt.s32.f32 v27;
	vm8 =	veq.f32 v22, $5.000000000e-01;
	v60 =	vand.u32 $0x1, v27  }
0x3c6: {  	vm5 =	vgt.f32 v22, $5.000000000e-01;
	vm1 =	vmand vm1, vm2;
	vm10 =	veq.s32 v60, $0x1  }
0x3c7: {  	vm0 =	vmor vm0, vm1;
	vm1 =	vmand vm14, vm15;
	v24 =	vsub.f32 v24, v58  }
0x3c8: {  	vm15 =	veq.s32 v61, $0x0;
	v54 =	vsel vm0, $0x1, v4;
	vm6 =	vmor vm3, vm1  }
0x3c9: {  	vm0 =	vlt.s32 v19, v18;
	vm3 =	vmand vm8, vm4;
	v22 =	vsel vm15, $0x0, v14  }
0x3ca: {  	v31 =	vsel vm15, $0x4000, v15;
	v34 =	vsel vm15, $0x14000, v9;
	v56 =	vsel vm6, $0x1, v4  }
0x3cb: {  	v19 =	vadd.s32 v23, v54;
	vm3 =	vmor vm5, vm3;
	vm9 =	veq.f32 v24, $5.000000000e-01  }
0x3cc: {  	vm11 =	vgt.f32 v24, $5.000000000e-01;
	v57 =	vadd.s32 v47, v56;
	vm7 =	vlt.s32 v19, v1  }
0x3cd: {  	vm2 =	vge.s32 v19, v0;
	v19 =	vshll.u32 v19, $0x9;
	vm4 =	vmand vm9, vm10  }
0x3ce: {  	v62 =	vsel vm3, $0x1, v4;
	vm1 =	vmand vm7, vm0;
	v19 =	vand.u32 $0x1E00, v19  }
0x3cf: {  	vm12 =	vmor vm11, vm4;
	v21 =	vadd.s32 v53, v62;
	v23 =	vand.u32 $0x7, v57  }
0x3d0: {  	v19 =	vadd.s32 v57, v19;
	v63 =	vsel vm12, $0x1, v4;
	vm13 =	vge.s32 v21, v0  }
0x3d1: {  	v28 =	vshll.u32 v21, $0x9;
	vm14 =	vlt.s32 v21, v1;
	vm1 =	vmand vm1, vm2  }
0x3d2: {  	v24 =	vadd.s32 v27, v63;
	v29 =	vand.u32 $0x1E00, v28;
	vm0 =	vmand vm14, vm0  }
0x3d3: {  	v22 =	vadd.s32 v22, v19;
	v21 =	vadd.s32 v24, v29;
	vm0 =	vmand vm0, vm13  }
0x3d4: {  	v30 =	vand.u32 $0xFFFFFFF8, v22;
	v22 =	vadd.s32 $0x2000, v22;
	v24 =	vand.u32 $0x7, v24  }
0x3d5: {  	v32 =	vld.idx.msk [tilespmem:v20+s25+$0x0], $0xffff;
	v22 =	vand.u32 $0xFFFFFFF8, v22;
	v26 =	vadd.s32 v31, v21;
	v25 =	vor.u32 v23, v30  }
0x3d6: {  	v20 =	vld.idx.msk [tilespmem:v20+s26+$0x0], $0xffff;
	v22 =	vor.u32 v23, v22;
	v33 =	vand.u32 $0xFFFFFFF8, v26;
	v26 =	vadd.s32 $0x2000, v26  }
0x3d7: {  	v19 =	vadd.s32 v34, v19;
	v28 =	vor.u32 v24, v33;
	v26 =	vand.u32 $0xFFFFFFF8, v26  }
0x3d8: {  	v19 =	vand.u32 $0xFFFFFFF8, v19;
	v21 =	vadd.s32 v34, v21;
	v26 =	vor.u32 v24, v26  }
0x3d9: {  	v19 =	vor.u32 v23, v19;
	v21 =	vand.u32 $0xFFFFFFF8, v21  }
0x3da: {  	v35 =	vor.u32 s17, v11;
	v21 =	vor.u32 v24, v21;
	[tilespmem:v25+s4+$0x0] =	vst.idx.msk vm1, v32  }
0x3db: {  	v36 =	vand.u32 v13, v35;
	[tilespmem:v22+s4+$0x0] =	vst.idx.msk vm1, v20  }
0x3dc: {  	[tilespmem:v28+s4+$0x0] =	vst.idx.msk vm0, v32  }
0x3dd: {  	[tilespmem:v26+s4+$0x0] =	vst.idx.msk vm0, v20  }
0x3de: {  	[tilespmem:v19+s4+$0x0] =	vst.idx.msk vm1, v10  }
0x3df: {  	[tilespmem:v21+s4+$0x0] =	vst.idx.msk vm0, v10  }
0x3e0: {  	v19 =	vld.idx.msk [tilespmem:v36+s13+$0x0], $0xffff;
	_ =	sdelay $0x7  }
0x3e1: {  	v20 =	vld.idx.msk [tilespmem:v19+s21+$0x0], $0xffff;
	_ =	sdelay $0x1  }
0x3e2: {  	v21 =	vld.idx.msk [tilespmem:v19+s24+$0x0], $0xffff  }
0x3e3: {  	v38 =	vld.idx.msk [tilespmem:v19+s22+$0x0], $0xffff;
	_ =	sdelay $0x1  }
0x3e4: {  	v25 =	vld.idx.msk [tilespmem:v19+s23+$0x0], $0xffff;
	v20 =	vsub.f32 v20, v16;
	_ =	sdelay $0x1  }
0x3e5: {  	v21 =	vsub.f32 v21, v17;
	v20 =	vmul.f32 v20, v12  }
0x3e6: {  	v24 =	vsub.f32 v38, v16  }
0x3e7: {  	v21 =	vmul.f32 v21, v12;
	v20 =	vmul.f32 $5.120000000e+02, v20  }
0x3e8: {  	v25 =	vsub.f32 v25, v17;
	v24 =	vmul.f32 v24, v12  }
0x3e9: {  	v21 =	vmul.f32 $5.120000000e+02, v21;
	v37 =	vtrunc.f32 v20  }
0x3ea: {  	v44 =	vmul.f32 v25, v12;
	v22 =	vcvt.f32.s32 v37  }
0x3eb: {  	v43 =	vmul.f32 $5.120000000e+02, v24;
	v40 =	vtrunc.f32 v21  }
0x3ec: {  	v41 =	vcvt.f32.s32 v40;
	v39 =	vcvt.s32.f32 v22  }
0x3ed: {  	v24 =	vmul.f32 $5.120000000e+02, v44;
	v46 =	vtrunc.f32 v43  }
0x3ee: {  	v27 =	vcvt.s32.f32 v41;
	v42 =	vand.u32 $0x1, v22;
	v20 =	vsub.f32 v20, v39  }
0x3ef: {  	v48 =	vtrunc.f32 v24;
	v45 =	vand.u32 $0x1, v41;
	vm8 =	veq.s32 v42, $0x1  }
0x3f0: {  	vm6 =	vgt.f32 v20, $5.000000000e-01;
	vm7 =	veq.f32 v20, $5.000000000e-01;
	v20 =	vsub.f32 v21, v27  }
0x3f1: {  	vm10 =	veq.s32 v45, $0x1;
	v27 =	vcvt.f32.s32 v48;
	vm1 =	vmand vm7, vm8  }
0x3f2: {  	vm0 =	vmor vm6, vm1;
	vm9 =	veq.f32 v20, $5.000000000e-01;
	vm11 =	vgt.f32 v20, $5.000000000e-01  }
0x3f3: {  	v20 =	vcvt.f32.s32 v46;
	v52 =	vcvt.s32.f32 v27;
	v54 =	vand.u32 $0x1, v27  }
0x3f4: {  	vm1 =	vmand vm9, vm10;
	v47 =	vsel vm0, $0x1, v4;
	vm0 =	vlt.s32 v35, v18  }
0x3f5: {  	vm10 =	veq.s32 v54, $0x1;
	vm12 =	vmor vm11, vm1;
	v50 =	vcvt.s32.f32 v20  }
0x3f6: {  	v22 =	vadd.s32 v22, v47;
	v53 =	vand.u32 $0x1, v20;
	v24 =	vsub.f32 v24, v52  }
0x3f7: {  	v49 =	vsel vm12, $0x1, v4;
	vm13 =	vlt.s32 v22, v1;
	vm2 =	vge.s32 v22, v0  }
0x3f8: {  	v55 =	vld.idx.msk [tilespmem:v19+s12+$0x0], $0xffff;
	vm15 =	veq.s32 v53, $0x1;
	v22 =	vshll.u32 v22, $0x9;
	v51 =	vadd.s32 v41, v49  }
0x3f9: {  	v21 =	vsub.f32 v43, v50;
	vm1 =	vmand vm13, vm0;
	vm9 =	veq.f32 v24, $5.000000000e-01  }
0x3fa: {  	vm11 =	vgt.f32 v24, $5.000000000e-01;
	v22 =	vand.u32 $0x1E00, v22;
	vm4 =	vmand vm9, vm10  }
0x3fb: {  	v22 =	vadd.s32 v51, v22;
	vm1 =	vmand vm1, vm2;
	v23 =	vand.u32 $0x7, v51  }
0x3fc: {  	vm14 =	veq.f32 v21, $5.000000000e-01;
	vm8 =	vgt.f32 v21, $5.000000000e-01;
	vm12 =	vmor vm11, vm4  }
0x3fd: {  	vm3 =	vmand vm14, vm15;
	v57 =	vsel vm12, $0x1, v4;
	vm15 =	veq.s32 v55, $0x0  }
0x3fe: {  	vm3 =	vmor vm8, vm3;
	v24 =	vadd.s32 v27, v57;
	v21 =	vsel vm15, $0x0, v14  }
0x3ff: {  	v60 =	vsel vm15, $0x4000, v15;
	v56 =	vsel vm3, $0x1, v4;
	v21 =	vadd.s32 v21, v22  }
0x400: {  	v63 =	vsel vm15, $0x14000, v9;
	v20 =	vadd.s32 v20, v56;
	v59 =	vand.u32 $0xFFFFFFF8, v21  }
0x401: {  	v21 =	vadd.s32 $0x2000, v21;
	vm13 =	vge.s32 v20, v0;
	v58 =	vshll.u32 v20, $0x9  }
0x402: {  	vm14 =	vlt.s32 v20, v1;
	v21 =	vand.u32 $0xFFFFFFF8, v21;
	v20 =	vand.u32 $0x1E00, v58  }
0x403: {  	v25 =	vor.u32 v23, v59;
	vm0 =	vmand vm14, vm0;
	v20 =	vadd.s32 v24, v20  }
0x404: {  	v61 =	vld.idx.msk [tilespmem:v19+s25+$0x0], $0xffff;
	v21 =	vor.u32 v23, v21;
	vm0 =	vmand vm0, vm13;
	v26 =	vadd.s32 v60, v20  }
0x405: {  	v19 =	vld.idx.msk [tilespmem:v19+s26+$0x0], $0xffff;
	v24 =	vand.u32 $0x7, v24;
	v62 =	vand.u32 $0xFFFFFFF8, v26;
	v26 =	vadd.s32 $0x2000, v26  }
0x406: {  	v22 =	vadd.s32 v63, v22;
	v28 =	vor.u32 v24, v62;
	v26 =	vand.u32 $0xFFFFFFF8, v26  }
0x407: {  	v22 =	vand.u32 $0xFFFFFFF8, v22;
	v20 =	vadd.s32 v63, v20;
	v26 =	vor.u32 v24, v26  }
0x408: {  	s11 =	sadd.s32 $0x1, s11;
	v22 =	vor.u32 v23, v22;
	v20 =	vand.u32 $0xFFFFFFF8, v20  }
0x409: {  	p1 =	seq.s32 s16, s11;
	[tilespmem:v25+s4+$0x0] =	vst.idx.msk vm1, v61;
	v20 =	vor.u32 v24, v20  }
.Ltmp14:
0x40a: {  	[tilespmem:v21+s4+$0x0] =	vst.idx.msk vm1, v19;
	(pc) =	sbr.rel @!p1 .LBB2_18-.Ltmp14, $4  }
0x40b: {  	[tilespmem:v28+s4+$0x0] =	vst.idx.msk vm0, v61  }
0x40c: {  	[tilespmem:v26+s4+$0x0] =	vst.idx.msk vm0, v19  }
0x40d: {  	[tilespmem:v22+s4+$0x0] =	vst.idx.msk vm1, v10  }
0x40e: {  	[tilespmem:v20+s4+$0x0] =	vst.idx.msk vm0, v10  }
.Ltmp15:
0x40f: {  	_ = 	snop;
	(pc) =	sbr.rel .LBB2_13-.Ltmp15, $1  }
0x410: {  	_ =	sdelay $0x3  }
.LBB2_20:
0x411: {  	_ =	sfence.sel $0x180000  }
0x412: {  	[bflag:$0x0] =	sbarrier.arrive $0xFFFF  }
0x413: {  	_ =	strace $0x90000047  }
0x414: {  	s0 =	stileid.u32;
	[bflag:$0x2] =	sbarrier.arrive $0xFFFF  }
0x415: {  	p0 =	sne.s32 s0, $0x0;
	s0 =	rddreg [dreg:$0x5]  }
0x416: {  	s0 =	sadd.s32 @!p0 $0x100000, s0  }
0x417: {  	[sflag:s0] =	ssyncadd.tile.s32 @!p0 $0x1;
	_ =	shalt  }
.Lfunc_end2:
_tile_overlayer_lowered:
.L_overlay_start_2:
0x418: {  	(tag) =	ssettag $0x2  }
0x419: {  	s0 =	rddreg [dreg:$0x0];
	s2 =	stileid.u32  }
0x41a: {  	s1 =	rddreg [dreg:$0x1];
	p0 =	sne.s32 s2, $0x0  }
0x41b: {  	s3 =	rddreg [dreg:$0x2];
	[bflag:$0x3] =	sbarrier.arrive $0xFFFF;
	s2 =	simm.s32 @!p0 $0x1C06  }
0x41c: {  	[timem:s3], [sflag:s2] =	dma.local @!p0 [hbm:s0], s1  }
0x41d: {  	s0 =	simm.s32 @!p0 $0x6  }
0x41e: {  	_ =	swait.ge @!p0 [sflag:s0], s1  }
0x41f: {  	s1 =	ssub.s32 @!p0 $0x0, s1;
	[sflag:s0] =	ssyncset.done @!p0 $0x0  }
0x420: {  	[sflag:s0] =	ssyncadd.s32 @!p0 s1  }
0x421: {  	[bflag:$0x3] =	sbarrier.arrive $0xFFFF  }
0x422: {  	_ =	shalt  }

</sc_bundles>
